<compile_context>
chip_gen: v7x
topology: tpu7x:2x2x1
jax: 0.10.2.dev20260603
libtpu: 0.0.44.dev20260713+nightly
codegen_flags: <defaults>
</compile_context>

<pallas_src>
import dataclasses
import functools

import jax
import jax.numpy as jnp
from jax import lax
from jax.experimental import pallas as pl
from jax.experimental.pallas import tpu as pltpu
from jax.experimental.pallas import tpu_sc as plsc

N = 10000
E = 320000
D = 128
HD = D // 2

NC = 2
NS = 16
NW = NC * NS

NACC = 10496
RPT = NACC // NS
CHUNK = 128
CPT = 80
EPT = CPT * CHUNK
PPT = EPT - E // NW
ZR = 82
NBUF = 4

_MESH = dict(core_axis_name="c", subcore_axis_name="s")

_SC_PARAMS = pltpu.CompilerParams()
if "needs_layout_passes" in pltpu.CompilerParams.__dataclass_fields__:
    _SC_PARAMS = dataclasses.replace(_SC_PARAMS, needs_layout_passes=False)
if "use_tc_tiling_on_sc" in pltpu.CompilerParams.__dataclass_fields__:
    _SC_PARAMS = dataclasses.replace(_SC_PARAMS, use_tc_tiling_on_sc=False)


def _rsqrt_inplace(nbuf, rows):
    @pl.loop(0, rows, step=16)
    def _(q):
        x = jnp.maximum(nbuf[pl.ds(q, 16)], 1.0)
        xi = plsc.bitcast(x, jnp.int32)
        yi = jnp.full((16,), 0x5F3759DF, jnp.int32) - lax.shift_right_logical(
            xi, jnp.full((16,), 1, jnp.int32))
        y = plsc.bitcast(yi, jnp.float32)
        for _ in range(3):
            y = y * (1.5 - 0.5 * x * y * y)
        nbuf[pl.ds(q, 16)] = y


def _deg_norms(srcp, dstp):
    mesh = plsc.VectorSubcoreMesh(**_MESH)

    @functools.partial(
        pl.kernel,
        out_type=(jax.ShapeDtypeStruct((NACC,), jnp.float32),
                  jax.ShapeDtypeStruct((NACC,), jnp.float32)),
        mesh=mesh,
        scratch_types=[
            pltpu.VMEM((CPT, CHUNK), jnp.int32),
            pltpu.VMEM((CHUNK,), jnp.float32),
            pltpu.VMEM((RPT,), jnp.float32),
            pltpu.VMEM_SHARED((NACC,), jnp.float32),
        ],
        compiler_params=_SC_PARAMS,
    )
    def k(srcp_hbm, dstp_hbm, ns_hbm, nd_hbm, idxb, ones, nbuf, deg):
        c = lax.axis_index("c")
        s = lax.axis_index("s")

        @pl.loop(0, CHUNK, step=16)
        def _(q):
            ones[pl.ds(q, 16)] = jnp.ones((16,), jnp.float32)
        @pl.loop(0, RPT, step=16)
        def _(q):
            nbuf[pl.ds(q, 16)] = jnp.zeros((16,), jnp.float32)
        base = s * RPT
        pltpu.sync_copy(nbuf, deg.at[pl.ds(base, RPT)])
        plsc.subcore_barrier()
        for half in range(2):
            w = half * NS + s
            @pl.when(c == 0)
            def _():
                pltpu.sync_copy(srcp_hbm.at[w], idxb)
            @pl.when(c == 1)
            def _():
                pltpu.sync_copy(dstp_hbm.at[w], idxb)
            @pl.loop(0, CPT)
            def _(j):
                pltpu.sync_copy(ones, deg.at[idxb.at[j]], add=True)
        plsc.subcore_barrier()
        pltpu.sync_copy(deg.at[pl.ds(base, RPT)], nbuf)
        _rsqrt_inplace(nbuf, RPT)
        @pl.when(c == 0)
        def _():
            pltpu.sync_copy(nbuf, ns_hbm.at[pl.ds(base, RPT)])
        @pl.when(c == 1)
        def _():
            pltpu.sync_copy(nbuf, nd_hbm.at[pl.ds(base, RPT)])

    return k(srcp, dstp)


def _make_spmm():
    mesh = plsc.VectorSubcoreMesh(**_MESH)

    @functools.partial(
        pl.kernel,
        out_type=jax.ShapeDtypeStruct((2, NC, NACC, HD), jnp.float32),
        mesh=mesh,
        scratch_types=[
            pltpu.VMEM((CPT, CHUNK), jnp.int32),
            pltpu.VMEM((CPT, CHUNK), jnp.int32),
        ] + [pltpu.VMEM((CHUNK, HD), jnp.float32) for _ in range(NBUF)] + [
            pltpu.VMEM((ZR, HD), jnp.float32),
            pltpu.VMEM_SHARED((NACC, HD), jnp.float32),
        ] + [pltpu.SemaphoreType.DMA for _ in range(NBUF)],
        compiler_params=_SC_PARAMS,
        name="gcn_spmm",
    )
    def k(hwa_hbm, hwb_hbm, srcp_hbm, dstp_hbm, out_hbm, sidx, didx, *rest):
        bufs = rest[:NBUF]
        zb = rest[NBUF]
        acc = rest[NBUF + 1]
        gsems = rest[NBUF + 2:]
        c = lax.axis_index("c")
        s = lax.axis_index("s")
        w = c * NS + s
        base = s * RPT

        @pl.loop(0, ZR)
        def _(r):
            @pl.loop(0, HD, step=16)
            def _(q):
                zb[r, pl.ds(q, 16)] = jnp.zeros((16,), jnp.float32)

        pltpu.sync_copy(srcp_hbm.at[w], sidx)
        pltpu.sync_copy(dstp_hbm.at[w], didx)

        for hf, src_hbm in enumerate((hwa_hbm, hwb_hbm)):
            for t in range(RPT // ZR):
                pltpu.sync_copy(zb, acc.at[pl.ds(base + t * ZR, ZR)])
            plsc.subcore_barrier()

            for b in range(NBUF):
                pltpu.async_copy(src_hbm.at[sidx.at[b]], bufs[b], gsems[b])

            @pl.loop(0, CPT, step=NBUF)
            def _(j):
                for b in range(NBUF):
                    pltpu.make_async_copy(
                        src_hbm.at[sidx.at[j + b]], bufs[b], gsems[b]).wait()
                    pltpu.sync_copy(bufs[b], acc.at[didx.at[j + b]], add=True)
                    @pl.when(j + b + NBUF < CPT)
                    def _():
                        pltpu.async_copy(
                            src_hbm.at[sidx.at[j + b + NBUF]], bufs[b],
                            gsems[b])

            plsc.subcore_barrier()
            pltpu.sync_copy(acc.at[pl.ds(base, RPT)],
                            out_hbm.at[hf, c, pl.ds(base, RPT)])

    return k


_spmm = _make_spmm()


def _tc_matmul(x, W):
    def body(x_ref, w_ref, o_ref):
        o_ref[...] = jnp.dot(x_ref[...], w_ref[...],
                             preferred_element_type=jnp.float32)

    return pl.pallas_call(
        body, out_shape=jax.ShapeDtypeStruct((N, D), jnp.float32),
    )(x, W)


def _tc_scale_split(xw, ns_col):
    def body(x_ref, ns_ref, oa_ref, ob_ref):
        hw = x_ref[...] * ns_ref[...]
        oa_ref[pl.ds(0, N), :] = hw[:, :HD]
        ob_ref[pl.ds(0, N), :] = hw[:, HD:]
        zpad = jnp.zeros((NACC - N, HD), jnp.float32)
        oa_ref[pl.ds(N, NACC - N), :] = zpad
        ob_ref[pl.ds(N, NACC - N), :] = zpad

    return pl.pallas_call(
        body, out_shape=(jax.ShapeDtypeStruct((NACC, HD), jnp.float32),
                         jax.ShapeDtypeStruct((NACC, HD), jnp.float32)),
    )(xw, ns_col)


def _agg_sum(a_ref):
    agg_a = a_ref[0, 0, pl.ds(0, N), :] + a_ref[0, 1, pl.ds(0, N), :]
    agg_b = a_ref[1, 0, pl.ds(0, N), :] + a_ref[1, 1, pl.ds(0, N), :]
    return jnp.concatenate([agg_a, agg_b], axis=1)


def _tc_stage_mid(agg, nd_col, b_in, W, ns_col):
    def body(a_ref, nd_ref, b_ref, w_ref, ns_ref, oa_ref, ob_ref):
        h = jnp.maximum(_agg_sum(a_ref) * nd_ref[...] + b_ref[...], 0.0)
        hw = jnp.dot(h, w_ref[...], preferred_element_type=jnp.float32)
        hw = hw * ns_ref[...]
        oa_ref[pl.ds(0, N), :] = hw[:, :HD]
        ob_ref[pl.ds(0, N), :] = hw[:, HD:]
        zpad = jnp.zeros((NACC - N, HD), jnp.float32)
        oa_ref[pl.ds(N, NACC - N), :] = zpad
        ob_ref[pl.ds(N, NACC - N), :] = zpad

    return pl.pallas_call(
        body, out_shape=(jax.ShapeDtypeStruct((NACC, HD), jnp.float32),
                         jax.ShapeDtypeStruct((NACC, HD), jnp.float32)),
    )(agg, nd_col, b_in, W, ns_col)


def _tc_stage_out(agg, nd_col, b_in, W, b_out):
    def body(a_ref, nd_ref, b_ref, w_ref, bo_ref, o_ref):
        h = jnp.maximum(_agg_sum(a_ref) * nd_ref[...] + b_ref[...], 0.0)
        hw = jnp.dot(h, w_ref[...], preferred_element_type=jnp.float32)
        o_ref[...] = hw + bo_ref[...]

    return pl.pallas_call(
        body, out_shape=jax.ShapeDtypeStruct((N, D), jnp.float32),
    )(agg, nd_col, b_in, W, b_out)


def kernel(features, edge_index, W1, b1, W2, b2, W3, b3):
    src = edge_index[0]
    dst = edge_index[1]
    padv = (N + jnp.arange(NW * PPT, dtype=jnp.int32) % (NACC - N)).reshape(
        NW, PPT)
    srcp = jnp.concatenate(
        [src.reshape(NW, E // NW), padv], axis=1).reshape(NW, CPT, CHUNK)
    dstp = jnp.concatenate(
        [dst.reshape(NW, E // NW), padv], axis=1).reshape(NW, CPT, CHUNK)

    ns_vec, nd_vec = _deg_norms(srcp, dstp)
    xw = _tc_matmul(features, W1)
    ns_col = ns_vec[:N].reshape(N, 1)
    nd_col = nd_vec[:N].reshape(N, 1)

    hw1a, hw1b = _tc_scale_split(xw, ns_col)
    agg1 = _spmm(hw1a, hw1b, srcp, dstp)
    hw2a, hw2b = _tc_stage_mid(agg1, nd_col, b1.reshape(1, D), W2, ns_col)
    agg2 = _spmm(hw2a, hw2b, srcp, dstp)
    return _tc_stage_out(agg2, nd_col, b2.reshape(1, D), W3, b3.reshape(1, D))

# --- scband reference (transcript-rebuilt; emitter-appended) ---
"""Pipeline reference for scband-gcn-31928786878639 (READ-ONLY COPY).

The authoritative reference and input builder live on the scoring server;
editing this copy changes nothing except your own understanding.
"""

import jax, jax.numpy as jnp
import numpy as np

N = 10000
E = 320000
D_IN = 128
D_H1 = 128
D_H2 = 128
D_OUT = 128


def setup_inputs(seed: int = 0) -> dict:
    key = jax.random.key(seed)
    ks = jax.random.split(key, 10)
    features = jax.random.normal(ks[0], (N, D_IN), dtype=jnp.float32)
    edge_index = jax.random.randint(ks[1], (2, E), 0, N, dtype=jnp.int32)
    s1 = 1.0 / np.sqrt(D_IN)
    s2 = 1.0 / np.sqrt(D_H1)
    s3 = 1.0 / np.sqrt(D_H2)
    W1 = jax.random.normal(ks[2], (D_IN, D_H1), dtype=jnp.float32) * s1
    b1 = jnp.zeros((D_H1,), dtype=jnp.float32)
    W2 = jax.random.normal(ks[3], (D_H1, D_H2), dtype=jnp.float32) * s2
    b2 = jnp.zeros((D_H2,), dtype=jnp.float32)
    W3 = jax.random.normal(ks[4], (D_H2, D_OUT), dtype=jnp.float32) * s3
    b3 = jnp.zeros((D_OUT,), dtype=jnp.float32)
    return {"features": features, "edge_index": edge_index, "W1": W1, "b1": b1, "W2": W2, "b2": b2, "W3": W3, "b3": b3}


def reference(features, edge_index, W1, b1, W2, b2, W3, b3):
    # GCN with two GraphConv layers (DGL-style norm='both') + final Linear.
    # Dropout is identity in eval mode.
    src = edge_index[0]
    dst = edge_index[1]
    ones = jnp.ones((E,), dtype=jnp.float32)
    deg_out = jax.ops.segment_sum(ones, src, num_segments=N)
    deg_in = jax.ops.segment_sum(ones, dst, num_segments=N)
    norm_src = jnp.power(jnp.clip(deg_out, 1.0, None), -0.5)
    norm_dst = jnp.power(jnp.clip(deg_in, 1.0, None), -0.5)

    def graph_conv(h, W, b):
        h = h @ W  # apply weight first (in_feats == out_feats)
        msg = h[src] * norm_src[src][:, None]  # gather + src norm
        agg = jax.ops.segment_sum(msg, dst, num_segments=N)  # scatter-add
        return agg * norm_dst[:, None] + b

    h = jax.nn.relu(graph_conv(features, W1, b1))
    h = jax.nn.relu(graph_conv(h, W2, b2))
    h = h @ W3 + b3
    return h

if __name__ == "__main__":
    import jax
    _d = setup_inputs()
    print(jax.jit(kernel)(*tuple(_d.values())))

</pallas_src>

<mosaic_0001>
#map = affine_map<(d0, d1) -> (0, 0, 0)>
#map1 = affine_map<(d0, d1) -> (0)>
module attributes {stable_mosaic.version = 14 : i64} {
  func.func @k(%arg0: i32, %arg1: i32, %arg2: memref<32x80x128xi32, #tpu.memory_space<hbm>>, %arg3: memref<32x80x128xi32, #tpu.memory_space<hbm>>, %arg4: memref<10496xf32, #tpu.memory_space<hbm>>, %arg5: memref<10496xf32, #tpu.memory_space<hbm>>, %arg6: memref<80x128xi32, #tpu.memory_space<vmem>>, %arg7: memref<128xf32, #tpu.memory_space<vmem>>, %arg8: memref<656xf32, #tpu.memory_space<vmem>>, %arg9: memref<10496xf32, #tpu.memory_space<vmem_shared>>) attributes {dimension_semantics = [#tpu.dimension_semantics<core_parallel>, #tpu.dimension_semantics<subcore_parallel>], iteration_bounds = array<i64: 2, 16>, scalar_prefetch = 0 : i64, scratch_operands = 4 : i64, tpu.core_type = #tpu.core_type<sc_vector_subcore>, window_params = [{transform_indices = #map}, {transform_indices = #map}, {transform_indices = #map1}, {transform_indices = #map1}]} {
    %scan3A = arith.constant 0 : i32
    %scan3A_0 = arith.constant 8 : i32
    %scan3A_1 = arith.addi %scan3A, %scan3A_0 : i32
    %scan3A_2 = arith.constant 1 : i32
    scf.for %scan3A_56 = %scan3A to %scan3A_1 step %scan3A_2  : i32 {
      %mul3A_57 = arith.constant 16 : i32
      %mul3A_58 = arith.muli %scan3A_56, %mul3A_57 : i32
      %add3A_59 = arith.constant 0 : i32
      %add3A_60 = arith.addi %add3A_59, %mul3A_58 : i32
      %broadcast_in_dim3A = arith.constant 1.000000e+00 : f32
      %broadcast_in_dim3A_61 = vector.broadcast %broadcast_in_dim3A : f32 to vector<16xf32>
      %swap3A = arith.index_cast %add3A_60 : i32 to index
      %swap3A_62 = tpu.vector_load %arg7[%swap3A] {strides = array<i32>} : memref<128xf32, #tpu.memory_space<vmem>>, vector<16xf32>,
      tpu.vector_store %arg7[%swap3A], %broadcast_in_dim3A_61 {strides = array<i32>} : memref<128xf32, #tpu.memory_space<vmem>>, vector<16xf32>,
    }
    %scan3A_3 = arith.constant 8 : i32
    %scan3A_4 = arith.constant 0 : i32
    %scan3A_5 = arith.constant 41 : i32
    %scan3A_6 = arith.addi %scan3A_4, %scan3A_5 : i32
    %scan3A_7 = arith.constant 1 : i32
    scf.for %scan3A_56 = %scan3A_4 to %scan3A_6 step %scan3A_7  : i32 {
      %mul3A_57 = arith.constant 16 : i32
      %mul3A_58 = arith.muli %scan3A_56, %mul3A_57 : i32
      %add3A_59 = arith.constant 0 : i32
      %add3A_60 = arith.addi %add3A_59, %mul3A_58 : i32
      %broadcast_in_dim3A = arith.constant 0.000000e+00 : f32
      %broadcast_in_dim3A_61 = vector.broadcast %broadcast_in_dim3A : f32 to vector<16xf32>
      %swap3A = arith.index_cast %add3A_60 : i32 to index
      %swap3A_62 = tpu.vector_load %arg8[%swap3A] {strides = array<i32>} : memref<656xf32, #tpu.memory_space<vmem>>, vector<16xf32>,
      tpu.vector_store %arg8[%swap3A], %broadcast_in_dim3A_61 {strides = array<i32>} : memref<656xf32, #tpu.memory_space<vmem>>, vector<16xf32>,
    }
    %scan3A_8 = arith.constant 41 : i32
    %mul3A = arith.constant 656 : i32
    %mul3A_9 = arith.muli %arg1, %mul3A : i32
    "tpu.region"() ({
      %run_scoped3A = tpu.sem_alloc : memref<!tpu.dma_semaphore, #tpu.memory_space<semaphore_mem>>
      %dma_start3A = tpu.memref_slice %arg9[%mul3A_9] : memref<10496xf32, #tpu.memory_space<vmem_shared>> -> memref<656xf32, #tpu.memory_space<vmem_shared>>
      %dma_start3A_56 = tpu.memref_slice %arg9[%mul3A_9] : memref<10496xf32, #tpu.memory_space<vmem_shared>> -> memref<656xf32, #tpu.memory_space<vmem_shared>>
      tpu.enqueue_dma source(%arg8 : memref<656xf32, #tpu.memory_space<vmem>>) target(%dma_start3A_56 : memref<656xf32, #tpu.memory_space<vmem_shared>>) target_semaphore(%run_scoped3A : memref<!tpu.dma_semaphore, #tpu.memory_space<semaphore_mem>>)
      %dma_wait3A = tpu.memref_slice %arg9[%mul3A_9] : memref<10496xf32, #tpu.memory_space<vmem_shared>> -> memref<656xf32, #tpu.memory_space<vmem_shared>>
      %dma_wait3A_57 = tpu.memref_slice %arg9[%mul3A_9] : memref<10496xf32, #tpu.memory_space<vmem_shared>> -> memref<656xf32, #tpu.memory_space<vmem_shared>>
      tpu.wait_dma2 semaphore(%run_scoped3A : memref<!tpu.dma_semaphore, #tpu.memory_space<semaphore_mem>>) src(%arg8 : memref<656xf32, #tpu.memory_space<vmem>>) dst(%dma_wait3A_57 : memref<656xf32, #tpu.memory_space<vmem_shared>>)
      tpu.yield
    }) : () -> ()
    %barrier3A = arith.constant 0 : index
    tpu.barrier barrier_id(%barrier3A)
    %add3A = arith.constant 0 : i32
    %add3A_10 = arith.addi %add3A, %arg1 : i32
    %eq3A = arith.constant 0 : i32
    %eq3A_11 = arith.cmpi eq, %arg0, %eq3A : i32
    %convert_element_type3A = arith.extui %eq3A_11 : i1 to i32
    %cond3A = arith.constant 0 : i32
    %cond3A_12 = arith.cmpi ne, %convert_element_type3A, %cond3A : i32
    scf.if %cond3A_12 {
      "tpu.region"() ({
        %run_scoped3A = tpu.sem_alloc : memref<!tpu.dma_semaphore, #tpu.memory_space<semaphore_mem>>
        %dma_start3A = arith.constant 0 : i32
        %dma_start3A_56 = arith.constant 0 : i32
        %dma_start3A_57 = tpu.memref_slice %arg2[%add3A_10, %dma_start3A, %dma_start3A_56] : memref<32x80x128xi32, #tpu.memory_space<hbm>> -> memref<1x80x128xi32, #tpu.memory_space<hbm>>
        %dma_start3A_58 = tpu.memref_squeeze %dma_start3A_57 : memref<1x80x128xi32, #tpu.memory_space<hbm>> -> memref<80x128xi32, #tpu.memory_space<hbm>>
        %dma_start3A_59 = arith.constant 0 : i32
        %dma_start3A_60 = arith.constant 0 : i32
        %dma_start3A_61 = tpu.memref_slice %arg2[%add3A_10, %dma_start3A_59, %dma_start3A_60] : memref<32x80x128xi32, #tpu.memory_space<hbm>> -> memref<1x80x128xi32, #tpu.memory_space<hbm>>
        %dma_start3A_62 = tpu.memref_squeeze %dma_start3A_61 : memref<1x80x128xi32, #tpu.memory_space<hbm>> -> memref<80x128xi32, #tpu.memory_space<hbm>>
        tpu.enqueue_dma source(%dma_start3A_62 : memref<80x128xi32, #tpu.memory_space<hbm>>) target(%arg6 : memref<80x128xi32, #tpu.memory_space<vmem>>) target_semaphore(%run_scoped3A : memref<!tpu.dma_semaphore, #tpu.memory_space<semaphore_mem>>)
        %dma_wait3A = arith.constant 0 : i32
        %dma_wait3A_63 = arith.constant 0 : i32
        %dma_wait3A_64 = tpu.memref_slice %arg2[%add3A_10, %dma_wait3A, %dma_wait3A_63] : memref<32x80x128xi32, #tpu.memory_space<hbm>> -> memref<1x80x128xi32, #tpu.memory_space<hbm>>
        %dma_wait3A_65 = tpu.memref_squeeze %dma_wait3A_64 : memref<1x80x128xi32, #tpu.memory_space<hbm>> -> memref<80x128xi32, #tpu.memory_space<hbm>>
        %dma_wait3A_66 = arith.constant 0 : i32
        %dma_wait3A_67 = arith.constant 0 : i32
        %dma_wait3A_68 = tpu.memref_slice %arg2[%add3A_10, %dma_wait3A_66, %dma_wait3A_67] : memref<32x80x128xi32, #tpu.memory_space<hbm>> -> memref<1x80x128xi32, #tpu.memory_space<hbm>>
        %dma_wait3A_69 = tpu.memref_squeeze %dma_wait3A_68 : memref<1x80x128xi32, #tpu.memory_space<hbm>> -> memref<80x128xi32, #tpu.memory_space<hbm>>
        tpu.wait_dma2 semaphore(%run_scoped3A : memref<!tpu.dma_semaphore, #tpu.memory_space<semaphore_mem>>) src(%dma_wait3A_69 : memref<80x128xi32, #tpu.memory_space<hbm>>) dst(%arg6 : memref<80x128xi32, #tpu.memory_space<vmem>>)
        tpu.yield
      }) : () -> ()
    } else {
    }
    %eq3A_13 = arith.constant 1 : i32
    %eq3A_14 = arith.cmpi eq, %arg0, %eq3A_13 : i32
    %convert_element_type3A_15 = arith.extui %eq3A_14 : i1 to i32
    %cond3A_16 = arith.constant 0 : i32
    %cond3A_17 = arith.cmpi ne, %convert_element_type3A_15, %cond3A_16 : i32
    scf.if %cond3A_17 {
      "tpu.region"() ({
        %run_scoped3A = tpu.sem_alloc : memref<!tpu.dma_semaphore, #tpu.memory_space<semaphore_mem>>
        %dma_start3A = arith.constant 0 : i32
        %dma_start3A_56 = arith.constant 0 : i32
        %dma_start3A_57 = tpu.memref_slice %arg3[%add3A_10, %dma_start3A, %dma_start3A_56] : memref<32x80x128xi32, #tpu.memory_space<hbm>> -> memref<1x80x128xi32, #tpu.memory_space<hbm>>
        %dma_start3A_58 = tpu.memref_squeeze %dma_start3A_57 : memref<1x80x128xi32, #tpu.memory_space<hbm>> -> memref<80x128xi32, #tpu.memory_space<hbm>>
        %dma_start3A_59 = arith.constant 0 : i32
        %dma_start3A_60 = arith.constant 0 : i32
        %dma_start3A_61 = tpu.memref_slice %arg3[%add3A_10, %dma_start3A_59, %dma_start3A_60] : memref<32x80x128xi32, #tpu.memory_space<hbm>> -> memref<1x80x128xi32, #tpu.memory_space<hbm>>
        %dma_start3A_62 = tpu.memref_squeeze %dma_start3A_61 : memref<1x80x128xi32, #tpu.memory_space<hbm>> -> memref<80x128xi32, #tpu.memory_space<hbm>>
        tpu.enqueue_dma source(%dma_start3A_62 : memref<80x128xi32, #tpu.memory_space<hbm>>) target(%arg6 : memref<80x128xi32, #tpu.memory_space<vmem>>) target_semaphore(%run_scoped3A : memref<!tpu.dma_semaphore, #tpu.memory_space<semaphore_mem>>)
        %dma_wait3A = arith.constant 0 : i32
        %dma_wait3A_63 = arith.constant 0 : i32
        %dma_wait3A_64 = tpu.memref_slice %arg3[%add3A_10, %dma_wait3A, %dma_wait3A_63] : memref<32x80x128xi32, #tpu.memory_space<hbm>> -> memref<1x80x128xi32, #tpu.memory_space<hbm>>
        %dma_wait3A_65 = tpu.memref_squeeze %dma_wait3A_64 : memref<1x80x128xi32, #tpu.memory_space<hbm>> -> memref<80x128xi32, #tpu.memory_space<hbm>>
        %dma_wait3A_66 = arith.constant 0 : i32
        %dma_wait3A_67 = arith.constant 0 : i32
        %dma_wait3A_68 = tpu.memref_slice %arg3[%add3A_10, %dma_wait3A_66, %dma_wait3A_67] : memref<32x80x128xi32, #tpu.memory_space<hbm>> -> memref<1x80x128xi32, #tpu.memory_space<hbm>>
        %dma_wait3A_69 = tpu.memref_squeeze %dma_wait3A_68 : memref<1x80x128xi32, #tpu.memory_space<hbm>> -> memref<80x128xi32, #tpu.memory_space<hbm>>
        tpu.wait_dma2 semaphore(%run_scoped3A : memref<!tpu.dma_semaphore, #tpu.memory_space<semaphore_mem>>) src(%dma_wait3A_69 : memref<80x128xi32, #tpu.memory_space<hbm>>) dst(%arg6 : memref<80x128xi32, #tpu.memory_space<vmem>>)
        tpu.yield
      }) : () -> ()
    } else {
    }
    %scan3A_18 = arith.constant 0 : i32
    %scan3A_19 = arith.constant 80 : i32
    %scan3A_20 = arith.addi %scan3A_18, %scan3A_19 : i32
    %scan3A_21 = arith.constant 1 : i32
    scf.for %scan3A_56 = %scan3A_18 to %scan3A_20 step %scan3A_21  : i32 {
      %mul3A_57 = arith.constant 1 : i32
      %mul3A_58 = arith.muli %scan3A_56, %mul3A_57 : i32
      %add3A_59 = arith.constant 0 : i32
      %add3A_60 = arith.addi %add3A_59, %mul3A_58 : i32
      "tpu.region"() ({
        %run_scoped3A = tpu.sem_alloc : memref<!tpu.dma_semaphore, #tpu.memory_space<semaphore_mem>>
        %dma_start3A = arith.constant 0 : i32
        %dma_start3A_61 = tpu.memref_slice %arg6[%add3A_60, %dma_start3A] : memref<80x128xi32, #tpu.memory_space<vmem>> -> memref<1x128xi32, #tpu.memory_space<vmem>>
        %dma_start3A_62 = tpu.memref_squeeze %dma_start3A_61 : memref<1x128xi32, #tpu.memory_space<vmem>> -> memref<128xi32, #tpu.memory_space<vmem>>
        %dma_start3A_63 = arith.constant 0 : i32
        %dma_start3A_64 = tpu.memref_slice %arg9[%dma_start3A_63] : memref<10496xf32, #tpu.memory_space<vmem_shared>> -> memref<10496xf32, #tpu.memory_space<vmem_shared>>
        tpu.enqueue_indirect_dma source(%arg7 : memref<128xf32, #tpu.memory_space<vmem>>) target(%dma_start3A_64 : memref<10496xf32, #tpu.memory_space<vmem_shared>>) offsets(%dma_start3A_62 : memref<128xi32, #tpu.memory_space<vmem>>) semaphore(%run_scoped3A : memref<!tpu.dma_semaphore, #tpu.memory_space<semaphore_mem>>) {add = true}
        %dma_wait3A = arith.constant 0 : i32
        %dma_wait3A_65 = tpu.memref_slice %arg6[%add3A_60, %dma_wait3A] : memref<80x128xi32, #tpu.memory_space<vmem>> -> memref<1x128xi32, #tpu.memory_space<vmem>>
        %dma_wait3A_66 = tpu.memref_squeeze %dma_wait3A_65 : memref<1x128xi32, #tpu.memory_space<vmem>> -> memref<128xi32, #tpu.memory_space<vmem>>
        %dma_wait3A_67 = arith.constant 0 : i32
        %dma_wait3A_68 = tpu.memref_slice %arg9[%dma_wait3A_67] : memref<10496xf32, #tpu.memory_space<vmem_shared>> -> memref<10496xf32, #tpu.memory_space<vmem_shared>>
        tpu.wait_indirect_dma semaphore(%run_scoped3A : memref<!tpu.dma_semaphore, #tpu.memory_space<semaphore_mem>>) src(%arg7 : memref<128xf32, #tpu.memory_space<vmem>>) dst(%dma_wait3A_68 : memref<10496xf32, #tpu.memory_space<vmem_shared>>)
        tpu.yield
      }) : () -> ()
    }
    %scan3A_22 = arith.constant 80 : i32
    %add3A_23 = arith.constant 16 : i32
    %add3A_24 = arith.addi %add3A_23, %arg1 : i32
    %eq3A_25 = arith.constant 0 : i32
    %eq3A_26 = arith.cmpi eq, %arg0, %eq3A_25 : i32
    %convert_element_type3A_27 = arith.extui %eq3A_26 : i1 to i32
    %cond3A_28 = arith.constant 0 : i32
    %cond3A_29 = arith.cmpi ne, %convert_element_type3A_27, %cond3A_28 : i32
    scf.if %cond3A_29 {
      "tpu.region"() ({
        %run_scoped3A = tpu.sem_alloc : memref<!tpu.dma_semaphore, #tpu.memory_space<semaphore_mem>>
        %dma_start3A = arith.constant 0 : i32
        %dma_start3A_56 = arith.constant 0 : i32
        %dma_start3A_57 = tpu.memref_slice %arg2[%add3A_24, %dma_start3A, %dma_start3A_56] : memref<32x80x128xi32, #tpu.memory_space<hbm>> -> memref<1x80x128xi32, #tpu.memory_space<hbm>>
        %dma_start3A_58 = tpu.memref_squeeze %dma_start3A_57 : memref<1x80x128xi32, #tpu.memory_space<hbm>> -> memref<80x128xi32, #tpu.memory_space<hbm>>
        %dma_start3A_59 = arith.constant 0 : i32
        %dma_start3A_60 = arith.constant 0 : i32
        %dma_start3A_61 = tpu.memref_slice %arg2[%add3A_24, %dma_start3A_59, %dma_start3A_60] : memref<32x80x128xi32, #tpu.memory_space<hbm>> -> memref<1x80x128xi32, #tpu.memory_space<hbm>>
        %dma_start3A_62 = tpu.memref_squeeze %dma_start3A_61 : memref<1x80x128xi32, #tpu.memory_space<hbm>> -> memref<80x128xi32, #tpu.memory_space<hbm>>
        tpu.enqueue_dma source(%dma_start3A_62 : memref<80x128xi32, #tpu.memory_space<hbm>>) target(%arg6 : memref<80x128xi32, #tpu.memory_space<vmem>>) target_semaphore(%run_scoped3A : memref<!tpu.dma_semaphore, #tpu.memory_space<semaphore_mem>>)
        %dma_wait3A = arith.constant 0 : i32
        %dma_wait3A_63 = arith.constant 0 : i32
        %dma_wait3A_64 = tpu.memref_slice %arg2[%add3A_24, %dma_wait3A, %dma_wait3A_63] : memref<32x80x128xi32, #tpu.memory_space<hbm>> -> memref<1x80x128xi32, #tpu.memory_space<hbm>>
        %dma_wait3A_65 = tpu.memref_squeeze %dma_wait3A_64 : memref<1x80x128xi32, #tpu.memory_space<hbm>> -> memref<80x128xi32, #tpu.memory_space<hbm>>
        %dma_wait3A_66 = arith.constant 0 : i32
        %dma_wait3A_67 = arith.constant 0 : i32
        %dma_wait3A_68 = tpu.memref_slice %arg2[%add3A_24, %dma_wait3A_66, %dma_wait3A_67] : memref<32x80x128xi32, #tpu.memory_space<hbm>> -> memref<1x80x128xi32, #tpu.memory_space<hbm>>
        %dma_wait3A_69 = tpu.memref_squeeze %dma_wait3A_68 : memref<1x80x128xi32, #tpu.memory_space<hbm>> -> memref<80x128xi32, #tpu.memory_space<hbm>>
        tpu.wait_dma2 semaphore(%run_scoped3A : memref<!tpu.dma_semaphore, #tpu.memory_space<semaphore_mem>>) src(%dma_wait3A_69 : memref<80x128xi32, #tpu.memory_space<hbm>>) dst(%arg6 : memref<80x128xi32, #tpu.memory_space<vmem>>)
        tpu.yield
      }) : () -> ()
    } else {
    }
    %eq3A_30 = arith.constant 1 : i32
    %eq3A_31 = arith.cmpi eq, %arg0, %eq3A_30 : i32
    %convert_element_type3A_32 = arith.extui %eq3A_31 : i1 to i32
    %cond3A_33 = arith.constant 0 : i32
    %cond3A_34 = arith.cmpi ne, %convert_element_type3A_32, %cond3A_33 : i32
    scf.if %cond3A_34 {
      "tpu.region"() ({
        %run_scoped3A = tpu.sem_alloc : memref<!tpu.dma_semaphore, #tpu.memory_space<semaphore_mem>>
        %dma_start3A = arith.constant 0 : i32
        %dma_start3A_56 = arith.constant 0 : i32
        %dma_start3A_57 = tpu.memref_slice %arg3[%add3A_24, %dma_start3A, %dma_start3A_56] : memref<32x80x128xi32, #tpu.memory_space<hbm>> -> memref<1x80x128xi32, #tpu.memory_space<hbm>>
        %dma_start3A_58 = tpu.memref_squeeze %dma_start3A_57 : memref<1x80x128xi32, #tpu.memory_space<hbm>> -> memref<80x128xi32, #tpu.memory_space<hbm>>
        %dma_start3A_59 = arith.constant 0 : i32
        %dma_start3A_60 = arith.constant 0 : i32
        %dma_start3A_61 = tpu.memref_slice %arg3[%add3A_24, %dma_start3A_59, %dma_start3A_60] : memref<32x80x128xi32, #tpu.memory_space<hbm>> -> memref<1x80x128xi32, #tpu.memory_space<hbm>>
        %dma_start3A_62 = tpu.memref_squeeze %dma_start3A_61 : memref<1x80x128xi32, #tpu.memory_space<hbm>> -> memref<80x128xi32, #tpu.memory_space<hbm>>
        tpu.enqueue_dma source(%dma_start3A_62 : memref<80x128xi32, #tpu.memory_space<hbm>>) target(%arg6 : memref<80x128xi32, #tpu.memory_space<vmem>>) target_semaphore(%run_scoped3A : memref<!tpu.dma_semaphore, #tpu.memory_space<semaphore_mem>>)
        %dma_wait3A = arith.constant 0 : i32
        %dma_wait3A_63 = arith.constant 0 : i32
        %dma_wait3A_64 = tpu.memref_slice %arg3[%add3A_24, %dma_wait3A, %dma_wait3A_63] : memref<32x80x128xi32, #tpu.memory_space<hbm>> -> memref<1x80x128xi32, #tpu.memory_space<hbm>>
        %dma_wait3A_65 = tpu.memref_squeeze %dma_wait3A_64 : memref<1x80x128xi32, #tpu.memory_space<hbm>> -> memref<80x128xi32, #tpu.memory_space<hbm>>
        %dma_wait3A_66 = arith.constant 0 : i32
        %dma_wait3A_67 = arith.constant 0 : i32
        %dma_wait3A_68 = tpu.memref_slice %arg3[%add3A_24, %dma_wait3A_66, %dma_wait3A_67] : memref<32x80x128xi32, #tpu.memory_space<hbm>> -> memref<1x80x128xi32, #tpu.memory_space<hbm>>
        %dma_wait3A_69 = tpu.memref_squeeze %dma_wait3A_68 : memref<1x80x128xi32, #tpu.memory_space<hbm>> -> memref<80x128xi32, #tpu.memory_space<hbm>>
        tpu.wait_dma2 semaphore(%run_scoped3A : memref<!tpu.dma_semaphore, #tpu.memory_space<semaphore_mem>>) src(%dma_wait3A_69 : memref<80x128xi32, #tpu.memory_space<hbm>>) dst(%arg6 : memref<80x128xi32, #tpu.memory_space<vmem>>)
        tpu.yield
      }) : () -> ()
    } else {
    }
    %scan3A_35 = arith.constant 0 : i32
    %scan3A_36 = arith.constant 80 : i32
    %scan3A_37 = arith.addi %scan3A_35, %scan3A_36 : i32
    %scan3A_38 = arith.constant 1 : i32
    scf.for %scan3A_56 = %scan3A_35 to %scan3A_37 step %scan3A_38  : i32 {
      %mul3A_57 = arith.constant 1 : i32
      %mul3A_58 = arith.muli %scan3A_56, %mul3A_57 : i32
      %add3A_59 = arith.constant 0 : i32
      %add3A_60 = arith.addi %add3A_59, %mul3A_58 : i32
      "tpu.region"() ({
        %run_scoped3A = tpu.sem_alloc : memref<!tpu.dma_semaphore, #tpu.memory_space<semaphore_mem>>
        %dma_start3A = arith.constant 0 : i32
        %dma_start3A_61 = tpu.memref_slice %arg6[%add3A_60, %dma_start3A] : memref<80x128xi32, #tpu.memory_space<vmem>> -> memref<1x128xi32, #tpu.memory_space<vmem>>
        %dma_start3A_62 = tpu.memref_squeeze %dma_start3A_61 : memref<1x128xi32, #tpu.memory_space<vmem>> -> memref<128xi32, #tpu.memory_space<vmem>>
        %dma_start3A_63 = arith.constant 0 : i32
        %dma_start3A_64 = tpu.memref_slice %arg9[%dma_start3A_63] : memref<10496xf32, #tpu.memory_space<vmem_shared>> -> memref<10496xf32, #tpu.memory_space<vmem_shared>>
        tpu.enqueue_indirect_dma source(%arg7 : memref<128xf32, #tpu.memory_space<vmem>>) target(%dma_start3A_64 : memref<10496xf32, #tpu.memory_space<vmem_shared>>) offsets(%dma_start3A_62 : memref<128xi32, #tpu.memory_space<vmem>>) semaphore(%run_scoped3A : memref<!tpu.dma_semaphore, #tpu.memory_space<semaphore_mem>>) {add = true}
        %dma_wait3A = arith.constant 0 : i32
        %dma_wait3A_65 = tpu.memref_slice %arg6[%add3A_60, %dma_wait3A] : memref<80x128xi32, #tpu.memory_space<vmem>> -> memref<1x128xi32, #tpu.memory_space<vmem>>
        %dma_wait3A_66 = tpu.memref_squeeze %dma_wait3A_65 : memref<1x128xi32, #tpu.memory_space<vmem>> -> memref<128xi32, #tpu.memory_space<vmem>>
        %dma_wait3A_67 = arith.constant 0 : i32
        %dma_wait3A_68 = tpu.memref_slice %arg9[%dma_wait3A_67] : memref<10496xf32, #tpu.memory_space<vmem_shared>> -> memref<10496xf32, #tpu.memory_space<vmem_shared>>
        tpu.wait_indirect_dma semaphore(%run_scoped3A : memref<!tpu.dma_semaphore, #tpu.memory_space<semaphore_mem>>) src(%arg7 : memref<128xf32, #tpu.memory_space<vmem>>) dst(%dma_wait3A_68 : memref<10496xf32, #tpu.memory_space<vmem_shared>>)
        tpu.yield
      }) : () -> ()
    }
    %scan3A_39 = arith.constant 80 : i32
    %barrier3A_40 = arith.constant 0 : index
    tpu.barrier barrier_id(%barrier3A_40)
    "tpu.region"() ({
      %run_scoped3A = tpu.sem_alloc : memref<!tpu.dma_semaphore, #tpu.memory_space<semaphore_mem>>
      %dma_start3A = tpu.memref_slice %arg9[%mul3A_9] : memref<10496xf32, #tpu.memory_space<vmem_shared>> -> memref<656xf32, #tpu.memory_space<vmem_shared>>
      %dma_start3A_56 = tpu.memref_slice %arg9[%mul3A_9] : memref<10496xf32, #tpu.memory_space<vmem_shared>> -> memref<656xf32, #tpu.memory_space<vmem_shared>>
      tpu.enqueue_dma source(%dma_start3A_56 : memref<656xf32, #tpu.memory_space<vmem_shared>>) target(%arg8 : memref<656xf32, #tpu.memory_space<vmem>>) target_semaphore(%run_scoped3A : memref<!tpu.dma_semaphore, #tpu.memory_space<semaphore_mem>>)
      %dma_wait3A = tpu.memref_slice %arg9[%mul3A_9] : memref<10496xf32, #tpu.memory_space<vmem_shared>> -> memref<656xf32, #tpu.memory_space<vmem_shared>>
      %dma_wait3A_57 = tpu.memref_slice %arg9[%mul3A_9] : memref<10496xf32, #tpu.memory_space<vmem_shared>> -> memref<656xf32, #tpu.memory_space<vmem_shared>>
      tpu.wait_dma2 semaphore(%run_scoped3A : memref<!tpu.dma_semaphore, #tpu.memory_space<semaphore_mem>>) src(%dma_wait3A_57 : memref<656xf32, #tpu.memory_space<vmem_shared>>) dst(%arg8 : memref<656xf32, #tpu.memory_space<vmem>>)
      tpu.yield
    }) : () -> ()
    %scan3A_41 = arith.constant 0 : i32
    %scan3A_42 = arith.constant 41 : i32
    %scan3A_43 = arith.addi %scan3A_41, %scan3A_42 : i32
    %scan3A_44 = arith.constant 1 : i32
    scf.for %scan3A_56 = %scan3A_41 to %scan3A_43 step %scan3A_44  : i32 {
      %mul3A_57 = arith.constant 16 : i32
      %mul3A_58 = arith.muli %scan3A_56, %mul3A_57 : i32
      %add3A_59 = arith.constant 0 : i32
      %add3A_60 = arith.addi %add3A_59, %mul3A_58 : i32
      %get3A = arith.index_cast %add3A_60 : i32 to index
      %get3A_61 = tpu.vector_load %arg8[%get3A] {strides = array<i32>} : memref<656xf32, #tpu.memory_space<vmem>>, vector<16xf32>,
      %max3A = arith.constant 1.000000e+00 : f32
      %max3A_62 = vector.broadcast %max3A : f32 to vector<16xf32>
      %max3A_63 = arith.maximumf %get3A_61, %max3A_62 : vector<16xf32>
      %bitcast3A = vector.bitcast %max3A_63 : vector<16xf32> to vector<16xi32>
      %broadcast_in_dim3A = arith.constant 1597463007 : i32
      %broadcast_in_dim3A_64 = vector.broadcast %broadcast_in_dim3A : i32 to vector<16xi32>
      %broadcast_in_dim3A_65 = arith.constant 1 : i32
      %broadcast_in_dim3A_66 = vector.broadcast %broadcast_in_dim3A_65 : i32 to vector<16xi32>
      %shift_right_logical3A = arith.shrui %bitcast3A, %broadcast_in_dim3A_66 : vector<16xi32>
      %sub3A = arith.subi %broadcast_in_dim3A_64, %shift_right_logical3A : vector<16xi32>
      %bitcast3A_67 = vector.bitcast %sub3A : vector<16xi32> to vector<16xf32>
      %mul3A_68 = arith.constant 5.000000e-01 : f32
      %mul3A_69 = vector.broadcast %mul3A_68 : f32 to vector<16xf32>
      %mul3A_70 = arith.mulf %mul3A_69, %max3A_63 : vector<16xf32>
      %mul3A_71 = arith.mulf %mul3A_70, %bitcast3A_67 : vector<16xf32>
      %mul3A_72 = arith.mulf %mul3A_71, %bitcast3A_67 : vector<16xf32>
      %sub3A_73 = arith.constant 1.500000e+00 : f32
      %sub3A_74 = vector.broadcast %sub3A_73 : f32 to vector<16xf32>
      %sub3A_75 = arith.subf %sub3A_74, %mul3A_72 : vector<16xf32>
      %mul3A_76 = arith.mulf %bitcast3A_67, %sub3A_75 : vector<16xf32>
      %mul3A_77 = arith.constant 5.000000e-01 : f32
      %mul3A_78 = vector.broadcast %mul3A_77 : f32 to vector<16xf32>
      %mul3A_79 = arith.mulf %mul3A_78, %max3A_63 : vector<16xf32>
      %mul3A_80 = arith.mulf %mul3A_79, %mul3A_76 : vector<16xf32>
      %mul3A_81 = arith.mulf %mul3A_80, %mul3A_76 : vector<16xf32>
      %sub3A_82 = arith.constant 1.500000e+00 : f32
      %sub3A_83 = vector.broadcast %sub3A_82 : f32 to vector<16xf32>
      %sub3A_84 = arith.subf %sub3A_83, %mul3A_81 : vector<16xf32>
      %mul3A_85 = arith.mulf %mul3A_76, %sub3A_84 : vector<16xf32>
      %mul3A_86 = arith.constant 5.000000e-01 : f32
      %mul3A_87 = vector.broadcast %mul3A_86 : f32 to vector<16xf32>
      %mul3A_88 = arith.mulf %mul3A_87, %max3A_63 : vector<16xf32>
      %mul3A_89 = arith.mulf %mul3A_88, %mul3A_85 : vector<16xf32>
      %mul3A_90 = arith.mulf %mul3A_89, %mul3A_85 : vector<16xf32>
      %sub3A_91 = arith.constant 1.500000e+00 : f32
      %sub3A_92 = vector.broadcast %sub3A_91 : f32 to vector<16xf32>
      %sub3A_93 = arith.subf %sub3A_92, %mul3A_90 : vector<16xf32>
      %mul3A_94 = arith.mulf %mul3A_85, %sub3A_93 : vector<16xf32>
      %swap3A = arith.index_cast %add3A_60 : i32 to index
      %swap3A_95 = tpu.vector_load %arg8[%swap3A] {strides = array<i32>} : memref<656xf32, #tpu.memory_space<vmem>>, vector<16xf32>,
      tpu.vector_store %arg8[%swap3A], %mul3A_94 {strides = array<i32>} : memref<656xf32, #tpu.memory_space<vmem>>, vector<16xf32>,
    }
    %scan3A_45 = arith.constant 41 : i32
    %eq3A_46 = arith.constant 0 : i32
    %eq3A_47 = arith.cmpi eq, %arg0, %eq3A_46 : i32
    %convert_element_type3A_48 = arith.extui %eq3A_47 : i1 to i32
    %cond3A_49 = arith.constant 0 : i32
    %cond3A_50 = arith.cmpi ne, %convert_element_type3A_48, %cond3A_49 : i32
    scf.if %cond3A_50 {
      "tpu.region"() ({
        %run_scoped3A = tpu.sem_alloc : memref<!tpu.dma_semaphore, #tpu.memory_space<semaphore_mem>>
        %dma_start3A = tpu.memref_slice %arg4[%mul3A_9] : memref<10496xf32, #tpu.memory_space<hbm>> -> memref<656xf32, #tpu.memory_space<hbm>>
        %dma_start3A_56 = tpu.memref_slice %arg4[%mul3A_9] : memref<10496xf32, #tpu.memory_space<hbm>> -> memref<656xf32, #tpu.memory_space<hbm>>
        tpu.enqueue_dma source(%arg8 : memref<656xf32, #tpu.memory_space<vmem>>) target(%dma_start3A_56 : memref<656xf32, #tpu.memory_space<hbm>>) target_semaphore(%run_scoped3A : memref<!tpu.dma_semaphore, #tpu.memory_space<semaphore_mem>>)
        %dma_wait3A = tpu.memref_slice %arg4[%mul3A_9] : memref<10496xf32, #tpu.memory_space<hbm>> -> memref<656xf32, #tpu.memory_space<hbm>>
        %dma_wait3A_57 = tpu.memref_slice %arg4[%mul3A_9] : memref<10496xf32, #tpu.memory_space<hbm>> -> memref<656xf32, #tpu.memory_space<hbm>>
        tpu.wait_dma2 semaphore(%run_scoped3A : memref<!tpu.dma_semaphore, #tpu.memory_space<semaphore_mem>>) src(%arg8 : memref<656xf32, #tpu.memory_space<vmem>>) dst(%dma_wait3A_57 : memref<656xf32, #tpu.memory_space<hbm>>)
        tpu.yield
      }) : () -> ()
    } else {
    }
    %eq3A_51 = arith.constant 1 : i32
    %eq3A_52 = arith.cmpi eq, %arg0, %eq3A_51 : i32
    %convert_element_type3A_53 = arith.extui %eq3A_52 : i1 to i32
    %cond3A_54 = arith.constant 0 : i32
    %cond3A_55 = arith.cmpi ne, %convert_element_type3A_53, %cond3A_54 : i32
    scf.if %cond3A_55 {
      "tpu.region"() ({
        %run_scoped3A = tpu.sem_alloc : memref<!tpu.dma_semaphore, #tpu.memory_space<semaphore_mem>>
        %dma_start3A = tpu.memref_slice %arg5[%mul3A_9] : memref<10496xf32, #tpu.memory_space<hbm>> -> memref<656xf32, #tpu.memory_space<hbm>>
        %dma_start3A_56 = tpu.memref_slice %arg5[%mul3A_9] : memref<10496xf32, #tpu.memory_space<hbm>> -> memref<656xf32, #tpu.memory_space<hbm>>
        tpu.enqueue_dma source(%arg8 : memref<656xf32, #tpu.memory_space<vmem>>) target(%dma_start3A_56 : memref<656xf32, #tpu.memory_space<hbm>>) target_semaphore(%run_scoped3A : memref<!tpu.dma_semaphore, #tpu.memory_space<semaphore_mem>>)
        %dma_wait3A = tpu.memref_slice %arg5[%mul3A_9] : memref<10496xf32, #tpu.memory_space<hbm>> -> memref<656xf32, #tpu.memory_space<hbm>>
        %dma_wait3A_57 = tpu.memref_slice %arg5[%mul3A_9] : memref<10496xf32, #tpu.memory_space<hbm>> -> memref<656xf32, #tpu.memory_space<hbm>>
        tpu.wait_dma2 semaphore(%run_scoped3A : memref<!tpu.dma_semaphore, #tpu.memory_space<semaphore_mem>>) src(%arg8 : memref<656xf32, #tpu.memory_space<vmem>>) dst(%dma_wait3A_57 : memref<656xf32, #tpu.memory_space<hbm>>)
        tpu.yield
      }) : () -> ()
    } else {
    }
    return
  }
}

#map = affine_map<(d0, d1) -> (0, 0)>
#map1 = affine_map<(d0, d1) -> (0, 0, 0)>
#map2 = affine_map<(d0, d1) -> (0, 0, 0, 0)>
module attributes {stable_mosaic.version = 14 : i64} {
  func.func @gcn_spmm(%arg0: i32, %arg1: i32, %arg2: memref<10496x64xf32, #tpu.memory_space<hbm>>, %arg3: memref<10496x64xf32, #tpu.memory_space<hbm>>, %arg4: memref<32x80x128xi32, #tpu.memory_space<hbm>>, %arg5: memref<32x80x128xi32, #tpu.memory_space<hbm>>, %arg6: memref<2x2x10496x64xf32, #tpu.memory_space<hbm>>, %arg7: memref<80x128xi32, #tpu.memory_space<vmem>>, %arg8: memref<80x128xi32, #tpu.memory_space<vmem>>, %arg9: memref<128x64xf32, #tpu.memory_space<vmem>>, %arg10: memref<128x64xf32, #tpu.memory_space<vmem>>, %arg11: memref<128x64xf32, #tpu.memory_space<vmem>>, %arg12: memref<128x64xf32, #tpu.memory_space<vmem>>, %arg13: memref<82x64xf32, #tpu.memory_space<vmem>>, %arg14: memref<10496x64xf32, #tpu.memory_space<vmem_shared>>, %arg15: memref<!tpu.dma_semaphore, #tpu.memory_space<semaphore_mem>>, %arg16: memref<!tpu.dma_semaphore, #tpu.memory_space<semaphore_mem>>, %arg17: memref<!tpu.dma_semaphore, #tpu.memory_space<semaphore_mem>>, %arg18: memref<!tpu.dma_semaphore, #tpu.memory_space<semaphore_mem>>) attributes {dimension_semantics = [#tpu.dimension_semantics<core_parallel>, #tpu.dimension_semantics<subcore_parallel>], iteration_bounds = array<i64: 2, 16>, scalar_prefetch = 0 : i64, scratch_operands = 12 : i64, tpu.core_type = #tpu.core_type<sc_vector_subcore>, window_params = [{transform_indices = #map}, {transform_indices = #map}, {transform_indices = #map1}, {transform_indices = #map1}, {transform_indices = #map2}]} {
    %mul3A = arith.constant 16 : i32
    %mul3A_0 = arith.muli %arg0, %mul3A : i32
    %add3A = arith.addi %mul3A_0, %arg1 : i32
    %mul3A_1 = arith.constant 656 : i32
    %mul3A_2 = arith.muli %arg1, %mul3A_1 : i32
    %scan3A = arith.constant 0 : i32
    %scan3A_3 = arith.constant 82 : i32
    %scan3A_4 = arith.addi %scan3A, %scan3A_3 : i32
    %scan3A_5 = arith.constant 1 : i32
    scf.for %scan3A_108 = %scan3A to %scan3A_4 step %scan3A_5  : i32 {
      %mul3A_109 = arith.constant 1 : i32
      %mul3A_110 = arith.muli %scan3A_108, %mul3A_109 : i32
      %add3A_111 = arith.constant 0 : i32
      %add3A_112 = arith.addi %add3A_111, %mul3A_110 : i32
      %scan3A_113 = arith.constant 0 : i32
      %scan3A_114 = arith.constant 4 : i32
      %scan3A_115 = arith.addi %scan3A_113, %scan3A_114 : i32
      %scan3A_116 = arith.constant 1 : i32
      scf.for %scan3A_118 = %scan3A_113 to %scan3A_115 step %scan3A_116  : i32 {
        %mul3A_119 = arith.constant 16 : i32
        %mul3A_120 = arith.muli %scan3A_118, %mul3A_119 : i32
        %add3A_121 = arith.constant 0 : i32
        %add3A_122 = arith.addi %add3A_121, %mul3A_120 : i32
        %broadcast_in_dim3A = arith.constant 0.000000e+00 : f32
        %broadcast_in_dim3A_123 = vector.broadcast %broadcast_in_dim3A : f32 to vector<16xf32>
        %swap3A = arith.index_cast %add3A_112 : i32 to index
        %swap3A_124 = arith.index_cast %add3A_122 : i32 to index
        %swap3A_125 = tpu.vector_load %arg13[%swap3A, %swap3A_124] {strides = array<i32>} : memref<82x64xf32, #tpu.memory_space<vmem>>, vector<16xf32>,
        tpu.vector_store %arg13[%swap3A, %swap3A_124], %broadcast_in_dim3A_123 {strides = array<i32>} : memref<82x64xf32, #tpu.memory_space<vmem>>, vector<16xf32>,
      }
      %scan3A_117 = arith.constant 4 : i32
    }
    %scan3A_6 = arith.constant 82 : i32
    "tpu.region"() ({
      %run_scoped3A_108 = tpu.sem_alloc : memref<!tpu.dma_semaphore, #tpu.memory_space<semaphore_mem>>
      %dma_start3A_109 = arith.constant 0 : i32
      %dma_start3A_110 = arith.constant 0 : i32
      %dma_start3A_111 = tpu.memref_slice %arg4[%add3A, %dma_start3A_109, %dma_start3A_110] : memref<32x80x128xi32, #tpu.memory_space<hbm>> -> memref<1x80x128xi32, #tpu.memory_space<hbm>>
      %dma_start3A_112 = tpu.memref_squeeze %dma_start3A_111 : memref<1x80x128xi32, #tpu.memory_space<hbm>> -> memref<80x128xi32, #tpu.memory_space<hbm>>
      %dma_start3A_113 = arith.constant 0 : i32
      %dma_start3A_114 = arith.constant 0 : i32
      %dma_start3A_115 = tpu.memref_slice %arg4[%add3A, %dma_start3A_113, %dma_start3A_114] : memref<32x80x128xi32, #tpu.memory_space<hbm>> -> memref<1x80x128xi32, #tpu.memory_space<hbm>>
      %dma_start3A_116 = tpu.memref_squeeze %dma_start3A_115 : memref<1x80x128xi32, #tpu.memory_space<hbm>> -> memref<80x128xi32, #tpu.memory_space<hbm>>
      tpu.enqueue_dma source(%dma_start3A_116 : memref<80x128xi32, #tpu.memory_space<hbm>>) target(%arg7 : memref<80x128xi32, #tpu.memory_space<vmem>>) target_semaphore(%run_scoped3A_108 : memref<!tpu.dma_semaphore, #tpu.memory_space<semaphore_mem>>)
      %dma_wait3A = arith.constant 0 : i32
      %dma_wait3A_117 = arith.constant 0 : i32
      %dma_wait3A_118 = tpu.memref_slice %arg4[%add3A, %dma_wait3A, %dma_wait3A_117] : memref<32x80x128xi32, #tpu.memory_space<hbm>> -> memref<1x80x128xi32, #tpu.memory_space<hbm>>
      %dma_wait3A_119 = tpu.memref_squeeze %dma_wait3A_118 : memref<1x80x128xi32, #tpu.memory_space<hbm>> -> memref<80x128xi32, #tpu.memory_space<hbm>>
      %dma_wait3A_120 = arith.constant 0 : i32
      %dma_wait3A_121 = arith.constant 0 : i32
      %dma_wait3A_122 = tpu.memref_slice %arg4[%add3A, %dma_wait3A_120, %dma_wait3A_121] : memref<32x80x128xi32, #tpu.memory_space<hbm>> -> memref<1x80x128xi32, #tpu.memory_space<hbm>>
      %dma_wait3A_123 = tpu.memref_squeeze %dma_wait3A_122 : memref<1x80x128xi32, #tpu.memory_space<hbm>> -> memref<80x128xi32, #tpu.memory_space<hbm>>
      tpu.wait_dma2 semaphore(%run_scoped3A_108 : memref<!tpu.dma_semaphore, #tpu.memory_space<semaphore_mem>>) src(%dma_wait3A_123 : memref<80x128xi32, #tpu.memory_space<hbm>>) dst(%arg7 : memref<80x128xi32, #tpu.memory_space<vmem>>)
      tpu.yield
    }) : () -> ()
    "tpu.region"() ({
      %run_scoped3A_108 = tpu.sem_alloc : memref<!tpu.dma_semaphore, #tpu.memory_space<semaphore_mem>>
      %dma_start3A_109 = arith.constant 0 : i32
      %dma_start3A_110 = arith.constant 0 : i32
      %dma_start3A_111 = tpu.memref_slice %arg5[%add3A, %dma_start3A_109, %dma_start3A_110] : memref<32x80x128xi32, #tpu.memory_space<hbm>> -> memref<1x80x128xi32, #tpu.memory_space<hbm>>
      %dma_start3A_112 = tpu.memref_squeeze %dma_start3A_111 : memref<1x80x128xi32, #tpu.memory_space<hbm>> -> memref<80x128xi32, #tpu.memory_space<hbm>>
      %dma_start3A_113 = arith.constant 0 : i32
      %dma_start3A_114 = arith.constant 0 : i32
      %dma_start3A_115 = tpu.memref_slice %arg5[%add3A, %dma_start3A_113, %dma_start3A_114] : memref<32x80x128xi32, #tpu.memory_space<hbm>> -> memref<1x80x128xi32, #tpu.memory_space<hbm>>
      %dma_start3A_116 = tpu.memref_squeeze %dma_start3A_115 : memref<1x80x128xi32, #tpu.memory_space<hbm>> -> memref<80x128xi32, #tpu.memory_space<hbm>>
      tpu.enqueue_dma source(%dma_start3A_116 : memref<80x128xi32, #tpu.memory_space<hbm>>) target(%arg8 : memref<80x128xi32, #tpu.memory_space<vmem>>) target_semaphore(%run_scoped3A_108 : memref<!tpu.dma_semaphore, #tpu.memory_space<semaphore_mem>>)
      %dma_wait3A = arith.constant 0 : i32
      %dma_wait3A_117 = arith.constant 0 : i32
      %dma_wait3A_118 = tpu.memref_slice %arg5[%add3A, %dma_wait3A, %dma_wait3A_117] : memref<32x80x128xi32, #tpu.memory_space<hbm>> -> memref<1x80x128xi32, #tpu.memory_space<hbm>>
      %dma_wait3A_119 = tpu.memref_squeeze %dma_wait3A_118 : memref<1x80x128xi32, #tpu.memory_space<hbm>> -> memref<80x128xi32, #tpu.memory_space<hbm>>
      %dma_wait3A_120 = arith.constant 0 : i32
      %dma_wait3A_121 = arith.constant 0 : i32
      %dma_wait3A_122 = tpu.memref_slice %arg5[%add3A, %dma_wait3A_120, %dma_wait3A_121] : memref<32x80x128xi32, #tpu.memory_space<hbm>> -> memref<1x80x128xi32, #tpu.memory_space<hbm>>
      %dma_wait3A_123 = tpu.memref_squeeze %dma_wait3A_122 : memref<1x80x128xi32, #tpu.memory_space<hbm>> -> memref<80x128xi32, #tpu.memory_space<hbm>>
      tpu.wait_dma2 semaphore(%run_scoped3A_108 : memref<!tpu.dma_semaphore, #tpu.memory_space<semaphore_mem>>) src(%dma_wait3A_123 : memref<80x128xi32, #tpu.memory_space<hbm>>) dst(%arg8 : memref<80x128xi32, #tpu.memory_space<vmem>>)
      tpu.yield
    }) : () -> ()
    %add3A_7 = arith.constant 0 : i32
    %add3A_8 = arith.addi %mul3A_2, %add3A_7 : i32
    "tpu.region"() ({
      %run_scoped3A_108 = tpu.sem_alloc : memref<!tpu.dma_semaphore, #tpu.memory_space<semaphore_mem>>
      %dma_start3A_109 = arith.constant 0 : i32
      %dma_start3A_110 = tpu.memref_slice %arg14[%add3A_8, %dma_start3A_109] : memref<10496x64xf32, #tpu.memory_space<vmem_shared>> -> memref<82x64xf32, #tpu.memory_space<vmem_shared>>
      %dma_start3A_111 = arith.constant 0 : i32
      %dma_start3A_112 = tpu.memref_slice %arg14[%add3A_8, %dma_start3A_111] : memref<10496x64xf32, #tpu.memory_space<vmem_shared>> -> memref<82x64xf32, #tpu.memory_space<vmem_shared>>
      tpu.enqueue_dma source(%arg13 : memref<82x64xf32, #tpu.memory_space<vmem>>) target(%dma_start3A_112 : memref<82x64xf32, #tpu.memory_space<vmem_shared>>) target_semaphore(%run_scoped3A_108 : memref<!tpu.dma_semaphore, #tpu.memory_space<semaphore_mem>>)
      %dma_wait3A = arith.constant 0 : i32
      %dma_wait3A_113 = tpu.memref_slice %arg14[%add3A_8, %dma_wait3A] : memref<10496x64xf32, #tpu.memory_space<vmem_shared>> -> memref<82x64xf32, #tpu.memory_space<vmem_shared>>
      %dma_wait3A_114 = arith.constant 0 : i32
      %dma_wait3A_115 = tpu.memref_slice %arg14[%add3A_8, %dma_wait3A_114] : memref<10496x64xf32, #tpu.memory_space<vmem_shared>> -> memref<82x64xf32, #tpu.memory_space<vmem_shared>>
      tpu.wait_dma2 semaphore(%run_scoped3A_108 : memref<!tpu.dma_semaphore, #tpu.memory_space<semaphore_mem>>) src(%arg13 : memref<82x64xf32, #tpu.memory_space<vmem>>) dst(%dma_wait3A_115 : memref<82x64xf32, #tpu.memory_space<vmem_shared>>)
      tpu.yield
    }) : () -> ()
    %add3A_9 = arith.constant 82 : i32
    %add3A_10 = arith.addi %mul3A_2, %add3A_9 : i32
    "tpu.region"() ({
      %run_scoped3A_108 = tpu.sem_alloc : memref<!tpu.dma_semaphore, #tpu.memory_space<semaphore_mem>>
      %dma_start3A_109 = arith.constant 0 : i32
      %dma_start3A_110 = tpu.memref_slice %arg14[%add3A_10, %dma_start3A_109] : memref<10496x64xf32, #tpu.memory_space<vmem_shared>> -> memref<82x64xf32, #tpu.memory_space<vmem_shared>>
      %dma_start3A_111 = arith.constant 0 : i32
      %dma_start3A_112 = tpu.memref_slice %arg14[%add3A_10, %dma_start3A_111] : memref<10496x64xf32, #tpu.memory_space<vmem_shared>> -> memref<82x64xf32, #tpu.memory_space<vmem_shared>>
      tpu.enqueue_dma source(%arg13 : memref<82x64xf32, #tpu.memory_space<vmem>>) target(%dma_start3A_112 : memref<82x64xf32, #tpu.memory_space<vmem_shared>>) target_semaphore(%run_scoped3A_108 : memref<!tpu.dma_semaphore, #tpu.memory_space<semaphore_mem>>)
      %dma_wait3A = arith.constant 0 : i32
      %dma_wait3A_113 = tpu.memref_slice %arg14[%add3A_10, %dma_wait3A] : memref<10496x64xf32, #tpu.memory_space<vmem_shared>> -> memref<82x64xf32, #tpu.memory_space<vmem_shared>>
      %dma_wait3A_114 = arith.constant 0 : i32
      %dma_wait3A_115 = tpu.memref_slice %arg14[%add3A_10, %dma_wait3A_114] : memref<10496x64xf32, #tpu.memory_space<vmem_shared>> -> memref<82x64xf32, #tpu.memory_space<vmem_shared>>
      tpu.wait_dma2 semaphore(%run_scoped3A_108 : memref<!tpu.dma_semaphore, #tpu.memory_space<semaphore_mem>>) src(%arg13 : memref<82x64xf32, #tpu.memory_space<vmem>>) dst(%dma_wait3A_115 : memref<82x64xf32, #tpu.memory_space<vmem_shared>>)
      tpu.yield
    }) : () -> ()
    %add3A_11 = arith.constant 164 : i32
    %add3A_12 = arith.addi %mul3A_2, %add3A_11 : i32
    "tpu.region"() ({
      %run_scoped3A_108 = tpu.sem_alloc : memref<!tpu.dma_semaphore, #tpu.memory_space<semaphore_mem>>
      %dma_start3A_109 = arith.constant 0 : i32
      %dma_start3A_110 = tpu.memref_slice %arg14[%add3A_12, %dma_start3A_109] : memref<10496x64xf32, #tpu.memory_space<vmem_shared>> -> memref<82x64xf32, #tpu.memory_space<vmem_shared>>
      %dma_start3A_111 = arith.constant 0 : i32
      %dma_start3A_112 = tpu.memref_slice %arg14[%add3A_12, %dma_start3A_111] : memref<10496x64xf32, #tpu.memory_space<vmem_shared>> -> memref<82x64xf32, #tpu.memory_space<vmem_shared>>
      tpu.enqueue_dma source(%arg13 : memref<82x64xf32, #tpu.memory_space<vmem>>) target(%dma_start3A_112 : memref<82x64xf32, #tpu.memory_space<vmem_shared>>) target_semaphore(%run_scoped3A_108 : memref<!tpu.dma_semaphore, #tpu.memory_space<semaphore_mem>>)
      %dma_wait3A = arith.constant 0 : i32
      %dma_wait3A_113 = tpu.memref_slice %arg14[%add3A_12, %dma_wait3A] : memref<10496x64xf32, #tpu.memory_space<vmem_shared>> -> memref<82x64xf32, #tpu.memory_space<vmem_shared>>
      %dma_wait3A_114 = arith.constant 0 : i32
      %dma_wait3A_115 = tpu.memref_slice %arg14[%add3A_12, %dma_wait3A_114] : memref<10496x64xf32, #tpu.memory_space<vmem_shared>> -> memref<82x64xf32, #tpu.memory_space<vmem_shared>>
      tpu.wait_dma2 semaphore(%run_scoped3A_108 : memref<!tpu.dma_semaphore, #tpu.memory_space<semaphore_mem>>) src(%arg13 : memref<82x64xf32, #tpu.memory_space<vmem>>) dst(%dma_wait3A_115 : memref<82x64xf32, #tpu.memory_space<vmem_shared>>)
      tpu.yield
    }) : () -> ()
    %add3A_13 = arith.constant 246 : i32
    %add3A_14 = arith.addi %mul3A_2, %add3A_13 : i32
    "tpu.region"() ({
      %run_scoped3A_108 = tpu.sem_alloc : memref<!tpu.dma_semaphore, #tpu.memory_space<semaphore_mem>>
      %dma_start3A_109 = arith.constant 0 : i32
      %dma_start3A_110 = tpu.memref_slice %arg14[%add3A_14, %dma_start3A_109] : memref<10496x64xf32, #tpu.memory_space<vmem_shared>> -> memref<82x64xf32, #tpu.memory_space<vmem_shared>>
      %dma_start3A_111 = arith.constant 0 : i32
      %dma_start3A_112 = tpu.memref_slice %arg14[%add3A_14, %dma_start3A_111] : memref<10496x64xf32, #tpu.memory_space<vmem_shared>> -> memref<82x64xf32, #tpu.memory_space<vmem_shared>>
      tpu.enqueue_dma source(%arg13 : memref<82x64xf32, #tpu.memory_space<vmem>>) target(%dma_start3A_112 : memref<82x64xf32, #tpu.memory_space<vmem_shared>>) target_semaphore(%run_scoped3A_108 : memref<!tpu.dma_semaphore, #tpu.memory_space<semaphore_mem>>)
      %dma_wait3A = arith.constant 0 : i32
      %dma_wait3A_113 = tpu.memref_slice %arg14[%add3A_14, %dma_wait3A] : memref<10496x64xf32, #tpu.memory_space<vmem_shared>> -> memref<82x64xf32, #tpu.memory_space<vmem_shared>>
      %dma_wait3A_114 = arith.constant 0 : i32
      %dma_wait3A_115 = tpu.memref_slice %arg14[%add3A_14, %dma_wait3A_114] : memref<10496x64xf32, #tpu.memory_space<vmem_shared>> -> memref<82x64xf32, #tpu.memory_space<vmem_shared>>
      tpu.wait_dma2 semaphore(%run_scoped3A_108 : memref<!tpu.dma_semaphore, #tpu.memory_space<semaphore_mem>>) src(%arg13 : memref<82x64xf32, #tpu.memory_space<vmem>>) dst(%dma_wait3A_115 : memref<82x64xf32, #tpu.memory_space<vmem_shared>>)
      tpu.yield
    }) : () -> ()
    %add3A_15 = arith.constant 328 : i32
    %add3A_16 = arith.addi %mul3A_2, %add3A_15 : i32
    "tpu.region"() ({
      %run_scoped3A_108 = tpu.sem_alloc : memref<!tpu.dma_semaphore, #tpu.memory_space<semaphore_mem>>
      %dma_start3A_109 = arith.constant 0 : i32
      %dma_start3A_110 = tpu.memref_slice %arg14[%add3A_16, %dma_start3A_109] : memref<10496x64xf32, #tpu.memory_space<vmem_shared>> -> memref<82x64xf32, #tpu.memory_space<vmem_shared>>
      %dma_start3A_111 = arith.constant 0 : i32
      %dma_start3A_112 = tpu.memref_slice %arg14[%add3A_16, %dma_start3A_111] : memref<10496x64xf32, #tpu.memory_space<vmem_shared>> -> memref<82x64xf32, #tpu.memory_space<vmem_shared>>
      tpu.enqueue_dma source(%arg13 : memref<82x64xf32, #tpu.memory_space<vmem>>) target(%dma_start3A_112 : memref<82x64xf32, #tpu.memory_space<vmem_shared>>) target_semaphore(%run_scoped3A_108 : memref<!tpu.dma_semaphore, #tpu.memory_space<semaphore_mem>>)
      %dma_wait3A = arith.constant 0 : i32
      %dma_wait3A_113 = tpu.memref_slice %arg14[%add3A_16, %dma_wait3A] : memref<10496x64xf32, #tpu.memory_space<vmem_shared>> -> memref<82x64xf32, #tpu.memory_space<vmem_shared>>
      %dma_wait3A_114 = arith.constant 0 : i32
      %dma_wait3A_115 = tpu.memref_slice %arg14[%add3A_16, %dma_wait3A_114] : memref<10496x64xf32, #tpu.memory_space<vmem_shared>> -> memref<82x64xf32, #tpu.memory_space<vmem_shared>>
      tpu.wait_dma2 semaphore(%run_scoped3A_108 : memref<!tpu.dma_semaphore, #tpu.memory_space<semaphore_mem>>) src(%arg13 : memref<82x64xf32, #tpu.memory_space<vmem>>) dst(%dma_wait3A_115 : memref<82x64xf32, #tpu.memory_space<vmem_shared>>)
      tpu.yield
    }) : () -> ()
    %add3A_17 = arith.constant 410 : i32
    %add3A_18 = arith.addi %mul3A_2, %add3A_17 : i32
    "tpu.region"() ({
      %run_scoped3A_108 = tpu.sem_alloc : memref<!tpu.dma_semaphore, #tpu.memory_space<semaphore_mem>>
      %dma_start3A_109 = arith.constant 0 : i32
      %dma_start3A_110 = tpu.memref_slice %arg14[%add3A_18, %dma_start3A_109] : memref<10496x64xf32, #tpu.memory_space<vmem_shared>> -> memref<82x64xf32, #tpu.memory_space<vmem_shared>>
      %dma_start3A_111 = arith.constant 0 : i32
      %dma_start3A_112 = tpu.memref_slice %arg14[%add3A_18, %dma_start3A_111] : memref<10496x64xf32, #tpu.memory_space<vmem_shared>> -> memref<82x64xf32, #tpu.memory_space<vmem_shared>>
      tpu.enqueue_dma source(%arg13 : memref<82x64xf32, #tpu.memory_space<vmem>>) target(%dma_start3A_112 : memref<82x64xf32, #tpu.memory_space<vmem_shared>>) target_semaphore(%run_scoped3A_108 : memref<!tpu.dma_semaphore, #tpu.memory_space<semaphore_mem>>)
      %dma_wait3A = arith.constant 0 : i32
      %dma_wait3A_113 = tpu.memref_slice %arg14[%add3A_18, %dma_wait3A] : memref<10496x64xf32, #tpu.memory_space<vmem_shared>> -> memref<82x64xf32, #tpu.memory_space<vmem_shared>>
      %dma_wait3A_114 = arith.constant 0 : i32
      %dma_wait3A_115 = tpu.memref_slice %arg14[%add3A_18, %dma_wait3A_114] : memref<10496x64xf32, #tpu.memory_space<vmem_shared>> -> memref<82x64xf32, #tpu.memory_space<vmem_shared>>
      tpu.wait_dma2 semaphore(%run_scoped3A_108 : memref<!tpu.dma_semaphore, #tpu.memory_space<semaphore_mem>>) src(%arg13 : memref<82x64xf32, #tpu.memory_space<vmem>>) dst(%dma_wait3A_115 : memref<82x64xf32, #tpu.memory_space<vmem_shared>>)
      tpu.yield
    }) : () -> ()
    %add3A_19 = arith.constant 492 : i32
    %add3A_20 = arith.addi %mul3A_2, %add3A_19 : i32
    "tpu.region"() ({
      %run_scoped3A_108 = tpu.sem_alloc : memref<!tpu.dma_semaphore, #tpu.memory_space<semaphore_mem>>
      %dma_start3A_109 = arith.constant 0 : i32
      %dma_start3A_110 = tpu.memref_slice %arg14[%add3A_20, %dma_start3A_109] : memref<10496x64xf32, #tpu.memory_space<vmem_shared>> -> memref<82x64xf32, #tpu.memory_space<vmem_shared>>
      %dma_start3A_111 = arith.constant 0 : i32
      %dma_start3A_112 = tpu.memref_slice %arg14[%add3A_20, %dma_start3A_111] : memref<10496x64xf32, #tpu.memory_space<vmem_shared>> -> memref<82x64xf32, #tpu.memory_space<vmem_shared>>
      tpu.enqueue_dma source(%arg13 : memref<82x64xf32, #tpu.memory_space<vmem>>) target(%dma_start3A_112 : memref<82x64xf32, #tpu.memory_space<vmem_shared>>) target_semaphore(%run_scoped3A_108 : memref<!tpu.dma_semaphore, #tpu.memory_space<semaphore_mem>>)
      %dma_wait3A = arith.constant 0 : i32
      %dma_wait3A_113 = tpu.memref_slice %arg14[%add3A_20, %dma_wait3A] : memref<10496x64xf32, #tpu.memory_space<vmem_shared>> -> memref<82x64xf32, #tpu.memory_space<vmem_shared>>
      %dma_wait3A_114 = arith.constant 0 : i32
      %dma_wait3A_115 = tpu.memref_slice %arg14[%add3A_20, %dma_wait3A_114] : memref<10496x64xf32, #tpu.memory_space<vmem_shared>> -> memref<82x64xf32, #tpu.memory_space<vmem_shared>>
      tpu.wait_dma2 semaphore(%run_scoped3A_108 : memref<!tpu.dma_semaphore, #tpu.memory_space<semaphore_mem>>) src(%arg13 : memref<82x64xf32, #tpu.memory_space<vmem>>) dst(%dma_wait3A_115 : memref<82x64xf32, #tpu.memory_space<vmem_shared>>)
      tpu.yield
    }) : () -> ()
    %add3A_21 = arith.constant 574 : i32
    %add3A_22 = arith.addi %mul3A_2, %add3A_21 : i32
    "tpu.region"() ({
      %run_scoped3A_108 = tpu.sem_alloc : memref<!tpu.dma_semaphore, #tpu.memory_space<semaphore_mem>>
      %dma_start3A_109 = arith.constant 0 : i32
      %dma_start3A_110 = tpu.memref_slice %arg14[%add3A_22, %dma_start3A_109] : memref<10496x64xf32, #tpu.memory_space<vmem_shared>> -> memref<82x64xf32, #tpu.memory_space<vmem_shared>>
      %dma_start3A_111 = arith.constant 0 : i32
      %dma_start3A_112 = tpu.memref_slice %arg14[%add3A_22, %dma_start3A_111] : memref<10496x64xf32, #tpu.memory_space<vmem_shared>> -> memref<82x64xf32, #tpu.memory_space<vmem_shared>>
      tpu.enqueue_dma source(%arg13 : memref<82x64xf32, #tpu.memory_space<vmem>>) target(%dma_start3A_112 : memref<82x64xf32, #tpu.memory_space<vmem_shared>>) target_semaphore(%run_scoped3A_108 : memref<!tpu.dma_semaphore, #tpu.memory_space<semaphore_mem>>)
      %dma_wait3A = arith.constant 0 : i32
      %dma_wait3A_113 = tpu.memref_slice %arg14[%add3A_22, %dma_wait3A] : memref<10496x64xf32, #tpu.memory_space<vmem_shared>> -> memref<82x64xf32, #tpu.memory_space<vmem_shared>>
      %dma_wait3A_114 = arith.constant 0 : i32
      %dma_wait3A_115 = tpu.memref_slice %arg14[%add3A_22, %dma_wait3A_114] : memref<10496x64xf32, #tpu.memory_space<vmem_shared>> -> memref<82x64xf32, #tpu.memory_space<vmem_shared>>
      tpu.wait_dma2 semaphore(%run_scoped3A_108 : memref<!tpu.dma_semaphore, #tpu.memory_space<semaphore_mem>>) src(%arg13 : memref<82x64xf32, #tpu.memory_space<vmem>>) dst(%dma_wait3A_115 : memref<82x64xf32, #tpu.memory_space<vmem_shared>>)
      tpu.yield
    }) : () -> ()
    %barrier3A = arith.constant 0 : index
    tpu.barrier barrier_id(%barrier3A)
    %dma_start3A = arith.constant 0 : i32
    %dma_start3A_23 = arith.constant 0 : i32
    %dma_start3A_24 = tpu.memref_slice %arg7[%dma_start3A, %dma_start3A_23] : memref<80x128xi32, #tpu.memory_space<vmem>> -> memref<1x128xi32, #tpu.memory_space<vmem>>
    %dma_start3A_25 = tpu.memref_squeeze %dma_start3A_24 : memref<1x128xi32, #tpu.memory_space<vmem>> -> memref<128xi32, #tpu.memory_space<vmem>>
    %dma_start3A_26 = arith.constant 0 : i32
    %dma_start3A_27 = arith.constant 0 : i32
    %dma_start3A_28 = tpu.memref_slice %arg2[%dma_start3A_26, %dma_start3A_27] : memref<10496x64xf32, #tpu.memory_space<hbm>> -> memref<10496x64xf32, #tpu.memory_space<hbm>>
    tpu.enqueue_indirect_dma source(%dma_start3A_28 : memref<10496x64xf32, #tpu.memory_space<hbm>>) target(%arg9 : memref<128x64xf32, #tpu.memory_space<vmem>>) offsets(%dma_start3A_25 : memref<128xi32, #tpu.memory_space<vmem>>) semaphore(%arg15 : memref<!tpu.dma_semaphore, #tpu.memory_space<semaphore_mem>>)
    %dma_start3A_29 = arith.constant 1 : i32
    %dma_start3A_30 = arith.constant 0 : i32
    %dma_start3A_31 = tpu.memref_slice %arg7[%dma_start3A_29, %dma_start3A_30] : memref<80x128xi32, #tpu.memory_space<vmem>> -> memref<1x128xi32, #tpu.memory_space<vmem>>
    %dma_start3A_32 = tpu.memref_squeeze %dma_start3A_31 : memref<1x128xi32, #tpu.memory_space<vmem>> -> memref<128xi32, #tpu.memory_space<vmem>>
    %dma_start3A_33 = arith.constant 0 : i32
    %dma_start3A_34 = arith.constant 0 : i32
    %dma_start3A_35 = tpu.memref_slice %arg2[%dma_start3A_33, %dma_start3A_34] : memref<10496x64xf32, #tpu.memory_space<hbm>> -> memref<10496x64xf32, #tpu.memory_space<hbm>>
    tpu.enqueue_indirect_dma source(%dma_start3A_35 : memref<10496x64xf32, #tpu.memory_space<hbm>>) target(%arg10 : memref<128x64xf32, #tpu.memory_space<vmem>>) offsets(%dma_start3A_32 : memref<128xi32, #tpu.memory_space<vmem>>) semaphore(%arg16 : memref<!tpu.dma_semaphore, #tpu.memory_space<semaphore_mem>>)
    %dma_start3A_36 = arith.constant 2 : i32
    %dma_start3A_37 = arith.constant 0 : i32
    %dma_start3A_38 = tpu.memref_slice %arg7[%dma_start3A_36, %dma_start3A_37] : memref<80x128xi32, #tpu.memory_space<vmem>> -> memref<1x128xi32, #tpu.memory_space<vmem>>
    %dma_start3A_39 = tpu.memref_squeeze %dma_start3A_38 : memref<1x128xi32, #tpu.memory_space<vmem>> -> memref<128xi32, #tpu.memory_space<vmem>>
    %dma_start3A_40 = arith.constant 0 : i32
    %dma_start3A_41 = arith.constant 0 : i32
    %dma_start3A_42 = tpu.memref_slice %arg2[%dma_start3A_40, %dma_start3A_41] : memref<10496x64xf32, #tpu.memory_space<hbm>> -> memref<10496x64xf32, #tpu.memory_space<hbm>>
    tpu.enqueue_indirect_dma source(%dma_start3A_42 : memref<10496x64xf32, #tpu.memory_space<hbm>>) target(%arg11 : memref<128x64xf32, #tpu.memory_space<vmem>>) offsets(%dma_start3A_39 : memref<128xi32, #tpu.memory_space<vmem>>) semaphore(%arg17 : memref<!tpu.dma_semaphore, #tpu.memory_space<semaphore_mem>>)
    %dma_start3A_43 = arith.constant 3 : i32
    %dma_start3A_44 = arith.constant 0 : i32
    %dma_start3A_45 = tpu.memref_slice %arg7[%dma_start3A_43, %dma_start3A_44] : memref<80x128xi32, #tpu.memory_space<vmem>> -> memref<1x128xi32, #tpu.memory_space<vmem>>
    %dma_start3A_46 = tpu.memref_squeeze %dma_start3A_45 : memref<1x128xi32, #tpu.memory_space<vmem>> -> memref<128xi32, #tpu.memory_space<vmem>>
    %dma_start3A_47 = arith.constant 0 : i32
    %dma_start3A_48 = arith.constant 0 : i32
    %dma_start3A_49 = tpu.memref_slice %arg2[%dma_start3A_47, %dma_start3A_48] : memref<10496x64xf32, #tpu.memory_space<hbm>> -> memref<10496x64xf32, #tpu.memory_space<hbm>>
    tpu.enqueue_indirect_dma source(%dma_start3A_49 : memref<10496x64xf32, #tpu.memory_space<hbm>>) target(%arg12 : memref<128x64xf32, #tpu.memory_space<vmem>>) offsets(%dma_start3A_46 : memref<128xi32, #tpu.memory_space<vmem>>) semaphore(%arg18 : memref<!tpu.dma_semaphore, #tpu.memory_space<semaphore_mem>>)
    %scan3A_50 = arith.constant 0 : i32
    %scan3A_51 = arith.constant 20 : i32
    %scan3A_52 = arith.addi %scan3A_50, %scan3A_51 : i32
    %scan3A_53 = arith.constant 1 : i32
    scf.for %scan3A_108 = %scan3A_50 to %scan3A_52 step %scan3A_53  : i32 {
      %mul3A_109 = arith.constant 4 : i32
      %mul3A_110 = arith.muli %scan3A_108, %mul3A_109 : i32
      %add3A_111 = arith.constant 0 : i32
      %add3A_112 = arith.addi %add3A_111, %mul3A_110 : i32
      %add3A_113 = arith.constant 0 : i32
      %add3A_114 = arith.addi %add3A_112, %add3A_113 : i32
      %dma_wait3A = arith.constant 0 : i32
      %dma_wait3A_115 = tpu.memref_slice %arg7[%add3A_114, %dma_wait3A] : memref<80x128xi32, #tpu.memory_space<vmem>> -> memref<1x128xi32, #tpu.memory_space<vmem>>
      %dma_wait3A_116 = tpu.memref_squeeze %dma_wait3A_115 : memref<1x128xi32, #tpu.memory_space<vmem>> -> memref<128xi32, #tpu.memory_space<vmem>>
      %dma_wait3A_117 = arith.constant 0 : i32
      %dma_wait3A_118 = arith.constant 0 : i32
      %dma_wait3A_119 = tpu.memref_slice %arg2[%dma_wait3A_117, %dma_wait3A_118] : memref<10496x64xf32, #tpu.memory_space<hbm>> -> memref<10496x64xf32, #tpu.memory_space<hbm>>
      tpu.wait_indirect_dma semaphore(%arg15 : memref<!tpu.dma_semaphore, #tpu.memory_space<semaphore_mem>>) src(%dma_wait3A_119 : memref<10496x64xf32, #tpu.memory_space<hbm>>) dst(%arg9 : memref<128x64xf32, #tpu.memory_space<vmem>>)
      %add3A_120 = arith.constant 0 : i32
      %add3A_121 = arith.addi %add3A_112, %add3A_120 : i32
      "tpu.region"() ({
        %run_scoped3A_185 = tpu.sem_alloc : memref<!tpu.dma_semaphore, #tpu.memory_space<semaphore_mem>>
        %dma_start3A_186 = arith.constant 0 : i32
        %dma_start3A_187 = tpu.memref_slice %arg8[%add3A_121, %dma_start3A_186] : memref<80x128xi32, #tpu.memory_space<vmem>> -> memref<1x128xi32, #tpu.memory_space<vmem>>
        %dma_start3A_188 = tpu.memref_squeeze %dma_start3A_187 : memref<1x128xi32, #tpu.memory_space<vmem>> -> memref<128xi32, #tpu.memory_space<vmem>>
        %dma_start3A_189 = arith.constant 0 : i32
        %dma_start3A_190 = arith.constant 0 : i32
        %dma_start3A_191 = tpu.memref_slice %arg14[%dma_start3A_189, %dma_start3A_190] : memref<10496x64xf32, #tpu.memory_space<vmem_shared>> -> memref<10496x64xf32, #tpu.memory_space<vmem_shared>>
        tpu.enqueue_indirect_dma source(%arg9 : memref<128x64xf32, #tpu.memory_space<vmem>>) target(%dma_start3A_191 : memref<10496x64xf32, #tpu.memory_space<vmem_shared>>) offsets(%dma_start3A_188 : memref<128xi32, #tpu.memory_space<vmem>>) semaphore(%run_scoped3A_185 : memref<!tpu.dma_semaphore, #tpu.memory_space<semaphore_mem>>) {add = true}
        %dma_wait3A_192 = arith.constant 0 : i32
        %dma_wait3A_193 = tpu.memref_slice %arg8[%add3A_121, %dma_wait3A_192] : memref<80x128xi32, #tpu.memory_space<vmem>> -> memref<1x128xi32, #tpu.memory_space<vmem>>
        %dma_wait3A_194 = tpu.memref_squeeze %dma_wait3A_193 : memref<1x128xi32, #tpu.memory_space<vmem>> -> memref<128xi32, #tpu.memory_space<vmem>>
        %dma_wait3A_195 = arith.constant 0 : i32
        %dma_wait3A_196 = arith.constant 0 : i32
        %dma_wait3A_197 = tpu.memref_slice %arg14[%dma_wait3A_195, %dma_wait3A_196] : memref<10496x64xf32, #tpu.memory_space<vmem_shared>> -> memref<10496x64xf32, #tpu.memory_space<vmem_shared>>
        tpu.wait_indirect_dma semaphore(%run_scoped3A_185 : memref<!tpu.dma_semaphore, #tpu.memory_space<semaphore_mem>>) src(%arg9 : memref<128x64xf32, #tpu.memory_space<vmem>>) dst(%dma_wait3A_197 : memref<10496x64xf32, #tpu.memory_space<vmem_shared>>)
        tpu.yield
      }) : () -> ()
      %add3A_122 = arith.constant 0 : i32
      %add3A_123 = arith.addi %add3A_112, %add3A_122 : i32
      %add3A_124 = arith.constant 4 : i32
      %add3A_125 = arith.addi %add3A_123, %add3A_124 : i32
      %lt3A = arith.constant 80 : i32
      %lt3A_126 = arith.cmpi slt, %add3A_125, %lt3A : i32
      %convert_element_type3A = arith.extui %lt3A_126 : i1 to i32
      %cond3A = arith.constant 0 : i32
      %cond3A_127 = arith.cmpi ne, %convert_element_type3A, %cond3A : i32
      scf.if %cond3A_127 {
        %add3A_185 = arith.constant 0 : i32
        %add3A_186 = arith.addi %add3A_112, %add3A_185 : i32
        %add3A_187 = arith.constant 4 : i32
        %add3A_188 = arith.addi %add3A_186, %add3A_187 : i32
        %dma_start3A_189 = arith.constant 0 : i32
        %dma_start3A_190 = tpu.memref_slice %arg7[%add3A_188, %dma_start3A_189] : memref<80x128xi32, #tpu.memory_space<vmem>> -> memref<1x128xi32, #tpu.memory_space<vmem>>
        %dma_start3A_191 = tpu.memref_squeeze %dma_start3A_190 : memref<1x128xi32, #tpu.memory_space<vmem>> -> memref<128xi32, #tpu.memory_space<vmem>>
        %dma_start3A_192 = arith.constant 0 : i32
        %dma_start3A_193 = arith.constant 0 : i32
        %dma_start3A_194 = tpu.memref_slice %arg2[%dma_start3A_192, %dma_start3A_193] : memref<10496x64xf32, #tpu.memory_space<hbm>> -> memref<10496x64xf32, #tpu.memory_space<hbm>>
        tpu.enqueue_indirect_dma source(%dma_start3A_194 : memref<10496x64xf32, #tpu.memory_space<hbm>>) target(%arg9 : memref<128x64xf32, #tpu.memory_space<vmem>>) offsets(%dma_start3A_191 : memref<128xi32, #tpu.memory_space<vmem>>) semaphore(%arg15 : memref<!tpu.dma_semaphore, #tpu.memory_space<semaphore_mem>>)
      } else {
      }
      %add3A_128 = arith.constant 1 : i32
      %add3A_129 = arith.addi %add3A_112, %add3A_128 : i32
      %dma_wait3A_130 = arith.constant 0 : i32
      %dma_wait3A_131 = tpu.memref_slice %arg7[%add3A_129, %dma_wait3A_130] : memref<80x128xi32, #tpu.memory_space<vmem>> -> memref<1x128xi32, #tpu.memory_space<vmem>>
      %dma_wait3A_132 = tpu.memref_squeeze %dma_wait3A_131 : memref<1x128xi32, #tpu.memory_space<vmem>> -> memref<128xi32, #tpu.memory_space<vmem>>
      %dma_wait3A_133 = arith.constant 0 : i32
      %dma_wait3A_134 = arith.constant 0 : i32
      %dma_wait3A_135 = tpu.memref_slice %arg2[%dma_wait3A_133, %dma_wait3A_134] : memref<10496x64xf32, #tpu.memory_space<hbm>> -> memref<10496x64xf32, #tpu.memory_space<hbm>>
      tpu.wait_indirect_dma semaphore(%arg16 : memref<!tpu.dma_semaphore, #tpu.memory_space<semaphore_mem>>) src(%dma_wait3A_135 : memref<10496x64xf32, #tpu.memory_space<hbm>>) dst(%arg10 : memref<128x64xf32, #tpu.memory_space<vmem>>)
      %add3A_136 = arith.constant 1 : i32
      %add3A_137 = arith.addi %add3A_112, %add3A_136 : i32
      "tpu.region"() ({
        %run_scoped3A_185 = tpu.sem_alloc : memref<!tpu.dma_semaphore, #tpu.memory_space<semaphore_mem>>
        %dma_start3A_186 = arith.constant 0 : i32
        %dma_start3A_187 = tpu.memref_slice %arg8[%add3A_137, %dma_start3A_186] : memref<80x128xi32, #tpu.memory_space<vmem>> -> memref<1x128xi32, #tpu.memory_space<vmem>>
        %dma_start3A_188 = tpu.memref_squeeze %dma_start3A_187 : memref<1x128xi32, #tpu.memory_space<vmem>> -> memref<128xi32, #tpu.memory_space<vmem>>
        %dma_start3A_189 = arith.constant 0 : i32
        %dma_start3A_190 = arith.constant 0 : i32
        %dma_start3A_191 = tpu.memref_slice %arg14[%dma_start3A_189, %dma_start3A_190] : memref<10496x64xf32, #tpu.memory_space<vmem_shared>> -> memref<10496x64xf32, #tpu.memory_space<vmem_shared>>
        tpu.enqueue_indirect_dma source(%arg10 : memref<128x64xf32, #tpu.memory_space<vmem>>) target(%dma_start3A_191 : memref<10496x64xf32, #tpu.memory_space<vmem_shared>>) offsets(%dma_start3A_188 : memref<128xi32, #tpu.memory_space<vmem>>) semaphore(%run_scoped3A_185 : memref<!tpu.dma_semaphore, #tpu.memory_space<semaphore_mem>>) {add = true}
        %dma_wait3A_192 = arith.constant 0 : i32
        %dma_wait3A_193 = tpu.memref_slice %arg8[%add3A_137, %dma_wait3A_192] : memref<80x128xi32, #tpu.memory_space<vmem>> -> memref<1x128xi32, #tpu.memory_space<vmem>>
        %dma_wait3A_194 = tpu.memref_squeeze %dma_wait3A_193 : memref<1x128xi32, #tpu.memory_space<vmem>> -> memref<128xi32, #tpu.memory_space<vmem>>
        %dma_wait3A_195 = arith.constant 0 : i32
        %dma_wait3A_196 = arith.constant 0 : i32
        %dma_wait3A_197 = tpu.memref_slice %arg14[%dma_wait3A_195, %dma_wait3A_196] : memref<10496x64xf32, #tpu.memory_space<vmem_shared>> -> memref<10496x64xf32, #tpu.memory_space<vmem_shared>>
        tpu.wait_indirect_dma semaphore(%run_scoped3A_185 : memref<!tpu.dma_semaphore, #tpu.memory_space<semaphore_mem>>) src(%arg10 : memref<128x64xf32, #tpu.memory_space<vmem>>) dst(%dma_wait3A_197 : memref<10496x64xf32, #tpu.memory_space<vmem_shared>>)
        tpu.yield
      }) : () -> ()
      %add3A_138 = arith.constant 1 : i32
      %add3A_139 = arith.addi %add3A_112, %add3A_138 : i32
      %add3A_140 = arith.constant 4 : i32
      %add3A_141 = arith.addi %add3A_139, %add3A_140 : i32
      %lt3A_142 = arith.constant 80 : i32
      %lt3A_143 = arith.cmpi slt, %add3A_141, %lt3A_142 : i32
      %convert_element_type3A_144 = arith.extui %lt3A_143 : i1 to i32
      %cond3A_145 = arith.constant 0 : i32
      %cond3A_146 = arith.cmpi ne, %convert_element_type3A_144, %cond3A_145 : i32
      scf.if %cond3A_146 {
        %add3A_185 = arith.constant 1 : i32
        %add3A_186 = arith.addi %add3A_112, %add3A_185 : i32
        %add3A_187 = arith.constant 4 : i32
        %add3A_188 = arith.addi %add3A_186, %add3A_187 : i32
        %dma_start3A_189 = arith.constant 0 : i32
        %dma_start3A_190 = tpu.memref_slice %arg7[%add3A_188, %dma_start3A_189] : memref<80x128xi32, #tpu.memory_space<vmem>> -> memref<1x128xi32, #tpu.memory_space<vmem>>
        %dma_start3A_191 = tpu.memref_squeeze %dma_start3A_190 : memref<1x128xi32, #tpu.memory_space<vmem>> -> memref<128xi32, #tpu.memory_space<vmem>>
        %dma_start3A_192 = arith.constant 0 : i32
        %dma_start3A_193 = arith.constant 0 : i32
        %dma_start3A_194 = tpu.memref_slice %arg2[%dma_start3A_192, %dma_start3A_193] : memref<10496x64xf32, #tpu.memory_space<hbm>> -> memref<10496x64xf32, #tpu.memory_space<hbm>>
        tpu.enqueue_indirect_dma source(%dma_start3A_194 : memref<10496x64xf32, #tpu.memory_space<hbm>>) target(%arg10 : memref<128x64xf32, #tpu.memory_space<vmem>>) offsets(%dma_start3A_191 : memref<128xi32, #tpu.memory_space<vmem>>) semaphore(%arg16 : memref<!tpu.dma_semaphore, #tpu.memory_space<semaphore_mem>>)
      } else {
      }
      %add3A_147 = arith.constant 2 : i32
      %add3A_148 = arith.addi %add3A_112, %add3A_147 : i32
      %dma_wait3A_149 = arith.constant 0 : i32
      %dma_wait3A_150 = tpu.memref_slice %arg7[%add3A_148, %dma_wait3A_149] : memref<80x128xi32, #tpu.memory_space<vmem>> -> memref<1x128xi32, #tpu.memory_space<vmem>>
      %dma_wait3A_151 = tpu.memref_squeeze %dma_wait3A_150 : memref<1x128xi32, #tpu.memory_space<vmem>> -> memref<128xi32, #tpu.memory_space<vmem>>
      %dma_wait3A_152 = arith.constant 0 : i32
      %dma_wait3A_153 = arith.constant 0 : i32
      %dma_wait3A_154 = tpu.memref_slice %arg2[%dma_wait3A_152, %dma_wait3A_153] : memref<10496x64xf32, #tpu.memory_space<hbm>> -> memref<10496x64xf32, #tpu.memory_space<hbm>>
      tpu.wait_indirect_dma semaphore(%arg17 : memref<!tpu.dma_semaphore, #tpu.memory_space<semaphore_mem>>) src(%dma_wait3A_154 : memref<10496x64xf32, #tpu.memory_space<hbm>>) dst(%arg11 : memref<128x64xf32, #tpu.memory_space<vmem>>)
      %add3A_155 = arith.constant 2 : i32
      %add3A_156 = arith.addi %add3A_112, %add3A_155 : i32
      "tpu.region"() ({
        %run_scoped3A_185 = tpu.sem_alloc : memref<!tpu.dma_semaphore, #tpu.memory_space<semaphore_mem>>
        %dma_start3A_186 = arith.constant 0 : i32
        %dma_start3A_187 = tpu.memref_slice %arg8[%add3A_156, %dma_start3A_186] : memref<80x128xi32, #tpu.memory_space<vmem>> -> memref<1x128xi32, #tpu.memory_space<vmem>>
        %dma_start3A_188 = tpu.memref_squeeze %dma_start3A_187 : memref<1x128xi32, #tpu.memory_space<vmem>> -> memref<128xi32, #tpu.memory_space<vmem>>
        %dma_start3A_189 = arith.constant 0 : i32
        %dma_start3A_190 = arith.constant 0 : i32
        %dma_start3A_191 = tpu.memref_slice %arg14[%dma_start3A_189, %dma_start3A_190] : memref<10496x64xf32, #tpu.memory_space<vmem_shared>> -> memref<10496x64xf32, #tpu.memory_space<vmem_shared>>
        tpu.enqueue_indirect_dma source(%arg11 : memref<128x64xf32, #tpu.memory_space<vmem>>) target(%dma_start3A_191 : memref<10496x64xf32, #tpu.memory_space<vmem_shared>>) offsets(%dma_start3A_188 : memref<128xi32, #tpu.memory_space<vmem>>) semaphore(%run_scoped3A_185 : memref<!tpu.dma_semaphore, #tpu.memory_space<semaphore_mem>>) {add = true}
        %dma_wait3A_192 = arith.constant 0 : i32
        %dma_wait3A_193 = tpu.memref_slice %arg8[%add3A_156, %dma_wait3A_192] : memref<80x128xi32, #tpu.memory_space<vmem>> -> memref<1x128xi32, #tpu.memory_space<vmem>>
        %dma_wait3A_194 = tpu.memref_squeeze %dma_wait3A_193 : memref<1x128xi32, #tpu.memory_space<vmem>> -> memref<128xi32, #tpu.memory_space<vmem>>
        %dma_wait3A_195 = arith.constant 0 : i32
        %dma_wait3A_196 = arith.constant 0 : i32
        %dma_wait3A_197 = tpu.memref_slice %arg14[%dma_wait3A_195, %dma_wait3A_196] : memref<10496x64xf32, #tpu.memory_space<vmem_shared>> -> memref<10496x64xf32, #tpu.memory_space<vmem_shared>>
        tpu.wait_indirect_dma semaphore(%run_scoped3A_185 : memref<!tpu.dma_semaphore, #tpu.memory_space<semaphore_mem>>) src(%arg11 : memref<128x64xf32, #tpu.memory_space<vmem>>) dst(%dma_wait3A_197 : memref<10496x64xf32, #tpu.memory_space<vmem_shared>>)
        tpu.yield
      }) : () -> ()
      %add3A_157 = arith.constant 2 : i32
      %add3A_158 = arith.addi %add3A_112, %add3A_157 : i32
      %add3A_159 = arith.constant 4 : i32
      %add3A_160 = arith.addi %add3A_158, %add3A_159 : i32
      %lt3A_161 = arith.constant 80 : i32
      %lt3A_162 = arith.cmpi slt, %add3A_160, %lt3A_161 : i32
      %convert_element_type3A_163 = arith.extui %lt3A_162 : i1 to i32
      %cond3A_164 = arith.constant 0 : i32
      %cond3A_165 = arith.cmpi ne, %convert_element_type3A_163, %cond3A_164 : i32
      scf.if %cond3A_165 {
        %add3A_185 = arith.constant 2 : i32
        %add3A_186 = arith.addi %add3A_112, %add3A_185 : i32
        %add3A_187 = arith.constant 4 : i32
        %add3A_188 = arith.addi %add3A_186, %add3A_187 : i32
        %dma_start3A_189 = arith.constant 0 : i32
        %dma_start3A_190 = tpu.memref_slice %arg7[%add3A_188, %dma_start3A_189] : memref<80x128xi32, #tpu.memory_space<vmem>> -> memref<1x128xi32, #tpu.memory_space<vmem>>
        %dma_start3A_191 = tpu.memref_squeeze %dma_start3A_190 : memref<1x128xi32, #tpu.memory_space<vmem>> -> memref<128xi32, #tpu.memory_space<vmem>>
        %dma_start3A_192 = arith.constant 0 : i32
        %dma_start3A_193 = arith.constant 0 : i32
        %dma_start3A_194 = tpu.memref_slice %arg2[%dma_start3A_192, %dma_start3A_193] : memref<10496x64xf32, #tpu.memory_space<hbm>> -> memref<10496x64xf32, #tpu.memory_space<hbm>>
        tpu.enqueue_indirect_dma source(%dma_start3A_194 : memref<10496x64xf32, #tpu.memory_space<hbm>>) target(%arg11 : memref<128x64xf32, #tpu.memory_space<vmem>>) offsets(%dma_start3A_191 : memref<128xi32, #tpu.memory_space<vmem>>) semaphore(%arg17 : memref<!tpu.dma_semaphore, #tpu.memory_space<semaphore_mem>>)
      } else {
      }
      %add3A_166 = arith.constant 3 : i32
      %add3A_167 = arith.addi %add3A_112, %add3A_166 : i32
      %dma_wait3A_168 = arith.constant 0 : i32
      %dma_wait3A_169 = tpu.memref_slice %arg7[%add3A_167, %dma_wait3A_168] : memref<80x128xi32, #tpu.memory_space<vmem>> -> memref<1x128xi32, #tpu.memory_space<vmem>>
      %dma_wait3A_170 = tpu.memref_squeeze %dma_wait3A_169 : memref<1x128xi32, #tpu.memory_space<vmem>> -> memref<128xi32, #tpu.memory_space<vmem>>
      %dma_wait3A_171 = arith.constant 0 : i32
      %dma_wait3A_172 = arith.constant 0 : i32
      %dma_wait3A_173 = tpu.memref_slice %arg2[%dma_wait3A_171, %dma_wait3A_172] : memref<10496x64xf32, #tpu.memory_space<hbm>> -> memref<10496x64xf32, #tpu.memory_space<hbm>>
      tpu.wait_indirect_dma semaphore(%arg18 : memref<!tpu.dma_semaphore, #tpu.memory_space<semaphore_mem>>) src(%dma_wait3A_173 : memref<10496x64xf32, #tpu.memory_space<hbm>>) dst(%arg12 : memref<128x64xf32, #tpu.memory_space<vmem>>)
      %add3A_174 = arith.constant 3 : i32
      %add3A_175 = arith.addi %add3A_112, %add3A_174 : i32
      "tpu.region"() ({
        %run_scoped3A_185 = tpu.sem_alloc : memref<!tpu.dma_semaphore, #tpu.memory_space<semaphore_mem>>
        %dma_start3A_186 = arith.constant 0 : i32
        %dma_start3A_187 = tpu.memref_slice %arg8[%add3A_175, %dma_start3A_186] : memref<80x128xi32, #tpu.memory_space<vmem>> -> memref<1x128xi32, #tpu.memory_space<vmem>>
        %dma_start3A_188 = tpu.memref_squeeze %dma_start3A_187 : memref<1x128xi32, #tpu.memory_space<vmem>> -> memref<128xi32, #tpu.memory_space<vmem>>
        %dma_start3A_189 = arith.constant 0 : i32
        %dma_start3A_190 = arith.constant 0 : i32
        %dma_start3A_191 = tpu.memref_slice %arg14[%dma_start3A_189, %dma_start3A_190] : memref<10496x64xf32, #tpu.memory_space<vmem_shared>> -> memref<10496x64xf32, #tpu.memory_space<vmem_shared>>
        tpu.enqueue_indirect_dma source(%arg12 : memref<128x64xf32, #tpu.memory_space<vmem>>) target(%dma_start3A_191 : memref<10496x64xf32, #tpu.memory_space<vmem_shared>>) offsets(%dma_start3A_188 : memref<128xi32, #tpu.memory_space<vmem>>) semaphore(%run_scoped3A_185 : memref<!tpu.dma_semaphore, #tpu.memory_space<semaphore_mem>>) {add = true}
        %dma_wait3A_192 = arith.constant 0 : i32
        %dma_wait3A_193 = tpu.memref_slice %arg8[%add3A_175, %dma_wait3A_192] : memref<80x128xi32, #tpu.memory_space<vmem>> -> memref<1x128xi32, #tpu.memory_space<vmem>>
        %dma_wait3A_194 = tpu.memref_squeeze %dma_wait3A_193 : memref<1x128xi32, #tpu.memory_space<vmem>> -> memref<128xi32, #tpu.memory_space<vmem>>
        %dma_wait3A_195 = arith.constant 0 : i32
        %dma_wait3A_196 = arith.constant 0 : i32
        %dma_wait3A_197 = tpu.memref_slice %arg14[%dma_wait3A_195, %dma_wait3A_196] : memref<10496x64xf32, #tpu.memory_space<vmem_shared>> -> memref<10496x64xf32, #tpu.memory_space<vmem_shared>>
        tpu.wait_indirect_dma semaphore(%run_scoped3A_185 : memref<!tpu.dma_semaphore, #tpu.memory_space<semaphore_mem>>) src(%arg12 : memref<128x64xf32, #tpu.memory_space<vmem>>) dst(%dma_wait3A_197 : memref<10496x64xf32, #tpu.memory_space<vmem_shared>>)
        tpu.yield
      }) : () -> ()
      %add3A_176 = arith.constant 3 : i32
      %add3A_177 = arith.addi %add3A_112, %add3A_176 : i32
      %add3A_178 = arith.constant 4 : i32
      %add3A_179 = arith.addi %add3A_177, %add3A_178 : i32
      %lt3A_180 = arith.constant 80 : i32
      %lt3A_181 = arith.cmpi slt, %add3A_179, %lt3A_180 : i32
      %convert_element_type3A_182 = arith.extui %lt3A_181 : i1 to i32
      %cond3A_183 = arith.constant 0 : i32
      %cond3A_184 = arith.cmpi ne, %convert_element_type3A_182, %cond3A_183 : i32
      scf.if %cond3A_184 {
        %add3A_185 = arith.constant 3 : i32
        %add3A_186 = arith.addi %add3A_112, %add3A_185 : i32
        %add3A_187 = arith.constant 4 : i32
        %add3A_188 = arith.addi %add3A_186, %add3A_187 : i32
        %dma_start3A_189 = arith.constant 0 : i32
        %dma_start3A_190 = tpu.memref_slice %arg7[%add3A_188, %dma_start3A_189] : memref<80x128xi32, #tpu.memory_space<vmem>> -> memref<1x128xi32, #tpu.memory_space<vmem>>
        %dma_start3A_191 = tpu.memref_squeeze %dma_start3A_190 : memref<1x128xi32, #tpu.memory_space<vmem>> -> memref<128xi32, #tpu.memory_space<vmem>>
        %dma_start3A_192 = arith.constant 0 : i32
        %dma_start3A_193 = arith.constant 0 : i32
        %dma_start3A_194 = tpu.memref_slice %arg2[%dma_start3A_192, %dma_start3A_193] : memref<10496x64xf32, #tpu.memory_space<hbm>> -> memref<10496x64xf32, #tpu.memory_space<hbm>>
        tpu.enqueue_indirect_dma source(%dma_start3A_194 : memref<10496x64xf32, #tpu.memory_space<hbm>>) target(%arg12 : memref<128x64xf32, #tpu.memory_space<vmem>>) offsets(%dma_start3A_191 : memref<128xi32, #tpu.memory_space<vmem>>) semaphore(%arg18 : memref<!tpu.dma_semaphore, #tpu.memory_space<semaphore_mem>>)
      } else {
      }
    }
    %scan3A_54 = arith.constant 20 : i32
    %barrier3A_55 = arith.constant 0 : index
    tpu.barrier barrier_id(%barrier3A_55)
    %run_scoped3A = arith.constant 0 : i32
    "tpu.region"() ({
      %run_scoped3A_108 = tpu.sem_alloc : memref<!tpu.dma_semaphore, #tpu.memory_space<semaphore_mem>>
      %dma_start3A_109 = arith.constant 0 : i32
      %dma_start3A_110 = tpu.memref_slice %arg6[%run_scoped3A, %arg0, %mul3A_2, %dma_start3A_109] : memref<2x2x10496x64xf32, #tpu.memory_space<hbm>> -> memref<1x1x656x64xf32, #tpu.memory_space<hbm>>
      %dma_start3A_111 = tpu.memref_squeeze %dma_start3A_110 : memref<1x1x656x64xf32, #tpu.memory_space<hbm>> -> memref<656x64xf32, #tpu.memory_space<hbm>>
      %dma_start3A_112 = arith.constant 0 : i32
      %dma_start3A_113 = tpu.memref_slice %arg14[%mul3A_2, %dma_start3A_112] : memref<10496x64xf32, #tpu.memory_space<vmem_shared>> -> memref<656x64xf32, #tpu.memory_space<vmem_shared>>
      tpu.enqueue_dma source(%dma_start3A_113 : memref<656x64xf32, #tpu.memory_space<vmem_shared>>) target(%dma_start3A_111 : memref<656x64xf32, #tpu.memory_space<hbm>>) target_semaphore(%run_scoped3A_108 : memref<!tpu.dma_semaphore, #tpu.memory_space<semaphore_mem>>)
      %dma_wait3A = arith.constant 0 : i32
      %dma_wait3A_114 = tpu.memref_slice %arg6[%run_scoped3A, %arg0, %mul3A_2, %dma_wait3A] : memref<2x2x10496x64xf32, #tpu.memory_space<hbm>> -> memref<1x1x656x64xf32, #tpu.memory_space<hbm>>
      %dma_wait3A_115 = tpu.memref_squeeze %dma_wait3A_114 : memref<1x1x656x64xf32, #tpu.memory_space<hbm>> -> memref<656x64xf32, #tpu.memory_space<hbm>>
      %dma_wait3A_116 = arith.constant 0 : i32
      %dma_wait3A_117 = tpu.memref_slice %arg14[%mul3A_2, %dma_wait3A_116] : memref<10496x64xf32, #tpu.memory_space<vmem_shared>> -> memref<656x64xf32, #tpu.memory_space<vmem_shared>>
      tpu.wait_dma2 semaphore(%run_scoped3A_108 : memref<!tpu.dma_semaphore, #tpu.memory_space<semaphore_mem>>) src(%dma_wait3A_117 : memref<656x64xf32, #tpu.memory_space<vmem_shared>>) dst(%dma_wait3A_115 : memref<656x64xf32, #tpu.memory_space<hbm>>)
      tpu.yield
    }) : () -> ()
    %add3A_56 = arith.constant 0 : i32
    %add3A_57 = arith.addi %mul3A_2, %add3A_56 : i32
    "tpu.region"() ({
      %run_scoped3A_108 = tpu.sem_alloc : memref<!tpu.dma_semaphore, #tpu.memory_space<semaphore_mem>>
      %dma_start3A_109 = arith.constant 0 : i32
      %dma_start3A_110 = tpu.memref_slice %arg14[%add3A_57, %dma_start3A_109] : memref<10496x64xf32, #tpu.memory_space<vmem_shared>> -> memref<82x64xf32, #tpu.memory_space<vmem_shared>>
      %dma_start3A_111 = arith.constant 0 : i32
      %dma_start3A_112 = tpu.memref_slice %arg14[%add3A_57, %dma_start3A_111] : memref<10496x64xf32, #tpu.memory_space<vmem_shared>> -> memref<82x64xf32, #tpu.memory_space<vmem_shared>>
      tpu.enqueue_dma source(%arg13 : memref<82x64xf32, #tpu.memory_space<vmem>>) target(%dma_start3A_112 : memref<82x64xf32, #tpu.memory_space<vmem_shared>>) target_semaphore(%run_scoped3A_108 : memref<!tpu.dma_semaphore, #tpu.memory_space<semaphore_mem>>)
      %dma_wait3A = arith.constant 0 : i32
      %dma_wait3A_113 = tpu.memref_slice %arg14[%add3A_57, %dma_wait3A] : memref<10496x64xf32, #tpu.memory_space<vmem_shared>> -> memref<82x64xf32, #tpu.memory_space<vmem_shared>>
      %dma_wait3A_114 = arith.constant 0 : i32
      %dma_wait3A_115 = tpu.memref_slice %arg14[%add3A_57, %dma_wait3A_114] : memref<10496x64xf32, #tpu.memory_space<vmem_shared>> -> memref<82x64xf32, #tpu.memory_space<vmem_shared>>
      tpu.wait_dma2 semaphore(%run_scoped3A_108 : memref<!tpu.dma_semaphore, #tpu.memory_space<semaphore_mem>>) src(%arg13 : memref<82x64xf32, #tpu.memory_space<vmem>>) dst(%dma_wait3A_115 : memref<82x64xf32, #tpu.memory_space<vmem_shared>>)
      tpu.yield
    }) : () -> ()
    %add3A_58 = arith.constant 82 : i32
    %add3A_59 = arith.addi %mul3A_2, %add3A_58 : i32
    "tpu.region"() ({
      %run_scoped3A_108 = tpu.sem_alloc : memref<!tpu.dma_semaphore, #tpu.memory_space<semaphore_mem>>
      %dma_start3A_109 = arith.constant 0 : i32
      %dma_start3A_110 = tpu.memref_slice %arg14[%add3A_59, %dma_start3A_109] : memref<10496x64xf32, #tpu.memory_space<vmem_shared>> -> memref<82x64xf32, #tpu.memory_space<vmem_shared>>
      %dma_start3A_111 = arith.constant 0 : i32
      %dma_start3A_112 = tpu.memref_slice %arg14[%add3A_59, %dma_start3A_111] : memref<10496x64xf32, #tpu.memory_space<vmem_shared>> -> memref<82x64xf32, #tpu.memory_space<vmem_shared>>
      tpu.enqueue_dma source(%arg13 : memref<82x64xf32, #tpu.memory_space<vmem>>) target(%dma_start3A_112 : memref<82x64xf32, #tpu.memory_space<vmem_shared>>) target_semaphore(%run_scoped3A_108 : memref<!tpu.dma_semaphore, #tpu.memory_space<semaphore_mem>>)
      %dma_wait3A = arith.constant 0 : i32
      %dma_wait3A_113 = tpu.memref_slice %arg14[%add3A_59, %dma_wait3A] : memref<10496x64xf32, #tpu.memory_space<vmem_shared>> -> memref<82x64xf32, #tpu.memory_space<vmem_shared>>
      %dma_wait3A_114 = arith.constant 0 : i32
      %dma_wait3A_115 = tpu.memref_slice %arg14[%add3A_59, %dma_wait3A_114] : memref<10496x64xf32, #tpu.memory_space<vmem_shared>> -> memref<82x64xf32, #tpu.memory_space<vmem_shared>>
      tpu.wait_dma2 semaphore(%run_scoped3A_108 : memref<!tpu.dma_semaphore, #tpu.memory_space<semaphore_mem>>) src(%arg13 : memref<82x64xf32, #tpu.memory_space<vmem>>) dst(%dma_wait3A_115 : memref<82x64xf32, #tpu.memory_space<vmem_shared>>)
      tpu.yield
    }) : () -> ()
    %add3A_60 = arith.constant 164 : i32
    %add3A_61 = arith.addi %mul3A_2, %add3A_60 : i32
    "tpu.region"() ({
      %run_scoped3A_108 = tpu.sem_alloc : memref<!tpu.dma_semaphore, #tpu.memory_space<semaphore_mem>>
      %dma_start3A_109 = arith.constant 0 : i32
      %dma_start3A_110 = tpu.memref_slice %arg14[%add3A_61, %dma_start3A_109] : memref<10496x64xf32, #tpu.memory_space<vmem_shared>> -> memref<82x64xf32, #tpu.memory_space<vmem_shared>>
      %dma_start3A_111 = arith.constant 0 : i32
      %dma_start3A_112 = tpu.memref_slice %arg14[%add3A_61, %dma_start3A_111] : memref<10496x64xf32, #tpu.memory_space<vmem_shared>> -> memref<82x64xf32, #tpu.memory_space<vmem_shared>>
      tpu.enqueue_dma source(%arg13 : memref<82x64xf32, #tpu.memory_space<vmem>>) target(%dma_start3A_112 : memref<82x64xf32, #tpu.memory_space<vmem_shared>>) target_semaphore(%run_scoped3A_108 : memref<!tpu.dma_semaphore, #tpu.memory_space<semaphore_mem>>)
      %dma_wait3A = arith.constant 0 : i32
      %dma_wait3A_113 = tpu.memref_slice %arg14[%add3A_61, %dma_wait3A] : memref<10496x64xf32, #tpu.memory_space<vmem_shared>> -> memref<82x64xf32, #tpu.memory_space<vmem_shared>>
      %dma_wait3A_114 = arith.constant 0 : i32
      %dma_wait3A_115 = tpu.memref_slice %arg14[%add3A_61, %dma_wait3A_114] : memref<10496x64xf32, #tpu.memory_space<vmem_shared>> -> memref<82x64xf32, #tpu.memory_space<vmem_shared>>
      tpu.wait_dma2 semaphore(%run_scoped3A_108 : memref<!tpu.dma_semaphore, #tpu.memory_space<semaphore_mem>>) src(%arg13 : memref<82x64xf32, #tpu.memory_space<vmem>>) dst(%dma_wait3A_115 : memref<82x64xf32, #tpu.memory_space<vmem_shared>>)
      tpu.yield
    }) : () -> ()
    %add3A_62 = arith.constant 246 : i32
    %add3A_63 = arith.addi %mul3A_2, %add3A_62 : i32
    "tpu.region"() ({
      %run_scoped3A_108 = tpu.sem_alloc : memref<!tpu.dma_semaphore, #tpu.memory_space<semaphore_mem>>
      %dma_start3A_109 = arith.constant 0 : i32
      %dma_start3A_110 = tpu.memref_slice %arg14[%add3A_63, %dma_start3A_109] : memref<10496x64xf32, #tpu.memory_space<vmem_shared>> -> memref<82x64xf32, #tpu.memory_space<vmem_shared>>
      %dma_start3A_111 = arith.constant 0 : i32
      %dma_start3A_112 = tpu.memref_slice %arg14[%add3A_63, %dma_start3A_111] : memref<10496x64xf32, #tpu.memory_space<vmem_shared>> -> memref<82x64xf32, #tpu.memory_space<vmem_shared>>
      tpu.enqueue_dma source(%arg13 : memref<82x64xf32, #tpu.memory_space<vmem>>) target(%dma_start3A_112 : memref<82x64xf32, #tpu.memory_space<vmem_shared>>) target_semaphore(%run_scoped3A_108 : memref<!tpu.dma_semaphore, #tpu.memory_space<semaphore_mem>>)
      %dma_wait3A = arith.constant 0 : i32
      %dma_wait3A_113 = tpu.memref_slice %arg14[%add3A_63, %dma_wait3A] : memref<10496x64xf32, #tpu.memory_space<vmem_shared>> -> memref<82x64xf32, #tpu.memory_space<vmem_shared>>
      %dma_wait3A_114 = arith.constant 0 : i32
      %dma_wait3A_115 = tpu.memref_slice %arg14[%add3A_63, %dma_wait3A_114] : memref<10496x64xf32, #tpu.memory_space<vmem_shared>> -> memref<82x64xf32, #tpu.memory_space<vmem_shared>>
      tpu.wait_dma2 semaphore(%run_scoped3A_108 : memref<!tpu.dma_semaphore, #tpu.memory_space<semaphore_mem>>) src(%arg13 : memref<82x64xf32, #tpu.memory_space<vmem>>) dst(%dma_wait3A_115 : memref<82x64xf32, #tpu.memory_space<vmem_shared>>)
      tpu.yield
    }) : () -> ()
    %add3A_64 = arith.constant 328 : i32
    %add3A_65 = arith.addi %mul3A_2, %add3A_64 : i32
    "tpu.region"() ({
      %run_scoped3A_108 = tpu.sem_alloc : memref<!tpu.dma_semaphore, #tpu.memory_space<semaphore_mem>>
      %dma_start3A_109 = arith.constant 0 : i32
      %dma_start3A_110 = tpu.memref_slice %arg14[%add3A_65, %dma_start3A_109] : memref<10496x64xf32, #tpu.memory_space<vmem_shared>> -> memref<82x64xf32, #tpu.memory_space<vmem_shared>>
      %dma_start3A_111 = arith.constant 0 : i32
      %dma_start3A_112 = tpu.memref_slice %arg14[%add3A_65, %dma_start3A_111] : memref<10496x64xf32, #tpu.memory_space<vmem_shared>> -> memref<82x64xf32, #tpu.memory_space<vmem_shared>>
      tpu.enqueue_dma source(%arg13 : memref<82x64xf32, #tpu.memory_space<vmem>>) target(%dma_start3A_112 : memref<82x64xf32, #tpu.memory_space<vmem_shared>>) target_semaphore(%run_scoped3A_108 : memref<!tpu.dma_semaphore, #tpu.memory_space<semaphore_mem>>)
      %dma_wait3A = arith.constant 0 : i32
      %dma_wait3A_113 = tpu.memref_slice %arg14[%add3A_65, %dma_wait3A] : memref<10496x64xf32, #tpu.memory_space<vmem_shared>> -> memref<82x64xf32, #tpu.memory_space<vmem_shared>>
      %dma_wait3A_114 = arith.constant 0 : i32
      %dma_wait3A_115 = tpu.memref_slice %arg14[%add3A_65, %dma_wait3A_114] : memref<10496x64xf32, #tpu.memory_space<vmem_shared>> -> memref<82x64xf32, #tpu.memory_space<vmem_shared>>
      tpu.wait_dma2 semaphore(%run_scoped3A_108 : memref<!tpu.dma_semaphore, #tpu.memory_space<semaphore_mem>>) src(%arg13 : memref<82x64xf32, #tpu.memory_space<vmem>>) dst(%dma_wait3A_115 : memref<82x64xf32, #tpu.memory_space<vmem_shared>>)
      tpu.yield
    }) : () -> ()
    %add3A_66 = arith.constant 410 : i32
    %add3A_67 = arith.addi %mul3A_2, %add3A_66 : i32
    "tpu.region"() ({
      %run_scoped3A_108 = tpu.sem_alloc : memref<!tpu.dma_semaphore, #tpu.memory_space<semaphore_mem>>
      %dma_start3A_109 = arith.constant 0 : i32
      %dma_start3A_110 = tpu.memref_slice %arg14[%add3A_67, %dma_start3A_109] : memref<10496x64xf32, #tpu.memory_space<vmem_shared>> -> memref<82x64xf32, #tpu.memory_space<vmem_shared>>
      %dma_start3A_111 = arith.constant 0 : i32
      %dma_start3A_112 = tpu.memref_slice %arg14[%add3A_67, %dma_start3A_111] : memref<10496x64xf32, #tpu.memory_space<vmem_shared>> -> memref<82x64xf32, #tpu.memory_space<vmem_shared>>
      tpu.enqueue_dma source(%arg13 : memref<82x64xf32, #tpu.memory_space<vmem>>) target(%dma_start3A_112 : memref<82x64xf32, #tpu.memory_space<vmem_shared>>) target_semaphore(%run_scoped3A_108 : memref<!tpu.dma_semaphore, #tpu.memory_space<semaphore_mem>>)
      %dma_wait3A = arith.constant 0 : i32
      %dma_wait3A_113 = tpu.memref_slice %arg14[%add3A_67, %dma_wait3A] : memref<10496x64xf32, #tpu.memory_space<vmem_shared>> -> memref<82x64xf32, #tpu.memory_space<vmem_shared>>
      %dma_wait3A_114 = arith.constant 0 : i32
      %dma_wait3A_115 = tpu.memref_slice %arg14[%add3A_67, %dma_wait3A_114] : memref<10496x64xf32, #tpu.memory_space<vmem_shared>> -> memref<82x64xf32, #tpu.memory_space<vmem_shared>>
      tpu.wait_dma2 semaphore(%run_scoped3A_108 : memref<!tpu.dma_semaphore, #tpu.memory_space<semaphore_mem>>) src(%arg13 : memref<82x64xf32, #tpu.memory_space<vmem>>) dst(%dma_wait3A_115 : memref<82x64xf32, #tpu.memory_space<vmem_shared>>)
      tpu.yield
    }) : () -> ()
    %add3A_68 = arith.constant 492 : i32
    %add3A_69 = arith.addi %mul3A_2, %add3A_68 : i32
    "tpu.region"() ({
      %run_scoped3A_108 = tpu.sem_alloc : memref<!tpu.dma_semaphore, #tpu.memory_space<semaphore_mem>>
      %dma_start3A_109 = arith.constant 0 : i32
      %dma_start3A_110 = tpu.memref_slice %arg14[%add3A_69, %dma_start3A_109] : memref<10496x64xf32, #tpu.memory_space<vmem_shared>> -> memref<82x64xf32, #tpu.memory_space<vmem_shared>>
      %dma_start3A_111 = arith.constant 0 : i32
      %dma_start3A_112 = tpu.memref_slice %arg14[%add3A_69, %dma_start3A_111] : memref<10496x64xf32, #tpu.memory_space<vmem_shared>> -> memref<82x64xf32, #tpu.memory_space<vmem_shared>>
      tpu.enqueue_dma source(%arg13 : memref<82x64xf32, #tpu.memory_space<vmem>>) target(%dma_start3A_112 : memref<82x64xf32, #tpu.memory_space<vmem_shared>>) target_semaphore(%run_scoped3A_108 : memref<!tpu.dma_semaphore, #tpu.memory_space<semaphore_mem>>)
      %dma_wait3A = arith.constant 0 : i32
      %dma_wait3A_113 = tpu.memref_slice %arg14[%add3A_69, %dma_wait3A] : memref<10496x64xf32, #tpu.memory_space<vmem_shared>> -> memref<82x64xf32, #tpu.memory_space<vmem_shared>>
      %dma_wait3A_114 = arith.constant 0 : i32
      %dma_wait3A_115 = tpu.memref_slice %arg14[%add3A_69, %dma_wait3A_114] : memref<10496x64xf32, #tpu.memory_space<vmem_shared>> -> memref<82x64xf32, #tpu.memory_space<vmem_shared>>
      tpu.wait_dma2 semaphore(%run_scoped3A_108 : memref<!tpu.dma_semaphore, #tpu.memory_space<semaphore_mem>>) src(%arg13 : memref<82x64xf32, #tpu.memory_space<vmem>>) dst(%dma_wait3A_115 : memref<82x64xf32, #tpu.memory_space<vmem_shared>>)
      tpu.yield
    }) : () -> ()
    %add3A_70 = arith.constant 574 : i32
    %add3A_71 = arith.addi %mul3A_2, %add3A_70 : i32
    "tpu.region"() ({
      %run_scoped3A_108 = tpu.sem_alloc : memref<!tpu.dma_semaphore, #tpu.memory_space<semaphore_mem>>
      %dma_start3A_109 = arith.constant 0 : i32
      %dma_start3A_110 = tpu.memref_slice %arg14[%add3A_71, %dma_start3A_109] : memref<10496x64xf32, #tpu.memory_space<vmem_shared>> -> memref<82x64xf32, #tpu.memory_space<vmem_shared>>
      %dma_start3A_111 = arith.constant 0 : i32
      %dma_start3A_112 = tpu.memref_slice %arg14[%add3A_71, %dma_start3A_111] : memref<10496x64xf32, #tpu.memory_space<vmem_shared>> -> memref<82x64xf32, #tpu.memory_space<vmem_shared>>
      tpu.enqueue_dma source(%arg13 : memref<82x64xf32, #tpu.memory_space<vmem>>) target(%dma_start3A_112 : memref<82x64xf32, #tpu.memory_space<vmem_shared>>) target_semaphore(%run_scoped3A_108 : memref<!tpu.dma_semaphore, #tpu.memory_space<semaphore_mem>>)
      %dma_wait3A = arith.constant 0 : i32
      %dma_wait3A_113 = tpu.memref_slice %arg14[%add3A_71, %dma_wait3A] : memref<10496x64xf32, #tpu.memory_space<vmem_shared>> -> memref<82x64xf32, #tpu.memory_space<vmem_shared>>
      %dma_wait3A_114 = arith.constant 0 : i32
      %dma_wait3A_115 = tpu.memref_slice %arg14[%add3A_71, %dma_wait3A_114] : memref<10496x64xf32, #tpu.memory_space<vmem_shared>> -> memref<82x64xf32, #tpu.memory_space<vmem_shared>>
      tpu.wait_dma2 semaphore(%run_scoped3A_108 : memref<!tpu.dma_semaphore, #tpu.memory_space<semaphore_mem>>) src(%arg13 : memref<82x64xf32, #tpu.memory_space<vmem>>) dst(%dma_wait3A_115 : memref<82x64xf32, #tpu.memory_space<vmem_shared>>)
      tpu.yield
    }) : () -> ()
    %barrier3A_72 = arith.constant 0 : index
    tpu.barrier barrier_id(%barrier3A_72)
    %dma_start3A_73 = arith.constant 0 : i32
    %dma_start3A_74 = arith.constant 0 : i32
    %dma_start3A_75 = tpu.memref_slice %arg7[%dma_start3A_73, %dma_start3A_74] : memref<80x128xi32, #tpu.memory_space<vmem>> -> memref<1x128xi32, #tpu.memory_space<vmem>>
    %dma_start3A_76 = tpu.memref_squeeze %dma_start3A_75 : memref<1x128xi32, #tpu.memory_space<vmem>> -> memref<128xi32, #tpu.memory_space<vmem>>
    %dma_start3A_77 = arith.constant 0 : i32
    %dma_start3A_78 = arith.constant 0 : i32
    %dma_start3A_79 = tpu.memref_slice %arg3[%dma_start3A_77, %dma_start3A_78] : memref<10496x64xf32, #tpu.memory_space<hbm>> -> memref<10496x64xf32, #tpu.memory_space<hbm>>
    tpu.enqueue_indirect_dma source(%dma_start3A_79 : memref<10496x64xf32, #tpu.memory_space<hbm>>) target(%arg9 : memref<128x64xf32, #tpu.memory_space<vmem>>) offsets(%dma_start3A_76 : memref<128xi32, #tpu.memory_space<vmem>>) semaphore(%arg15 : memref<!tpu.dma_semaphore, #tpu.memory_space<semaphore_mem>>)
    %dma_start3A_80 = arith.constant 1 : i32
    %dma_start3A_81 = arith.constant 0 : i32
    %dma_start3A_82 = tpu.memref_slice %arg7[%dma_start3A_80, %dma_start3A_81] : memref<80x128xi32, #tpu.memory_space<vmem>> -> memref<1x128xi32, #tpu.memory_space<vmem>>
    %dma_start3A_83 = tpu.memref_squeeze %dma_start3A_82 : memref<1x128xi32, #tpu.memory_space<vmem>> -> memref<128xi32, #tpu.memory_space<vmem>>
    %dma_start3A_84 = arith.constant 0 : i32
    %dma_start3A_85 = arith.constant 0 : i32
    %dma_start3A_86 = tpu.memref_slice %arg3[%dma_start3A_84, %dma_start3A_85] : memref<10496x64xf32, #tpu.memory_space<hbm>> -> memref<10496x64xf32, #tpu.memory_space<hbm>>
    tpu.enqueue_indirect_dma source(%dma_start3A_86 : memref<10496x64xf32, #tpu.memory_space<hbm>>) target(%arg10 : memref<128x64xf32, #tpu.memory_space<vmem>>) offsets(%dma_start3A_83 : memref<128xi32, #tpu.memory_space<vmem>>) semaphore(%arg16 : memref<!tpu.dma_semaphore, #tpu.memory_space<semaphore_mem>>)
    %dma_start3A_87 = arith.constant 2 : i32
    %dma_start3A_88 = arith.constant 0 : i32
    %dma_start3A_89 = tpu.memref_slice %arg7[%dma_start3A_87, %dma_start3A_88] : memref<80x128xi32, #tpu.memory_space<vmem>> -> memref<1x128xi32, #tpu.memory_space<vmem>>
    %dma_start3A_90 = tpu.memref_squeeze %dma_start3A_89 : memref<1x128xi32, #tpu.memory_space<vmem>> -> memref<128xi32, #tpu.memory_space<vmem>>
    %dma_start3A_91 = arith.constant 0 : i32
    %dma_start3A_92 = arith.constant 0 : i32
    %dma_start3A_93 = tpu.memref_slice %arg3[%dma_start3A_91, %dma_start3A_92] : memref<10496x64xf32, #tpu.memory_space<hbm>> -> memref<10496x64xf32, #tpu.memory_space<hbm>>
    tpu.enqueue_indirect_dma source(%dma_start3A_93 : memref<10496x64xf32, #tpu.memory_space<hbm>>) target(%arg11 : memref<128x64xf32, #tpu.memory_space<vmem>>) offsets(%dma_start3A_90 : memref<128xi32, #tpu.memory_space<vmem>>) semaphore(%arg17 : memref<!tpu.dma_semaphore, #tpu.memory_space<semaphore_mem>>)
    %dma_start3A_94 = arith.constant 3 : i32
    %dma_start3A_95 = arith.constant 0 : i32
    %dma_start3A_96 = tpu.memref_slice %arg7[%dma_start3A_94, %dma_start3A_95] : memref<80x128xi32, #tpu.memory_space<vmem>> -> memref<1x128xi32, #tpu.memory_space<vmem>>
    %dma_start3A_97 = tpu.memref_squeeze %dma_start3A_96 : memref<1x128xi32, #tpu.memory_space<vmem>> -> memref<128xi32, #tpu.memory_space<vmem>>
    %dma_start3A_98 = arith.constant 0 : i32
    %dma_start3A_99 = arith.constant 0 : i32
    %dma_start3A_100 = tpu.memref_slice %arg3[%dma_start3A_98, %dma_start3A_99] : memref<10496x64xf32, #tpu.memory_space<hbm>> -> memref<10496x64xf32, #tpu.memory_space<hbm>>
    tpu.enqueue_indirect_dma source(%dma_start3A_100 : memref<10496x64xf32, #tpu.memory_space<hbm>>) target(%arg12 : memref<128x64xf32, #tpu.memory_space<vmem>>) offsets(%dma_start3A_97 : memref<128xi32, #tpu.memory_space<vmem>>) semaphore(%arg18 : memref<!tpu.dma_semaphore, #tpu.memory_space<semaphore_mem>>)
    %scan3A_101 = arith.constant 0 : i32
    %scan3A_102 = arith.constant 20 : i32
    %scan3A_103 = arith.addi %scan3A_101, %scan3A_102 : i32
    %scan3A_104 = arith.constant 1 : i32
    scf.for %scan3A_108 = %scan3A_101 to %scan3A_103 step %scan3A_104  : i32 {
      %mul3A_109 = arith.constant 4 : i32
      %mul3A_110 = arith.muli %scan3A_108, %mul3A_109 : i32
      %add3A_111 = arith.constant 0 : i32
      %add3A_112 = arith.addi %add3A_111, %mul3A_110 : i32
      %add3A_113 = arith.constant 0 : i32
      %add3A_114 = arith.addi %add3A_112, %add3A_113 : i32
      %dma_wait3A = arith.constant 0 : i32
      %dma_wait3A_115 = tpu.memref_slice %arg7[%add3A_114, %dma_wait3A] : memref<80x128xi32, #tpu.memory_space<vmem>> -> memref<1x128xi32, #tpu.memory_space<vmem>>
      %dma_wait3A_116 = tpu.memref_squeeze %dma_wait3A_115 : memref<1x128xi32, #tpu.memory_space<vmem>> -> memref<128xi32, #tpu.memory_space<vmem>>
      %dma_wait3A_117 = arith.constant 0 : i32
      %dma_wait3A_118 = arith.constant 0 : i32
      %dma_wait3A_119 = tpu.memref_slice %arg3[%dma_wait3A_117, %dma_wait3A_118] : memref<10496x64xf32, #tpu.memory_space<hbm>> -> memref<10496x64xf32, #tpu.memory_space<hbm>>
      tpu.wait_indirect_dma semaphore(%arg15 : memref<!tpu.dma_semaphore, #tpu.memory_space<semaphore_mem>>) src(%dma_wait3A_119 : memref<10496x64xf32, #tpu.memory_space<hbm>>) dst(%arg9 : memref<128x64xf32, #tpu.memory_space<vmem>>)
      %add3A_120 = arith.constant 0 : i32
      %add3A_121 = arith.addi %add3A_112, %add3A_120 : i32
      "tpu.region"() ({
        %run_scoped3A_185 = tpu.sem_alloc : memref<!tpu.dma_semaphore, #tpu.memory_space<semaphore_mem>>
        %dma_start3A_186 = arith.constant 0 : i32
        %dma_start3A_187 = tpu.memref_slice %arg8[%add3A_121, %dma_start3A_186] : memref<80x128xi32, #tpu.memory_space<vmem>> -> memref<1x128xi32, #tpu.memory_space<vmem>>
        %dma_start3A_188 = tpu.memref_squeeze %dma_start3A_187 : memref<1x128xi32, #tpu.memory_space<vmem>> -> memref<128xi32, #tpu.memory_space<vmem>>
        %dma_start3A_189 = arith.constant 0 : i32
        %dma_start3A_190 = arith.constant 0 : i32
        %dma_start3A_191 = tpu.memref_slice %arg14[%dma_start3A_189, %dma_start3A_190] : memref<10496x64xf32, #tpu.memory_space<vmem_shared>> -> memref<10496x64xf32, #tpu.memory_space<vmem_shared>>
        tpu.enqueue_indirect_dma source(%arg9 : memref<128x64xf32, #tpu.memory_space<vmem>>) target(%dma_start3A_191 : memref<10496x64xf32, #tpu.memory_space<vmem_shared>>) offsets(%dma_start3A_188 : memref<128xi32, #tpu.memory_space<vmem>>) semaphore(%run_scoped3A_185 : memref<!tpu.dma_semaphore, #tpu.memory_space<semaphore_mem>>) {add = true}
        %dma_wait3A_192 = arith.constant 0 : i32
        %dma_wait3A_193 = tpu.memref_slice %arg8[%add3A_121, %dma_wait3A_192] : memref<80x128xi32, #tpu.memory_space<vmem>> -> memref<1x128xi32, #tpu.memory_space<vmem>>
        %dma_wait3A_194 = tpu.memref_squeeze %dma_wait3A_193 : memref<1x128xi32, #tpu.memory_space<vmem>> -> memref<128xi32, #tpu.memory_space<vmem>>
        %dma_wait3A_195 = arith.constant 0 : i32
        %dma_wait3A_196 = arith.constant 0 : i32
        %dma_wait3A_197 = tpu.memref_slice %arg14[%dma_wait3A_195, %dma_wait3A_196] : memref<10496x64xf32, #tpu.memory_space<vmem_shared>> -> memref<10496x64xf32, #tpu.memory_space<vmem_shared>>
        tpu.wait_indirect_dma semaphore(%run_scoped3A_185 : memref<!tpu.dma_semaphore, #tpu.memory_space<semaphore_mem>>) src(%arg9 : memref<128x64xf32, #tpu.memory_space<vmem>>) dst(%dma_wait3A_197 : memref<10496x64xf32, #tpu.memory_space<vmem_shared>>)
        tpu.yield
      }) : () -> ()
      %add3A_122 = arith.constant 0 : i32
      %add3A_123 = arith.addi %add3A_112, %add3A_122 : i32
      %add3A_124 = arith.constant 4 : i32
      %add3A_125 = arith.addi %add3A_123, %add3A_124 : i32
      %lt3A = arith.constant 80 : i32
      %lt3A_126 = arith.cmpi slt, %add3A_125, %lt3A : i32
      %convert_element_type3A = arith.extui %lt3A_126 : i1 to i32
      %cond3A = arith.constant 0 : i32
      %cond3A_127 = arith.cmpi ne, %convert_element_type3A, %cond3A : i32
      scf.if %cond3A_127 {
        %add3A_185 = arith.constant 0 : i32
        %add3A_186 = arith.addi %add3A_112, %add3A_185 : i32
        %add3A_187 = arith.constant 4 : i32
        %add3A_188 = arith.addi %add3A_186, %add3A_187 : i32
        %dma_start3A_189 = arith.constant 0 : i32
        %dma_start3A_190 = tpu.memref_slice %arg7[%add3A_188, %dma_start3A_189] : memref<80x128xi32, #tpu.memory_space<vmem>> -> memref<1x128xi32, #tpu.memory_space<vmem>>
        %dma_start3A_191 = tpu.memref_squeeze %dma_start3A_190 : memref<1x128xi32, #tpu.memory_space<vmem>> -> memref<128xi32, #tpu.memory_space<vmem>>
        %dma_start3A_192 = arith.constant 0 : i32
        %dma_start3A_193 = arith.constant 0 : i32
        %dma_start3A_194 = tpu.memref_slice %arg3[%dma_start3A_192, %dma_start3A_193] : memref<10496x64xf32, #tpu.memory_space<hbm>> -> memref<10496x64xf32, #tpu.memory_space<hbm>>
        tpu.enqueue_indirect_dma source(%dma_start3A_194 : memref<10496x64xf32, #tpu.memory_space<hbm>>) target(%arg9 : memref<128x64xf32, #tpu.memory_space<vmem>>) offsets(%dma_start3A_191 : memref<128xi32, #tpu.memory_space<vmem>>) semaphore(%arg15 : memref<!tpu.dma_semaphore, #tpu.memory_space<semaphore_mem>>)
      } else {
      }
      %add3A_128 = arith.constant 1 : i32
      %add3A_129 = arith.addi %add3A_112, %add3A_128 : i32
      %dma_wait3A_130 = arith.constant 0 : i32
      %dma_wait3A_131 = tpu.memref_slice %arg7[%add3A_129, %dma_wait3A_130] : memref<80x128xi32, #tpu.memory_space<vmem>> -> memref<1x128xi32, #tpu.memory_space<vmem>>
      %dma_wait3A_132 = tpu.memref_squeeze %dma_wait3A_131 : memref<1x128xi32, #tpu.memory_space<vmem>> -> memref<128xi32, #tpu.memory_space<vmem>>
      %dma_wait3A_133 = arith.constant 0 : i32
      %dma_wait3A_134 = arith.constant 0 : i32
      %dma_wait3A_135 = tpu.memref_slice %arg3[%dma_wait3A_133, %dma_wait3A_134] : memref<10496x64xf32, #tpu.memory_space<hbm>> -> memref<10496x64xf32, #tpu.memory_space<hbm>>
      tpu.wait_indirect_dma semaphore(%arg16 : memref<!tpu.dma_semaphore, #tpu.memory_space<semaphore_mem>>) src(%dma_wait3A_135 : memref<10496x64xf32, #tpu.memory_space<hbm>>) dst(%arg10 : memref<128x64xf32, #tpu.memory_space<vmem>>)
      %add3A_136 = arith.constant 1 : i32
      %add3A_137 = arith.addi %add3A_112, %add3A_136 : i32
      "tpu.region"() ({
        %run_scoped3A_185 = tpu.sem_alloc : memref<!tpu.dma_semaphore, #tpu.memory_space<semaphore_mem>>
        %dma_start3A_186 = arith.constant 0 : i32
        %dma_start3A_187 = tpu.memref_slice %arg8[%add3A_137, %dma_start3A_186] : memref<80x128xi32, #tpu.memory_space<vmem>> -> memref<1x128xi32, #tpu.memory_space<vmem>>
        %dma_start3A_188 = tpu.memref_squeeze %dma_start3A_187 : memref<1x128xi32, #tpu.memory_space<vmem>> -> memref<128xi32, #tpu.memory_space<vmem>>
        %dma_start3A_189 = arith.constant 0 : i32
        %dma_start3A_190 = arith.constant 0 : i32
        %dma_start3A_191 = tpu.memref_slice %arg14[%dma_start3A_189, %dma_start3A_190] : memref<10496x64xf32, #tpu.memory_space<vmem_shared>> -> memref<10496x64xf32, #tpu.memory_space<vmem_shared>>
        tpu.enqueue_indirect_dma source(%arg10 : memref<128x64xf32, #tpu.memory_space<vmem>>) target(%dma_start3A_191 : memref<10496x64xf32, #tpu.memory_space<vmem_shared>>) offsets(%dma_start3A_188 : memref<128xi32, #tpu.memory_space<vmem>>) semaphore(%run_scoped3A_185 : memref<!tpu.dma_semaphore, #tpu.memory_space<semaphore_mem>>) {add = true}
        %dma_wait3A_192 = arith.constant 0 : i32
        %dma_wait3A_193 = tpu.memref_slice %arg8[%add3A_137, %dma_wait3A_192] : memref<80x128xi32, #tpu.memory_space<vmem>> -> memref<1x128xi32, #tpu.memory_space<vmem>>
        %dma_wait3A_194 = tpu.memref_squeeze %dma_wait3A_193 : memref<1x128xi32, #tpu.memory_space<vmem>> -> memref<128xi32, #tpu.memory_space<vmem>>
        %dma_wait3A_195 = arith.constant 0 : i32
        %dma_wait3A_196 = arith.constant 0 : i32
        %dma_wait3A_197 = tpu.memref_slice %arg14[%dma_wait3A_195, %dma_wait3A_196] : memref<10496x64xf32, #tpu.memory_space<vmem_shared>> -> memref<10496x64xf32, #tpu.memory_space<vmem_shared>>
        tpu.wait_indirect_dma semaphore(%run_scoped3A_185 : memref<!tpu.dma_semaphore, #tpu.memory_space<semaphore_mem>>) src(%arg10 : memref<128x64xf32, #tpu.memory_space<vmem>>) dst(%dma_wait3A_197 : memref<10496x64xf32, #tpu.memory_space<vmem_shared>>)
        tpu.yield
      }) : () -> ()
      %add3A_138 = arith.constant 1 : i32
      %add3A_139 = arith.addi %add3A_112, %add3A_138 : i32
      %add3A_140 = arith.constant 4 : i32
      %add3A_141 = arith.addi %add3A_139, %add3A_140 : i32
      %lt3A_142 = arith.constant 80 : i32
      %lt3A_143 = arith.cmpi slt, %add3A_141, %lt3A_142 : i32
      %convert_element_type3A_144 = arith.extui %lt3A_143 : i1 to i32
      %cond3A_145 = arith.constant 0 : i32
      %cond3A_146 = arith.cmpi ne, %convert_element_type3A_144, %cond3A_145 : i32
      scf.if %cond3A_146 {
        %add3A_185 = arith.constant 1 : i32
        %add3A_186 = arith.addi %add3A_112, %add3A_185 : i32
        %add3A_187 = arith.constant 4 : i32
        %add3A_188 = arith.addi %add3A_186, %add3A_187 : i32
        %dma_start3A_189 = arith.constant 0 : i32
        %dma_start3A_190 = tpu.memref_slice %arg7[%add3A_188, %dma_start3A_189] : memref<80x128xi32, #tpu.memory_space<vmem>> -> memref<1x128xi32, #tpu.memory_space<vmem>>
        %dma_start3A_191 = tpu.memref_squeeze %dma_start3A_190 : memref<1x128xi32, #tpu.memory_space<vmem>> -> memref<128xi32, #tpu.memory_space<vmem>>
        %dma_start3A_192 = arith.constant 0 : i32
        %dma_start3A_193 = arith.constant 0 : i32
        %dma_start3A_194 = tpu.memref_slice %arg3[%dma_start3A_192, %dma_start3A_193] : memref<10496x64xf32, #tpu.memory_space<hbm>> -> memref<10496x64xf32, #tpu.memory_space<hbm>>
        tpu.enqueue_indirect_dma source(%dma_start3A_194 : memref<10496x64xf32, #tpu.memory_space<hbm>>) target(%arg10 : memref<128x64xf32, #tpu.memory_space<vmem>>) offsets(%dma_start3A_191 : memref<128xi32, #tpu.memory_space<vmem>>) semaphore(%arg16 : memref<!tpu.dma_semaphore, #tpu.memory_space<semaphore_mem>>)
      } else {
      }
      %add3A_147 = arith.constant 2 : i32
      %add3A_148 = arith.addi %add3A_112, %add3A_147 : i32
      %dma_wait3A_149 = arith.constant 0 : i32
      %dma_wait3A_150 = tpu.memref_slice %arg7[%add3A_148, %dma_wait3A_149] : memref<80x128xi32, #tpu.memory_space<vmem>> -> memref<1x128xi32, #tpu.memory_space<vmem>>
      %dma_wait3A_151 = tpu.memref_squeeze %dma_wait3A_150 : memref<1x128xi32, #tpu.memory_space<vmem>> -> memref<128xi32, #tpu.memory_space<vmem>>
      %dma_wait3A_152 = arith.constant 0 : i32
      %dma_wait3A_153 = arith.constant 0 : i32
      %dma_wait3A_154 = tpu.memref_slice %arg3[%dma_wait3A_152, %dma_wait3A_153] : memref<10496x64xf32, #tpu.memory_space<hbm>> -> memref<10496x64xf32, #tpu.memory_space<hbm>>
      tpu.wait_indirect_dma semaphore(%arg17 : memref<!tpu.dma_semaphore, #tpu.memory_space<semaphore_mem>>) src(%dma_wait3A_154 : memref<10496x64xf32, #tpu.memory_space<hbm>>) dst(%arg11 : memref<128x64xf32, #tpu.memory_space<vmem>>)
      %add3A_155 = arith.constant 2 : i32
      %add3A_156 = arith.addi %add3A_112, %add3A_155 : i32
      "tpu.region"() ({
        %run_scoped3A_185 = tpu.sem_alloc : memref<!tpu.dma_semaphore, #tpu.memory_space<semaphore_mem>>
        %dma_start3A_186 = arith.constant 0 : i32
        %dma_start3A_187 = tpu.memref_slice %arg8[%add3A_156, %dma_start3A_186] : memref<80x128xi32, #tpu.memory_space<vmem>> -> memref<1x128xi32, #tpu.memory_space<vmem>>
        %dma_start3A_188 = tpu.memref_squeeze %dma_start3A_187 : memref<1x128xi32, #tpu.memory_space<vmem>> -> memref<128xi32, #tpu.memory_space<vmem>>
        %dma_start3A_189 = arith.constant 0 : i32
        %dma_start3A_190 = arith.constant 0 : i32
        %dma_start3A_191 = tpu.memref_slice %arg14[%dma_start3A_189, %dma_start3A_190] : memref<10496x64xf32, #tpu.memory_space<vmem_shared>> -> memref<10496x64xf32, #tpu.memory_space<vmem_shared>>
        tpu.enqueue_indirect_dma source(%arg11 : memref<128x64xf32, #tpu.memory_space<vmem>>) target(%dma_start3A_191 : memref<10496x64xf32, #tpu.memory_space<vmem_shared>>) offsets(%dma_start3A_188 : memref<128xi32, #tpu.memory_space<vmem>>) semaphore(%run_scoped3A_185 : memref<!tpu.dma_semaphore, #tpu.memory_space<semaphore_mem>>) {add = true}
        %dma_wait3A_192 = arith.constant 0 : i32
        %dma_wait3A_193 = tpu.memref_slice %arg8[%add3A_156, %dma_wait3A_192] : memref<80x128xi32, #tpu.memory_space<vmem>> -> memref<1x128xi32, #tpu.memory_space<vmem>>
        %dma_wait3A_194 = tpu.memref_squeeze %dma_wait3A_193 : memref<1x128xi32, #tpu.memory_space<vmem>> -> memref<128xi32, #tpu.memory_space<vmem>>
        %dma_wait3A_195 = arith.constant 0 : i32
        %dma_wait3A_196 = arith.constant 0 : i32
        %dma_wait3A_197 = tpu.memref_slice %arg14[%dma_wait3A_195, %dma_wait3A_196] : memref<10496x64xf32, #tpu.memory_space<vmem_shared>> -> memref<10496x64xf32, #tpu.memory_space<vmem_shared>>
        tpu.wait_indirect_dma semaphore(%run_scoped3A_185 : memref<!tpu.dma_semaphore, #tpu.memory_space<semaphore_mem>>) src(%arg11 : memref<128x64xf32, #tpu.memory_space<vmem>>) dst(%dma_wait3A_197 : memref<10496x64xf32, #tpu.memory_space<vmem_shared>>)
        tpu.yield
      }) : () -> ()
      %add3A_157 = arith.constant 2 : i32
      %add3A_158 = arith.addi %add3A_112, %add3A_157 : i32
      %add3A_159 = arith.constant 4 : i32
      %add3A_160 = arith.addi %add3A_158, %add3A_159 : i32
      %lt3A_161 = arith.constant 80 : i32
      %lt3A_162 = arith.cmpi slt, %add3A_160, %lt3A_161 : i32
      %convert_element_type3A_163 = arith.extui %lt3A_162 : i1 to i32
      %cond3A_164 = arith.constant 0 : i32
      %cond3A_165 = arith.cmpi ne, %convert_element_type3A_163, %cond3A_164 : i32
      scf.if %cond3A_165 {
        %add3A_185 = arith.constant 2 : i32
        %add3A_186 = arith.addi %add3A_112, %add3A_185 : i32
        %add3A_187 = arith.constant 4 : i32
        %add3A_188 = arith.addi %add3A_186, %add3A_187 : i32
        %dma_start3A_189 = arith.constant 0 : i32
        %dma_start3A_190 = tpu.memref_slice %arg7[%add3A_188, %dma_start3A_189] : memref<80x128xi32, #tpu.memory_space<vmem>> -> memref<1x128xi32, #tpu.memory_space<vmem>>
        %dma_start3A_191 = tpu.memref_squeeze %dma_start3A_190 : memref<1x128xi32, #tpu.memory_space<vmem>> -> memref<128xi32, #tpu.memory_space<vmem>>
        %dma_start3A_192 = arith.constant 0 : i32
        %dma_start3A_193 = arith.constant 0 : i32
        %dma_start3A_194 = tpu.memref_slice %arg3[%dma_start3A_192, %dma_start3A_193] : memref<10496x64xf32, #tpu.memory_space<hbm>> -> memref<10496x64xf32, #tpu.memory_space<hbm>>
        tpu.enqueue_indirect_dma source(%dma_start3A_194 : memref<10496x64xf32, #tpu.memory_space<hbm>>) target(%arg11 : memref<128x64xf32, #tpu.memory_space<vmem>>) offsets(%dma_start3A_191 : memref<128xi32, #tpu.memory_space<vmem>>) semaphore(%arg17 : memref<!tpu.dma_semaphore, #tpu.memory_space<semaphore_mem>>)
      } else {
      }
      %add3A_166 = arith.constant 3 : i32
      %add3A_167 = arith.addi %add3A_112, %add3A_166 : i32
      %dma_wait3A_168 = arith.constant 0 : i32
      %dma_wait3A_169 = tpu.memref_slice %arg7[%add3A_167, %dma_wait3A_168] : memref<80x128xi32, #tpu.memory_space<vmem>> -> memref<1x128xi32, #tpu.memory_space<vmem>>
      %dma_wait3A_170 = tpu.memref_squeeze %dma_wait3A_169 : memref<1x128xi32, #tpu.memory_space<vmem>> -> memref<128xi32, #tpu.memory_space<vmem>>
      %dma_wait3A_171 = arith.constant 0 : i32
      %dma_wait3A_172 = arith.constant 0 : i32
      %dma_wait3A_173 = tpu.memref_slice %arg3[%dma_wait3A_171, %dma_wait3A_172] : memref<10496x64xf32, #tpu.memory_space<hbm>> -> memref<10496x64xf32, #tpu.memory_space<hbm>>
      tpu.wait_indirect_dma semaphore(%arg18 : memref<!tpu.dma_semaphore, #tpu.memory_space<semaphore_mem>>) src(%dma_wait3A_173 : memref<10496x64xf32, #tpu.memory_space<hbm>>) dst(%arg12 : memref<128x64xf32, #tpu.memory_space<vmem>>)
      %add3A_174 = arith.constant 3 : i32
      %add3A_175 = arith.addi %add3A_112, %add3A_174 : i32
      "tpu.region"() ({
        %run_scoped3A_185 = tpu.sem_alloc : memref<!tpu.dma_semaphore, #tpu.memory_space<semaphore_mem>>
        %dma_start3A_186 = arith.constant 0 : i32
        %dma_start3A_187 = tpu.memref_slice %arg8[%add3A_175, %dma_start3A_186] : memref<80x128xi32, #tpu.memory_space<vmem>> -> memref<1x128xi32, #tpu.memory_space<vmem>>
        %dma_start3A_188 = tpu.memref_squeeze %dma_start3A_187 : memref<1x128xi32, #tpu.memory_space<vmem>> -> memref<128xi32, #tpu.memory_space<vmem>>
        %dma_start3A_189 = arith.constant 0 : i32
        %dma_start3A_190 = arith.constant 0 : i32
        %dma_start3A_191 = tpu.memref_slice %arg14[%dma_start3A_189, %dma_start3A_190] : memref<10496x64xf32, #tpu.memory_space<vmem_shared>> -> memref<10496x64xf32, #tpu.memory_space<vmem_shared>>
        tpu.enqueue_indirect_dma source(%arg12 : memref<128x64xf32, #tpu.memory_space<vmem>>) target(%dma_start3A_191 : memref<10496x64xf32, #tpu.memory_space<vmem_shared>>) offsets(%dma_start3A_188 : memref<128xi32, #tpu.memory_space<vmem>>) semaphore(%run_scoped3A_185 : memref<!tpu.dma_semaphore, #tpu.memory_space<semaphore_mem>>) {add = true}
        %dma_wait3A_192 = arith.constant 0 : i32
        %dma_wait3A_193 = tpu.memref_slice %arg8[%add3A_175, %dma_wait3A_192] : memref<80x128xi32, #tpu.memory_space<vmem>> -> memref<1x128xi32, #tpu.memory_space<vmem>>
        %dma_wait3A_194 = tpu.memref_squeeze %dma_wait3A_193 : memref<1x128xi32, #tpu.memory_space<vmem>> -> memref<128xi32, #tpu.memory_space<vmem>>
        %dma_wait3A_195 = arith.constant 0 : i32
        %dma_wait3A_196 = arith.constant 0 : i32
        %dma_wait3A_197 = tpu.memref_slice %arg14[%dma_wait3A_195, %dma_wait3A_196] : memref<10496x64xf32, #tpu.memory_space<vmem_shared>> -> memref<10496x64xf32, #tpu.memory_space<vmem_shared>>
        tpu.wait_indirect_dma semaphore(%run_scoped3A_185 : memref<!tpu.dma_semaphore, #tpu.memory_space<semaphore_mem>>) src(%arg12 : memref<128x64xf32, #tpu.memory_space<vmem>>) dst(%dma_wait3A_197 : memref<10496x64xf32, #tpu.memory_space<vmem_shared>>)
        tpu.yield
      }) : () -> ()
      %add3A_176 = arith.constant 3 : i32
      %add3A_177 = arith.addi %add3A_112, %add3A_176 : i32
      %add3A_178 = arith.constant 4 : i32
      %add3A_179 = arith.addi %add3A_177, %add3A_178 : i32
      %lt3A_180 = arith.constant 80 : i32
      %lt3A_181 = arith.cmpi slt, %add3A_179, %lt3A_180 : i32
      %convert_element_type3A_182 = arith.extui %lt3A_181 : i1 to i32
      %cond3A_183 = arith.constant 0 : i32
      %cond3A_184 = arith.cmpi ne, %convert_element_type3A_182, %cond3A_183 : i32
      scf.if %cond3A_184 {
        %add3A_185 = arith.constant 3 : i32
        %add3A_186 = arith.addi %add3A_112, %add3A_185 : i32
        %add3A_187 = arith.constant 4 : i32
        %add3A_188 = arith.addi %add3A_186, %add3A_187 : i32
        %dma_start3A_189 = arith.constant 0 : i32
        %dma_start3A_190 = tpu.memref_slice %arg7[%add3A_188, %dma_start3A_189] : memref<80x128xi32, #tpu.memory_space<vmem>> -> memref<1x128xi32, #tpu.memory_space<vmem>>
        %dma_start3A_191 = tpu.memref_squeeze %dma_start3A_190 : memref<1x128xi32, #tpu.memory_space<vmem>> -> memref<128xi32, #tpu.memory_space<vmem>>
        %dma_start3A_192 = arith.constant 0 : i32
        %dma_start3A_193 = arith.constant 0 : i32
        %dma_start3A_194 = tpu.memref_slice %arg3[%dma_start3A_192, %dma_start3A_193] : memref<10496x64xf32, #tpu.memory_space<hbm>> -> memref<10496x64xf32, #tpu.memory_space<hbm>>
        tpu.enqueue_indirect_dma source(%dma_start3A_194 : memref<10496x64xf32, #tpu.memory_space<hbm>>) target(%arg12 : memref<128x64xf32, #tpu.memory_space<vmem>>) offsets(%dma_start3A_191 : memref<128xi32, #tpu.memory_space<vmem>>) semaphore(%arg18 : memref<!tpu.dma_semaphore, #tpu.memory_space<semaphore_mem>>)
      } else {
      }
    }
    %scan3A_105 = arith.constant 20 : i32
    %barrier3A_106 = arith.constant 0 : index
    tpu.barrier barrier_id(%barrier3A_106)
    %run_scoped3A_107 = arith.constant 1 : i32
    "tpu.region"() ({
      %run_scoped3A_108 = tpu.sem_alloc : memref<!tpu.dma_semaphore, #tpu.memory_space<semaphore_mem>>
      %dma_start3A_109 = arith.constant 0 : i32
      %dma_start3A_110 = tpu.memref_slice %arg6[%run_scoped3A_107, %arg0, %mul3A_2, %dma_start3A_109] : memref<2x2x10496x64xf32, #tpu.memory_space<hbm>> -> memref<1x1x656x64xf32, #tpu.memory_space<hbm>>
      %dma_start3A_111 = tpu.memref_squeeze %dma_start3A_110 : memref<1x1x656x64xf32, #tpu.memory_space<hbm>> -> memref<656x64xf32, #tpu.memory_space<hbm>>
      %dma_start3A_112 = arith.constant 0 : i32
      %dma_start3A_113 = tpu.memref_slice %arg14[%mul3A_2, %dma_start3A_112] : memref<10496x64xf32, #tpu.memory_space<vmem_shared>> -> memref<656x64xf32, #tpu.memory_space<vmem_shared>>
      tpu.enqueue_dma source(%dma_start3A_113 : memref<656x64xf32, #tpu.memory_space<vmem_shared>>) target(%dma_start3A_111 : memref<656x64xf32, #tpu.memory_space<hbm>>) target_semaphore(%run_scoped3A_108 : memref<!tpu.dma_semaphore, #tpu.memory_space<semaphore_mem>>)
      %dma_wait3A = arith.constant 0 : i32
      %dma_wait3A_114 = tpu.memref_slice %arg6[%run_scoped3A_107, %arg0, %mul3A_2, %dma_wait3A] : memref<2x2x10496x64xf32, #tpu.memory_space<hbm>> -> memref<1x1x656x64xf32, #tpu.memory_space<hbm>>
      %dma_wait3A_115 = tpu.memref_squeeze %dma_wait3A_114 : memref<1x1x656x64xf32, #tpu.memory_space<hbm>> -> memref<656x64xf32, #tpu.memory_space<hbm>>
      %dma_wait3A_116 = arith.constant 0 : i32
      %dma_wait3A_117 = tpu.memref_slice %arg14[%mul3A_2, %dma_wait3A_116] : memref<10496x64xf32, #tpu.memory_space<vmem_shared>> -> memref<656x64xf32, #tpu.memory_space<vmem_shared>>
      tpu.wait_dma2 semaphore(%run_scoped3A_108 : memref<!tpu.dma_semaphore, #tpu.memory_space<semaphore_mem>>) src(%dma_wait3A_117 : memref<656x64xf32, #tpu.memory_space<vmem_shared>>) dst(%dma_wait3A_115 : memref<656x64xf32, #tpu.memory_space<hbm>>)
      tpu.yield
    }) : () -> ()
    return
  }
}

#map = affine_map<(d0, d1) -> (0, 0)>
#map1 = affine_map<(d0, d1) -> (0, 0, 0)>
#map2 = affine_map<(d0, d1) -> (0, 0, 0, 0)>
module attributes {stable_mosaic.version = 14 : i64} {
  func.func @gcn_spmm(%arg0: i32, %arg1: i32, %arg2: memref<10496x64xf32, #tpu.memory_space<hbm>>, %arg3: memref<10496x64xf32, #tpu.memory_space<hbm>>, %arg4: memref<32x80x128xi32, #tpu.memory_space<hbm>>, %arg5: memref<32x80x128xi32, #tpu.memory_space<hbm>>, %arg6: memref<2x2x10496x64xf32, #tpu.memory_space<hbm>>, %arg7: memref<80x128xi32, #tpu.memory_space<vmem>>, %arg8: memref<80x128xi32, #tpu.memory_space<vmem>>, %arg9: memref<128x64xf32, #tpu.memory_space<vmem>>, %arg10: memref<128x64xf32, #tpu.memory_space<vmem>>, %arg11: memref<128x64xf32, #tpu.memory_space<vmem>>, %arg12: memref<128x64xf32, #tpu.memory_space<vmem>>, %arg13: memref<82x64xf32, #tpu.memory_space<vmem>>, %arg14: memref<10496x64xf32, #tpu.memory_space<vmem_shared>>, %arg15: memref<!tpu.dma_semaphore, #tpu.memory_space<semaphore_mem>>, %arg16: memref<!tpu.dma_semaphore, #tpu.memory_space<semaphore_mem>>, %arg17: memref<!tpu.dma_semaphore, #tpu.memory_space<semaphore_mem>>, %arg18: memref<!tpu.dma_semaphore, #tpu.memory_space<semaphore_mem>>) attributes {dimension_semantics = [#tpu.dimension_semantics<core_parallel>, #tpu.dimension_semantics<subcore_parallel>], iteration_bounds = array<i64: 2, 16>, scalar_prefetch = 0 : i64, scratch_operands = 12 : i64, tpu.core_type = #tpu.core_type<sc_vector_subcore>, window_params = [{transform_indices = #map}, {transform_indices = #map}, {transform_indices = #map1}, {transform_indices = #map1}, {transform_indices = #map2}]} {
    %mul3A = arith.constant 16 : i32
    %mul3A_0 = arith.muli %arg0, %mul3A : i32
    %add3A = arith.addi %mul3A_0, %arg1 : i32
    %mul3A_1 = arith.constant 656 : i32
    %mul3A_2 = arith.muli %arg1, %mul3A_1 : i32
    %scan3A = arith.constant 0 : i32
    %scan3A_3 = arith.constant 82 : i32
    %scan3A_4 = arith.addi %scan3A, %scan3A_3 : i32
    %scan3A_5 = arith.constant 1 : i32
    scf.for %scan3A_108 = %scan3A to %scan3A_4 step %scan3A_5  : i32 {
      %mul3A_109 = arith.constant 1 : i32
      %mul3A_110 = arith.muli %scan3A_108, %mul3A_109 : i32
      %add3A_111 = arith.constant 0 : i32
      %add3A_112 = arith.addi %add3A_111, %mul3A_110 : i32
      %scan3A_113 = arith.constant 0 : i32
      %scan3A_114 = arith.constant 4 : i32
      %scan3A_115 = arith.addi %scan3A_113, %scan3A_114 : i32
      %scan3A_116 = arith.constant 1 : i32
      scf.for %scan3A_118 = %scan3A_113 to %scan3A_115 step %scan3A_116  : i32 {
        %mul3A_119 = arith.constant 16 : i32
        %mul3A_120 = arith.muli %scan3A_118, %mul3A_119 : i32
        %add3A_121 = arith.constant 0 : i32
        %add3A_122 = arith.addi %add3A_121, %mul3A_120 : i32
        %broadcast_in_dim3A = arith.constant 0.000000e+00 : f32
        %broadcast_in_dim3A_123 = vector.broadcast %broadcast_in_dim3A : f32 to vector<16xf32>
        %swap3A = arith.index_cast %add3A_112 : i32 to index
        %swap3A_124 = arith.index_cast %add3A_122 : i32 to index
        %swap3A_125 = tpu.vector_load %arg13[%swap3A, %swap3A_124] {strides = array<i32>} : memref<82x64xf32, #tpu.memory_space<vmem>>, vector<16xf32>,
        tpu.vector_store %arg13[%swap3A, %swap3A_124], %broadcast_in_dim3A_123 {strides = array<i32>} : memref<82x64xf32, #tpu.memory_space<vmem>>, vector<16xf32>,
      }
      %scan3A_117 = arith.constant 4 : i32
    }
    %scan3A_6 = arith.constant 82 : i32
    "tpu.region"() ({
      %run_scoped3A_108 = tpu.sem_alloc : memref<!tpu.dma_semaphore, #tpu.memory_space<semaphore_mem>>
      %dma_start3A_109 = arith.constant 0 : i32
      %dma_start3A_110 = arith.constant 0 : i32
      %dma_start3A_111 = tpu.memref_slice %arg4[%add3A, %dma_start3A_109, %dma_start3A_110] : memref<32x80x128xi32, #tpu.memory_space<hbm>> -> memref<1x80x128xi32, #tpu.memory_space<hbm>>
      %dma_start3A_112 = tpu.memref_squeeze %dma_start3A_111 : memref<1x80x128xi32, #tpu.memory_space<hbm>> -> memref<80x128xi32, #tpu.memory_space<hbm>>
      %dma_start3A_113 = arith.constant 0 : i32
      %dma_start3A_114 = arith.constant 0 : i32
      %dma_start3A_115 = tpu.memref_slice %arg4[%add3A, %dma_start3A_113, %dma_start3A_114] : memref<32x80x128xi32, #tpu.memory_space<hbm>> -> memref<1x80x128xi32, #tpu.memory_space<hbm>>
      %dma_start3A_116 = tpu.memref_squeeze %dma_start3A_115 : memref<1x80x128xi32, #tpu.memory_space<hbm>> -> memref<80x128xi32, #tpu.memory_space<hbm>>
      tpu.enqueue_dma source(%dma_start3A_116 : memref<80x128xi32, #tpu.memory_space<hbm>>) target(%arg7 : memref<80x128xi32, #tpu.memory_space<vmem>>) target_semaphore(%run_scoped3A_108 : memref<!tpu.dma_semaphore, #tpu.memory_space<semaphore_mem>>)
      %dma_wait3A = arith.constant 0 : i32
      %dma_wait3A_117 = arith.constant 0 : i32
      %dma_wait3A_118 = tpu.memref_slice %arg4[%add3A, %dma_wait3A, %dma_wait3A_117] : memref<32x80x128xi32, #tpu.memory_space<hbm>> -> memref<1x80x128xi32, #tpu.memory_space<hbm>>
      %dma_wait3A_119 = tpu.memref_squeeze %dma_wait3A_118 : memref<1x80x128xi32, #tpu.memory_space<hbm>> -> memref<80x128xi32, #tpu.memory_space<hbm>>
      %dma_wait3A_120 = arith.constant 0 : i32
      %dma_wait3A_121 = arith.constant 0 : i32
      %dma_wait3A_122 = tpu.memref_slice %arg4[%add3A, %dma_wait3A_120, %dma_wait3A_121] : memref<32x80x128xi32, #tpu.memory_space<hbm>> -> memref<1x80x128xi32, #tpu.memory_space<hbm>>
      %dma_wait3A_123 = tpu.memref_squeeze %dma_wait3A_122 : memref<1x80x128xi32, #tpu.memory_space<hbm>> -> memref<80x128xi32, #tpu.memory_space<hbm>>
      tpu.wait_dma2 semaphore(%run_scoped3A_108 : memref<!tpu.dma_semaphore, #tpu.memory_space<semaphore_mem>>) src(%dma_wait3A_123 : memref<80x128xi32, #tpu.memory_space<hbm>>) dst(%arg7 : memref<80x128xi32, #tpu.memory_space<vmem>>)
      tpu.yield
    }) : () -> ()
    "tpu.region"() ({
      %run_scoped3A_108 = tpu.sem_alloc : memref<!tpu.dma_semaphore, #tpu.memory_space<semaphore_mem>>
      %dma_start3A_109 = arith.constant 0 : i32
      %dma_start3A_110 = arith.constant 0 : i32
      %dma_start3A_111 = tpu.memref_slice %arg5[%add3A, %dma_start3A_109, %dma_start3A_110] : memref<32x80x128xi32, #tpu.memory_space<hbm>> -> memref<1x80x128xi32, #tpu.memory_space<hbm>>
      %dma_start3A_112 = tpu.memref_squeeze %dma_start3A_111 : memref<1x80x128xi32, #tpu.memory_space<hbm>> -> memref<80x128xi32, #tpu.memory_space<hbm>>
      %dma_start3A_113 = arith.constant 0 : i32
      %dma_start3A_114 = arith.constant 0 : i32
      %dma_start3A_115 = tpu.memref_slice %arg5[%add3A, %dma_start3A_113, %dma_start3A_114] : memref<32x80x128xi32, #tpu.memory_space<hbm>> -> memref<1x80x128xi32, #tpu.memory_space<hbm>>
      %dma_start3A_116 = tpu.memref_squeeze %dma_start3A_115 : memref<1x80x128xi32, #tpu.memory_space<hbm>> -> memref<80x128xi32, #tpu.memory_space<hbm>>
      tpu.enqueue_dma source(%dma_start3A_116 : memref<80x128xi32, #tpu.memory_space<hbm>>) target(%arg8 : memref<80x128xi32, #tpu.memory_space<vmem>>) target_semaphore(%run_scoped3A_108 : memref<!tpu.dma_semaphore, #tpu.memory_space<semaphore_mem>>)
      %dma_wait3A = arith.constant 0 : i32
      %dma_wait3A_117 = arith.constant 0 : i32
      %dma_wait3A_118 = tpu.memref_slice %arg5[%add3A, %dma_wait3A, %dma_wait3A_117] : memref<32x80x128xi32, #tpu.memory_space<hbm>> -> memref<1x80x128xi32, #tpu.memory_space<hbm>>
      %dma_wait3A_119 = tpu.memref_squeeze %dma_wait3A_118 : memref<1x80x128xi32, #tpu.memory_space<hbm>> -> memref<80x128xi32, #tpu.memory_space<hbm>>
      %dma_wait3A_120 = arith.constant 0 : i32
      %dma_wait3A_121 = arith.constant 0 : i32
      %dma_wait3A_122 = tpu.memref_slice %arg5[%add3A, %dma_wait3A_120, %dma_wait3A_121] : memref<32x80x128xi32, #tpu.memory_space<hbm>> -> memref<1x80x128xi32, #tpu.memory_space<hbm>>
      %dma_wait3A_123 = tpu.memref_squeeze %dma_wait3A_122 : memref<1x80x128xi32, #tpu.memory_space<hbm>> -> memref<80x128xi32, #tpu.memory_space<hbm>>
      tpu.wait_dma2 semaphore(%run_scoped3A_108 : memref<!tpu.dma_semaphore, #tpu.memory_space<semaphore_mem>>) src(%dma_wait3A_123 : memref<80x128xi32, #tpu.memory_space<hbm>>) dst(%arg8 : memref<80x128xi32, #tpu.memory_space<vmem>>)
      tpu.yield
    }) : () -> ()
    %add3A_7 = arith.constant 0 : i32
    %add3A_8 = arith.addi %mul3A_2, %add3A_7 : i32
    "tpu.region"() ({
      %run_scoped3A_108 = tpu.sem_alloc : memref<!tpu.dma_semaphore, #tpu.memory_space<semaphore_mem>>
      %dma_start3A_109 = arith.constant 0 : i32
      %dma_start3A_110 = tpu.memref_slice %arg14[%add3A_8, %dma_start3A_109] : memref<10496x64xf32, #tpu.memory_space<vmem_shared>> -> memref<82x64xf32, #tpu.memory_space<vmem_shared>>
      %dma_start3A_111 = arith.constant 0 : i32
      %dma_start3A_112 = tpu.memref_slice %arg14[%add3A_8, %dma_start3A_111] : memref<10496x64xf32, #tpu.memory_space<vmem_shared>> -> memref<82x64xf32, #tpu.memory_space<vmem_shared>>
      tpu.enqueue_dma source(%arg13 : memref<82x64xf32, #tpu.memory_space<vmem>>) target(%dma_start3A_112 : memref<82x64xf32, #tpu.memory_space<vmem_shared>>) target_semaphore(%run_scoped3A_108 : memref<!tpu.dma_semaphore, #tpu.memory_space<semaphore_mem>>)
      %dma_wait3A = arith.constant 0 : i32
      %dma_wait3A_113 = tpu.memref_slice %arg14[%add3A_8, %dma_wait3A] : memref<10496x64xf32, #tpu.memory_space<vmem_shared>> -> memref<82x64xf32, #tpu.memory_space<vmem_shared>>
      %dma_wait3A_114 = arith.constant 0 : i32
      %dma_wait3A_115 = tpu.memref_slice %arg14[%add3A_8, %dma_wait3A_114] : memref<10496x64xf32, #tpu.memory_space<vmem_shared>> -> memref<82x64xf32, #tpu.memory_space<vmem_shared>>
      tpu.wait_dma2 semaphore(%run_scoped3A_108 : memref<!tpu.dma_semaphore, #tpu.memory_space<semaphore_mem>>) src(%arg13 : memref<82x64xf32, #tpu.memory_space<vmem>>) dst(%dma_wait3A_115 : memref<82x64xf32, #tpu.memory_space<vmem_shared>>)
      tpu.yield
    }) : () -> ()
    %add3A_9 = arith.constant 82 : i32
    %add3A_10 = arith.addi %mul3A_2, %add3A_9 : i32
    "tpu.region"() ({
      %run_scoped3A_108 = tpu.sem_alloc : memref<!tpu.dma_semaphore, #tpu.memory_space<semaphore_mem>>
      %dma_start3A_109 = arith.constant 0 : i32
      %dma_start3A_110 = tpu.memref_slice %arg14[%add3A_10, %dma_start3A_109] : memref<10496x64xf32, #tpu.memory_space<vmem_shared>> -> memref<82x64xf32, #tpu.memory_space<vmem_shared>>
      %dma_start3A_111 = arith.constant 0 : i32
      %dma_start3A_112 = tpu.memref_slice %arg14[%add3A_10, %dma_start3A_111] : memref<10496x64xf32, #tpu.memory_space<vmem_shared>> -> memref<82x64xf32, #tpu.memory_space<vmem_shared>>
      tpu.enqueue_dma source(%arg13 : memref<82x64xf32, #tpu.memory_space<vmem>>) target(%dma_start3A_112 : memref<82x64xf32, #tpu.memory_space<vmem_shared>>) target_semaphore(%run_scoped3A_108 : memref<!tpu.dma_semaphore, #tpu.memory_space<semaphore_mem>>)
      %dma_wait3A = arith.constant 0 : i32
      %dma_wait3A_113 = tpu.memref_slice %arg14[%add3A_10, %dma_wait3A] : memref<10496x64xf32, #tpu.memory_space<vmem_shared>> -> memref<82x64xf32, #tpu.memory_space<vmem_shared>>
      %dma_wait3A_114 = arith.constant 0 : i32
      %dma_wait3A_115 = tpu.memref_slice %arg14[%add3A_10, %dma_wait3A_114] : memref<10496x64xf32, #tpu.memory_space<vmem_shared>> -> memref<82x64xf32, #tpu.memory_space<vmem_shared>>
      tpu.wait_dma2 semaphore(%run_scoped3A_108 : memref<!tpu.dma_semaphore, #tpu.memory_space<semaphore_mem>>) src(%arg13 : memref<82x64xf32, #tpu.memory_space<vmem>>) dst(%dma_wait3A_115 : memref<82x64xf32, #tpu.memory_space<vmem_shared>>)
      tpu.yield
    }) : () -> ()
    %add3A_11 = arith.constant 164 : i32
    %add3A_12 = arith.addi %mul3A_2, %add3A_11 : i32
    "tpu.region"() ({
      %run_scoped3A_108 = tpu.sem_alloc : memref<!tpu.dma_semaphore, #tpu.memory_space<semaphore_mem>>
      %dma_start3A_109 = arith.constant 0 : i32
      %dma_start3A_110 = tpu.memref_slice %arg14[%add3A_12, %dma_start3A_109] : memref<10496x64xf32, #tpu.memory_space<vmem_shared>> -> memref<82x64xf32, #tpu.memory_space<vmem_shared>>
      %dma_start3A_111 = arith.constant 0 : i32
      %dma_start3A_112 = tpu.memref_slice %arg14[%add3A_12, %dma_start3A_111] : memref<10496x64xf32, #tpu.memory_space<vmem_shared>> -> memref<82x64xf32, #tpu.memory_space<vmem_shared>>
      tpu.enqueue_dma source(%arg13 : memref<82x64xf32, #tpu.memory_space<vmem>>) target(%dma_start3A_112 : memref<82x64xf32, #tpu.memory_space<vmem_shared>>) target_semaphore(%run_scoped3A_108 : memref<!tpu.dma_semaphore, #tpu.memory_space<semaphore_mem>>)
      %dma_wait3A = arith.constant 0 : i32
      %dma_wait3A_113 = tpu.memref_slice %arg14[%add3A_12, %dma_wait3A] : memref<10496x64xf32, #tpu.memory_space<vmem_shared>> -> memref<82x64xf32, #tpu.memory_space<vmem_shared>>
      %dma_wait3A_114 = arith.constant 0 : i32
      %dma_wait3A_115 = tpu.memref_slice %arg14[%add3A_12, %dma_wait3A_114] : memref<10496x64xf32, #tpu.memory_space<vmem_shared>> -> memref<82x64xf32, #tpu.memory_space<vmem_shared>>
      tpu.wait_dma2 semaphore(%run_scoped3A_108 : memref<!tpu.dma_semaphore, #tpu.memory_space<semaphore_mem>>) src(%arg13 : memref<82x64xf32, #tpu.memory_space<vmem>>) dst(%dma_wait3A_115 : memref<82x64xf32, #tpu.memory_space<vmem_shared>>)
      tpu.yield
    }) : () -> ()
    %add3A_13 = arith.constant 246 : i32
    %add3A_14 = arith.addi %mul3A_2, %add3A_13 : i32
    "tpu.region"() ({
      %run_scoped3A_108 = tpu.sem_alloc : memref<!tpu.dma_semaphore, #tpu.memory_space<semaphore_mem>>
      %dma_start3A_109 = arith.constant 0 : i32
      %dma_start3A_110 = tpu.memref_slice %arg14[%add3A_14, %dma_start3A_109] : memref<10496x64xf32, #tpu.memory_space<vmem_shared>> -> memref<82x64xf32, #tpu.memory_space<vmem_shared>>
      %dma_start3A_111 = arith.constant 0 : i32
      %dma_start3A_112 = tpu.memref_slice %arg14[%add3A_14, %dma_start3A_111] : memref<10496x64xf32, #tpu.memory_space<vmem_shared>> -> memref<82x64xf32, #tpu.memory_space<vmem_shared>>
      tpu.enqueue_dma source(%arg13 : memref<82x64xf32, #tpu.memory_space<vmem>>) target(%dma_start3A_112 : memref<82x64xf32, #tpu.memory_space<vmem_shared>>) target_semaphore(%run_scoped3A_108 : memref<!tpu.dma_semaphore, #tpu.memory_space<semaphore_mem>>)
      %dma_wait3A = arith.constant 0 : i32
      %dma_wait3A_113 = tpu.memref_slice %arg14[%add3A_14, %dma_wait3A] : memref<10496x64xf32, #tpu.memory_space<vmem_shared>> -> memref<82x64xf32, #tpu.memory_space<vmem_shared>>
      %dma_wait3A_114 = arith.constant 0 : i32
      %dma_wait3A_115 = tpu.memref_slice %arg14[%add3A_14, %dma_wait3A_114] : memref<10496x64xf32, #tpu.memory_space<vmem_shared>> -> memref<82x64xf32, #tpu.memory_space<vmem_shared>>
      tpu.wait_dma2 semaphore(%run_scoped3A_108 : memref<!tpu.dma_semaphore, #tpu.memory_space<semaphore_mem>>) src(%arg13 : memref<82x64xf32, #tpu.memory_space<vmem>>) dst(%dma_wait3A_115 : memref<82x64xf32, #tpu.memory_space<vmem_shared>>)
      tpu.yield
    }) : () -> ()
    %add3A_15 = arith.constant 328 : i32
    %add3A_16 = arith.addi %mul3A_2, %add3A_15 : i32
    "tpu.region"() ({
      %run_scoped3A_108 = tpu.sem_alloc : memref<!tpu.dma_semaphore, #tpu.memory_space<semaphore_mem>>
      %dma_start3A_109 = arith.constant 0 : i32
      %dma_start3A_110 = tpu.memref_slice %arg14[%add3A_16, %dma_start3A_109] : memref<10496x64xf32, #tpu.memory_space<vmem_shared>> -> memref<82x64xf32, #tpu.memory_space<vmem_shared>>
      %dma_start3A_111 = arith.constant 0 : i32
      %dma_start3A_112 = tpu.memref_slice %arg14[%add3A_16, %dma_start3A_111] : memref<10496x64xf32, #tpu.memory_space<vmem_shared>> -> memref<82x64xf32, #tpu.memory_space<vmem_shared>>
      tpu.enqueue_dma source(%arg13 : memref<82x64xf32, #tpu.memory_space<vmem>>) target(%dma_start3A_112 : memref<82x64xf32, #tpu.memory_space<vmem_shared>>) target_semaphore(%run_scoped3A_108 : memref<!tpu.dma_semaphore, #tpu.memory_space<semaphore_mem>>)
      %dma_wait3A = arith.constant 0 : i32
      %dma_wait3A_113 = tpu.memref_slice %arg14[%add3A_16, %dma_wait3A] : memref<10496x64xf32, #tpu.memory_space<vmem_shared>> -> memref<82x64xf32, #tpu.memory_space<vmem_shared>>
      %dma_wait3A_114 = arith.constant 0 : i32
      %dma_wait3A_115 = tpu.memref_slice %arg14[%add3A_16, %dma_wait3A_114] : memref<10496x64xf32, #tpu.memory_space<vmem_shared>> -> memref<82x64xf32, #tpu.memory_space<vmem_shared>>
      tpu.wait_dma2 semaphore(%run_scoped3A_108 : memref<!tpu.dma_semaphore, #tpu.memory_space<semaphore_mem>>) src(%arg13 : memref<82x64xf32, #tpu.memory_space<vmem>>) dst(%dma_wait3A_115 : memref<82x64xf32, #tpu.memory_space<vmem_shared>>)
      tpu.yield
    }) : () -> ()
    %add3A_17 = arith.constant 410 : i32
    %add3A_18 = arith.addi %mul3A_2, %add3A_17 : i32
    "tpu.region"() ({
      %run_scoped3A_108 = tpu.sem_alloc : memref<!tpu.dma_semaphore, #tpu.memory_space<semaphore_mem>>
      %dma_start3A_109 = arith.constant 0 : i32
      %dma_start3A_110 = tpu.memref_slice %arg14[%add3A_18, %dma_start3A_109] : memref<10496x64xf32, #tpu.memory_space<vmem_shared>> -> memref<82x64xf32, #tpu.memory_space<vmem_shared>>
      %dma_start3A_111 = arith.constant 0 : i32
      %dma_start3A_112 = tpu.memref_slice %arg14[%add3A_18, %dma_start3A_111] : memref<10496x64xf32, #tpu.memory_space<vmem_shared>> -> memref<82x64xf32, #tpu.memory_space<vmem_shared>>
      tpu.enqueue_dma source(%arg13 : memref<82x64xf32, #tpu.memory_space<vmem>>) target(%dma_start3A_112 : memref<82x64xf32, #tpu.memory_space<vmem_shared>>) target_semaphore(%run_scoped3A_108 : memref<!tpu.dma_semaphore, #tpu.memory_space<semaphore_mem>>)
      %dma_wait3A = arith.constant 0 : i32
      %dma_wait3A_113 = tpu.memref_slice %arg14[%add3A_18, %dma_wait3A] : memref<10496x64xf32, #tpu.memory_space<vmem_shared>> -> memref<82x64xf32, #tpu.memory_space<vmem_shared>>
      %dma_wait3A_114 = arith.constant 0 : i32
      %dma_wait3A_115 = tpu.memref_slice %arg14[%add3A_18, %dma_wait3A_114] : memref<10496x64xf32, #tpu.memory_space<vmem_shared>> -> memref<82x64xf32, #tpu.memory_space<vmem_shared>>
      tpu.wait_dma2 semaphore(%run_scoped3A_108 : memref<!tpu.dma_semaphore, #tpu.memory_space<semaphore_mem>>) src(%arg13 : memref<82x64xf32, #tpu.memory_space<vmem>>) dst(%dma_wait3A_115 : memref<82x64xf32, #tpu.memory_space<vmem_shared>>)
      tpu.yield
    }) : () -> ()
    %add3A_19 = arith.constant 492 : i32
    %add3A_20 = arith.addi %mul3A_2, %add3A_19 : i32
    "tpu.region"() ({
      %run_scoped3A_108 = tpu.sem_alloc : memref<!tpu.dma_semaphore, #tpu.memory_space<semaphore_mem>>
      %dma_start3A_109 = arith.constant 0 : i32
      %dma_start3A_110 = tpu.memref_slice %arg14[%add3A_20, %dma_start3A_109] : memref<10496x64xf32, #tpu.memory_space<vmem_shared>> -> memref<82x64xf32, #tpu.memory_space<vmem_shared>>
      %dma_start3A_111 = arith.constant 0 : i32
      %dma_start3A_112 = tpu.memref_slice %arg14[%add3A_20, %dma_start3A_111] : memref<10496x64xf32, #tpu.memory_space<vmem_shared>> -> memref<82x64xf32, #tpu.memory_space<vmem_shared>>
      tpu.enqueue_dma source(%arg13 : memref<82x64xf32, #tpu.memory_space<vmem>>) target(%dma_start3A_112 : memref<82x64xf32, #tpu.memory_space<vmem_shared>>) target_semaphore(%run_scoped3A_108 : memref<!tpu.dma_semaphore, #tpu.memory_space<semaphore_mem>>)
      %dma_wait3A = arith.constant 0 : i32
      %dma_wait3A_113 = tpu.memref_slice %arg14[%add3A_20, %dma_wait3A] : memref<10496x64xf32, #tpu.memory_space<vmem_shared>> -> memref<82x64xf32, #tpu.memory_space<vmem_shared>>
      %dma_wait3A_114 = arith.constant 0 : i32
      %dma_wait3A_115 = tpu.memref_slice %arg14[%add3A_20, %dma_wait3A_114] : memref<10496x64xf32, #tpu.memory_space<vmem_shared>> -> memref<82x64xf32, #tpu.memory_space<vmem_shared>>
      tpu.wait_dma2 semaphore(%run_scoped3A_108 : memref<!tpu.dma_semaphore, #tpu.memory_space<semaphore_mem>>) src(%arg13 : memref<82x64xf32, #tpu.memory_space<vmem>>) dst(%dma_wait3A_115 : memref<82x64xf32, #tpu.memory_space<vmem_shared>>)
      tpu.yield
    }) : () -> ()
    %add3A_21 = arith.constant 574 : i32
    %add3A_22 = arith.addi %mul3A_2, %add3A_21 : i32
    "tpu.region"() ({
      %run_scoped3A_108 = tpu.sem_alloc : memref<!tpu.dma_semaphore, #tpu.memory_space<semaphore_mem>>
      %dma_start3A_109 = arith.constant 0 : i32
      %dma_start3A_110 = tpu.memref_slice %arg14[%add3A_22, %dma_start3A_109] : memref<10496x64xf32, #tpu.memory_space<vmem_shared>> -> memref<82x64xf32, #tpu.memory_space<vmem_shared>>
      %dma_start3A_111 = arith.constant 0 : i32
      %dma_start3A_112 = tpu.memref_slice %arg14[%add3A_22, %dma_start3A_111] : memref<10496x64xf32, #tpu.memory_space<vmem_shared>> -> memref<82x64xf32, #tpu.memory_space<vmem_shared>>
      tpu.enqueue_dma source(%arg13 : memref<82x64xf32, #tpu.memory_space<vmem>>) target(%dma_start3A_112 : memref<82x64xf32, #tpu.memory_space<vmem_shared>>) target_semaphore(%run_scoped3A_108 : memref<!tpu.dma_semaphore, #tpu.memory_space<semaphore_mem>>)
      %dma_wait3A = arith.constant 0 : i32
      %dma_wait3A_113 = tpu.memref_slice %arg14[%add3A_22, %dma_wait3A] : memref<10496x64xf32, #tpu.memory_space<vmem_shared>> -> memref<82x64xf32, #tpu.memory_space<vmem_shared>>
      %dma_wait3A_114 = arith.constant 0 : i32
      %dma_wait3A_115 = tpu.memref_slice %arg14[%add3A_22, %dma_wait3A_114] : memref<10496x64xf32, #tpu.memory_space<vmem_shared>> -> memref<82x64xf32, #tpu.memory_space<vmem_shared>>
      tpu.wait_dma2 semaphore(%run_scoped3A_108 : memref<!tpu.dma_semaphore, #tpu.memory_space<semaphore_mem>>) src(%arg13 : memref<82x64xf32, #tpu.memory_space<vmem>>) dst(%dma_wait3A_115 : memref<82x64xf32, #tpu.memory_space<vmem_shared>>)
      tpu.yield
    }) : () -> ()
    %barrier3A = arith.constant 0 : index
    tpu.barrier barrier_id(%barrier3A)
    %dma_start3A = arith.constant 0 : i32
    %dma_start3A_23 = arith.constant 0 : i32
    %dma_start3A_24 = tpu.memref_slice %arg7[%dma_start3A, %dma_start3A_23] : memref<80x128xi32, #tpu.memory_space<vmem>> -> memref<1x128xi32, #tpu.memory_space<vmem>>
    %dma_start3A_25 = tpu.memref_squeeze %dma_start3A_24 : memref<1x128xi32, #tpu.memory_space<vmem>> -> memref<128xi32, #tpu.memory_space<vmem>>
    %dma_start3A_26 = arith.constant 0 : i32
    %dma_start3A_27 = arith.constant 0 : i32
    %dma_start3A_28 = tpu.memref_slice %arg2[%dma_start3A_26, %dma_start3A_27] : memref<10496x64xf32, #tpu.memory_space<hbm>> -> memref<10496x64xf32, #tpu.memory_space<hbm>>
    tpu.enqueue_indirect_dma source(%dma_start3A_28 : memref<10496x64xf32, #tpu.memory_space<hbm>>) target(%arg9 : memref<128x64xf32, #tpu.memory_space<vmem>>) offsets(%dma_start3A_25 : memref<128xi32, #tpu.memory_space<vmem>>) semaphore(%arg15 : memref<!tpu.dma_semaphore, #tpu.memory_space<semaphore_mem>>)
    %dma_start3A_29 = arith.constant 1 : i32
    %dma_start3A_30 = arith.constant 0 : i32
    %dma_start3A_31 = tpu.memref_slice %arg7[%dma_start3A_29, %dma_start3A_30] : memref<80x128xi32, #tpu.memory_space<vmem>> -> memref<1x128xi32, #tpu.memory_space<vmem>>
    %dma_start3A_32 = tpu.memref_squeeze %dma_start3A_31 : memref<1x128xi32, #tpu.memory_space<vmem>> -> memref<128xi32, #tpu.memory_space<vmem>>
    %dma_start3A_33 = arith.constant 0 : i32
    %dma_start3A_34 = arith.constant 0 : i32
    %dma_start3A_35 = tpu.memref_slice %arg2[%dma_start3A_33, %dma_start3A_34] : memref<10496x64xf32, #tpu.memory_space<hbm>> -> memref<10496x64xf32, #tpu.memory_space<hbm>>
    tpu.enqueue_indirect_dma source(%dma_start3A_35 : memref<10496x64xf32, #tpu.memory_space<hbm>>) target(%arg10 : memref<128x64xf32, #tpu.memory_space<vmem>>) offsets(%dma_start3A_32 : memref<128xi32, #tpu.memory_space<vmem>>) semaphore(%arg16 : memref<!tpu.dma_semaphore, #tpu.memory_space<semaphore_mem>>)
    %dma_start3A_36 = arith.constant 2 : i32
    %dma_start3A_37 = arith.constant 0 : i32
    %dma_start3A_38 = tpu.memref_slice %arg7[%dma_start3A_36, %dma_start3A_37] : memref<80x128xi32, #tpu.memory_space<vmem>> -> memref<1x128xi32, #tpu.memory_space<vmem>>
    %dma_start3A_39 = tpu.memref_squeeze %dma_start3A_38 : memref<1x128xi32, #tpu.memory_space<vmem>> -> memref<128xi32, #tpu.memory_space<vmem>>
    %dma_start3A_40 = arith.constant 0 : i32
    %dma_start3A_41 = arith.constant 0 : i32
    %dma_start3A_42 = tpu.memref_slice %arg2[%dma_start3A_40, %dma_start3A_41] : memref<10496x64xf32, #tpu.memory_space<hbm>> -> memref<10496x64xf32, #tpu.memory_space<hbm>>
    tpu.enqueue_indirect_dma source(%dma_start3A_42 : memref<10496x64xf32, #tpu.memory_space<hbm>>) target(%arg11 : memref<128x64xf32, #tpu.memory_space<vmem>>) offsets(%dma_start3A_39 : memref<128xi32, #tpu.memory_space<vmem>>) semaphore(%arg17 : memref<!tpu.dma_semaphore, #tpu.memory_space<semaphore_mem>>)
    %dma_start3A_43 = arith.constant 3 : i32
    %dma_start3A_44 = arith.constant 0 : i32
    %dma_start3A_45 = tpu.memref_slice %arg7[%dma_start3A_43, %dma_start3A_44] : memref<80x128xi32, #tpu.memory_space<vmem>> -> memref<1x128xi32, #tpu.memory_space<vmem>>
    %dma_start3A_46 = tpu.memref_squeeze %dma_start3A_45 : memref<1x128xi32, #tpu.memory_space<vmem>> -> memref<128xi32, #tpu.memory_space<vmem>>
    %dma_start3A_47 = arith.constant 0 : i32
    %dma_start3A_48 = arith.constant 0 : i32
    %dma_start3A_49 = tpu.memref_slice %arg2[%dma_start3A_47, %dma_start3A_48] : memref<10496x64xf32, #tpu.memory_space<hbm>> -> memref<10496x64xf32, #tpu.memory_space<hbm>>
    tpu.enqueue_indirect_dma source(%dma_start3A_49 : memref<10496x64xf32, #tpu.memory_space<hbm>>) target(%arg12 : memref<128x64xf32, #tpu.memory_space<vmem>>) offsets(%dma_start3A_46 : memref<128xi32, #tpu.memory_space<vmem>>) semaphore(%arg18 : memref<!tpu.dma_semaphore, #tpu.memory_space<semaphore_mem>>)
    %scan3A_50 = arith.constant 0 : i32
    %scan3A_51 = arith.constant 20 : i32
    %scan3A_52 = arith.addi %scan3A_50, %scan3A_51 : i32
    %scan3A_53 = arith.constant 1 : i32
    scf.for %scan3A_108 = %scan3A_50 to %scan3A_52 step %scan3A_53  : i32 {
      %mul3A_109 = arith.constant 4 : i32
      %mul3A_110 = arith.muli %scan3A_108, %mul3A_109 : i32
      %add3A_111 = arith.constant 0 : i32
      %add3A_112 = arith.addi %add3A_111, %mul3A_110 : i32
      %add3A_113 = arith.constant 0 : i32
      %add3A_114 = arith.addi %add3A_112, %add3A_113 : i32
      %dma_wait3A = arith.constant 0 : i32
      %dma_wait3A_115 = tpu.memref_slice %arg7[%add3A_114, %dma_wait3A] : memref<80x128xi32, #tpu.memory_space<vmem>> -> memref<1x128xi32, #tpu.memory_space<vmem>>
      %dma_wait3A_116 = tpu.memref_squeeze %dma_wait3A_115 : memref<1x128xi32, #tpu.memory_space<vmem>> -> memref<128xi32, #tpu.memory_space<vmem>>
      %dma_wait3A_117 = arith.constant 0 : i32
      %dma_wait3A_118 = arith.constant 0 : i32
      %dma_wait3A_119 = tpu.memref_slice %arg2[%dma_wait3A_117, %dma_wait3A_118] : memref<10496x64xf32, #tpu.memory_space<hbm>> -> memref<10496x64xf32, #tpu.memory_space<hbm>>
      tpu.wait_indirect_dma semaphore(%arg15 : memref<!tpu.dma_semaphore, #tpu.memory_space<semaphore_mem>>) src(%dma_wait3A_119 : memref<10496x64xf32, #tpu.memory_space<hbm>>) dst(%arg9 : memref<128x64xf32, #tpu.memory_space<vmem>>)
      %add3A_120 = arith.constant 0 : i32
      %add3A_121 = arith.addi %add3A_112, %add3A_120 : i32
      "tpu.region"() ({
        %run_scoped3A_185 = tpu.sem_alloc : memref<!tpu.dma_semaphore, #tpu.memory_space<semaphore_mem>>
        %dma_start3A_186 = arith.constant 0 : i32
        %dma_start3A_187 = tpu.memref_slice %arg8[%add3A_121, %dma_start3A_186] : memref<80x128xi32, #tpu.memory_space<vmem>> -> memref<1x128xi32, #tpu.memory_space<vmem>>
        %dma_start3A_188 = tpu.memref_squeeze %dma_start3A_187 : memref<1x128xi32, #tpu.memory_space<vmem>> -> memref<128xi32, #tpu.memory_space<vmem>>
        %dma_start3A_189 = arith.constant 0 : i32
        %dma_start3A_190 = arith.constant 0 : i32
        %dma_start3A_191 = tpu.memref_slice %arg14[%dma_start3A_189, %dma_start3A_190] : memref<10496x64xf32, #tpu.memory_space<vmem_shared>> -> memref<10496x64xf32, #tpu.memory_space<vmem_shared>>
        tpu.enqueue_indirect_dma source(%arg9 : memref<128x64xf32, #tpu.memory_space<vmem>>) target(%dma_start3A_191 : memref<10496x64xf32, #tpu.memory_space<vmem_shared>>) offsets(%dma_start3A_188 : memref<128xi32, #tpu.memory_space<vmem>>) semaphore(%run_scoped3A_185 : memref<!tpu.dma_semaphore, #tpu.memory_space<semaphore_mem>>) {add = true}
        %dma_wait3A_192 = arith.constant 0 : i32
        %dma_wait3A_193 = tpu.memref_slice %arg8[%add3A_121, %dma_wait3A_192] : memref<80x128xi32, #tpu.memory_space<vmem>> -> memref<1x128xi32, #tpu.memory_space<vmem>>
        %dma_wait3A_194 = tpu.memref_squeeze %dma_wait3A_193 : memref<1x128xi32, #tpu.memory_space<vmem>> -> memref<128xi32, #tpu.memory_space<vmem>>
        %dma_wait3A_195 = arith.constant 0 : i32
        %dma_wait3A_196 = arith.constant 0 : i32
        %dma_wait3A_197 = tpu.memref_slice %arg14[%dma_wait3A_195, %dma_wait3A_196] : memref<10496x64xf32, #tpu.memory_space<vmem_shared>> -> memref<10496x64xf32, #tpu.memory_space<vmem_shared>>
        tpu.wait_indirect_dma semaphore(%run_scoped3A_185 : memref<!tpu.dma_semaphore, #tpu.memory_space<semaphore_mem>>) src(%arg9 : memref<128x64xf32, #tpu.memory_space<vmem>>) dst(%dma_wait3A_197 : memref<10496x64xf32, #tpu.memory_space<vmem_shared>>)
        tpu.yield
      }) : () -> ()
      %add3A_122 = arith.constant 0 : i32
      %add3A_123 = arith.addi %add3A_112, %add3A_122 : i32
      %add3A_124 = arith.constant 4 : i32
      %add3A_125 = arith.addi %add3A_123, %add3A_124 : i32
      %lt3A = arith.constant 80 : i32
      %lt3A_126 = arith.cmpi slt, %add3A_125, %lt3A : i32
      %convert_element_type3A = arith.extui %lt3A_126 : i1 to i32
      %cond3A = arith.constant 0 : i32
      %cond3A_127 = arith.cmpi ne, %convert_element_type3A, %cond3A : i32
      scf.if %cond3A_127 {
        %add3A_185 = arith.constant 0 : i32
        %add3A_186 = arith.addi %add3A_112, %add3A_185 : i32
        %add3A_187 = arith.constant 4 : i32
        %add3A_188 = arith.addi %add3A_186, %add3A_187 : i32
        %dma_start3A_189 = arith.constant 0 : i32
        %dma_start3A_190 = tpu.memref_slice %arg7[%add3A_188, %dma_start3A_189] : memref<80x128xi32, #tpu.memory_space<vmem>> -> memref<1x128xi32, #tpu.memory_space<vmem>>
        %dma_start3A_191 = tpu.memref_squeeze %dma_start3A_190 : memref<1x128xi32, #tpu.memory_space<vmem>> -> memref<128xi32, #tpu.memory_space<vmem>>
        %dma_start3A_192 = arith.constant 0 : i32
        %dma_start3A_193 = arith.constant 0 : i32
        %dma_start3A_194 = tpu.memref_slice %arg2[%dma_start3A_192, %dma_start3A_193] : memref<10496x64xf32, #tpu.memory_space<hbm>> -> memref<10496x64xf32, #tpu.memory_space<hbm>>
        tpu.enqueue_indirect_dma source(%dma_start3A_194 : memref<10496x64xf32, #tpu.memory_space<hbm>>) target(%arg9 : memref<128x64xf32, #tpu.memory_space<vmem>>) offsets(%dma_start3A_191 : memref<128xi32, #tpu.memory_space<vmem>>) semaphore(%arg15 : memref<!tpu.dma_semaphore, #tpu.memory_space<semaphore_mem>>)
      } else {
      }
      %add3A_128 = arith.constant 1 : i32
      %add3A_129 = arith.addi %add3A_112, %add3A_128 : i32
      %dma_wait3A_130 = arith.constant 0 : i32
      %dma_wait3A_131 = tpu.memref_slice %arg7[%add3A_129, %dma_wait3A_130] : memref<80x128xi32, #tpu.memory_space<vmem>> -> memref<1x128xi32, #tpu.memory_space<vmem>>
      %dma_wait3A_132 = tpu.memref_squeeze %dma_wait3A_131 : memref<1x128xi32, #tpu.memory_space<vmem>> -> memref<128xi32, #tpu.memory_space<vmem>>
      %dma_wait3A_133 = arith.constant 0 : i32
      %dma_wait3A_134 = arith.constant 0 : i32
      %dma_wait3A_135 = tpu.memref_slice %arg2[%dma_wait3A_133, %dma_wait3A_134] : memref<10496x64xf32, #tpu.memory_space<hbm>> -> memref<10496x64xf32, #tpu.memory_space<hbm>>
      tpu.wait_indirect_dma semaphore(%arg16 : memref<!tpu.dma_semaphore, #tpu.memory_space<semaphore_mem>>) src(%dma_wait3A_135 : memref<10496x64xf32, #tpu.memory_space<hbm>>) dst(%arg10 : memref<128x64xf32, #tpu.memory_space<vmem>>)
      %add3A_136 = arith.constant 1 : i32
      %add3A_137 = arith.addi %add3A_112, %add3A_136 : i32
      "tpu.region"() ({
        %run_scoped3A_185 = tpu.sem_alloc : memref<!tpu.dma_semaphore, #tpu.memory_space<semaphore_mem>>
        %dma_start3A_186 = arith.constant 0 : i32
        %dma_start3A_187 = tpu.memref_slice %arg8[%add3A_137, %dma_start3A_186] : memref<80x128xi32, #tpu.memory_space<vmem>> -> memref<1x128xi32, #tpu.memory_space<vmem>>
        %dma_start3A_188 = tpu.memref_squeeze %dma_start3A_187 : memref<1x128xi32, #tpu.memory_space<vmem>> -> memref<128xi32, #tpu.memory_space<vmem>>
        %dma_start3A_189 = arith.constant 0 : i32
        %dma_start3A_190 = arith.constant 0 : i32
        %dma_start3A_191 = tpu.memref_slice %arg14[%dma_start3A_189, %dma_start3A_190] : memref<10496x64xf32, #tpu.memory_space<vmem_shared>> -> memref<10496x64xf32, #tpu.memory_space<vmem_shared>>
        tpu.enqueue_indirect_dma source(%arg10 : memref<128x64xf32, #tpu.memory_space<vmem>>) target(%dma_start3A_191 : memref<10496x64xf32, #tpu.memory_space<vmem_shared>>) offsets(%dma_start3A_188 : memref<128xi32, #tpu.memory_space<vmem>>) semaphore(%run_scoped3A_185 : memref<!tpu.dma_semaphore, #tpu.memory_space<semaphore_mem>>) {add = true}
        %dma_wait3A_192 = arith.constant 0 : i32
        %dma_wait3A_193 = tpu.memref_slice %arg8[%add3A_137, %dma_wait3A_192] : memref<80x128xi32, #tpu.memory_space<vmem>> -> memref<1x128xi32, #tpu.memory_space<vmem>>
        %dma_wait3A_194 = tpu.memref_squeeze %dma_wait3A_193 : memref<1x128xi32, #tpu.memory_space<vmem>> -> memref<128xi32, #tpu.memory_space<vmem>>
        %dma_wait3A_195 = arith.constant 0 : i32
        %dma_wait3A_196 = arith.constant 0 : i32
        %dma_wait3A_197 = tpu.memref_slice %arg14[%dma_wait3A_195, %dma_wait3A_196] : memref<10496x64xf32, #tpu.memory_space<vmem_shared>> -> memref<10496x64xf32, #tpu.memory_space<vmem_shared>>
        tpu.wait_indirect_dma semaphore(%run_scoped3A_185 : memref<!tpu.dma_semaphore, #tpu.memory_space<semaphore_mem>>) src(%arg10 : memref<128x64xf32, #tpu.memory_space<vmem>>) dst(%dma_wait3A_197 : memref<10496x64xf32, #tpu.memory_space<vmem_shared>>)
        tpu.yield
      }) : () -> ()
      %add3A_138 = arith.constant 1 : i32
      %add3A_139 = arith.addi %add3A_112, %add3A_138 : i32
      %add3A_140 = arith.constant 4 : i32
      %add3A_141 = arith.addi %add3A_139, %add3A_140 : i32
      %lt3A_142 = arith.constant 80 : i32
      %lt3A_143 = arith.cmpi slt, %add3A_141, %lt3A_142 : i32
      %convert_element_type3A_144 = arith.extui %lt3A_143 : i1 to i32
      %cond3A_145 = arith.constant 0 : i32
      %cond3A_146 = arith.cmpi ne, %convert_element_type3A_144, %cond3A_145 : i32
      scf.if %cond3A_146 {
        %add3A_185 = arith.constant 1 : i32
        %add3A_186 = arith.addi %add3A_112, %add3A_185 : i32
        %add3A_187 = arith.constant 4 : i32
        %add3A_188 = arith.addi %add3A_186, %add3A_187 : i32
        %dma_start3A_189 = arith.constant 0 : i32
        %dma_start3A_190 = tpu.memref_slice %arg7[%add3A_188, %dma_start3A_189] : memref<80x128xi32, #tpu.memory_space<vmem>> -> memref<1x128xi32, #tpu.memory_space<vmem>>
        %dma_start3A_191 = tpu.memref_squeeze %dma_start3A_190 : memref<1x128xi32, #tpu.memory_space<vmem>> -> memref<128xi32, #tpu.memory_space<vmem>>
        %dma_start3A_192 = arith.constant 0 : i32
        %dma_start3A_193 = arith.constant 0 : i32
        %dma_start3A_194 = tpu.memref_slice %arg2[%dma_start3A_192, %dma_start3A_193] : memref<10496x64xf32, #tpu.memory_space<hbm>> -> memref<10496x64xf32, #tpu.memory_space<hbm>>
        tpu.enqueue_indirect_dma source(%dma_start3A_194 : memref<10496x64xf32, #tpu.memory_space<hbm>>) target(%arg10 : memref<128x64xf32, #tpu.memory_space<vmem>>) offsets(%dma_start3A_191 : memref<128xi32, #tpu.memory_space<vmem>>) semaphore(%arg16 : memref<!tpu.dma_semaphore, #tpu.memory_space<semaphore_mem>>)
      } else {
      }
      %add3A_147 = arith.constant 2 : i32
      %add3A_148 = arith.addi %add3A_112, %add3A_147 : i32
      %dma_wait3A_149 = arith.constant 0 : i32
      %dma_wait3A_150 = tpu.memref_slice %arg7[%add3A_148, %dma_wait3A_149] : memref<80x128xi32, #tpu.memory_space<vmem>> -> memref<1x128xi32, #tpu.memory_space<vmem>>
      %dma_wait3A_151 = tpu.memref_squeeze %dma_wait3A_150 : memref<1x128xi32, #tpu.memory_space<vmem>> -> memref<128xi32, #tpu.memory_space<vmem>>
      %dma_wait3A_152 = arith.constant 0 : i32
      %dma_wait3A_153 = arith.constant 0 : i32
      %dma_wait3A_154 = tpu.memref_slice %arg2[%dma_wait3A_152, %dma_wait3A_153] : memref<10496x64xf32, #tpu.memory_space<hbm>> -> memref<10496x64xf32, #tpu.memory_space<hbm>>
      tpu.wait_indirect_dma semaphore(%arg17 : memref<!tpu.dma_semaphore, #tpu.memory_space<semaphore_mem>>) src(%dma_wait3A_154 : memref<10496x64xf32, #tpu.memory_space<hbm>>) dst(%arg11 : memref<128x64xf32, #tpu.memory_space<vmem>>)
      %add3A_155 = arith.constant 2 : i32
      %add3A_156 = arith.addi %add3A_112, %add3A_155 : i32
      "tpu.region"() ({
        %run_scoped3A_185 = tpu.sem_alloc : memref<!tpu.dma_semaphore, #tpu.memory_space<semaphore_mem>>
        %dma_start3A_186 = arith.constant 0 : i32
        %dma_start3A_187 = tpu.memref_slice %arg8[%add3A_156, %dma_start3A_186] : memref<80x128xi32, #tpu.memory_space<vmem>> -> memref<1x128xi32, #tpu.memory_space<vmem>>
        %dma_start3A_188 = tpu.memref_squeeze %dma_start3A_187 : memref<1x128xi32, #tpu.memory_space<vmem>> -> memref<128xi32, #tpu.memory_space<vmem>>
        %dma_start3A_189 = arith.constant 0 : i32
        %dma_start3A_190 = arith.constant 0 : i32
        %dma_start3A_191 = tpu.memref_slice %arg14[%dma_start3A_189, %dma_start3A_190] : memref<10496x64xf32, #tpu.memory_space<vmem_shared>> -> memref<10496x64xf32, #tpu.memory_space<vmem_shared>>
        tpu.enqueue_indirect_dma source(%arg11 : memref<128x64xf32, #tpu.memory_space<vmem>>) target(%dma_start3A_191 : memref<10496x64xf32, #tpu.memory_space<vmem_shared>>) offsets(%dma_start3A_188 : memref<128xi32, #tpu.memory_space<vmem>>) semaphore(%run_scoped3A_185 : memref<!tpu.dma_semaphore, #tpu.memory_space<semaphore_mem>>) {add = true}
        %dma_wait3A_192 = arith.constant 0 : i32
        %dma_wait3A_193 = tpu.memref_slice %arg8[%add3A_156, %dma_wait3A_192] : memref<80x128xi32, #tpu.memory_space<vmem>> -> memref<1x128xi32, #tpu.memory_space<vmem>>
        %dma_wait3A_194 = tpu.memref_squeeze %dma_wait3A_193 : memref<1x128xi32, #tpu.memory_space<vmem>> -> memref<128xi32, #tpu.memory_space<vmem>>
        %dma_wait3A_195 = arith.constant 0 : i32
        %dma_wait3A_196 = arith.constant 0 : i32
        %dma_wait3A_197 = tpu.memref_slice %arg14[%dma_wait3A_195, %dma_wait3A_196] : memref<10496x64xf32, #tpu.memory_space<vmem_shared>> -> memref<10496x64xf32, #tpu.memory_space<vmem_shared>>
        tpu.wait_indirect_dma semaphore(%run_scoped3A_185 : memref<!tpu.dma_semaphore, #tpu.memory_space<semaphore_mem>>) src(%arg11 : memref<128x64xf32, #tpu.memory_space<vmem>>) dst(%dma_wait3A_197 : memref<10496x64xf32, #tpu.memory_space<vmem_shared>>)
        tpu.yield
      }) : () -> ()
      %add3A_157 = arith.constant 2 : i32
      %add3A_158 = arith.addi %add3A_112, %add3A_157 : i32
      %add3A_159 = arith.constant 4 : i32
      %add3A_160 = arith.addi %add3A_158, %add3A_159 : i32
      %lt3A_161 = arith.constant 80 : i32
      %lt3A_162 = arith.cmpi slt, %add3A_160, %lt3A_161 : i32
      %convert_element_type3A_163 = arith.extui %lt3A_162 : i1 to i32
      %cond3A_164 = arith.constant 0 : i32
      %cond3A_165 = arith.cmpi ne, %convert_element_type3A_163, %cond3A_164 : i32
      scf.if %cond3A_165 {
        %add3A_185 = arith.constant 2 : i32
        %add3A_186 = arith.addi %add3A_112, %add3A_185 : i32
        %add3A_187 = arith.constant 4 : i32
        %add3A_188 = arith.addi %add3A_186, %add3A_187 : i32
        %dma_start3A_189 = arith.constant 0 : i32
        %dma_start3A_190 = tpu.memref_slice %arg7[%add3A_188, %dma_start3A_189] : memref<80x128xi32, #tpu.memory_space<vmem>> -> memref<1x128xi32, #tpu.memory_space<vmem>>
        %dma_start3A_191 = tpu.memref_squeeze %dma_start3A_190 : memref<1x128xi32, #tpu.memory_space<vmem>> -> memref<128xi32, #tpu.memory_space<vmem>>
        %dma_start3A_192 = arith.constant 0 : i32
        %dma_start3A_193 = arith.constant 0 : i32
        %dma_start3A_194 = tpu.memref_slice %arg2[%dma_start3A_192, %dma_start3A_193] : memref<10496x64xf32, #tpu.memory_space<hbm>> -> memref<10496x64xf32, #tpu.memory_space<hbm>>
        tpu.enqueue_indirect_dma source(%dma_start3A_194 : memref<10496x64xf32, #tpu.memory_space<hbm>>) target(%arg11 : memref<128x64xf32, #tpu.memory_space<vmem>>) offsets(%dma_start3A_191 : memref<128xi32, #tpu.memory_space<vmem>>) semaphore(%arg17 : memref<!tpu.dma_semaphore, #tpu.memory_space<semaphore_mem>>)
      } else {
      }
      %add3A_166 = arith.constant 3 : i32
      %add3A_167 = arith.addi %add3A_112, %add3A_166 : i32
      %dma_wait3A_168 = arith.constant 0 : i32
      %dma_wait3A_169 = tpu.memref_slice %arg7[%add3A_167, %dma_wait3A_168] : memref<80x128xi32, #tpu.memory_space<vmem>> -> memref<1x128xi32, #tpu.memory_space<vmem>>
      %dma_wait3A_170 = tpu.memref_squeeze %dma_wait3A_169 : memref<1x128xi32, #tpu.memory_space<vmem>> -> memref<128xi32, #tpu.memory_space<vmem>>
      %dma_wait3A_171 = arith.constant 0 : i32
      %dma_wait3A_172 = arith.constant 0 : i32
      %dma_wait3A_173 = tpu.memref_slice %arg2[%dma_wait3A_171, %dma_wait3A_172] : memref<10496x64xf32, #tpu.memory_space<hbm>> -> memref<10496x64xf32, #tpu.memory_space<hbm>>
      tpu.wait_indirect_dma semaphore(%arg18 : memref<!tpu.dma_semaphore, #tpu.memory_space<semaphore_mem>>) src(%dma_wait3A_173 : memref<10496x64xf32, #tpu.memory_space<hbm>>) dst(%arg12 : memref<128x64xf32, #tpu.memory_space<vmem>>)
      %add3A_174 = arith.constant 3 : i32
      %add3A_175 = arith.addi %add3A_112, %add3A_174 : i32
      "tpu.region"() ({
        %run_scoped3A_185 = tpu.sem_alloc : memref<!tpu.dma_semaphore, #tpu.memory_space<semaphore_mem>>
        %dma_start3A_186 = arith.constant 0 : i32
        %dma_start3A_187 = tpu.memref_slice %arg8[%add3A_175, %dma_start3A_186] : memref<80x128xi32, #tpu.memory_space<vmem>> -> memref<1x128xi32, #tpu.memory_space<vmem>>
        %dma_start3A_188 = tpu.memref_squeeze %dma_start3A_187 : memref<1x128xi32, #tpu.memory_space<vmem>> -> memref<128xi32, #tpu.memory_space<vmem>>
        %dma_start3A_189 = arith.constant 0 : i32
        %dma_start3A_190 = arith.constant 0 : i32
        %dma_start3A_191 = tpu.memref_slice %arg14[%dma_start3A_189, %dma_start3A_190] : memref<10496x64xf32, #tpu.memory_space<vmem_shared>> -> memref<10496x64xf32, #tpu.memory_space<vmem_shared>>
        tpu.enqueue_indirect_dma source(%arg12 : memref<128x64xf32, #tpu.memory_space<vmem>>) target(%dma_start3A_191 : memref<10496x64xf32, #tpu.memory_space<vmem_shared>>) offsets(%dma_start3A_188 : memref<128xi32, #tpu.memory_space<vmem>>) semaphore(%run_scoped3A_185 : memref<!tpu.dma_semaphore, #tpu.memory_space<semaphore_mem>>) {add = true}
        %dma_wait3A_192 = arith.constant 0 : i32
        %dma_wait3A_193 = tpu.memref_slice %arg8[%add3A_175, %dma_wait3A_192] : memref<80x128xi32, #tpu.memory_space<vmem>> -> memref<1x128xi32, #tpu.memory_space<vmem>>
        %dma_wait3A_194 = tpu.memref_squeeze %dma_wait3A_193 : memref<1x128xi32, #tpu.memory_space<vmem>> -> memref<128xi32, #tpu.memory_space<vmem>>
        %dma_wait3A_195 = arith.constant 0 : i32
        %dma_wait3A_196 = arith.constant 0 : i32
        %dma_wait3A_197 = tpu.memref_slice %arg14[%dma_wait3A_195, %dma_wait3A_196] : memref<10496x64xf32, #tpu.memory_space<vmem_shared>> -> memref<10496x64xf32, #tpu.memory_space<vmem_shared>>
        tpu.wait_indirect_dma semaphore(%run_scoped3A_185 : memref<!tpu.dma_semaphore, #tpu.memory_space<semaphore_mem>>) src(%arg12 : memref<128x64xf32, #tpu.memory_space<vmem>>) dst(%dma_wait3A_197 : memref<10496x64xf32, #tpu.memory_space<vmem_shared>>)
        tpu.yield
      }) : () -> ()
      %add3A_176 = arith.constant 3 : i32
      %add3A_177 = arith.addi %add3A_112, %add3A_176 : i32
      %add3A_178 = arith.constant 4 : i32
      %add3A_179 = arith.addi %add3A_177, %add3A_178 : i32
      %lt3A_180 = arith.constant 80 : i32
      %lt3A_181 = arith.cmpi slt, %add3A_179, %lt3A_180 : i32
      %convert_element_type3A_182 = arith.extui %lt3A_181 : i1 to i32
      %cond3A_183 = arith.constant 0 : i32
      %cond3A_184 = arith.cmpi ne, %convert_element_type3A_182, %cond3A_183 : i32
      scf.if %cond3A_184 {
        %add3A_185 = arith.constant 3 : i32
        %add3A_186 = arith.addi %add3A_112, %add3A_185 : i32
        %add3A_187 = arith.constant 4 : i32
        %add3A_188 = arith.addi %add3A_186, %add3A_187 : i32
        %dma_start3A_189 = arith.constant 0 : i32
        %dma_start3A_190 = tpu.memref_slice %arg7[%add3A_188, %dma_start3A_189] : memref<80x128xi32, #tpu.memory_space<vmem>> -> memref<1x128xi32, #tpu.memory_space<vmem>>
        %dma_start3A_191 = tpu.memref_squeeze %dma_start3A_190 : memref<1x128xi32, #tpu.memory_space<vmem>> -> memref<128xi32, #tpu.memory_space<vmem>>
        %dma_start3A_192 = arith.constant 0 : i32
        %dma_start3A_193 = arith.constant 0 : i32
        %dma_start3A_194 = tpu.memref_slice %arg2[%dma_start3A_192, %dma_start3A_193] : memref<10496x64xf32, #tpu.memory_space<hbm>> -> memref<10496x64xf32, #tpu.memory_space<hbm>>
        tpu.enqueue_indirect_dma source(%dma_start3A_194 : memref<10496x64xf32, #tpu.memory_space<hbm>>) target(%arg12 : memref<128x64xf32, #tpu.memory_space<vmem>>) offsets(%dma_start3A_191 : memref<128xi32, #tpu.memory_space<vmem>>) semaphore(%arg18 : memref<!tpu.dma_semaphore, #tpu.memory_space<semaphore_mem>>)
      } else {
      }
    }
    %scan3A_54 = arith.constant 20 : i32
    %barrier3A_55 = arith.constant 0 : index
    tpu.barrier barrier_id(%barrier3A_55)
    %run_scoped3A = arith.constant 0 : i32
    "tpu.region"() ({
      %run_scoped3A_108 = tpu.sem_alloc : memref<!tpu.dma_semaphore, #tpu.memory_space<semaphore_mem>>
      %dma_start3A_109 = arith.constant 0 : i32
      %dma_start3A_110 = tpu.memref_slice %arg6[%run_scoped3A, %arg0, %mul3A_2, %dma_start3A_109] : memref<2x2x10496x64xf32, #tpu.memory_space<hbm>> -> memref<1x1x656x64xf32, #tpu.memory_space<hbm>>
      %dma_start3A_111 = tpu.memref_squeeze %dma_start3A_110 : memref<1x1x656x64xf32, #tpu.memory_space<hbm>> -> memref<656x64xf32, #tpu.memory_space<hbm>>
      %dma_start3A_112 = arith.constant 0 : i32
      %dma_start3A_113 = tpu.memref_slice %arg14[%mul3A_2, %dma_start3A_112] : memref<10496x64xf32, #tpu.memory_space<vmem_shared>> -> memref<656x64xf32, #tpu.memory_space<vmem_shared>>
      tpu.enqueue_dma source(%dma_start3A_113 : memref<656x64xf32, #tpu.memory_space<vmem_shared>>) target(%dma_start3A_111 : memref<656x64xf32, #tpu.memory_space<hbm>>) target_semaphore(%run_scoped3A_108 : memref<!tpu.dma_semaphore, #tpu.memory_space<semaphore_mem>>)
      %dma_wait3A = arith.constant 0 : i32
      %dma_wait3A_114 = tpu.memref_slice %arg6[%run_scoped3A, %arg0, %mul3A_2, %dma_wait3A] : memref<2x2x10496x64xf32, #tpu.memory_space<hbm>> -> memref<1x1x656x64xf32, #tpu.memory_space<hbm>>
      %dma_wait3A_115 = tpu.memref_squeeze %dma_wait3A_114 : memref<1x1x656x64xf32, #tpu.memory_space<hbm>> -> memref<656x64xf32, #tpu.memory_space<hbm>>
      %dma_wait3A_116 = arith.constant 0 : i32
      %dma_wait3A_117 = tpu.memref_slice %arg14[%mul3A_2, %dma_wait3A_116] : memref<10496x64xf32, #tpu.memory_space<vmem_shared>> -> memref<656x64xf32, #tpu.memory_space<vmem_shared>>
      tpu.wait_dma2 semaphore(%run_scoped3A_108 : memref<!tpu.dma_semaphore, #tpu.memory_space<semaphore_mem>>) src(%dma_wait3A_117 : memref<656x64xf32, #tpu.memory_space<vmem_shared>>) dst(%dma_wait3A_115 : memref<656x64xf32, #tpu.memory_space<hbm>>)
      tpu.yield
    }) : () -> ()
    %add3A_56 = arith.constant 0 : i32
    %add3A_57 = arith.addi %mul3A_2, %add3A_56 : i32
    "tpu.region"() ({
      %run_scoped3A_108 = tpu.sem_alloc : memref<!tpu.dma_semaphore, #tpu.memory_space<semaphore_mem>>
      %dma_start3A_109 = arith.constant 0 : i32
      %dma_start3A_110 = tpu.memref_slice %arg14[%add3A_57, %dma_start3A_109] : memref<10496x64xf32, #tpu.memory_space<vmem_shared>> -> memref<82x64xf32, #tpu.memory_space<vmem_shared>>
      %dma_start3A_111 = arith.constant 0 : i32
      %dma_start3A_112 = tpu.memref_slice %arg14[%add3A_57, %dma_start3A_111] : memref<10496x64xf32, #tpu.memory_space<vmem_shared>> -> memref<82x64xf32, #tpu.memory_space<vmem_shared>>
      tpu.enqueue_dma source(%arg13 : memref<82x64xf32, #tpu.memory_space<vmem>>) target(%dma_start3A_112 : memref<82x64xf32, #tpu.memory_space<vmem_shared>>) target_semaphore(%run_scoped3A_108 : memref<!tpu.dma_semaphore, #tpu.memory_space<semaphore_mem>>)
      %dma_wait3A = arith.constant 0 : i32
      %dma_wait3A_113 = tpu.memref_slice %arg14[%add3A_57, %dma_wait3A] : memref<10496x64xf32, #tpu.memory_space<vmem_shared>> -> memref<82x64xf32, #tpu.memory_space<vmem_shared>>
      %dma_wait3A_114 = arith.constant 0 : i32
      %dma_wait3A_115 = tpu.memref_slice %arg14[%add3A_57, %dma_wait3A_114] : memref<10496x64xf32, #tpu.memory_space<vmem_shared>> -> memref<82x64xf32, #tpu.memory_space<vmem_shared>>
      tpu.wait_dma2 semaphore(%run_scoped3A_108 : memref<!tpu.dma_semaphore, #tpu.memory_space<semaphore_mem>>) src(%arg13 : memref<82x64xf32, #tpu.memory_space<vmem>>) dst(%dma_wait3A_115 : memref<82x64xf32, #tpu.memory_space<vmem_shared>>)
      tpu.yield
    }) : () -> ()
    %add3A_58 = arith.constant 82 : i32
    %add3A_59 = arith.addi %mul3A_2, %add3A_58 : i32
    "tpu.region"() ({
      %run_scoped3A_108 = tpu.sem_alloc : memref<!tpu.dma_semaphore, #tpu.memory_space<semaphore_mem>>
      %dma_start3A_109 = arith.constant 0 : i32
      %dma_start3A_110 = tpu.memref_slice %arg14[%add3A_59, %dma_start3A_109] : memref<10496x64xf32, #tpu.memory_space<vmem_shared>> -> memref<82x64xf32, #tpu.memory_space<vmem_shared>>
      %dma_start3A_111 = arith.constant 0 : i32
      %dma_start3A_112 = tpu.memref_slice %arg14[%add3A_59, %dma_start3A_111] : memref<10496x64xf32, #tpu.memory_space<vmem_shared>> -> memref<82x64xf32, #tpu.memory_space<vmem_shared>>
      tpu.enqueue_dma source(%arg13 : memref<82x64xf32, #tpu.memory_space<vmem>>) target(%dma_start3A_112 : memref<82x64xf32, #tpu.memory_space<vmem_shared>>) target_semaphore(%run_scoped3A_108 : memref<!tpu.dma_semaphore, #tpu.memory_space<semaphore_mem>>)
      %dma_wait3A = arith.constant 0 : i32
      %dma_wait3A_113 = tpu.memref_slice %arg14[%add3A_59, %dma_wait3A] : memref<10496x64xf32, #tpu.memory_space<vmem_shared>> -> memref<82x64xf32, #tpu.memory_space<vmem_shared>>
      %dma_wait3A_114 = arith.constant 0 : i32
      %dma_wait3A_115 = tpu.memref_slice %arg14[%add3A_59, %dma_wait3A_114] : memref<10496x64xf32, #tpu.memory_space<vmem_shared>> -> memref<82x64xf32, #tpu.memory_space<vmem_shared>>
      tpu.wait_dma2 semaphore(%run_scoped3A_108 : memref<!tpu.dma_semaphore, #tpu.memory_space<semaphore_mem>>) src(%arg13 : memref<82x64xf32, #tpu.memory_space<vmem>>) dst(%dma_wait3A_115 : memref<82x64xf32, #tpu.memory_space<vmem_shared>>)
      tpu.yield
    }) : () -> ()
    %add3A_60 = arith.constant 164 : i32
    %add3A_61 = arith.addi %mul3A_2, %add3A_60 : i32
    "tpu.region"() ({
      %run_scoped3A_108 = tpu.sem_alloc : memref<!tpu.dma_semaphore, #tpu.memory_space<semaphore_mem>>
      %dma_start3A_109 = arith.constant 0 : i32
      %dma_start3A_110 = tpu.memref_slice %arg14[%add3A_61, %dma_start3A_109] : memref<10496x64xf32, #tpu.memory_space<vmem_shared>> -> memref<82x64xf32, #tpu.memory_space<vmem_shared>>
      %dma_start3A_111 = arith.constant 0 : i32
      %dma_start3A_112 = tpu.memref_slice %arg14[%add3A_61, %dma_start3A_111] : memref<10496x64xf32, #tpu.memory_space<vmem_shared>> -> memref<82x64xf32, #tpu.memory_space<vmem_shared>>
      tpu.enqueue_dma source(%arg13 : memref<82x64xf32, #tpu.memory_space<vmem>>) target(%dma_start3A_112 : memref<82x64xf32, #tpu.memory_space<vmem_shared>>) target_semaphore(%run_scoped3A_108 : memref<!tpu.dma_semaphore, #tpu.memory_space<semaphore_mem>>)
      %dma_wait3A = arith.constant 0 : i32
      %dma_wait3A_113 = tpu.memref_slice %arg14[%add3A_61, %dma_wait3A] : memref<10496x64xf32, #tpu.memory_space<vmem_shared>> -> memref<82x64xf32, #tpu.memory_space<vmem_shared>>
      %dma_wait3A_114 = arith.constant 0 : i32
      %dma_wait3A_115 = tpu.memref_slice %arg14[%add3A_61, %dma_wait3A_114] : memref<10496x64xf32, #tpu.memory_space<vmem_shared>> -> memref<82x64xf32, #tpu.memory_space<vmem_shared>>
      tpu.wait_dma2 semaphore(%run_scoped3A_108 : memref<!tpu.dma_semaphore, #tpu.memory_space<semaphore_mem>>) src(%arg13 : memref<82x64xf32, #tpu.memory_space<vmem>>) dst(%dma_wait3A_115 : memref<82x64xf32, #tpu.memory_space<vmem_shared>>)
      tpu.yield
    }) : () -> ()
    %add3A_62 = arith.constant 246 : i32
    %add3A_63 = arith.addi %mul3A_2, %add3A_62 : i32
    "tpu.region"() ({
      %run_scoped3A_108 = tpu.sem_alloc : memref<!tpu.dma_semaphore, #tpu.memory_space<semaphore_mem>>
      %dma_start3A_109 = arith.constant 0 : i32
      %dma_start3A_110 = tpu.memref_slice %arg14[%add3A_63, %dma_start3A_109] : memref<10496x64xf32, #tpu.memory_space<vmem_shared>> -> memref<82x64xf32, #tpu.memory_space<vmem_shared>>
      %dma_start3A_111 = arith.constant 0 : i32
      %dma_start3A_112 = tpu.memref_slice %arg14[%add3A_63, %dma_start3A_111] : memref<10496x64xf32, #tpu.memory_space<vmem_shared>> -> memref<82x64xf32, #tpu.memory_space<vmem_shared>>
      tpu.enqueue_dma source(%arg13 : memref<82x64xf32, #tpu.memory_space<vmem>>) target(%dma_start3A_112 : memref<82x64xf32, #tpu.memory_space<vmem_shared>>) target_semaphore(%run_scoped3A_108 : memref<!tpu.dma_semaphore, #tpu.memory_space<semaphore_mem>>)
      %dma_wait3A = arith.constant 0 : i32
      %dma_wait3A_113 = tpu.memref_slice %arg14[%add3A_63, %dma_wait3A] : memref<10496x64xf32, #tpu.memory_space<vmem_shared>> -> memref<82x64xf32, #tpu.memory_space<vmem_shared>>
      %dma_wait3A_114 = arith.constant 0 : i32
      %dma_wait3A_115 = tpu.memref_slice %arg14[%add3A_63, %dma_wait3A_114] : memref<10496x64xf32, #tpu.memory_space<vmem_shared>> -> memref<82x64xf32, #tpu.memory_space<vmem_shared>>
      tpu.wait_dma2 semaphore(%run_scoped3A_108 : memref<!tpu.dma_semaphore, #tpu.memory_space<semaphore_mem>>) src(%arg13 : memref<82x64xf32, #tpu.memory_space<vmem>>) dst(%dma_wait3A_115 : memref<82x64xf32, #tpu.memory_space<vmem_shared>>)
      tpu.yield
    }) : () -> ()
    %add3A_64 = arith.constant 328 : i32
    %add3A_65 = arith.addi %mul3A_2, %add3A_64 : i32
    "tpu.region"() ({
      %run_scoped3A_108 = tpu.sem_alloc : memref<!tpu.dma_semaphore, #tpu.memory_space<semaphore_mem>>
      %dma_start3A_109 = arith.constant 0 : i32
      %dma_start3A_110 = tpu.memref_slice %arg14[%add3A_65, %dma_start3A_109] : memref<10496x64xf32, #tpu.memory_space<vmem_shared>> -> memref<82x64xf32, #tpu.memory_space<vmem_shared>>
      %dma_start3A_111 = arith.constant 0 : i32
      %dma_start3A_112 = tpu.memref_slice %arg14[%add3A_65, %dma_start3A_111] : memref<10496x64xf32, #tpu.memory_space<vmem_shared>> -> memref<82x64xf32, #tpu.memory_space<vmem_shared>>
      tpu.enqueue_dma source(%arg13 : memref<82x64xf32, #tpu.memory_space<vmem>>) target(%dma_start3A_112 : memref<82x64xf32, #tpu.memory_space<vmem_shared>>) target_semaphore(%run_scoped3A_108 : memref<!tpu.dma_semaphore, #tpu.memory_space<semaphore_mem>>)
      %dma_wait3A = arith.constant 0 : i32
      %dma_wait3A_113 = tpu.memref_slice %arg14[%add3A_65, %dma_wait3A] : memref<10496x64xf32, #tpu.memory_space<vmem_shared>> -> memref<82x64xf32, #tpu.memory_space<vmem_shared>>
      %dma_wait3A_114 = arith.constant 0 : i32
      %dma_wait3A_115 = tpu.memref_slice %arg14[%add3A_65, %dma_wait3A_114] : memref<10496x64xf32, #tpu.memory_space<vmem_shared>> -> memref<82x64xf32, #tpu.memory_space<vmem_shared>>
      tpu.wait_dma2 semaphore(%run_scoped3A_108 : memref<!tpu.dma_semaphore, #tpu.memory_space<semaphore_mem>>) src(%arg13 : memref<82x64xf32, #tpu.memory_space<vmem>>) dst(%dma_wait3A_115 : memref<82x64xf32, #tpu.memory_space<vmem_shared>>)
      tpu.yield
    }) : () -> ()
    %add3A_66 = arith.constant 410 : i32
    %add3A_67 = arith.addi %mul3A_2, %add3A_66 : i32
    "tpu.region"() ({
      %run_scoped3A_108 = tpu.sem_alloc : memref<!tpu.dma_semaphore, #tpu.memory_space<semaphore_mem>>
      %dma_start3A_109 = arith.constant 0 : i32
      %dma_start3A_110 = tpu.memref_slice %arg14[%add3A_67, %dma_start3A_109] : memref<10496x64xf32, #tpu.memory_space<vmem_shared>> -> memref<82x64xf32, #tpu.memory_space<vmem_shared>>
      %dma_start3A_111 = arith.constant 0 : i32
      %dma_start3A_112 = tpu.memref_slice %arg14[%add3A_67, %dma_start3A_111] : memref<10496x64xf32, #tpu.memory_space<vmem_shared>> -> memref<82x64xf32, #tpu.memory_space<vmem_shared>>
      tpu.enqueue_dma source(%arg13 : memref<82x64xf32, #tpu.memory_space<vmem>>) target(%dma_start3A_112 : memref<82x64xf32, #tpu.memory_space<vmem_shared>>) target_semaphore(%run_scoped3A_108 : memref<!tpu.dma_semaphore, #tpu.memory_space<semaphore_mem>>)
      %dma_wait3A = arith.constant 0 : i32
      %dma_wait3A_113 = tpu.memref_slice %arg14[%add3A_67, %dma_wait3A] : memref<10496x64xf32, #tpu.memory_space<vmem_shared>> -> memref<82x64xf32, #tpu.memory_space<vmem_shared>>
      %dma_wait3A_114 = arith.constant 0 : i32
      %dma_wait3A_115 = tpu.memref_slice %arg14[%add3A_67, %dma_wait3A_114] : memref<10496x64xf32, #tpu.memory_space<vmem_shared>> -> memref<82x64xf32, #tpu.memory_space<vmem_shared>>
      tpu.wait_dma2 semaphore(%run_scoped3A_108 : memref<!tpu.dma_semaphore, #tpu.memory_space<semaphore_mem>>) src(%arg13 : memref<82x64xf32, #tpu.memory_space<vmem>>) dst(%dma_wait3A_115 : memref<82x64xf32, #tpu.memory_space<vmem_shared>>)
      tpu.yield
    }) : () -> ()
    %add3A_68 = arith.constant 492 : i32
    %add3A_69 = arith.addi %mul3A_2, %add3A_68 : i32
    "tpu.region"() ({
      %run_scoped3A_108 = tpu.sem_alloc : memref<!tpu.dma_semaphore, #tpu.memory_space<semaphore_mem>>
      %dma_start3A_109 = arith.constant 0 : i32
      %dma_start3A_110 = tpu.memref_slice %arg14[%add3A_69, %dma_start3A_109] : memref<10496x64xf32, #tpu.memory_space<vmem_shared>> -> memref<82x64xf32, #tpu.memory_space<vmem_shared>>
      %dma_start3A_111 = arith.constant 0 : i32
      %dma_start3A_112 = tpu.memref_slice %arg14[%add3A_69, %dma_start3A_111] : memref<10496x64xf32, #tpu.memory_space<vmem_shared>> -> memref<82x64xf32, #tpu.memory_space<vmem_shared>>
      tpu.enqueue_dma source(%arg13 : memref<82x64xf32, #tpu.memory_space<vmem>>) target(%dma_start3A_112 : memref<82x64xf32, #tpu.memory_space<vmem_shared>>) target_semaphore(%run_scoped3A_108 : memref<!tpu.dma_semaphore, #tpu.memory_space<semaphore_mem>>)
      %dma_wait3A = arith.constant 0 : i32
      %dma_wait3A_113 = tpu.memref_slice %arg14[%add3A_69, %dma_wait3A] : memref<10496x64xf32, #tpu.memory_space<vmem_shared>> -> memref<82x64xf32, #tpu.memory_space<vmem_shared>>
      %dma_wait3A_114 = arith.constant 0 : i32
      %dma_wait3A_115 = tpu.memref_slice %arg14[%add3A_69, %dma_wait3A_114] : memref<10496x64xf32, #tpu.memory_space<vmem_shared>> -> memref<82x64xf32, #tpu.memory_space<vmem_shared>>
      tpu.wait_dma2 semaphore(%run_scoped3A_108 : memref<!tpu.dma_semaphore, #tpu.memory_space<semaphore_mem>>) src(%arg13 : memref<82x64xf32, #tpu.memory_space<vmem>>) dst(%dma_wait3A_115 : memref<82x64xf32, #tpu.memory_space<vmem_shared>>)
      tpu.yield
    }) : () -> ()
    %add3A_70 = arith.constant 574 : i32
    %add3A_71 = arith.addi %mul3A_2, %add3A_70 : i32
    "tpu.region"() ({
      %run_scoped3A_108 = tpu.sem_alloc : memref<!tpu.dma_semaphore, #tpu.memory_space<semaphore_mem>>
      %dma_start3A_109 = arith.constant 0 : i32
      %dma_start3A_110 = tpu.memref_slice %arg14[%add3A_71, %dma_start3A_109] : memref<10496x64xf32, #tpu.memory_space<vmem_shared>> -> memref<82x64xf32, #tpu.memory_space<vmem_shared>>
      %dma_start3A_111 = arith.constant 0 : i32
      %dma_start3A_112 = tpu.memref_slice %arg14[%add3A_71, %dma_start3A_111] : memref<10496x64xf32, #tpu.memory_space<vmem_shared>> -> memref<82x64xf32, #tpu.memory_space<vmem_shared>>
      tpu.enqueue_dma source(%arg13 : memref<82x64xf32, #tpu.memory_space<vmem>>) target(%dma_start3A_112 : memref<82x64xf32, #tpu.memory_space<vmem_shared>>) target_semaphore(%run_scoped3A_108 : memref<!tpu.dma_semaphore, #tpu.memory_space<semaphore_mem>>)
      %dma_wait3A = arith.constant 0 : i32
      %dma_wait3A_113 = tpu.memref_slice %arg14[%add3A_71, %dma_wait3A] : memref<10496x64xf32, #tpu.memory_space<vmem_shared>> -> memref<82x64xf32, #tpu.memory_space<vmem_shared>>
      %dma_wait3A_114 = arith.constant 0 : i32
      %dma_wait3A_115 = tpu.memref_slice %arg14[%add3A_71, %dma_wait3A_114] : memref<10496x64xf32, #tpu.memory_space<vmem_shared>> -> memref<82x64xf32, #tpu.memory_space<vmem_shared>>
      tpu.wait_dma2 semaphore(%run_scoped3A_108 : memref<!tpu.dma_semaphore, #tpu.memory_space<semaphore_mem>>) src(%arg13 : memref<82x64xf32, #tpu.memory_space<vmem>>) dst(%dma_wait3A_115 : memref<82x64xf32, #tpu.memory_space<vmem_shared>>)
      tpu.yield
    }) : () -> ()
    %barrier3A_72 = arith.constant 0 : index
    tpu.barrier barrier_id(%barrier3A_72)
    %dma_start3A_73 = arith.constant 0 : i32
    %dma_start3A_74 = arith.constant 0 : i32
    %dma_start3A_75 = tpu.memref_slice %arg7[%dma_start3A_73, %dma_start3A_74] : memref<80x128xi32, #tpu.memory_space<vmem>> -> memref<1x128xi32, #tpu.memory_space<vmem>>
    %dma_start3A_76 = tpu.memref_squeeze %dma_start3A_75 : memref<1x128xi32, #tpu.memory_space<vmem>> -> memref<128xi32, #tpu.memory_space<vmem>>
    %dma_start3A_77 = arith.constant 0 : i32
    %dma_start3A_78 = arith.constant 0 : i32
    %dma_start3A_79 = tpu.memref_slice %arg3[%dma_start3A_77, %dma_start3A_78] : memref<10496x64xf32, #tpu.memory_space<hbm>> -> memref<10496x64xf32, #tpu.memory_space<hbm>>
    tpu.enqueue_indirect_dma source(%dma_start3A_79 : memref<10496x64xf32, #tpu.memory_space<hbm>>) target(%arg9 : memref<128x64xf32, #tpu.memory_space<vmem>>) offsets(%dma_start3A_76 : memref<128xi32, #tpu.memory_space<vmem>>) semaphore(%arg15 : memref<!tpu.dma_semaphore, #tpu.memory_space<semaphore_mem>>)
    %dma_start3A_80 = arith.constant 1 : i32
    %dma_start3A_81 = arith.constant 0 : i32
    %dma_start3A_82 = tpu.memref_slice %arg7[%dma_start3A_80, %dma_start3A_81] : memref<80x128xi32, #tpu.memory_space<vmem>> -> memref<1x128xi32, #tpu.memory_space<vmem>>
    %dma_start3A_83 = tpu.memref_squeeze %dma_start3A_82 : memref<1x128xi32, #tpu.memory_space<vmem>> -> memref<128xi32, #tpu.memory_space<vmem>>
    %dma_start3A_84 = arith.constant 0 : i32
    %dma_start3A_85 = arith.constant 0 : i32
    %dma_start3A_86 = tpu.memref_slice %arg3[%dma_start3A_84, %dma_start3A_85] : memref<10496x64xf32, #tpu.memory_space<hbm>> -> memref<10496x64xf32, #tpu.memory_space<hbm>>
    tpu.enqueue_indirect_dma source(%dma_start3A_86 : memref<10496x64xf32, #tpu.memory_space<hbm>>) target(%arg10 : memref<128x64xf32, #tpu.memory_space<vmem>>) offsets(%dma_start3A_83 : memref<128xi32, #tpu.memory_space<vmem>>) semaphore(%arg16 : memref<!tpu.dma_semaphore, #tpu.memory_space<semaphore_mem>>)
    %dma_start3A_87 = arith.constant 2 : i32
    %dma_start3A_88 = arith.constant 0 : i32
    %dma_start3A_89 = tpu.memref_slice %arg7[%dma_start3A_87, %dma_start3A_88] : memref<80x128xi32, #tpu.memory_space<vmem>> -> memref<1x128xi32, #tpu.memory_space<vmem>>
    %dma_start3A_90 = tpu.memref_squeeze %dma_start3A_89 : memref<1x128xi32, #tpu.memory_space<vmem>> -> memref<128xi32, #tpu.memory_space<vmem>>
    %dma_start3A_91 = arith.constant 0 : i32
    %dma_start3A_92 = arith.constant 0 : i32
    %dma_start3A_93 = tpu.memref_slice %arg3[%dma_start3A_91, %dma_start3A_92] : memref<10496x64xf32, #tpu.memory_space<hbm>> -> memref<10496x64xf32, #tpu.memory_space<hbm>>
    tpu.enqueue_indirect_dma source(%dma_start3A_93 : memref<10496x64xf32, #tpu.memory_space<hbm>>) target(%arg11 : memref<128x64xf32, #tpu.memory_space<vmem>>) offsets(%dma_start3A_90 : memref<128xi32, #tpu.memory_space<vmem>>) semaphore(%arg17 : memref<!tpu.dma_semaphore, #tpu.memory_space<semaphore_mem>>)
    %dma_start3A_94 = arith.constant 3 : i32
    %dma_start3A_95 = arith.constant 0 : i32
    %dma_start3A_96 = tpu.memref_slice %arg7[%dma_start3A_94, %dma_start3A_95] : memref<80x128xi32, #tpu.memory_space<vmem>> -> memref<1x128xi32, #tpu.memory_space<vmem>>
    %dma_start3A_97 = tpu.memref_squeeze %dma_start3A_96 : memref<1x128xi32, #tpu.memory_space<vmem>> -> memref<128xi32, #tpu.memory_space<vmem>>
    %dma_start3A_98 = arith.constant 0 : i32
    %dma_start3A_99 = arith.constant 0 : i32
    %dma_start3A_100 = tpu.memref_slice %arg3[%dma_start3A_98, %dma_start3A_99] : memref<10496x64xf32, #tpu.memory_space<hbm>> -> memref<10496x64xf32, #tpu.memory_space<hbm>>
    tpu.enqueue_indirect_dma source(%dma_start3A_100 : memref<10496x64xf32, #tpu.memory_space<hbm>>) target(%arg12 : memref<128x64xf32, #tpu.memory_space<vmem>>) offsets(%dma_start3A_97 : memref<128xi32, #tpu.memory_space<vmem>>) semaphore(%arg18 : memref<!tpu.dma_semaphore, #tpu.memory_space<semaphore_mem>>)
    %scan3A_101 = arith.constant 0 : i32
    %scan3A_102 = arith.constant 20 : i32
    %scan3A_103 = arith.addi %scan3A_101, %scan3A_102 : i32
    %scan3A_104 = arith.constant 1 : i32
    scf.for %scan3A_108 = %scan3A_101 to %scan3A_103 step %scan3A_104  : i32 {
      %mul3A_109 = arith.constant 4 : i32
      %mul3A_110 = arith.muli %scan3A_108, %mul3A_109 : i32
      %add3A_111 = arith.constant 0 : i32
      %add3A_112 = arith.addi %add3A_111, %mul3A_110 : i32
      %add3A_113 = arith.constant 0 : i32
      %add3A_114 = arith.addi %add3A_112, %add3A_113 : i32
      %dma_wait3A = arith.constant 0 : i32
      %dma_wait3A_115 = tpu.memref_slice %arg7[%add3A_114, %dma_wait3A] : memref<80x128xi32, #tpu.memory_space<vmem>> -> memref<1x128xi32, #tpu.memory_space<vmem>>
      %dma_wait3A_116 = tpu.memref_squeeze %dma_wait3A_115 : memref<1x128xi32, #tpu.memory_space<vmem>> -> memref<128xi32, #tpu.memory_space<vmem>>
      %dma_wait3A_117 = arith.constant 0 : i32
      %dma_wait3A_118 = arith.constant 0 : i32
      %dma_wait3A_119 = tpu.memref_slice %arg3[%dma_wait3A_117, %dma_wait3A_118] : memref<10496x64xf32, #tpu.memory_space<hbm>> -> memref<10496x64xf32, #tpu.memory_space<hbm>>
      tpu.wait_indirect_dma semaphore(%arg15 : memref<!tpu.dma_semaphore, #tpu.memory_space<semaphore_mem>>) src(%dma_wait3A_119 : memref<10496x64xf32, #tpu.memory_space<hbm>>) dst(%arg9 : memref<128x64xf32, #tpu.memory_space<vmem>>)
      %add3A_120 = arith.constant 0 : i32
      %add3A_121 = arith.addi %add3A_112, %add3A_120 : i32
      "tpu.region"() ({
        %run_scoped3A_185 = tpu.sem_alloc : memref<!tpu.dma_semaphore, #tpu.memory_space<semaphore_mem>>
        %dma_start3A_186 = arith.constant 0 : i32
        %dma_start3A_187 = tpu.memref_slice %arg8[%add3A_121, %dma_start3A_186] : memref<80x128xi32, #tpu.memory_space<vmem>> -> memref<1x128xi32, #tpu.memory_space<vmem>>
        %dma_start3A_188 = tpu.memref_squeeze %dma_start3A_187 : memref<1x128xi32, #tpu.memory_space<vmem>> -> memref<128xi32, #tpu.memory_space<vmem>>
        %dma_start3A_189 = arith.constant 0 : i32
        %dma_start3A_190 = arith.constant 0 : i32
        %dma_start3A_191 = tpu.memref_slice %arg14[%dma_start3A_189, %dma_start3A_190] : memref<10496x64xf32, #tpu.memory_space<vmem_shared>> -> memref<10496x64xf32, #tpu.memory_space<vmem_shared>>
        tpu.enqueue_indirect_dma source(%arg9 : memref<128x64xf32, #tpu.memory_space<vmem>>) target(%dma_start3A_191 : memref<10496x64xf32, #tpu.memory_space<vmem_shared>>) offsets(%dma_start3A_188 : memref<128xi32, #tpu.memory_space<vmem>>) semaphore(%run_scoped3A_185 : memref<!tpu.dma_semaphore, #tpu.memory_space<semaphore_mem>>) {add = true}
        %dma_wait3A_192 = arith.constant 0 : i32
        %dma_wait3A_193 = tpu.memref_slice %arg8[%add3A_121, %dma_wait3A_192] : memref<80x128xi32, #tpu.memory_space<vmem>> -> memref<1x128xi32, #tpu.memory_space<vmem>>
        %dma_wait3A_194 = tpu.memref_squeeze %dma_wait3A_193 : memref<1x128xi32, #tpu.memory_space<vmem>> -> memref<128xi32, #tpu.memory_space<vmem>>
        %dma_wait3A_195 = arith.constant 0 : i32
        %dma_wait3A_196 = arith.constant 0 : i32
        %dma_wait3A_197 = tpu.memref_slice %arg14[%dma_wait3A_195, %dma_wait3A_196] : memref<10496x64xf32, #tpu.memory_space<vmem_shared>> -> memref<10496x64xf32, #tpu.memory_space<vmem_shared>>
        tpu.wait_indirect_dma semaphore(%run_scoped3A_185 : memref<!tpu.dma_semaphore, #tpu.memory_space<semaphore_mem>>) src(%arg9 : memref<128x64xf32, #tpu.memory_space<vmem>>) dst(%dma_wait3A_197 : memref<10496x64xf32, #tpu.memory_space<vmem_shared>>)
        tpu.yield
      }) : () -> ()
      %add3A_122 = arith.constant 0 : i32
      %add3A_123 = arith.addi %add3A_112, %add3A_122 : i32
      %add3A_124 = arith.constant 4 : i32
      %add3A_125 = arith.addi %add3A_123, %add3A_124 : i32
      %lt3A = arith.constant 80 : i32
      %lt3A_126 = arith.cmpi slt, %add3A_125, %lt3A : i32
      %convert_element_type3A = arith.extui %lt3A_126 : i1 to i32
      %cond3A = arith.constant 0 : i32
      %cond3A_127 = arith.cmpi ne, %convert_element_type3A, %cond3A : i32
      scf.if %cond3A_127 {
        %add3A_185 = arith.constant 0 : i32
        %add3A_186 = arith.addi %add3A_112, %add3A_185 : i32
        %add3A_187 = arith.constant 4 : i32
        %add3A_188 = arith.addi %add3A_186, %add3A_187 : i32
        %dma_start3A_189 = arith.constant 0 : i32
        %dma_start3A_190 = tpu.memref_slice %arg7[%add3A_188, %dma_start3A_189] : memref<80x128xi32, #tpu.memory_space<vmem>> -> memref<1x128xi32, #tpu.memory_space<vmem>>
        %dma_start3A_191 = tpu.memref_squeeze %dma_start3A_190 : memref<1x128xi32, #tpu.memory_space<vmem>> -> memref<128xi32, #tpu.memory_space<vmem>>
        %dma_start3A_192 = arith.constant 0 : i32
        %dma_start3A_193 = arith.constant 0 : i32
        %dma_start3A_194 = tpu.memref_slice %arg3[%dma_start3A_192, %dma_start3A_193] : memref<10496x64xf32, #tpu.memory_space<hbm>> -> memref<10496x64xf32, #tpu.memory_space<hbm>>
        tpu.enqueue_indirect_dma source(%dma_start3A_194 : memref<10496x64xf32, #tpu.memory_space<hbm>>) target(%arg9 : memref<128x64xf32, #tpu.memory_space<vmem>>) offsets(%dma_start3A_191 : memref<128xi32, #tpu.memory_space<vmem>>) semaphore(%arg15 : memref<!tpu.dma_semaphore, #tpu.memory_space<semaphore_mem>>)
      } else {
      }
      %add3A_128 = arith.constant 1 : i32
      %add3A_129 = arith.addi %add3A_112, %add3A_128 : i32
      %dma_wait3A_130 = arith.constant 0 : i32
      %dma_wait3A_131 = tpu.memref_slice %arg7[%add3A_129, %dma_wait3A_130] : memref<80x128xi32, #tpu.memory_space<vmem>> -> memref<1x128xi32, #tpu.memory_space<vmem>>
      %dma_wait3A_132 = tpu.memref_squeeze %dma_wait3A_131 : memref<1x128xi32, #tpu.memory_space<vmem>> -> memref<128xi32, #tpu.memory_space<vmem>>
      %dma_wait3A_133 = arith.constant 0 : i32
      %dma_wait3A_134 = arith.constant 0 : i32
      %dma_wait3A_135 = tpu.memref_slice %arg3[%dma_wait3A_133, %dma_wait3A_134] : memref<10496x64xf32, #tpu.memory_space<hbm>> -> memref<10496x64xf32, #tpu.memory_space<hbm>>
      tpu.wait_indirect_dma semaphore(%arg16 : memref<!tpu.dma_semaphore, #tpu.memory_space<semaphore_mem>>) src(%dma_wait3A_135 : memref<10496x64xf32, #tpu.memory_space<hbm>>) dst(%arg10 : memref<128x64xf32, #tpu.memory_space<vmem>>)
      %add3A_136 = arith.constant 1 : i32
      %add3A_137 = arith.addi %add3A_112, %add3A_136 : i32
      "tpu.region"() ({
        %run_scoped3A_185 = tpu.sem_alloc : memref<!tpu.dma_semaphore, #tpu.memory_space<semaphore_mem>>
        %dma_start3A_186 = arith.constant 0 : i32
        %dma_start3A_187 = tpu.memref_slice %arg8[%add3A_137, %dma_start3A_186] : memref<80x128xi32, #tpu.memory_space<vmem>> -> memref<1x128xi32, #tpu.memory_space<vmem>>
        %dma_start3A_188 = tpu.memref_squeeze %dma_start3A_187 : memref<1x128xi32, #tpu.memory_space<vmem>> -> memref<128xi32, #tpu.memory_space<vmem>>
        %dma_start3A_189 = arith.constant 0 : i32
        %dma_start3A_190 = arith.constant 0 : i32
        %dma_start3A_191 = tpu.memref_slice %arg14[%dma_start3A_189, %dma_start3A_190] : memref<10496x64xf32, #tpu.memory_space<vmem_shared>> -> memref<10496x64xf32, #tpu.memory_space<vmem_shared>>
        tpu.enqueue_indirect_dma source(%arg10 : memref<128x64xf32, #tpu.memory_space<vmem>>) target(%dma_start3A_191 : memref<10496x64xf32, #tpu.memory_space<vmem_shared>>) offsets(%dma_start3A_188 : memref<128xi32, #tpu.memory_space<vmem>>) semaphore(%run_scoped3A_185 : memref<!tpu.dma_semaphore, #tpu.memory_space<semaphore_mem>>) {add = true}
        %dma_wait3A_192 = arith.constant 0 : i32
        %dma_wait3A_193 = tpu.memref_slice %arg8[%add3A_137, %dma_wait3A_192] : memref<80x128xi32, #tpu.memory_space<vmem>> -> memref<1x128xi32, #tpu.memory_space<vmem>>
        %dma_wait3A_194 = tpu.memref_squeeze %dma_wait3A_193 : memref<1x128xi32, #tpu.memory_space<vmem>> -> memref<128xi32, #tpu.memory_space<vmem>>
        %dma_wait3A_195 = arith.constant 0 : i32
        %dma_wait3A_196 = arith.constant 0 : i32
        %dma_wait3A_197 = tpu.memref_slice %arg14[%dma_wait3A_195, %dma_wait3A_196] : memref<10496x64xf32, #tpu.memory_space<vmem_shared>> -> memref<10496x64xf32, #tpu.memory_space<vmem_shared>>
        tpu.wait_indirect_dma semaphore(%run_scoped3A_185 : memref<!tpu.dma_semaphore, #tpu.memory_space<semaphore_mem>>) src(%arg10 : memref<128x64xf32, #tpu.memory_space<vmem>>) dst(%dma_wait3A_197 : memref<10496x64xf32, #tpu.memory_space<vmem_shared>>)
        tpu.yield
      }) : () -> ()
      %add3A_138 = arith.constant 1 : i32
      %add3A_139 = arith.addi %add3A_112, %add3A_138 : i32
      %add3A_140 = arith.constant 4 : i32
      %add3A_141 = arith.addi %add3A_139, %add3A_140 : i32
      %lt3A_142 = arith.constant 80 : i32
      %lt3A_143 = arith.cmpi slt, %add3A_141, %lt3A_142 : i32
      %convert_element_type3A_144 = arith.extui %lt3A_143 : i1 to i32
      %cond3A_145 = arith.constant 0 : i32
      %cond3A_146 = arith.cmpi ne, %convert_element_type3A_144, %cond3A_145 : i32
      scf.if %cond3A_146 {
        %add3A_185 = arith.constant 1 : i32
        %add3A_186 = arith.addi %add3A_112, %add3A_185 : i32
        %add3A_187 = arith.constant 4 : i32
        %add3A_188 = arith.addi %add3A_186, %add3A_187 : i32
        %dma_start3A_189 = arith.constant 0 : i32
        %dma_start3A_190 = tpu.memref_slice %arg7[%add3A_188, %dma_start3A_189] : memref<80x128xi32, #tpu.memory_space<vmem>> -> memref<1x128xi32, #tpu.memory_space<vmem>>
        %dma_start3A_191 = tpu.memref_squeeze %dma_start3A_190 : memref<1x128xi32, #tpu.memory_space<vmem>> -> memref<128xi32, #tpu.memory_space<vmem>>
        %dma_start3A_192 = arith.constant 0 : i32
        %dma_start3A_193 = arith.constant 0 : i32
        %dma_start3A_194 = tpu.memref_slice %arg3[%dma_start3A_192, %dma_start3A_193] : memref<10496x64xf32, #tpu.memory_space<hbm>> -> memref<10496x64xf32, #tpu.memory_space<hbm>>
        tpu.enqueue_indirect_dma source(%dma_start3A_194 : memref<10496x64xf32, #tpu.memory_space<hbm>>) target(%arg10 : memref<128x64xf32, #tpu.memory_space<vmem>>) offsets(%dma_start3A_191 : memref<128xi32, #tpu.memory_space<vmem>>) semaphore(%arg16 : memref<!tpu.dma_semaphore, #tpu.memory_space<semaphore_mem>>)
      } else {
      }
      %add3A_147 = arith.constant 2 : i32
      %add3A_148 = arith.addi %add3A_112, %add3A_147 : i32
      %dma_wait3A_149 = arith.constant 0 : i32
      %dma_wait3A_150 = tpu.memref_slice %arg7[%add3A_148, %dma_wait3A_149] : memref<80x128xi32, #tpu.memory_space<vmem>> -> memref<1x128xi32, #tpu.memory_space<vmem>>
      %dma_wait3A_151 = tpu.memref_squeeze %dma_wait3A_150 : memref<1x128xi32, #tpu.memory_space<vmem>> -> memref<128xi32, #tpu.memory_space<vmem>>
      %dma_wait3A_152 = arith.constant 0 : i32
      %dma_wait3A_153 = arith.constant 0 : i32
      %dma_wait3A_154 = tpu.memref_slice %arg3[%dma_wait3A_152, %dma_wait3A_153] : memref<10496x64xf32, #tpu.memory_space<hbm>> -> memref<10496x64xf32, #tpu.memory_space<hbm>>
      tpu.wait_indirect_dma semaphore(%arg17 : memref<!tpu.dma_semaphore, #tpu.memory_space<semaphore_mem>>) src(%dma_wait3A_154 : memref<10496x64xf32, #tpu.memory_space<hbm>>) dst(%arg11 : memref<128x64xf32, #tpu.memory_space<vmem>>)
      %add3A_155 = arith.constant 2 : i32
      %add3A_156 = arith.addi %add3A_112, %add3A_155 : i32
      "tpu.region"() ({
        %run_scoped3A_185 = tpu.sem_alloc : memref<!tpu.dma_semaphore, #tpu.memory_space<semaphore_mem>>
        %dma_start3A_186 = arith.constant 0 : i32
        %dma_start3A_187 = tpu.memref_slice %arg8[%add3A_156, %dma_start3A_186] : memref<80x128xi32, #tpu.memory_space<vmem>> -> memref<1x128xi32, #tpu.memory_space<vmem>>
        %dma_start3A_188 = tpu.memref_squeeze %dma_start3A_187 : memref<1x128xi32, #tpu.memory_space<vmem>> -> memref<128xi32, #tpu.memory_space<vmem>>
        %dma_start3A_189 = arith.constant 0 : i32
        %dma_start3A_190 = arith.constant 0 : i32
        %dma_start3A_191 = tpu.memref_slice %arg14[%dma_start3A_189, %dma_start3A_190] : memref<10496x64xf32, #tpu.memory_space<vmem_shared>> -> memref<10496x64xf32, #tpu.memory_space<vmem_shared>>
        tpu.enqueue_indirect_dma source(%arg11 : memref<128x64xf32, #tpu.memory_space<vmem>>) target(%dma_start3A_191 : memref<10496x64xf32, #tpu.memory_space<vmem_shared>>) offsets(%dma_start3A_188 : memref<128xi32, #tpu.memory_space<vmem>>) semaphore(%run_scoped3A_185 : memref<!tpu.dma_semaphore, #tpu.memory_space<semaphore_mem>>) {add = true}
        %dma_wait3A_192 = arith.constant 0 : i32
        %dma_wait3A_193 = tpu.memref_slice %arg8[%add3A_156, %dma_wait3A_192] : memref<80x128xi32, #tpu.memory_space<vmem>> -> memref<1x128xi32, #tpu.memory_space<vmem>>
        %dma_wait3A_194 = tpu.memref_squeeze %dma_wait3A_193 : memref<1x128xi32, #tpu.memory_space<vmem>> -> memref<128xi32, #tpu.memory_space<vmem>>
        %dma_wait3A_195 = arith.constant 0 : i32
        %dma_wait3A_196 = arith.constant 0 : i32
        %dma_wait3A_197 = tpu.memref_slice %arg14[%dma_wait3A_195, %dma_wait3A_196] : memref<10496x64xf32, #tpu.memory_space<vmem_shared>> -> memref<10496x64xf32, #tpu.memory_space<vmem_shared>>
        tpu.wait_indirect_dma semaphore(%run_scoped3A_185 : memref<!tpu.dma_semaphore, #tpu.memory_space<semaphore_mem>>) src(%arg11 : memref<128x64xf32, #tpu.memory_space<vmem>>) dst(%dma_wait3A_197 : memref<10496x64xf32, #tpu.memory_space<vmem_shared>>)
        tpu.yield
      }) : () -> ()
      %add3A_157 = arith.constant 2 : i32
      %add3A_158 = arith.addi %add3A_112, %add3A_157 : i32
      %add3A_159 = arith.constant 4 : i32
      %add3A_160 = arith.addi %add3A_158, %add3A_159 : i32
      %lt3A_161 = arith.constant 80 : i32
      %lt3A_162 = arith.cmpi slt, %add3A_160, %lt3A_161 : i32
      %convert_element_type3A_163 = arith.extui %lt3A_162 : i1 to i32
      %cond3A_164 = arith.constant 0 : i32
      %cond3A_165 = arith.cmpi ne, %convert_element_type3A_163, %cond3A_164 : i32
      scf.if %cond3A_165 {
        %add3A_185 = arith.constant 2 : i32
        %add3A_186 = arith.addi %add3A_112, %add3A_185 : i32
        %add3A_187 = arith.constant 4 : i32
        %add3A_188 = arith.addi %add3A_186, %add3A_187 : i32
        %dma_start3A_189 = arith.constant 0 : i32
        %dma_start3A_190 = tpu.memref_slice %arg7[%add3A_188, %dma_start3A_189] : memref<80x128xi32, #tpu.memory_space<vmem>> -> memref<1x128xi32, #tpu.memory_space<vmem>>
        %dma_start3A_191 = tpu.memref_squeeze %dma_start3A_190 : memref<1x128xi32, #tpu.memory_space<vmem>> -> memref<128xi32, #tpu.memory_space<vmem>>
        %dma_start3A_192 = arith.constant 0 : i32
        %dma_start3A_193 = arith.constant 0 : i32
        %dma_start3A_194 = tpu.memref_slice %arg3[%dma_start3A_192, %dma_start3A_193] : memref<10496x64xf32, #tpu.memory_space<hbm>> -> memref<10496x64xf32, #tpu.memory_space<hbm>>
        tpu.enqueue_indirect_dma source(%dma_start3A_194 : memref<10496x64xf32, #tpu.memory_space<hbm>>) target(%arg11 : memref<128x64xf32, #tpu.memory_space<vmem>>) offsets(%dma_start3A_191 : memref<128xi32, #tpu.memory_space<vmem>>) semaphore(%arg17 : memref<!tpu.dma_semaphore, #tpu.memory_space<semaphore_mem>>)
      } else {
      }
      %add3A_166 = arith.constant 3 : i32
      %add3A_167 = arith.addi %add3A_112, %add3A_166 : i32
      %dma_wait3A_168 = arith.constant 0 : i32
      %dma_wait3A_169 = tpu.memref_slice %arg7[%add3A_167, %dma_wait3A_168] : memref<80x128xi32, #tpu.memory_space<vmem>> -> memref<1x128xi32, #tpu.memory_space<vmem>>
      %dma_wait3A_170 = tpu.memref_squeeze %dma_wait3A_169 : memref<1x128xi32, #tpu.memory_space<vmem>> -> memref<128xi32, #tpu.memory_space<vmem>>
      %dma_wait3A_171 = arith.constant 0 : i32
      %dma_wait3A_172 = arith.constant 0 : i32
      %dma_wait3A_173 = tpu.memref_slice %arg3[%dma_wait3A_171, %dma_wait3A_172] : memref<10496x64xf32, #tpu.memory_space<hbm>> -> memref<10496x64xf32, #tpu.memory_space<hbm>>
      tpu.wait_indirect_dma semaphore(%arg18 : memref<!tpu.dma_semaphore, #tpu.memory_space<semaphore_mem>>) src(%dma_wait3A_173 : memref<10496x64xf32, #tpu.memory_space<hbm>>) dst(%arg12 : memref<128x64xf32, #tpu.memory_space<vmem>>)
      %add3A_174 = arith.constant 3 : i32
      %add3A_175 = arith.addi %add3A_112, %add3A_174 : i32
      "tpu.region"() ({
        %run_scoped3A_185 = tpu.sem_alloc : memref<!tpu.dma_semaphore, #tpu.memory_space<semaphore_mem>>
        %dma_start3A_186 = arith.constant 0 : i32
        %dma_start3A_187 = tpu.memref_slice %arg8[%add3A_175, %dma_start3A_186] : memref<80x128xi32, #tpu.memory_space<vmem>> -> memref<1x128xi32, #tpu.memory_space<vmem>>
        %dma_start3A_188 = tpu.memref_squeeze %dma_start3A_187 : memref<1x128xi32, #tpu.memory_space<vmem>> -> memref<128xi32, #tpu.memory_space<vmem>>
        %dma_start3A_189 = arith.constant 0 : i32
        %dma_start3A_190 = arith.constant 0 : i32
        %dma_start3A_191 = tpu.memref_slice %arg14[%dma_start3A_189, %dma_start3A_190] : memref<10496x64xf32, #tpu.memory_space<vmem_shared>> -> memref<10496x64xf32, #tpu.memory_space<vmem_shared>>
        tpu.enqueue_indirect_dma source(%arg12 : memref<128x64xf32, #tpu.memory_space<vmem>>) target(%dma_start3A_191 : memref<10496x64xf32, #tpu.memory_space<vmem_shared>>) offsets(%dma_start3A_188 : memref<128xi32, #tpu.memory_space<vmem>>) semaphore(%run_scoped3A_185 : memref<!tpu.dma_semaphore, #tpu.memory_space<semaphore_mem>>) {add = true}
        %dma_wait3A_192 = arith.constant 0 : i32
        %dma_wait3A_193 = tpu.memref_slice %arg8[%add3A_175, %dma_wait3A_192] : memref<80x128xi32, #tpu.memory_space<vmem>> -> memref<1x128xi32, #tpu.memory_space<vmem>>
        %dma_wait3A_194 = tpu.memref_squeeze %dma_wait3A_193 : memref<1x128xi32, #tpu.memory_space<vmem>> -> memref<128xi32, #tpu.memory_space<vmem>>
        %dma_wait3A_195 = arith.constant 0 : i32
        %dma_wait3A_196 = arith.constant 0 : i32
        %dma_wait3A_197 = tpu.memref_slice %arg14[%dma_wait3A_195, %dma_wait3A_196] : memref<10496x64xf32, #tpu.memory_space<vmem_shared>> -> memref<10496x64xf32, #tpu.memory_space<vmem_shared>>
        tpu.wait_indirect_dma semaphore(%run_scoped3A_185 : memref<!tpu.dma_semaphore, #tpu.memory_space<semaphore_mem>>) src(%arg12 : memref<128x64xf32, #tpu.memory_space<vmem>>) dst(%dma_wait3A_197 : memref<10496x64xf32, #tpu.memory_space<vmem_shared>>)
        tpu.yield
      }) : () -> ()
      %add3A_176 = arith.constant 3 : i32
      %add3A_177 = arith.addi %add3A_112, %add3A_176 : i32
      %add3A_178 = arith.constant 4 : i32
      %add3A_179 = arith.addi %add3A_177, %add3A_178 : i32
      %lt3A_180 = arith.constant 80 : i32
      %lt3A_181 = arith.cmpi slt, %add3A_179, %lt3A_180 : i32
      %convert_element_type3A_182 = arith.extui %lt3A_181 : i1 to i32
      %cond3A_183 = arith.constant 0 : i32
      %cond3A_184 = arith.cmpi ne, %convert_element_type3A_182, %cond3A_183 : i32
      scf.if %cond3A_184 {
        %add3A_185 = arith.constant 3 : i32
        %add3A_186 = arith.addi %add3A_112, %add3A_185 : i32
        %add3A_187 = arith.constant 4 : i32
        %add3A_188 = arith.addi %add3A_186, %add3A_187 : i32
        %dma_start3A_189 = arith.constant 0 : i32
        %dma_start3A_190 = tpu.memref_slice %arg7[%add3A_188, %dma_start3A_189] : memref<80x128xi32, #tpu.memory_space<vmem>> -> memref<1x128xi32, #tpu.memory_space<vmem>>
        %dma_start3A_191 = tpu.memref_squeeze %dma_start3A_190 : memref<1x128xi32, #tpu.memory_space<vmem>> -> memref<128xi32, #tpu.memory_space<vmem>>
        %dma_start3A_192 = arith.constant 0 : i32
        %dma_start3A_193 = arith.constant 0 : i32
        %dma_start3A_194 = tpu.memref_slice %arg3[%dma_start3A_192, %dma_start3A_193] : memref<10496x64xf32, #tpu.memory_space<hbm>> -> memref<10496x64xf32, #tpu.memory_space<hbm>>
        tpu.enqueue_indirect_dma source(%dma_start3A_194 : memref<10496x64xf32, #tpu.memory_space<hbm>>) target(%arg12 : memref<128x64xf32, #tpu.memory_space<vmem>>) offsets(%dma_start3A_191 : memref<128xi32, #tpu.memory_space<vmem>>) semaphore(%arg18 : memref<!tpu.dma_semaphore, #tpu.memory_space<semaphore_mem>>)
      } else {
      }
    }
    %scan3A_105 = arith.constant 20 : i32
    %barrier3A_106 = arith.constant 0 : index
    tpu.barrier barrier_id(%barrier3A_106)
    %run_scoped3A_107 = arith.constant 1 : i32
    "tpu.region"() ({
      %run_scoped3A_108 = tpu.sem_alloc : memref<!tpu.dma_semaphore, #tpu.memory_space<semaphore_mem>>
      %dma_start3A_109 = arith.constant 0 : i32
      %dma_start3A_110 = tpu.memref_slice %arg6[%run_scoped3A_107, %arg0, %mul3A_2, %dma_start3A_109] : memref<2x2x10496x64xf32, #tpu.memory_space<hbm>> -> memref<1x1x656x64xf32, #tpu.memory_space<hbm>>
      %dma_start3A_111 = tpu.memref_squeeze %dma_start3A_110 : memref<1x1x656x64xf32, #tpu.memory_space<hbm>> -> memref<656x64xf32, #tpu.memory_space<hbm>>
      %dma_start3A_112 = arith.constant 0 : i32
      %dma_start3A_113 = tpu.memref_slice %arg14[%mul3A_2, %dma_start3A_112] : memref<10496x64xf32, #tpu.memory_space<vmem_shared>> -> memref<656x64xf32, #tpu.memory_space<vmem_shared>>
      tpu.enqueue_dma source(%dma_start3A_113 : memref<656x64xf32, #tpu.memory_space<vmem_shared>>) target(%dma_start3A_111 : memref<656x64xf32, #tpu.memory_space<hbm>>) target_semaphore(%run_scoped3A_108 : memref<!tpu.dma_semaphore, #tpu.memory_space<semaphore_mem>>)
      %dma_wait3A = arith.constant 0 : i32
      %dma_wait3A_114 = tpu.memref_slice %arg6[%run_scoped3A_107, %arg0, %mul3A_2, %dma_wait3A] : memref<2x2x10496x64xf32, #tpu.memory_space<hbm>> -> memref<1x1x656x64xf32, #tpu.memory_space<hbm>>
      %dma_wait3A_115 = tpu.memref_squeeze %dma_wait3A_114 : memref<1x1x656x64xf32, #tpu.memory_space<hbm>> -> memref<656x64xf32, #tpu.memory_space<hbm>>
      %dma_wait3A_116 = arith.constant 0 : i32
      %dma_wait3A_117 = tpu.memref_slice %arg14[%mul3A_2, %dma_wait3A_116] : memref<10496x64xf32, #tpu.memory_space<vmem_shared>> -> memref<656x64xf32, #tpu.memory_space<vmem_shared>>
      tpu.wait_dma2 semaphore(%run_scoped3A_108 : memref<!tpu.dma_semaphore, #tpu.memory_space<semaphore_mem>>) src(%dma_wait3A_117 : memref<656x64xf32, #tpu.memory_space<vmem_shared>>) dst(%dma_wait3A_115 : memref<656x64xf32, #tpu.memory_space<hbm>>)
      tpu.yield
    }) : () -> ()
    return
  }
}

module attributes {stable_mosaic.version = 14 : i64} {
  func.func @body(%arg0: memref<10000x128xf32, #tpu.memory_space<vmem>>, %arg1: memref<128x128xf32, #tpu.memory_space<vmem>>, %arg2: memref<10000x128xf32, #tpu.memory_space<vmem>>) attributes {dimension_semantics = [], scalar_prefetch = 0 : i64, scratch_operands = 0 : i64, tpu.core_type = #tpu.core_type<tc>} {
    %get3A = arith.constant 0 : index
    %get3A_0 = arith.constant 0 : index
    %get3A_1 = vector.load %arg0[%get3A, %get3A_0] : memref<10000x128xf32, #tpu.memory_space<vmem>>, vector<10000x128xf32>
    %get3A_2 = arith.constant 0 : index
    %get3A_3 = arith.constant 0 : index
    %get3A_4 = vector.load %arg1[%get3A_2, %get3A_3] : memref<128x128xf32, #tpu.memory_space<vmem>>, vector<128x128xf32>
    %dot_general3A = arith.constant dense<0.000000e+00> : vector<10000x128xf32>
    %dot_general3A_5 = tpu.matmul %get3A_1, %get3A_4, %dot_general3A {dimension_numbers = #tpu.dot_dimension_numbers<[1], [0], [0], [1], [0, 0, 1, 1], [], []>, transpose_lhs_hint = false} : vector<10000x128xf32>, vector<128x128xf32>, vector<10000x128xf32> -> vector<10000x128xf32>
    %swap3A = arith.constant 0 : index
    %swap3A_6 = arith.constant 0 : index
    %swap3A_7 = vector.load %arg2[%swap3A, %swap3A_6] : memref<10000x128xf32, #tpu.memory_space<vmem>>, vector<10000x128xf32>
    tpu.vector_store %arg2[%swap3A, %swap3A_6], %dot_general3A_5 {strides = array<i32>} : memref<10000x128xf32, #tpu.memory_space<vmem>>, vector<10000x128xf32>,
    return
  }
}

module attributes {stable_mosaic.version = 14 : i64} {
  func.func @body(%arg0: memref<10000x128xf32, #tpu.memory_space<vmem>>, %arg1: memref<10000x1xf32, #tpu.memory_space<vmem>>, %arg2: memref<10496x64xf32, #tpu.memory_space<vmem>>, %arg3: memref<10496x64xf32, #tpu.memory_space<vmem>>) attributes {dimension_semantics = [], scalar_prefetch = 0 : i64, scratch_operands = 0 : i64, tpu.core_type = #tpu.core_type<tc>} {
    %get3A = arith.constant 0 : index
    %get3A_0 = arith.constant 0 : index
    %get3A_1 = vector.load %arg0[%get3A, %get3A_0] : memref<10000x128xf32, #tpu.memory_space<vmem>>, vector<10000x128xf32>
    %get3A_2 = arith.constant 0 : index
    %get3A_3 = arith.constant 0 : index
    %get3A_4 = vector.load %arg1[%get3A_2, %get3A_3] : memref<10000x1xf32, #tpu.memory_space<vmem>>, vector<10000x1xf32>
    %mul3A = vector.broadcast %get3A_4 : vector<10000x1xf32> to vector<10000x128xf32>
    %mul3A_5 = arith.mulf %get3A_1, %mul3A : vector<10000x128xf32>
    %slice3A = vector.extract_strided_slice %mul3A_5 {offsets = [0, 0], sizes = [10000, 64], strides = [1, 1]} : vector<10000x128xf32> to vector<10000x64xf32>
    %swap3A = arith.constant 0 : index
    %swap3A_6 = arith.constant 0 : index
    %swap3A_7 = vector.load %arg2[%swap3A, %swap3A_6] : memref<10496x64xf32, #tpu.memory_space<vmem>>, vector<10000x64xf32>
    tpu.vector_store %arg2[%swap3A, %swap3A_6], %slice3A {strides = array<i32>} : memref<10496x64xf32, #tpu.memory_space<vmem>>, vector<10000x64xf32>,
    %slice3A_8 = vector.extract_strided_slice %mul3A_5 {offsets = [0, 64], sizes = [10000, 64], strides = [1, 1]} : vector<10000x128xf32> to vector<10000x64xf32>
    %swap3A_9 = arith.constant 0 : index
    %swap3A_10 = arith.constant 0 : index
    %swap3A_11 = vector.load %arg3[%swap3A_9, %swap3A_10] : memref<10496x64xf32, #tpu.memory_space<vmem>>, vector<10000x64xf32>
    tpu.vector_store %arg3[%swap3A_9, %swap3A_10], %slice3A_8 {strides = array<i32>} : memref<10496x64xf32, #tpu.memory_space<vmem>>, vector<10000x64xf32>,
    %broadcast_in_dim3A = arith.constant 0.000000e+00 : f32
    %broadcast_in_dim3A_12 = vector.broadcast %broadcast_in_dim3A : f32 to vector<496x64xf32>
    %swap3A_13 = arith.constant 10000 : index
    %swap3A_14 = arith.constant 0 : index
    %swap3A_15 = vector.load %arg2[%swap3A_13, %swap3A_14] : memref<10496x64xf32, #tpu.memory_space<vmem>>, vector<496x64xf32>
    tpu.vector_store %arg2[%swap3A_13, %swap3A_14], %broadcast_in_dim3A_12 {strides = array<i32>} : memref<10496x64xf32, #tpu.memory_space<vmem>>, vector<496x64xf32>,
    %swap3A_16 = arith.constant 10000 : index
    %swap3A_17 = arith.constant 0 : index
    %swap3A_18 = vector.load %arg3[%swap3A_16, %swap3A_17] : memref<10496x64xf32, #tpu.memory_space<vmem>>, vector<496x64xf32>
    tpu.vector_store %arg3[%swap3A_16, %swap3A_17], %broadcast_in_dim3A_12 {strides = array<i32>} : memref<10496x64xf32, #tpu.memory_space<vmem>>, vector<496x64xf32>,
    return
  }
}

module attributes {stable_mosaic.version = 14 : i64} {
  func.func @body(%arg0: memref<2x2x10496x64xf32, #tpu.memory_space<vmem>>, %arg1: memref<10000x1xf32, #tpu.memory_space<vmem>>, %arg2: memref<1x128xf32, #tpu.memory_space<vmem>>, %arg3: memref<128x128xf32, #tpu.memory_space<vmem>>, %arg4: memref<10000x1xf32, #tpu.memory_space<vmem>>, %arg5: memref<10496x64xf32, #tpu.memory_space<vmem>>, %arg6: memref<10496x64xf32, #tpu.memory_space<vmem>>) attributes {dimension_semantics = [], scalar_prefetch = 0 : i64, scratch_operands = 0 : i64, tpu.core_type = #tpu.core_type<tc>} {
    %get3A = arith.constant 0 : index
    %get3A_0 = arith.constant 0 : index
    %get3A_1 = arith.constant 0 : index
    %get3A_2 = arith.constant 0 : index
    %get3A_3 = vector.load %arg0[%get3A, %get3A_0, %get3A_1, %get3A_2] : memref<2x2x10496x64xf32, #tpu.memory_space<vmem>>, vector<1x1x10000x64xf32>
    %get3A_4 = vector.shape_cast %get3A_3 : vector<1x1x10000x64xf32> to vector<10000x64xf32>
    %get3A_5 = arith.constant 0 : index
    %get3A_6 = arith.constant 1 : index
    %get3A_7 = arith.constant 0 : index
    %get3A_8 = arith.constant 0 : index
    %get3A_9 = vector.load %arg0[%get3A_5, %get3A_6, %get3A_7, %get3A_8] : memref<2x2x10496x64xf32, #tpu.memory_space<vmem>>, vector<1x1x10000x64xf32>
    %get3A_10 = vector.shape_cast %get3A_9 : vector<1x1x10000x64xf32> to vector<10000x64xf32>
    %add3A = arith.addf %get3A_4, %get3A_10 : vector<10000x64xf32>
    %get3A_11 = arith.constant 1 : index
    %get3A_12 = arith.constant 0 : index
    %get3A_13 = arith.constant 0 : index
    %get3A_14 = arith.constant 0 : index
    %get3A_15 = vector.load %arg0[%get3A_11, %get3A_12, %get3A_13, %get3A_14] : memref<2x2x10496x64xf32, #tpu.memory_space<vmem>>, vector<1x1x10000x64xf32>
    %get3A_16 = vector.shape_cast %get3A_15 : vector<1x1x10000x64xf32> to vector<10000x64xf32>
    %get3A_17 = arith.constant 1 : index
    %get3A_18 = arith.constant 1 : index
    %get3A_19 = arith.constant 0 : index
    %get3A_20 = arith.constant 0 : index
    %get3A_21 = vector.load %arg0[%get3A_17, %get3A_18, %get3A_19, %get3A_20] : memref<2x2x10496x64xf32, #tpu.memory_space<vmem>>, vector<1x1x10000x64xf32>
    %get3A_22 = vector.shape_cast %get3A_21 : vector<1x1x10000x64xf32> to vector<10000x64xf32>
    %add3A_23 = arith.addf %get3A_16, %get3A_22 : vector<10000x64xf32>
    %concatenate3A = tpu.concatenate %add3A, %add3A_23 in 1 : vector<10000x64xf32>, vector<10000x64xf32> -> vector<10000x128xf32>
    %get3A_24 = arith.constant 0 : index
    %get3A_25 = arith.constant 0 : index
    %get3A_26 = vector.load %arg1[%get3A_24, %get3A_25] : memref<10000x1xf32, #tpu.memory_space<vmem>>, vector<10000x1xf32>
    %mul3A = vector.broadcast %get3A_26 : vector<10000x1xf32> to vector<10000x128xf32>
    %mul3A_27 = arith.mulf %concatenate3A, %mul3A : vector<10000x128xf32>
    %get3A_28 = arith.constant 0 : index
    %get3A_29 = arith.constant 0 : index
    %get3A_30 = vector.load %arg2[%get3A_28, %get3A_29] : memref<1x128xf32, #tpu.memory_space<vmem>>, vector<1x128xf32>
    %add3A_31 = vector.broadcast %get3A_30 : vector<1x128xf32> to vector<10000x128xf32>
    %add3A_32 = arith.addf %mul3A_27, %add3A_31 : vector<10000x128xf32>
    %max3A = arith.constant 0.000000e+00 : f32
    %max3A_33 = vector.broadcast %max3A : f32 to vector<10000x128xf32>
    %max3A_34 = arith.maximumf %add3A_32, %max3A_33 : vector<10000x128xf32>
    %get3A_35 = arith.constant 0 : index
    %get3A_36 = arith.constant 0 : index
    %get3A_37 = vector.load %arg3[%get3A_35, %get3A_36] : memref<128x128xf32, #tpu.memory_space<vmem>>, vector<128x128xf32>
    %dot_general3A = arith.constant dense<0.000000e+00> : vector<10000x128xf32>
    %dot_general3A_38 = tpu.matmul %max3A_34, %get3A_37, %dot_general3A {dimension_numbers = #tpu.dot_dimension_numbers<[1], [0], [0], [1], [0, 0, 1, 1], [], []>, transpose_lhs_hint = false} : vector<10000x128xf32>, vector<128x128xf32>, vector<10000x128xf32> -> vector<10000x128xf32>
    %get3A_39 = arith.constant 0 : index
    %get3A_40 = arith.constant 0 : index
    %get3A_41 = vector.load %arg4[%get3A_39, %get3A_40] : memref<10000x1xf32, #tpu.memory_space<vmem>>, vector<10000x1xf32>
    %mul3A_42 = vector.broadcast %get3A_41 : vector<10000x1xf32> to vector<10000x128xf32>
    %mul3A_43 = arith.mulf %dot_general3A_38, %mul3A_42 : vector<10000x128xf32>
    %slice3A = vector.extract_strided_slice %mul3A_43 {offsets = [0, 0], sizes = [10000, 64], strides = [1, 1]} : vector<10000x128xf32> to vector<10000x64xf32>
    %swap3A = arith.constant 0 : index
    %swap3A_44 = arith.constant 0 : index
    %swap3A_45 = vector.load %arg5[%swap3A, %swap3A_44] : memref<10496x64xf32, #tpu.memory_space<vmem>>, vector<10000x64xf32>
    tpu.vector_store %arg5[%swap3A, %swap3A_44], %slice3A {strides = array<i32>} : memref<10496x64xf32, #tpu.memory_space<vmem>>, vector<10000x64xf32>,
    %slice3A_46 = vector.extract_strided_slice %mul3A_43 {offsets = [0, 64], sizes = [10000, 64], strides = [1, 1]} : vector<10000x128xf32> to vector<10000x64xf32>
    %swap3A_47 = arith.constant 0 : index
    %swap3A_48 = arith.constant 0 : index
    %swap3A_49 = vector.load %arg6[%swap3A_47, %swap3A_48] : memref<10496x64xf32, #tpu.memory_space<vmem>>, vector<10000x64xf32>
    tpu.vector_store %arg6[%swap3A_47, %swap3A_48], %slice3A_46 {strides = array<i32>} : memref<10496x64xf32, #tpu.memory_space<vmem>>, vector<10000x64xf32>,
    %broadcast_in_dim3A = arith.constant 0.000000e+00 : f32
    %broadcast_in_dim3A_50 = vector.broadcast %broadcast_in_dim3A : f32 to vector<496x64xf32>
    %swap3A_51 = arith.constant 10000 : index
    %swap3A_52 = arith.constant 0 : index
    %swap3A_53 = vector.load %arg5[%swap3A_51, %swap3A_52] : memref<10496x64xf32, #tpu.memory_space<vmem>>, vector<496x64xf32>
    tpu.vector_store %arg5[%swap3A_51, %swap3A_52], %broadcast_in_dim3A_50 {strides = array<i32>} : memref<10496x64xf32, #tpu.memory_space<vmem>>, vector<496x64xf32>,
    %swap3A_54 = arith.constant 10000 : index
    %swap3A_55 = arith.constant 0 : index
    %swap3A_56 = vector.load %arg6[%swap3A_54, %swap3A_55] : memref<10496x64xf32, #tpu.memory_space<vmem>>, vector<496x64xf32>
    tpu.vector_store %arg6[%swap3A_54, %swap3A_55], %broadcast_in_dim3A_50 {strides = array<i32>} : memref<10496x64xf32, #tpu.memory_space<vmem>>, vector<496x64xf32>,
    return
  }
}

module attributes {stable_mosaic.version = 14 : i64} {
  func.func @body(%arg0: memref<2x2x10496x64xf32, #tpu.memory_space<vmem>>, %arg1: memref<10000x1xf32, #tpu.memory_space<vmem>>, %arg2: memref<1x128xf32, #tpu.memory_space<vmem>>, %arg3: memref<128x128xf32, #tpu.memory_space<vmem>>, %arg4: memref<1x128xf32, #tpu.memory_space<vmem>>, %arg5: memref<10000x128xf32, #tpu.memory_space<vmem>>) attributes {dimension_semantics = [], scalar_prefetch = 0 : i64, scratch_operands = 0 : i64, tpu.core_type = #tpu.core_type<tc>} {
    %get3A = arith.constant 0 : index
    %get3A_0 = arith.constant 0 : index
    %get3A_1 = arith.constant 0 : index
    %get3A_2 = arith.constant 0 : index
    %get3A_3 = vector.load %arg0[%get3A, %get3A_0, %get3A_1, %get3A_2] : memref<2x2x10496x64xf32, #tpu.memory_space<vmem>>, vector<1x1x10000x64xf32>
    %get3A_4 = vector.shape_cast %get3A_3 : vector<1x1x10000x64xf32> to vector<10000x64xf32>
    %get3A_5 = arith.constant 0 : index
    %get3A_6 = arith.constant 1 : index
    %get3A_7 = arith.constant 0 : index
    %get3A_8 = arith.constant 0 : index
    %get3A_9 = vector.load %arg0[%get3A_5, %get3A_6, %get3A_7, %get3A_8] : memref<2x2x10496x64xf32, #tpu.memory_space<vmem>>, vector<1x1x10000x64xf32>
    %get3A_10 = vector.shape_cast %get3A_9 : vector<1x1x10000x64xf32> to vector<10000x64xf32>
    %add3A = arith.addf %get3A_4, %get3A_10 : vector<10000x64xf32>
    %get3A_11 = arith.constant 1 : index
    %get3A_12 = arith.constant 0 : index
    %get3A_13 = arith.constant 0 : index
    %get3A_14 = arith.constant 0 : index
    %get3A_15 = vector.load %arg0[%get3A_11, %get3A_12, %get3A_13, %get3A_14] : memref<2x2x10496x64xf32, #tpu.memory_space<vmem>>, vector<1x1x10000x64xf32>
    %get3A_16 = vector.shape_cast %get3A_15 : vector<1x1x10000x64xf32> to vector<10000x64xf32>
    %get3A_17 = arith.constant 1 : index
    %get3A_18 = arith.constant 1 : index
    %get3A_19 = arith.constant 0 : index
    %get3A_20 = arith.constant 0 : index
    %get3A_21 = vector.load %arg0[%get3A_17, %get3A_18, %get3A_19, %get3A_20] : memref<2x2x10496x64xf32, #tpu.memory_space<vmem>>, vector<1x1x10000x64xf32>
    %get3A_22 = vector.shape_cast %get3A_21 : vector<1x1x10000x64xf32> to vector<10000x64xf32>
    %add3A_23 = arith.addf %get3A_16, %get3A_22 : vector<10000x64xf32>
    %concatenate3A = tpu.concatenate %add3A, %add3A_23 in 1 : vector<10000x64xf32>, vector<10000x64xf32> -> vector<10000x128xf32>
    %get3A_24 = arith.constant 0 : index
    %get3A_25 = arith.constant 0 : index
    %get3A_26 = vector.load %arg1[%get3A_24, %get3A_25] : memref<10000x1xf32, #tpu.memory_space<vmem>>, vector<10000x1xf32>
    %mul3A = vector.broadcast %get3A_26 : vector<10000x1xf32> to vector<10000x128xf32>
    %mul3A_27 = arith.mulf %concatenate3A, %mul3A : vector<10000x128xf32>
    %get3A_28 = arith.constant 0 : index
    %get3A_29 = arith.constant 0 : index
    %get3A_30 = vector.load %arg2[%get3A_28, %get3A_29] : memref<1x128xf32, #tpu.memory_space<vmem>>, vector<1x128xf32>
    %add3A_31 = vector.broadcast %get3A_30 : vector<1x128xf32> to vector<10000x128xf32>
    %add3A_32 = arith.addf %mul3A_27, %add3A_31 : vector<10000x128xf32>
    %max3A = arith.constant 0.000000e+00 : f32
    %max3A_33 = vector.broadcast %max3A : f32 to vector<10000x128xf32>
    %max3A_34 = arith.maximumf %add3A_32, %max3A_33 : vector<10000x128xf32>
    %get3A_35 = arith.constant 0 : index
    %get3A_36 = arith.constant 0 : index
    %get3A_37 = vector.load %arg3[%get3A_35, %get3A_36] : memref<128x128xf32, #tpu.memory_space<vmem>>, vector<128x128xf32>
    %dot_general3A = arith.constant dense<0.000000e+00> : vector<10000x128xf32>
    %dot_general3A_38 = tpu.matmul %max3A_34, %get3A_37, %dot_general3A {dimension_numbers = #tpu.dot_dimension_numbers<[1], [0], [0], [1], [0, 0, 1, 1], [], []>, transpose_lhs_hint = false} : vector<10000x128xf32>, vector<128x128xf32>, vector<10000x128xf32> -> vector<10000x128xf32>
    %get3A_39 = arith.constant 0 : index
    %get3A_40 = arith.constant 0 : index
    %get3A_41 = vector.load %arg4[%get3A_39, %get3A_40] : memref<1x128xf32, #tpu.memory_space<vmem>>, vector<1x128xf32>
    %add3A_42 = vector.broadcast %get3A_41 : vector<1x128xf32> to vector<10000x128xf32>
    %add3A_43 = arith.addf %dot_general3A_38, %add3A_42 : vector<10000x128xf32>
    %swap3A = arith.constant 0 : index
    %swap3A_44 = arith.constant 0 : index
    %swap3A_45 = vector.load %arg5[%swap3A, %swap3A_44] : memref<10000x128xf32, #tpu.memory_space<vmem>>, vector<10000x128xf32>
    tpu.vector_store %arg5[%swap3A, %swap3A_44], %add3A_43 {strides = array<i32>} : memref<10000x128xf32, #tpu.memory_space<vmem>>, vector<10000x128xf32>,
    return
  }
}

</mosaic_0001>

<sc_bundles>
// kernel: gcn_spmm.4.cloned.1.call-start
scs
__scs_entry_jumppad:
0x0: {  	(pc) =	sbr.rel $0x88, $3  }
0x1: {  	(tag) =	ssettag $0x0;
	lr =	simm.s32 $0x1  }
0x2: {  	[smem:$0x3F99] =	sst lr;
	_ =	strace $0xD0000000  }
0x3: {  	_ = 	snop  }
0x4: {  	_ = 	snop  }
0x5: {  	_ = 	snop  }
0x6: {  	_ = 	snop  }
0x7: {  	_ = 	snop  }
__scs_overlays_trampoline_lowered:
0x8: {  	[smem:$0x3FA8] =	sst s0  }
0x9: {  	[smem:$0x3FA9] =	sst s1  }
0xa: {  	[smem:$0x3FAA] =	sst s2  }
0xb: {  	[smem:$0x3FAB] =	sst s3  }
0xc: {  	[smem:$0x3FAC] =	sst s4  }
0xd: {  	[smem:$0x3FAD] =	sst s5  }
0xe: {  	[smem:$0x3FAE] =	sst s6  }
0xf: {  	[smem:$0x3FAF] =	sst s7  }
0x10: {  	[smem:$0x3FB0] =	sst s8  }
0x11: {  	[smem:$0x3FB1] =	sst s9;
	s0 =	simm.s32 @!p0 $0x0  }
0x12: {  	s1 =	sld [smem:$0x3F97];
	s0 =	simm.s32 @p0 $0x1  }
0x13: {  	[smem:$0x3FB2] =	sst s0;
	s0 =	simm.s32 @!p1 $0x0  }
0x14: {  	s2 =	sld [smem:$0x3F96];
	s0 =	simm.s32 @p1 $0x1  }
0x15: {  	[smem:$0x3FB3] =	sst s0;
	s0 =	simm.s32 @!p2 $0x0  }
0x16: {  	s3 =	sld [smem:$0x3FDB];
	s0 =	simm.s32 @p2 $0x1  }
0x17: {  	s4 =	simm.s32 $0x1BF5;
	[smem:$0x3FB5] =	sst s0  }
0x18: {  	s0 =	sld [smem:$0x3F98];
	_ =	swait.ge [sflag:s4], $0x0  }
0x19: {  	s7 =	sld [smem:$0x3F99]  }
0x1a: {  	s8 =	sadd.s32 $0xFFFFE003, lr  }
0x1b: {  	s9 =	sadd.s32 $0xFFFFFEF7, lr;
	s5 =	simm.s32 $0xFFFFFFFF;
	p2 =	slt.u32 s8, $0xFFFFF086  }
0x1c: {  	p1 =	slt.u32 s9, $0xF7A;
	s5 =	simm.s32 @!p2 $0x0  }
0x1d: {  	s5 =	simm.s32 @p1 $0x1;
	p0 =	seq.s32 s7, s2  }
0x1e: {  	s7 =	smul.u32 @!p0 $0xF7A, s2;
	p2 =	seq.s32 @!p0 s5, $0x0  }
0x1f: {  	s9 =	smul.u32 $0xF7A, s1;
	s8 =	simm.s32 @!p0 $0x1BF5;
	p2 =	por !p2, p0  }
0x20: {  	[sflag:s8] =	ssyncset.s32 @!p0 $0xFFFFF086;
	s6 =	sadd.s32 @!p0 s3, s7;
	s7 =	simm.s32 @!p0 $0x108  }
0x21: {  	s3 =	sadd.s32 s3, s9;
	s6 =	sadd.s32 @!p0 $0x88, s6;
	s7 =	simm.s32 @p2 $0x1082  }
0x22: {  	[simem:s7], [sflag:s8] =	dma.local @!p0 [hbm:s6], $0xF7A  }
0x23: {  	s9 =	sor.u32 $0xD0000000, s2;
	s6 =	simm.s32 $0x108;
	_ =	swait.ge @!p0 [sflag:s8], $0x0  }
0x24: {  	s3 =	sadd.s32 $0x88, s3;
	s6 =	simm.s32 @!p1 $0x1082;
	[sflag:s4] =	ssyncset.s32 $0xFFFFF086  }
0x25: {  	[simem:s6], [sflag:s4] =	dma.local [hbm:s3], $0xF7A  }
0x26: {  	[smem:$0x3F99] =	sst s1;
	(tag) =	ssettag s2;
	_ =	strace s9  }
0x27: {  	s1 =	sld [smem:$0x3FA9]  }
0x28: {  	s2 =	sld [smem:$0x3FAA]  }
0x29: {  	s4 =	sld [smem:$0x3FAC]  }
0x2a: {  	p0 =	seq.s32 s5, $0x0;
	s5 =	sld [smem:$0x3FAD]  }
0x2b: {  	s6 =	sld [smem:$0x3FAE]  }
0x2c: {  	s7 =	sld [smem:$0x3FAF]  }
0x2d: {  	s3 =	simm.s32 $0x108;
	s8 =	sld [smem:$0x3FB0]  }
0x2e: {  	s3 =	simm.s32 @!p0 $0x1082;
	s9 =	sld [smem:$0x3FB1]  }
0x2f: {  	lr =	sadd.s32 s0, s3;
	s0 =	sld [smem:$0x3FA8]  }
0x30: {  	s3 =	sld [smem:$0x3FAB]  }
0x31: {  	[smem:$0x3FB4] =	sst s10  }
0x32: {  	s10 =	sld [smem:$0x3FB2];
	_ =	sdelay $0x3  }
0x33: {  	p0 =	seq.s32 s10, $0x1;
	s10 =	sld [smem:$0x3FB4];
	_ =	sdelay $0x3  }
0x34: {  	[smem:$0x3FB4] =	sst s10  }
0x35: {  	s10 =	sld [smem:$0x3FB3];
	_ =	sdelay $0x3  }
0x36: {  	p1 =	seq.s32 s10, $0x1;
	s10 =	sld [smem:$0x3FB4];
	_ =	sdelay $0x3  }
0x37: {  	[smem:$0x3FB4] =	sst s10  }
0x38: {  	s10 =	sld [smem:$0x3FB5]  }
0x39: {  	_ = 	snop;
	(pc) =	sbr.ind lr, $3  }
0x3a: {  	_ = 	snop  }
0x3b: {  	_ = 	snop  }
0x3c: {  	p2 =	seq.s32 s10, $0x1;
	s10 =	sld [smem:$0x3FB4]  }
0x3d: {  	_ =	shalt  }
0x3e: {  	_ =	shalt  }
0x3f: {  	_ =	shalt  }
0x40: {  	_ =	shalt  }
0x41: {  	_ =	shalt  }
0x42: {  	_ =	shalt  }
0x43: {  	_ =	shalt  }
0x44: {  	_ =	shalt  }
0x45: {  	_ =	shalt  }
0x46: {  	_ =	shalt  }
0x47: {  	_ =	shalt  }
0x48: {  	_ =	shalt  }
0x49: {  	_ =	shalt  }
0x4a: {  	_ =	shalt  }
0x4b: {  	_ =	shalt  }
0x4c: {  	_ =	shalt  }
0x4d: {  	_ =	shalt  }
0x4e: {  	_ =	shalt  }
0x4f: {  	_ =	shalt  }
0x50: {  	_ =	shalt  }
0x51: {  	_ =	shalt  }
0x52: {  	_ =	shalt  }
0x53: {  	_ =	shalt  }
0x54: {  	_ =	shalt  }
0x55: {  	_ =	shalt  }
0x56: {  	_ =	shalt  }
0x57: {  	_ =	shalt  }
0x58: {  	_ =	shalt  }
0x59: {  	_ =	shalt  }
0x5a: {  	_ =	shalt  }
0x5b: {  	_ =	shalt  }
0x5c: {  	_ =	shalt  }
0x5d: {  	_ =	shalt  }
0x5e: {  	_ =	shalt  }
0x5f: {  	_ =	shalt  }
0x60: {  	_ =	shalt  }
0x61: {  	_ =	shalt  }
0x62: {  	_ =	shalt  }
0x63: {  	_ =	shalt  }
0x64: {  	_ =	shalt  }
0x65: {  	_ =	shalt  }
0x66: {  	_ =	shalt  }
0x67: {  	_ =	shalt  }
0x68: {  	_ =	shalt  }
0x69: {  	_ =	shalt  }
0x6a: {  	_ =	shalt  }
0x6b: {  	_ =	shalt  }
0x6c: {  	_ =	shalt  }
0x6d: {  	_ =	shalt  }
0x6e: {  	_ =	shalt  }
0x6f: {  	_ =	shalt  }
0x70: {  	_ =	shalt  }
0x71: {  	_ =	shalt  }
0x72: {  	_ =	shalt  }
0x73: {  	_ =	shalt  }
0x74: {  	_ =	shalt  }
0x75: {  	_ =	shalt  }
0x76: {  	_ =	shalt  }
0x77: {  	_ =	shalt  }
0x78: {  	_ =	shalt  }
0x79: {  	_ =	shalt  }
0x7a: {  	_ =	shalt  }
0x7b: {  	_ =	shalt  }
0x7c: {  	_ =	shalt  }
0x7d: {  	_ =	shalt  }
0x7e: {  	_ =	shalt  }
0x7f: {  	_ =	shalt  }
0x80: {  	_ =	shalt  }
0x81: {  	_ =	shalt  }
0x82: {  	_ =	shalt  }
0x83: {  	_ =	shalt  }
0x84: {  	_ =	shalt  }
0x85: {  	_ =	shalt  }
0x86: {  	_ =	shalt  }
0x87: {  	_ =	shalt  }
.Lfunc_end0:
.L_simem_size_0:
called_computation.1_lowered:
.L_overlay_start_0:
0x88: {  	s2 =	sld [smem:$0x3FD9]  }
0x89: {  	s3 =	sld [smem:$0x3FFE];
	_ =	sdelay $0x1  }
0x8a: {  	s1 =	srdreg.scid  }
0x8b: {  	s0 =	sand.u32 $0x1, s1  }
0x8c: {  	s17 =	sshll.u32 s0, $0xA;
	s2 =	sadd.s32 s3, s2  }
0x8d: {  	s2 =	sadd.s32 s2, s17  }
0x8e: {  	[smem:$0x3FC0] =	sst s2  }
0x8f: {  	_ = 	snop  }
0x90: {  	s2 =	sld [smem:$0x3FD0];
	(tm) =	ssettm $0x1  }
0x91: {  	s18 =	sld [smem:$0x3FFB];
	_ =	sdelay $0x3  }
0x92: {  	_ =	strace s18  }
0x93: {  	s3 =	sld [smem:$0x3FFC];
	_ =	sdelay $0x3  }
0x94: {  	_ =	strace s3  }
0x95: {  	s3 =	sld [smem:$0x3FFD];
	_ =	sdelay $0x3  }
0x96: {  	_ =	strace s3  }
0x97: {  	_ =	strace $0x8FFFFFFF  }
0x98: {  	s19 =	sld [smem:$0x3FDB];
	_ =	sdelay $0x1  }
0x99: {  	s4 =	simm.s32 $_scs_section_size  }
0x9a: {  	s5 =	simm.s32 $_size__tile_overlayer_lowered;
	s6 =	simm.s32 $_tile_overlayer_lowered  }
0x9b: {  	s22 =	simm.s32 $0x1BFF;
	s21 =	sshll.u32 s6, $0x1;
	s3 =	sadd.s32 s4, s19  }
0x9c: {  	s7 =	simm.s32 $0x0;
	s20 =	sshll.u32 s5, $0x1;
	s5 =	sadd.s32 s21, s3  }
0x9d: {  	[timem:s7], [sflag:s22] =	dma.local [hbm:s5], s20  }
0x9e: {  	_ =	swait.ge [sflag:s22], s20  }
0x9f: {  	s4 =	ssub.s32 $0x0, s20;
	[sflag:s22] =	ssyncset.done $0x0  }
0xa0: {  	[sflag:s22] =	ssyncadd.s32 s4;
	_ =	sdelay $0x1  }
0xa1: {  	s23 =	simm.s32 $0x1B8B  }
0xa2: {  	_ =	swait.ge [sflag:s23], $0x1  }
0xa3: {  	[sflag:s23] =	ssyncset.done $0x0  }
0xa4: {  	s25 =	simm.s32 $0x1B8E;
	s24 =	sld [smem:$0x3FFE];
	[sflag:s23] =	ssyncadd.s32 $0xFFFFFFFF  }
0xa5: {  	s26 =	simm.s32 $execute0_lowered;
	[smem:$0x3FD2] =	sst s25  }
0xa6: {  	s5 =	sshll.u32 s26, $0x1;
	_ =	strace $0x80000049;
	[dreg:$0x1] =	wrdreg $0xFFFFFFFF  }
0xa7: {  	s28 =	simm.s32 $_size_execute0_lowered;
	s3 =	sadd.s32 s3, s5;
	[dreg:$0x0] =	wrdreg $0x0  }
0xa8: {  	s5 =	sshll.u32 s28, $0x1;
	[dreg:$0x2] =	wrdreg s3  }
0xa9: {  	[dreg:$0x3] =	wrdreg s5  }
0xaa: {  	[dreg:$0x4] =	wrdreg $0xC0  }
0xab: {  	_ =	task [dreg:s7], $0x5FFFF  }
0xac: {  	[dreg:$0x1] =	wrdreg $0xFFFFFFFF  }
0xad: {  	[dreg:$0x0] =	wrdreg $0x60  }
0xae: {  	[dreg:$0x2] =	wrdreg s2  }
0xaf: {  	[dreg:$0x3] =	wrdreg s24  }
0xb0: {  	[dreg:$0x4] =	wrdreg $0xE4800  }
0xb1: {  	[dreg:$0x5] =	wrdreg $0x9  }
0xb2: {  	_ =	task.clear_ibuf [dreg:s7], $0x6FFFF;
	_ =	strace $0x90000049  }
0xb3: {  	s29 =	simm.s32 $0x9;
	_ =	strace $0x8000004B  }
0xb4: {  	_ =	swait.ge [sflag:s29], $0x1  }
0xb5: {  	[sflag:s29] =	ssyncadd.s32 $0xFFFFFFFF  }
0xb6: {  	_ =	strace $0x9000004B  }
0xb7: {  	_ =	sfence  }
0xb8: {  	s30 =	sld [smem:$0x0];
	_ =	sdelay $0x2  }
0xb9: {  	s31 =	sshll.u32 s1, $0xD;
	s1 =	sshrl.u32 s1, $0x2  }
0xba: {  	s3 =	sand.u32 $0x4000, s31;
	s1 =	sadd.s32 s1, s30  }
0xbb: {  	s0 =	sor.u32 s3, s0;
	s1 =	sshll.u32 s1, $0x11  }
0xbc: {  	s0 =	sor.u32 s1, s0  }
0xbd: {  	s0 =	sadd.s32 $0x8F2B, s0  }
0xbe: {  	[sflag:s0] =	ssyncadd.remote.s32 $0x1  }
0xbf: {  	_ =	sfence.sel $0xFFFF  }
0xc0: {  	[dreg:$0x0] =	wrdreg $0xFFFFFFFF;
	(pc) =	sbr.abs _section_cstart, $3  }
0xc1: {  	[dreg:$0x1] =	wrdreg $0xFFFFFFFF  }
0xc2: {  	_ =	task.clear_ibuf [dreg:s7], $0x2FFFF;
	_ =	strace $0x9FFFFFFF  }
0xc3: {  	(tm) =	ssettm $0x7FFFFFFF  }
tec
execute0_lowered:
.L_overlay_start_1:
0x0: {  	(tag) =	ssettag $0x1  }
0x1: {  	s1 =	rddreg [dreg:$0x0]  }
0x2: {  	s0 =	rddreg [dreg:$0x1]  }
0x3: {  	s3 =	rddreg [dreg:$0x2];
	s2 =	srdreg.scid  }
0x4: {  	s9 =	stileid.u32;
	s4 =	simm.s32 $0x0;
	s19 =	simm.s32 $0x5  }
0x5: {  	s21 =	simm.s32 $0xD000;
	s28 =	simm.s32 $0x100;
	s29 =	simm.s32 $0xB000  }
0x6: {  	s30 =	simm.s32 $0x1;
	s31 =	simm.s32 $0x2;
	s20 =	simm.s32 $0x4  }
0x7: {  	s16 =	simm.s32 $0x4F80;
	s2 =	sand.u32 $0x1, s2;
	s6 =	smul.u32 $0xA400, s9  }
0x8: {  	[smem:$0x7FF] =	sst s4;
	s5 =	sshll.u32 s2, $0x4;
	s7 =	smul.u32 $0xA4000, s2  }
0x9: {  	s2 =	ssub.s32 $0x2, s2;
	s5 =	sor.u32 s9, s5;
	s9 =	smul.u32 $0x29000, s9  }
0xa: {  	_ =	strace $0x8000004A;
	s22 =	sshrl.u32 s2, $0x1;
	s8 =	smul.u32 $0x500, s5  }
0xb: {  	s5 =	sadd.s32 $0x16A00, s0;
	s7 =	sadd.s32 s6, s7;
	s2 =	ssub.s32 s2, s22  }
0xc: {  	s22 =	simm.s32 $0x80;
	s7 =	sshrl.u32 s7, $0x3;
	s9 =	sshrl.u32 s9, $0x2  }
0xd: {  	s26 =	smax.u32 s2, $0x1;
	s8 =	sadd.s32 s8, s0;
	s0 =	sadd.s32 s7, s0  }
0xe: {  	s24 =	sadd.s32 s9, s3;
	[dreg:$0x8] =	wrdreg s26;
	s26 =	simm.s32 $0x9000  }
0xf: {  	s7 =	simm.s32 $0x4F00;
	s23 =	sadd.s32 $0xC400, s8;
	s8 =	sadd.s32 $0x2400, s8  }
0x10: {  	s9 =	sadd.s32 $0x1480, s24;
	s10 =	sadd.s32 $0x2900, s24;
	s11 =	sadd.s32 $0x3D80, s24  }
0x11: {  	s12 =	sadd.s32 $0x5200, s24;
	s13 =	sadd.s32 $0x6680, s24;
	[dreg:$0x4] =	wrdreg s23  }
0x12: {  	s14 =	sadd.s32 $0x7B00, s24;
	s25 =	sadd.s32 $0x2B200, s0;
	[dreg:$0x5] =	wrdreg s8  }
0x13: {  	s15 =	sadd.s32 $0x8F80, s24;
	s0 =	sadd.s32 $0x54200, s0;
	[dreg:$0x6] =	wrdreg s25  }
0x14: {  	s24 =	simm.s32 $0x7000;
	s8 =	sadd.s32 s6, s3;
	[dreg:$0x7] =	wrdreg s0  }
0x15: {  	v0 =	vimm.f32 $0.0e+00;
	s23 =	simm.s32 $0x5000;
	s0 =	simm.s32 $0x3;
	s6 =	simm.s32 $0x4E80  }
.LBB2_1:
0x16: {  	s18 =	simm.s32 $0x100;
	s17 =	simm.s32 $0x0  }
.LBB2_2:
0x17: {  	p0 =	sne.s32 s18, $0x5100;
	[tilespmem:s17+$0xD030] =	vst v0;
	s25 =	smov.u32 s18;
	s18 =	sadd.s32 $0x100, s18  }
.Ltmp0:
0x18: {  	[tilespmem:s17+$0xD020] =	vst v0;
	(pc) =	sbr.rel @p0 .LBB2_2-.Ltmp0, $3  }
0x19: {  	[tilespmem:s17+$0xD000] =	vst v0  }
0x1a: {  	[tilespmem:s17+$0xD010] =	vst v0;
	_ =	sdelay $0x1  }
0x1b: {  	s17 =	sshra.s32 s25, $0x2  }
0x1c: {  	[tilespmem:s17+$0xD030] =	vst v0  }
0x1d: {  	[tilespmem:s17+$0xD020] =	vst v0  }
0x1e: {  	[tilespmem:s17+$0xD000] =	vst v0  }
0x1f: {  	[tilespmem:s17+$0xD010] =	vst v0;
	s17 =	simm.s32 $0x0;
	s2 =	rddreg [dreg:$0x4]  }
0x20: {  	[tilespmem:s17], [sflag:$0x5] =	stream.linear.gather [hbm4b:s2+s17], $0x2800, $0x38;
	[tilespmem:$0x18880] =	vst v63  }
0x21: {  	_ =	swait.ge [sflag:s19], $0x2800  }
0x22: {  	[sflag:s19] =	ssyncset.done $0x0  }
0x23: {  	s18 =	simm.s32 $0x2800;
	s25 =	rddreg [dreg:$0x5];
	[sflag:s19] =	ssyncadd.s32 $0xFFFFD800  }
0x24: {  	[tilespmem:s18], [sflag:$0x5] =	stream.linear.gather [hbm4b:s25+s17], $0x2800, $0x38;
	[tilespmem:$0x18880] =	vst v63  }
0x25: {  	_ =	swait.ge [sflag:s19], $0x2800  }
0x26: {  	[sflag:s19] =	ssyncset.done $0x0  }
0x27: {  	[sflag:s19] =	ssyncadd.s32 $0xFFFFD800  }
0x28: {  	[spmem:s8] =	stream.linear.scatter [tilespmem:s21], [sflag:$0x5], $0x1480, $0x38;
	[tilespmem:$0x18880] =	vst v63  }
0x29: {  	_ =	swait.ge [sflag:s19], $0x1480  }
0x2a: {  	[sflag:s19] =	ssyncset.done $0x0  }
0x2b: {  	[sflag:s19] =	ssyncadd.s32 $0xFFFFEB80  }
0x2c: {  	[spmem:s9] =	stream.linear.scatter [tilespmem:s21], [sflag:$0x5], $0x1480, $0x38;
	[tilespmem:$0x18880] =	vst v63  }
0x2d: {  	_ =	swait.ge [sflag:s19], $0x1480  }
0x2e: {  	[sflag:s19] =	ssyncset.done $0x0  }
0x2f: {  	[sflag:s19] =	ssyncadd.s32 $0xFFFFEB80  }
0x30: {  	[spmem:s10] =	stream.linear.scatter [tilespmem:s21], [sflag:$0x5], $0x1480, $0x38;
	[tilespmem:$0x18880] =	vst v63  }
0x31: {  	_ =	swait.ge [sflag:s19], $0x1480  }
0x32: {  	[sflag:s19] =	ssyncset.done $0x0  }
0x33: {  	[sflag:s19] =	ssyncadd.s32 $0xFFFFEB80  }
0x34: {  	[spmem:s11] =	stream.linear.scatter [tilespmem:s21], [sflag:$0x5], $0x1480, $0x38;
	[tilespmem:$0x18880] =	vst v63  }
0x35: {  	_ =	swait.ge [sflag:s19], $0x1480  }
0x36: {  	[sflag:s19] =	ssyncset.done $0x0  }
0x37: {  	[sflag:s19] =	ssyncadd.s32 $0xFFFFEB80  }
0x38: {  	[spmem:s12] =	stream.linear.scatter [tilespmem:s21], [sflag:$0x5], $0x1480, $0x38;
	[tilespmem:$0x18880] =	vst v63  }
0x39: {  	_ =	swait.ge [sflag:s19], $0x1480  }
0x3a: {  	[sflag:s19] =	ssyncset.done $0x0  }
0x3b: {  	[sflag:s19] =	ssyncadd.s32 $0xFFFFEB80  }
0x3c: {  	[spmem:s13] =	stream.linear.scatter [tilespmem:s21], [sflag:$0x5], $0x1480, $0x38;
	[tilespmem:$0x18880] =	vst v63  }
0x3d: {  	_ =	swait.ge [sflag:s19], $0x1480  }
0x3e: {  	[sflag:s19] =	ssyncset.done $0x0  }
0x3f: {  	[sflag:s19] =	ssyncadd.s32 $0xFFFFEB80  }
0x40: {  	[spmem:s14] =	stream.linear.scatter [tilespmem:s21], [sflag:$0x5], $0x1480, $0x38;
	[tilespmem:$0x18880] =	vst v63  }
0x41: {  	_ =	swait.ge [sflag:s19], $0x1480  }
0x42: {  	[sflag:s19] =	ssyncset.done $0x0  }
0x43: {  	[sflag:s19] =	ssyncadd.s32 $0xFFFFEB80  }
0x44: {  	[spmem:s15] =	stream.linear.scatter [tilespmem:s21], [sflag:$0x5], $0x1480, $0x38;
	[tilespmem:$0x18880] =	vst v63  }
0x45: {  	_ =	swait.ge [sflag:s19], $0x1480  }
0x46: {  	[sflag:s19] =	ssyncset.done $0x0  }
0x47: {  	[sflag:s19] =	ssyncadd.s32 $0xFFFFEB80  }
0x48: {  	[bflag:$0x0] =	sbarrier.arrive $0xFFFF  }
0x49: {  	[tilespmem:s23], [sflag:$0x1] =	stream.indirect.gather [hbm4b:s1+s22], $0x40, s17, s22, $0xb8;
	[tilespmem:$0x18880] =	vst v63  }
0x4a: {  	_ = 	snop  }
0x4b: {  	[tilespmem:s24], [sflag:$0x2] =	stream.indirect.gather [hbm4b:s1+s22], $0x40, s22, s22, $0xb8;
	[tilespmem:$0x18880] =	vst v63  }
0x4c: {  	_ = 	snop  }
0x4d: {  	[tilespmem:s26], [sflag:$0x3] =	stream.indirect.gather [hbm4b:s1+s22], $0x40, s28, s22, $0xb8;
	[tilespmem:$0x18880] =	vst v63  }
0x4e: {  	s18 =	simm.s32 $0x180  }
0x4f: {  	[tilespmem:s29], [sflag:$0x4] =	stream.indirect.gather [hbm4b:s1+s22], $0x40, s18, s22, $0xb8;
	[tilespmem:$0x18880] =	vst v63  }
0x50: {  	_ =	swait.ge [sflag:s30], $0x2000  }
0x51: {  	[sflag:s30] =	ssyncset.done $0x0  }
0x52: {  	s25 =	simm.s32 $0x2800;
	[sflag:s30] =	ssyncadd.s32 $0xFFFFE000  }
0x53: {  	[spmem:s3] =	stream.indirect.scatter.add.f32 [tilespmem:s23], [sflag:$0x5], $0x40, s25, s22, $0xb8;
	[tilespmem:$0x18880] =	vst v63  }
0x54: {  	_ =	swait.ge [sflag:s19], $0x2000  }
0x55: {  	[sflag:s19] =	ssyncset.done $0x0  }
0x56: {  	s2 =	simm.s32 $0x200;
	[sflag:s19] =	ssyncadd.s32 $0xFFFFE000  }
0x57: {  	[tilespmem:s23], [sflag:$0x1] =	stream.indirect.gather [hbm4b:s1+s22], $0x40, s2, s22, $0xb8;
	[tilespmem:$0x18880] =	vst v63  }
0x58: {  	_ =	swait.ge [sflag:s31], $0x2000  }
0x59: {  	[sflag:s31] =	ssyncset.done $0x0  }
0x5a: {  	s18 =	simm.s32 $0x2880;
	[sflag:s31] =	ssyncadd.s32 $0xFFFFE000  }
0x5b: {  	[spmem:s3] =	stream.indirect.scatter.add.f32 [tilespmem:s24], [sflag:$0x5], $0x40, s18, s22, $0xb8;
	[tilespmem:$0x18880] =	vst v63  }
0x5c: {  	_ =	swait.ge [sflag:s19], $0x2000  }
0x5d: {  	[sflag:s19] =	ssyncset.done $0x0  }
0x5e: {  	s25 =	simm.s32 $0x280;
	[sflag:s19] =	ssyncadd.s32 $0xFFFFE000  }
0x5f: {  	[tilespmem:s24], [sflag:$0x2] =	stream.indirect.gather [hbm4b:s1+s22], $0x40, s25, s22, $0xb8;
	[tilespmem:$0x18880] =	vst v63  }
0x60: {  	_ =	swait.ge [sflag:s0], $0x2000  }
0x61: {  	[sflag:s0] =	ssyncset.done $0x0  }
0x62: {  	s2 =	simm.s32 $0x2900;
	[sflag:s0] =	ssyncadd.s32 $0xFFFFE000  }
0x63: {  	[spmem:s3] =	stream.indirect.scatter.add.f32 [tilespmem:s26], [sflag:$0x5], $0x40, s2, s22, $0xb8;
	[tilespmem:$0x18880] =	vst v63  }
0x64: {  	_ =	swait.ge [sflag:s19], $0x2000  }
0x65: {  	[sflag:s19] =	ssyncset.done $0x0  }
0x66: {  	s18 =	simm.s32 $0x300;
	[sflag:s19] =	ssyncadd.s32 $0xFFFFE000  }
0x67: {  	[tilespmem:s26], [sflag:$0x3] =	stream.indirect.gather [hbm4b:s1+s22], $0x40, s18, s22, $0xb8;
	[tilespmem:$0x18880] =	vst v63  }
0x68: {  	_ =	swait.ge [sflag:s20], $0x2000  }
0x69: {  	[sflag:s20] =	ssyncset.done $0x0  }
0x6a: {  	s25 =	simm.s32 $0x2980;
	[sflag:s20] =	ssyncadd.s32 $0xFFFFE000  }
0x6b: {  	[spmem:s3] =	stream.indirect.scatter.add.f32 [tilespmem:s29], [sflag:$0x5], $0x40, s25, s22, $0xb8;
	[tilespmem:$0x18880] =	vst v63  }
0x6c: {  	_ =	swait.ge [sflag:s19], $0x2000  }
0x6d: {  	[sflag:s19] =	ssyncset.done $0x0  }
0x6e: {  	s17 =	simm.s32 $0x800;
	s18 =	simm.s32 $0x380;
	[sflag:s19] =	ssyncadd.s32 $0xFFFFE000  }
.LBB2_4:
0x6f: {  	[tilespmem:s29], [sflag:$0x4] =	stream.indirect.gather [hbm4b:s1+s22], $0x40, s18, s22, $0xb8;
	[tilespmem:$0x18880] =	vst v63  }
0x70: {  	s18 =	smov.u32 s17  }
0x71: {  	p0 =	sne.s32 s17, $0x9000;
	s17 =	sadd.s32 $0x800, s17;
	_ =	swait.ge [sflag:s30], $0x2000  }
0x72: {  	s18 =	sshra.s32 s18, $0x2;
	[sflag:s30] =	ssyncset.done $0x0  }
0x73: {  	s25 =	sadd.s32 $0x2800, s18;
	[sflag:s30] =	ssyncadd.s32 $0xFFFFE000  }
0x74: {  	[spmem:s3] =	stream.indirect.scatter.add.f32 [tilespmem:s23], [sflag:$0x5], $0x40, s25, s22, $0xb8;
	[tilespmem:$0x18880] =	vst v63  }
0x75: {  	_ =	swait.ge [sflag:s19], $0x2000  }
0x76: {  	[sflag:s19] =	ssyncset.done $0x0  }
0x77: {  	s25 =	sadd.s32 $0x200, s18;
	[sflag:s19] =	ssyncadd.s32 $0xFFFFE000  }
0x78: {  	[tilespmem:s23], [sflag:$0x1] =	stream.indirect.gather [hbm4b:s1+s22], $0x40, s25, s22, $0xb8;
	[tilespmem:$0x18880] =	vst v63  }
0x79: {  	_ =	swait.ge [sflag:s31], $0x2000  }
0x7a: {  	[sflag:s31] =	ssyncset.done $0x0  }
0x7b: {  	s25 =	sadd.s32 $0x2880, s18;
	[sflag:s31] =	ssyncadd.s32 $0xFFFFE000  }
0x7c: {  	[spmem:s3] =	stream.indirect.scatter.add.f32 [tilespmem:s24], [sflag:$0x5], $0x40, s25, s22, $0xb8;
	[tilespmem:$0x18880] =	vst v63  }
0x7d: {  	_ =	swait.ge [sflag:s19], $0x2000  }
0x7e: {  	[sflag:s19] =	ssyncset.done $0x0  }
0x7f: {  	s25 =	sadd.s32 $0x280, s18;
	[sflag:s19] =	ssyncadd.s32 $0xFFFFE000  }
0x80: {  	[tilespmem:s24], [sflag:$0x2] =	stream.indirect.gather [hbm4b:s1+s22], $0x40, s25, s22, $0xb8;
	[tilespmem:$0x18880] =	vst v63  }
0x81: {  	_ =	swait.ge [sflag:s0], $0x2000  }
0x82: {  	[sflag:s0] =	ssyncset.done $0x0  }
0x83: {  	s25 =	sadd.s32 $0x2900, s18;
	[sflag:s0] =	ssyncadd.s32 $0xFFFFE000  }
0x84: {  	[spmem:s3] =	stream.indirect.scatter.add.f32 [tilespmem:s26], [sflag:$0x5], $0x40, s25, s22, $0xb8;
	[tilespmem:$0x18880] =	vst v63  }
0x85: {  	_ =	swait.ge [sflag:s19], $0x2000  }
0x86: {  	[sflag:s19] =	ssyncset.done $0x0  }
0x87: {  	s25 =	sadd.s32 $0x300, s18;
	[sflag:s19] =	ssyncadd.s32 $0xFFFFE000  }
0x88: {  	[tilespmem:s26], [sflag:$0x3] =	stream.indirect.gather [hbm4b:s1+s22], $0x40, s25, s22, $0xb8;
	[tilespmem:$0x18880] =	vst v63  }
0x89: {  	_ =	swait.ge [sflag:s20], $0x2000  }
0x8a: {  	[sflag:s20] =	ssyncset.done $0x0  }
.Ltmp1:
0x8b: {  	s25 =	sadd.s32 $0x2980, s18;
	[sflag:s20] =	ssyncadd.s32 $0xFFFFE000;
	(pc) =	sbr.rel @p0 .LBB2_4-.Ltmp1, $4  }
0x8c: {  	[spmem:s3] =	stream.indirect.scatter.add.f32 [tilespmem:s29], [sflag:$0x5], $0x40, s25, s22, $0xb8;
	[tilespmem:$0x18880] =	vst v63  }
0x8d: {  	_ =	swait.ge [sflag:s19], $0x2000  }
0x8e: {  	[sflag:s19] =	ssyncset.done $0x0  }
0x8f: {  	s18 =	sadd.s32 $0x380, s18;
	[sflag:s19] =	ssyncadd.s32 $0xFFFFE000  }
0x90: {  	[tilespmem:s29], [sflag:$0x4] =	stream.indirect.gather [hbm4b:s1+s22], $0x40, s18, s22, $0xb8;
	[tilespmem:$0x18880] =	vst v63  }
0x91: {  	_ =	swait.ge [sflag:s30], $0x2000  }
0x92: {  	[sflag:s30] =	ssyncset.done $0x0  }
0x93: {  	s2 =	simm.s32 $0x4E00;
	[sflag:s30] =	ssyncadd.s32 $0xFFFFE000  }
0x94: {  	[spmem:s3] =	stream.indirect.scatter.add.f32 [tilespmem:s23], [sflag:$0x5], $0x40, s2, s22, $0xb8;
	[tilespmem:$0x18880] =	vst v63  }
0x95: {  	_ =	swait.ge [sflag:s19], $0x2000  }
0x96: {  	[sflag:s19] =	ssyncset.done $0x0  }
0x97: {  	[sflag:s19] =	ssyncadd.s32 $0xFFFFE000  }
0x98: {  	_ =	swait.ge [sflag:s31], $0x2000  }
0x99: {  	[sflag:s31] =	ssyncset.done $0x0  }
0x9a: {  	[sflag:s31] =	ssyncadd.s32 $0xFFFFE000  }
0x9b: {  	[spmem:s3] =	stream.indirect.scatter.add.f32 [tilespmem:s24], [sflag:$0x5], $0x40, s6, s22, $0xb8;
	[tilespmem:$0x18880] =	vst v63  }
0x9c: {  	_ =	swait.ge [sflag:s19], $0x2000  }
0x9d: {  	[sflag:s19] =	ssyncset.done $0x0  }
0x9e: {  	[sflag:s19] =	ssyncadd.s32 $0xFFFFE000  }
0x9f: {  	_ =	swait.ge [sflag:s0], $0x2000  }
0xa0: {  	[sflag:s0] =	ssyncset.done $0x0  }
0xa1: {  	[sflag:s0] =	ssyncadd.s32 $0xFFFFE000  }
0xa2: {  	[spmem:s3] =	stream.indirect.scatter.add.f32 [tilespmem:s26], [sflag:$0x5], $0x40, s7, s22, $0xb8;
	[tilespmem:$0x18880] =	vst v63  }
0xa3: {  	_ =	swait.ge [sflag:s19], $0x2000  }
0xa4: {  	[sflag:s19] =	ssyncset.done $0x0  }
0xa5: {  	[sflag:s19] =	ssyncadd.s32 $0xFFFFE000  }
0xa6: {  	_ =	swait.ge [sflag:s20], $0x2000  }
0xa7: {  	[sflag:s20] =	ssyncset.done $0x0  }
0xa8: {  	[sflag:s20] =	ssyncadd.s32 $0xFFFFE000  }
0xa9: {  	[spmem:s3] =	stream.indirect.scatter.add.f32 [tilespmem:s29], [sflag:$0x5], $0x40, s16, s22, $0xb8;
	[tilespmem:$0x18880] =	vst v63  }
0xaa: {  	_ =	swait.ge [sflag:s19], $0x2000  }
0xab: {  	[sflag:s19] =	ssyncset.done $0x0  }
0xac: {  	s17 =	stileid.u32;
	[sflag:s19] =	ssyncadd.s32 $0xFFFFE000  }
0xad: {  	s17 =	sshll.u32 s17, $0x6;
	[bflag:$0x0] =	sbarrier.arrive $0xFFFF  }
0xae: {  	s25 =	sshrl.u32 s8, $0x3;
	s17 =	sor.u32 $0x1C05, s17;
	s18 =	rddreg [dreg:$0x6]  }
0xaf: {  	[hbm:s18], [sflag:s17] =	dma.local [spmem:s25], $0x1480  }
0xb0: {  	_ =	swait.ge [sflag:s19], $0x1480  }
0xb1: {  	[sflag:s19] =	ssyncset.done $0x0  }
0xb2: {  	[sflag:s19] =	ssyncadd.s32 $0xFFFFEB80  }
0xb3: {  	[spmem:s8] =	stream.linear.scatter [tilespmem:s21], [sflag:$0x5], $0x1480, $0x38;
	[tilespmem:$0x18880] =	vst v63  }
0xb4: {  	_ =	swait.ge [sflag:s19], $0x1480  }
0xb5: {  	[sflag:s19] =	ssyncset.done $0x0  }
0xb6: {  	[sflag:s19] =	ssyncadd.s32 $0xFFFFEB80  }
0xb7: {  	[spmem:s9] =	stream.linear.scatter [tilespmem:s21], [sflag:$0x5], $0x1480, $0x38;
	[tilespmem:$0x18880] =	vst v63  }
0xb8: {  	_ =	swait.ge [sflag:s19], $0x1480  }
0xb9: {  	[sflag:s19] =	ssyncset.done $0x0  }
0xba: {  	[sflag:s19] =	ssyncadd.s32 $0xFFFFEB80  }
0xbb: {  	[spmem:s10] =	stream.linear.scatter [tilespmem:s21], [sflag:$0x5], $0x1480, $0x38;
	[tilespmem:$0x18880] =	vst v63  }
0xbc: {  	_ =	swait.ge [sflag:s19], $0x1480  }
0xbd: {  	[sflag:s19] =	ssyncset.done $0x0  }
0xbe: {  	[sflag:s19] =	ssyncadd.s32 $0xFFFFEB80  }
0xbf: {  	[spmem:s11] =	stream.linear.scatter [tilespmem:s21], [sflag:$0x5], $0x1480, $0x38;
	[tilespmem:$0x18880] =	vst v63  }
0xc0: {  	_ =	swait.ge [sflag:s19], $0x1480  }
0xc1: {  	[sflag:s19] =	ssyncset.done $0x0  }
0xc2: {  	[sflag:s19] =	ssyncadd.s32 $0xFFFFEB80  }
0xc3: {  	[spmem:s12] =	stream.linear.scatter [tilespmem:s21], [sflag:$0x5], $0x1480, $0x38;
	[tilespmem:$0x18880] =	vst v63  }
0xc4: {  	_ =	swait.ge [sflag:s19], $0x1480  }
0xc5: {  	[sflag:s19] =	ssyncset.done $0x0  }
0xc6: {  	[sflag:s19] =	ssyncadd.s32 $0xFFFFEB80  }
0xc7: {  	[spmem:s13] =	stream.linear.scatter [tilespmem:s21], [sflag:$0x5], $0x1480, $0x38;
	[tilespmem:$0x18880] =	vst v63  }
0xc8: {  	_ =	swait.ge [sflag:s19], $0x1480  }
0xc9: {  	[sflag:s19] =	ssyncset.done $0x0  }
0xca: {  	[sflag:s19] =	ssyncadd.s32 $0xFFFFEB80  }
0xcb: {  	[spmem:s14] =	stream.linear.scatter [tilespmem:s21], [sflag:$0x5], $0x1480, $0x38;
	[tilespmem:$0x18880] =	vst v63  }
0xcc: {  	_ =	swait.ge [sflag:s19], $0x1480  }
0xcd: {  	[sflag:s19] =	ssyncset.done $0x0  }
0xce: {  	[sflag:s19] =	ssyncadd.s32 $0xFFFFEB80  }
0xcf: {  	[spmem:s15] =	stream.linear.scatter [tilespmem:s21], [sflag:$0x5], $0x1480, $0x38;
	[tilespmem:$0x18880] =	vst v63  }
0xd0: {  	_ =	swait.ge [sflag:s19], $0x1480  }
0xd1: {  	[sflag:s19] =	ssyncset.done $0x0  }
0xd2: {  	[sflag:s19] =	ssyncadd.s32 $0xFFFFEB80  }
0xd3: {  	s2 =	simm.s32 $0x0;
	[bflag:$0x0] =	sbarrier.arrive $0xFFFF  }
0xd4: {  	[tilespmem:s23], [sflag:$0x1] =	stream.indirect.gather [hbm4b:s5+s22], $0x40, s2, s22, $0xb8;
	[tilespmem:$0x18880] =	vst v63  }
0xd5: {  	_ = 	snop  }
0xd6: {  	[tilespmem:s24], [sflag:$0x2] =	stream.indirect.gather [hbm4b:s5+s22], $0x40, s22, s22, $0xb8;
	[tilespmem:$0x18880] =	vst v63  }
0xd7: {  	_ = 	snop  }
0xd8: {  	[tilespmem:s26], [sflag:$0x3] =	stream.indirect.gather [hbm4b:s5+s22], $0x40, s28, s22, $0xb8;
	[tilespmem:$0x18880] =	vst v63  }
0xd9: {  	s18 =	simm.s32 $0x180  }
0xda: {  	[tilespmem:s29], [sflag:$0x4] =	stream.indirect.gather [hbm4b:s5+s22], $0x40, s18, s22, $0xb8;
	[tilespmem:$0x18880] =	vst v63  }
0xdb: {  	_ =	swait.ge [sflag:s30], $0x2000  }
0xdc: {  	[sflag:s30] =	ssyncset.done $0x0  }
0xdd: {  	s2 =	simm.s32 $0x2800;
	[sflag:s30] =	ssyncadd.s32 $0xFFFFE000  }
0xde: {  	[spmem:s3] =	stream.indirect.scatter.add.f32 [tilespmem:s23], [sflag:$0x5], $0x40, s2, s22, $0xb8;
	[tilespmem:$0x18880] =	vst v63  }
0xdf: {  	_ =	swait.ge [sflag:s19], $0x2000  }
0xe0: {  	[sflag:s19] =	ssyncset.done $0x0  }
0xe1: {  	s2 =	simm.s32 $0x200;
	[sflag:s19] =	ssyncadd.s32 $0xFFFFE000  }
0xe2: {  	[tilespmem:s23], [sflag:$0x1] =	stream.indirect.gather [hbm4b:s5+s22], $0x40, s2, s22, $0xb8;
	[tilespmem:$0x18880] =	vst v63  }
0xe3: {  	_ =	swait.ge [sflag:s31], $0x2000  }
0xe4: {  	[sflag:s31] =	ssyncset.done $0x0  }
0xe5: {  	s2 =	simm.s32 $0x2880;
	[sflag:s31] =	ssyncadd.s32 $0xFFFFE000  }
0xe6: {  	[spmem:s3] =	stream.indirect.scatter.add.f32 [tilespmem:s24], [sflag:$0x5], $0x40, s2, s22, $0xb8;
	[tilespmem:$0x18880] =	vst v63  }
0xe7: {  	_ =	swait.ge [sflag:s19], $0x2000  }
0xe8: {  	[sflag:s19] =	ssyncset.done $0x0  }
0xe9: {  	s2 =	simm.s32 $0x280;
	[sflag:s19] =	ssyncadd.s32 $0xFFFFE000  }
0xea: {  	[tilespmem:s24], [sflag:$0x2] =	stream.indirect.gather [hbm4b:s5+s22], $0x40, s2, s22, $0xb8;
	[tilespmem:$0x18880] =	vst v63  }
0xeb: {  	_ =	swait.ge [sflag:s0], $0x2000  }
0xec: {  	[sflag:s0] =	ssyncset.done $0x0  }
0xed: {  	s2 =	simm.s32 $0x2900;
	[sflag:s0] =	ssyncadd.s32 $0xFFFFE000  }
0xee: {  	[spmem:s3] =	stream.indirect.scatter.add.f32 [tilespmem:s26], [sflag:$0x5], $0x40, s2, s22, $0xb8;
	[tilespmem:$0x18880] =	vst v63  }
0xef: {  	_ =	swait.ge [sflag:s19], $0x2000  }
0xf0: {  	[sflag:s19] =	ssyncset.done $0x0  }
0xf1: {  	s2 =	simm.s32 $0x300;
	[sflag:s19] =	ssyncadd.s32 $0xFFFFE000  }
0xf2: {  	[tilespmem:s26], [sflag:$0x3] =	stream.indirect.gather [hbm4b:s5+s22], $0x40, s2, s22, $0xb8;
	[tilespmem:$0x18880] =	vst v63  }
0xf3: {  	_ =	swait.ge [sflag:s20], $0x2000  }
0xf4: {  	[sflag:s20] =	ssyncset.done $0x0  }
0xf5: {  	s2 =	simm.s32 $0x2980;
	[sflag:s20] =	ssyncadd.s32 $0xFFFFE000  }
0xf6: {  	[spmem:s3] =	stream.indirect.scatter.add.f32 [tilespmem:s29], [sflag:$0x5], $0x40, s2, s22, $0xb8;
	[tilespmem:$0x18880] =	vst v63  }
0xf7: {  	_ =	swait.ge [sflag:s19], $0x2000  }
0xf8: {  	[sflag:s19] =	ssyncset.done $0x0  }
0xf9: {  	s28 =	simm.s32 $0x380;
	s18 =	simm.s32 $0x800;
	[sflag:s19] =	ssyncadd.s32 $0xFFFFE000  }
.LBB2_6:
0xfa: {  	[tilespmem:s29], [sflag:$0x4] =	stream.indirect.gather [hbm4b:s5+s22], $0x40, s28, s22, $0xb8;
	[tilespmem:$0x18880] =	vst v63  }
0xfb: {  	s28 =	smov.u32 s18  }
0xfc: {  	p0 =	sne.s32 s18, $0x9000;
	s18 =	sadd.s32 $0x800, s18;
	_ =	swait.ge [sflag:s30], $0x2000  }
0xfd: {  	s28 =	sshra.s32 s28, $0x2;
	[sflag:s30] =	ssyncset.done $0x0  }
0xfe: {  	s2 =	sadd.s32 $0x2800, s28;
	[sflag:s30] =	ssyncadd.s32 $0xFFFFE000  }
0xff: {  	[spmem:s3] =	stream.indirect.scatter.add.f32 [tilespmem:s23], [sflag:$0x5], $0x40, s2, s22, $0xb8;
	[tilespmem:$0x18880] =	vst v63  }
0x100: {  	_ =	swait.ge [sflag:s19], $0x2000  }
0x101: {  	[sflag:s19] =	ssyncset.done $0x0  }
0x102: {  	s2 =	sadd.s32 $0x200, s28;
	[sflag:s19] =	ssyncadd.s32 $0xFFFFE000  }
0x103: {  	[tilespmem:s23], [sflag:$0x1] =	stream.indirect.gather [hbm4b:s5+s22], $0x40, s2, s22, $0xb8;
	[tilespmem:$0x18880] =	vst v63  }
0x104: {  	_ =	swait.ge [sflag:s31], $0x2000  }
0x105: {  	[sflag:s31] =	ssyncset.done $0x0  }
0x106: {  	s2 =	sadd.s32 $0x2880, s28;
	[sflag:s31] =	ssyncadd.s32 $0xFFFFE000  }
0x107: {  	[spmem:s3] =	stream.indirect.scatter.add.f32 [tilespmem:s24], [sflag:$0x5], $0x40, s2, s22, $0xb8;
	[tilespmem:$0x18880] =	vst v63  }
0x108: {  	_ =	swait.ge [sflag:s19], $0x2000  }
0x109: {  	[sflag:s19] =	ssyncset.done $0x0  }
0x10a: {  	s2 =	sadd.s32 $0x280, s28;
	[sflag:s19] =	ssyncadd.s32 $0xFFFFE000  }
0x10b: {  	[tilespmem:s24], [sflag:$0x2] =	stream.indirect.gather [hbm4b:s5+s22], $0x40, s2, s22, $0xb8;
	[tilespmem:$0x18880] =	vst v63  }
0x10c: {  	_ =	swait.ge [sflag:s0], $0x2000  }
0x10d: {  	[sflag:s0] =	ssyncset.done $0x0  }
0x10e: {  	s2 =	sadd.s32 $0x2900, s28;
	[sflag:s0] =	ssyncadd.s32 $0xFFFFE000  }
0x10f: {  	[spmem:s3] =	stream.indirect.scatter.add.f32 [tilespmem:s26], [sflag:$0x5], $0x40, s2, s22, $0xb8;
	[tilespmem:$0x18880] =	vst v63  }
0x110: {  	_ =	swait.ge [sflag:s19], $0x2000  }
0x111: {  	[sflag:s19] =	ssyncset.done $0x0  }
0x112: {  	s2 =	sadd.s32 $0x300, s28;
	[sflag:s19] =	ssyncadd.s32 $0xFFFFE000  }
0x113: {  	[tilespmem:s26], [sflag:$0x3] =	stream.indirect.gather [hbm4b:s5+s22], $0x40, s2, s22, $0xb8;
	[tilespmem:$0x18880] =	vst v63  }
0x114: {  	_ =	swait.ge [sflag:s20], $0x2000  }
0x115: {  	[sflag:s20] =	ssyncset.done $0x0  }
.Ltmp2:
0x116: {  	s2 =	sadd.s32 $0x2980, s28;
	[sflag:s20] =	ssyncadd.s32 $0xFFFFE000;
	(pc) =	sbr.rel @p0 .LBB2_6-.Ltmp2, $4  }
0x117: {  	[spmem:s3] =	stream.indirect.scatter.add.f32 [tilespmem:s29], [sflag:$0x5], $0x40, s2, s22, $0xb8;
	[tilespmem:$0x18880] =	vst v63  }
0x118: {  	_ =	swait.ge [sflag:s19], $0x2000  }
0x119: {  	[sflag:s19] =	ssyncset.done $0x0  }
0x11a: {  	s28 =	sadd.s32 $0x380, s28;
	[sflag:s19] =	ssyncadd.s32 $0xFFFFE000  }
0x11b: {  	[tilespmem:s29], [sflag:$0x4] =	stream.indirect.gather [hbm4b:s5+s22], $0x40, s28, s22, $0xb8;
	[tilespmem:$0x18880] =	vst v63  }
0x11c: {  	_ =	swait.ge [sflag:s30], $0x2000  }
0x11d: {  	[sflag:s30] =	ssyncset.done $0x0  }
0x11e: {  	s2 =	simm.s32 $0x4E00;
	[sflag:s30] =	ssyncadd.s32 $0xFFFFE000  }
0x11f: {  	[spmem:s3] =	stream.indirect.scatter.add.f32 [tilespmem:s23], [sflag:$0x5], $0x40, s2, s22, $0xb8;
	[tilespmem:$0x18880] =	vst v63  }
0x120: {  	_ =	swait.ge [sflag:s19], $0x2000  }
0x121: {  	[sflag:s19] =	ssyncset.done $0x0  }
0x122: {  	[sflag:s19] =	ssyncadd.s32 $0xFFFFE000  }
0x123: {  	_ =	swait.ge [sflag:s31], $0x2000  }
0x124: {  	[sflag:s31] =	ssyncset.done $0x0  }
0x125: {  	[sflag:s31] =	ssyncadd.s32 $0xFFFFE000  }
0x126: {  	[spmem:s3] =	stream.indirect.scatter.add.f32 [tilespmem:s24], [sflag:$0x5], $0x40, s6, s22, $0xb8;
	[tilespmem:$0x18880] =	vst v63  }
0x127: {  	_ =	swait.ge [sflag:s19], $0x2000  }
0x128: {  	[sflag:s19] =	ssyncset.done $0x0  }
0x129: {  	[sflag:s19] =	ssyncadd.s32 $0xFFFFE000  }
0x12a: {  	_ =	swait.ge [sflag:s0], $0x2000  }
0x12b: {  	[sflag:s0] =	ssyncset.done $0x0  }
0x12c: {  	[sflag:s0] =	ssyncadd.s32 $0xFFFFE000  }
0x12d: {  	[spmem:s3] =	stream.indirect.scatter.add.f32 [tilespmem:s26], [sflag:$0x5], $0x40, s7, s22, $0xb8;
	[tilespmem:$0x18880] =	vst v63  }
0x12e: {  	_ =	swait.ge [sflag:s19], $0x2000  }
0x12f: {  	[sflag:s19] =	ssyncset.done $0x0  }
0x130: {  	[sflag:s19] =	ssyncadd.s32 $0xFFFFE000  }
0x131: {  	_ =	swait.ge [sflag:s20], $0x2000  }
0x132: {  	[sflag:s20] =	ssyncset.done $0x0  }
0x133: {  	[sflag:s20] =	ssyncadd.s32 $0xFFFFE000  }
0x134: {  	[spmem:s3] =	stream.indirect.scatter.add.f32 [tilespmem:s29], [sflag:$0x5], $0x40, s16, s22, $0xb8;
	[tilespmem:$0x18880] =	vst v63  }
0x135: {  	_ =	swait.ge [sflag:s19], $0x2000  }
0x136: {  	[sflag:s19] =	ssyncset.done $0x0  }
0x137: {  	[sflag:s19] =	ssyncadd.s32 $0xFFFFE000  }
0x138: {  	[bflag:$0x0] =	sbarrier.arrive $0xFFFF  }
0x139: {  	s18 =	rddreg [dreg:$0x7]  }
0x13a: {  	[hbm:s18], [sflag:s17] =	dma.local [spmem:s25], $0x1480  }
0x13b: {  	_ =	swait.ge [sflag:s19], $0x1480  }
0x13c: {  	s4 =	sadd.s32 $0x1, s4;
	s25 =	rddreg [dreg:$0x8]  }
0x13d: {  	p0 =	sne.s32 s4, s25  }
.Ltmp3:
0x13e: {  	_ = 	snop;
	(pc) =	sbr.rel @p0 .LBB2_1-.Ltmp3, $3  }
0x13f: {  	_ =	sdelay $0x1  }
0x140: {  	[sflag:s19] =	ssyncset.done $0x0  }
0x141: {  	s28 =	simm.s32 $0x100;
	[sflag:s19] =	ssyncadd.s32 $0xFFFFEB80  }
0x142: {  	_ =	sfence.sel $0x180000  }
0x143: {  	[bflag:$0x0] =	sbarrier.arrive $0xFFFF  }
0x144: {  	_ =	strace $0x9000004A  }
0x145: {  	s0 =	stileid.u32;
	[bflag:$0x2] =	sbarrier.arrive $0xFFFF  }
0x146: {  	p0 =	sne.s32 s0, $0x0;
	s0 =	rddreg [dreg:$0x3]  }
0x147: {  	s0 =	sadd.s32 @!p0 $0x100000, s0  }
0x148: {  	[sflag:s0] =	ssyncadd.tile.s32 @!p0 $0x1;
	_ =	shalt  }
.Lfunc_end2:
_tile_overlayer_lowered:
.L_overlay_start_2:
0x149: {  	(tag) =	ssettag $0x2  }
0x14a: {  	s0 =	rddreg [dreg:$0x0];
	s2 =	stileid.u32  }
0x14b: {  	s1 =	rddreg [dreg:$0x1];
	p0 =	sne.s32 s2, $0x0  }
0x14c: {  	s3 =	rddreg [dreg:$0x2];
	[bflag:$0x3] =	sbarrier.arrive $0xFFFF;
	s2 =	simm.s32 @!p0 $0x1C05  }
0x14d: {  	[timem:s3], [sflag:s2] =	dma.local @!p0 [hbm:s0], s1  }
0x14e: {  	s0 =	simm.s32 @!p0 $0x5  }
0x14f: {  	_ =	swait.ge @!p0 [sflag:s0], s1  }
0x150: {  	s1 =	ssub.s32 @!p0 $0x0, s1;
	[sflag:s0] =	ssyncset.done @!p0 $0x0  }
0x151: {  	[sflag:s0] =	ssyncadd.s32 @!p0 s1  }
0x152: {  	[bflag:$0x3] =	sbarrier.arrive $0xFFFF  }
0x153: {  	_ =	shalt  }

// kernel: gcn_spmm.7.cloned.1.call-start
scs
__scs_entry_jumppad:
0x0: {  	(pc) =	sbr.rel $0x88, $3  }
0x1: {  	(tag) =	ssettag $0x0;
	lr =	simm.s32 $0x1  }
0x2: {  	[smem:$0x3F99] =	sst lr;
	_ =	strace $0xD0000000  }
0x3: {  	_ = 	snop  }
0x4: {  	_ = 	snop  }
0x5: {  	_ = 	snop  }
0x6: {  	_ = 	snop  }
0x7: {  	_ = 	snop  }
__scs_overlays_trampoline_lowered:
0x8: {  	[smem:$0x3FA8] =	sst s0  }
0x9: {  	[smem:$0x3FA9] =	sst s1  }
0xa: {  	[smem:$0x3FAA] =	sst s2  }
0xb: {  	[smem:$0x3FAB] =	sst s3  }
0xc: {  	[smem:$0x3FAC] =	sst s4  }
0xd: {  	[smem:$0x3FAD] =	sst s5  }
0xe: {  	[smem:$0x3FAE] =	sst s6  }
0xf: {  	[smem:$0x3FAF] =	sst s7  }
0x10: {  	[smem:$0x3FB0] =	sst s8  }
0x11: {  	[smem:$0x3FB1] =	sst s9;
	s0 =	simm.s32 @!p0 $0x0  }
0x12: {  	s1 =	sld [smem:$0x3F97];
	s0 =	simm.s32 @p0 $0x1  }
0x13: {  	[smem:$0x3FB2] =	sst s0;
	s0 =	simm.s32 @!p1 $0x0  }
0x14: {  	s2 =	sld [smem:$0x3F96];
	s0 =	simm.s32 @p1 $0x1  }
0x15: {  	[smem:$0x3FB3] =	sst s0;
	s0 =	simm.s32 @!p2 $0x0  }
0x16: {  	s3 =	sld [smem:$0x3FDB];
	s0 =	simm.s32 @p2 $0x1  }
0x17: {  	s4 =	simm.s32 $0x1BF5;
	[smem:$0x3FB5] =	sst s0  }
0x18: {  	s0 =	sld [smem:$0x3F98];
	_ =	swait.ge [sflag:s4], $0x0  }
0x19: {  	s7 =	sld [smem:$0x3F99]  }
0x1a: {  	s8 =	sadd.s32 $0xFFFFE003, lr  }
0x1b: {  	s9 =	sadd.s32 $0xFFFFFEF7, lr;
	s5 =	simm.s32 $0xFFFFFFFF;
	p2 =	slt.u32 s8, $0xFFFFF086  }
0x1c: {  	p1 =	slt.u32 s9, $0xF7A;
	s5 =	simm.s32 @!p2 $0x0  }
0x1d: {  	s5 =	simm.s32 @p1 $0x1;
	p0 =	seq.s32 s7, s2  }
0x1e: {  	s7 =	smul.u32 @!p0 $0xF7A, s2;
	p2 =	seq.s32 @!p0 s5, $0x0  }
0x1f: {  	s9 =	smul.u32 $0xF7A, s1;
	s8 =	simm.s32 @!p0 $0x1BF5;
	p2 =	por !p2, p0  }
0x20: {  	[sflag:s8] =	ssyncset.s32 @!p0 $0xFFFFF086;
	s6 =	sadd.s32 @!p0 s3, s7;
	s7 =	simm.s32 @!p0 $0x108  }
0x21: {  	s3 =	sadd.s32 s3, s9;
	s6 =	sadd.s32 @!p0 $0x88, s6;
	s7 =	simm.s32 @p2 $0x1082  }
0x22: {  	[simem:s7], [sflag:s8] =	dma.local @!p0 [hbm:s6], $0xF7A  }
0x23: {  	s9 =	sor.u32 $0xD0000000, s2;
	s6 =	simm.s32 $0x108;
	_ =	swait.ge @!p0 [sflag:s8], $0x0  }
0x24: {  	s3 =	sadd.s32 $0x88, s3;
	s6 =	simm.s32 @!p1 $0x1082;
	[sflag:s4] =	ssyncset.s32 $0xFFFFF086  }
0x25: {  	[simem:s6], [sflag:s4] =	dma.local [hbm:s3], $0xF7A  }
0x26: {  	[smem:$0x3F99] =	sst s1;
	(tag) =	ssettag s2;
	_ =	strace s9  }
0x27: {  	s1 =	sld [smem:$0x3FA9]  }
0x28: {  	s2 =	sld [smem:$0x3FAA]  }
0x29: {  	s4 =	sld [smem:$0x3FAC]  }
0x2a: {  	p0 =	seq.s32 s5, $0x0;
	s5 =	sld [smem:$0x3FAD]  }
0x2b: {  	s6 =	sld [smem:$0x3FAE]  }
0x2c: {  	s7 =	sld [smem:$0x3FAF]  }
0x2d: {  	s3 =	simm.s32 $0x108;
	s8 =	sld [smem:$0x3FB0]  }
0x2e: {  	s3 =	simm.s32 @!p0 $0x1082;
	s9 =	sld [smem:$0x3FB1]  }
0x2f: {  	lr =	sadd.s32 s0, s3;
	s0 =	sld [smem:$0x3FA8]  }
0x30: {  	s3 =	sld [smem:$0x3FAB]  }
0x31: {  	[smem:$0x3FB4] =	sst s10  }
0x32: {  	s10 =	sld [smem:$0x3FB2];
	_ =	sdelay $0x3  }
0x33: {  	p0 =	seq.s32 s10, $0x1;
	s10 =	sld [smem:$0x3FB4];
	_ =	sdelay $0x3  }
0x34: {  	[smem:$0x3FB4] =	sst s10  }
0x35: {  	s10 =	sld [smem:$0x3FB3];
	_ =	sdelay $0x3  }
0x36: {  	p1 =	seq.s32 s10, $0x1;
	s10 =	sld [smem:$0x3FB4];
	_ =	sdelay $0x3  }
0x37: {  	[smem:$0x3FB4] =	sst s10  }
0x38: {  	s10 =	sld [smem:$0x3FB5]  }
0x39: {  	_ = 	snop;
	(pc) =	sbr.ind lr, $3  }
0x3a: {  	_ = 	snop  }
0x3b: {  	_ = 	snop  }
0x3c: {  	p2 =	seq.s32 s10, $0x1;
	s10 =	sld [smem:$0x3FB4]  }
0x3d: {  	_ =	shalt  }
0x3e: {  	_ =	shalt  }
0x3f: {  	_ =	shalt  }
0x40: {  	_ =	shalt  }
0x41: {  	_ =	shalt  }
0x42: {  	_ =	shalt  }
0x43: {  	_ =	shalt  }
0x44: {  	_ =	shalt  }
0x45: {  	_ =	shalt  }
0x46: {  	_ =	shalt  }
0x47: {  	_ =	shalt  }
0x48: {  	_ =	shalt  }
0x49: {  	_ =	shalt  }
0x4a: {  	_ =	shalt  }
0x4b: {  	_ =	shalt  }
0x4c: {  	_ =	shalt  }
0x4d: {  	_ =	shalt  }
0x4e: {  	_ =	shalt  }
0x4f: {  	_ =	shalt  }
0x50: {  	_ =	shalt  }
0x51: {  	_ =	shalt  }
0x52: {  	_ =	shalt  }
0x53: {  	_ =	shalt  }
0x54: {  	_ =	shalt  }
0x55: {  	_ =	shalt  }
0x56: {  	_ =	shalt  }
0x57: {  	_ =	shalt  }
0x58: {  	_ =	shalt  }
0x59: {  	_ =	shalt  }
0x5a: {  	_ =	shalt  }
0x5b: {  	_ =	shalt  }
0x5c: {  	_ =	shalt  }
0x5d: {  	_ =	shalt  }
0x5e: {  	_ =	shalt  }
0x5f: {  	_ =	shalt  }
0x60: {  	_ =	shalt  }
0x61: {  	_ =	shalt  }
0x62: {  	_ =	shalt  }
0x63: {  	_ =	shalt  }
0x64: {  	_ =	shalt  }
0x65: {  	_ =	shalt  }
0x66: {  	_ =	shalt  }
0x67: {  	_ =	shalt  }
0x68: {  	_ =	shalt  }
0x69: {  	_ =	shalt  }
0x6a: {  	_ =	shalt  }
0x6b: {  	_ =	shalt  }
0x6c: {  	_ =	shalt  }
0x6d: {  	_ =	shalt  }
0x6e: {  	_ =	shalt  }
0x6f: {  	_ =	shalt  }
0x70: {  	_ =	shalt  }
0x71: {  	_ =	shalt  }
0x72: {  	_ =	shalt  }
0x73: {  	_ =	shalt  }
0x74: {  	_ =	shalt  }
0x75: {  	_ =	shalt  }
0x76: {  	_ =	shalt  }
0x77: {  	_ =	shalt  }
0x78: {  	_ =	shalt  }
0x79: {  	_ =	shalt  }
0x7a: {  	_ =	shalt  }
0x7b: {  	_ =	shalt  }
0x7c: {  	_ =	shalt  }
0x7d: {  	_ =	shalt  }
0x7e: {  	_ =	shalt  }
0x7f: {  	_ =	shalt  }
0x80: {  	_ =	shalt  }
0x81: {  	_ =	shalt  }
0x82: {  	_ =	shalt  }
0x83: {  	_ =	shalt  }
0x84: {  	_ =	shalt  }
0x85: {  	_ =	shalt  }
0x86: {  	_ =	shalt  }
0x87: {  	_ =	shalt  }
.Lfunc_end0:
.L_simem_size_0:
called_computation.2_lowered:
.L_overlay_start_0:
0x88: {  	s2 =	sld [smem:$0x3FD9]  }
0x89: {  	s3 =	sld [smem:$0x3FFE];
	_ =	sdelay $0x1  }
0x8a: {  	s1 =	srdreg.scid  }
0x8b: {  	s0 =	sand.u32 $0x1, s1  }
0x8c: {  	s17 =	sshll.u32 s0, $0xA;
	s2 =	sadd.s32 s3, s2  }
0x8d: {  	s2 =	sadd.s32 s2, s17  }
0x8e: {  	[smem:$0x3FC0] =	sst s2  }
0x8f: {  	_ = 	snop  }
0x90: {  	s2 =	sld [smem:$0x3FD0];
	(tm) =	ssettm $0x1  }
0x91: {  	s18 =	sld [smem:$0x3FFB];
	_ =	sdelay $0x3  }
0x92: {  	_ =	strace s18  }
0x93: {  	s3 =	sld [smem:$0x3FFC];
	_ =	sdelay $0x3  }
0x94: {  	_ =	strace s3  }
0x95: {  	s3 =	sld [smem:$0x3FFD];
	_ =	sdelay $0x3  }
0x96: {  	_ =	strace s3  }
0x97: {  	_ =	strace $0x8FFFFFFF  }
0x98: {  	s19 =	sld [smem:$0x3FDB];
	_ =	sdelay $0x1  }
0x99: {  	s4 =	simm.s32 $_scs_section_size  }
0x9a: {  	s5 =	simm.s32 $_size__tile_overlayer_lowered;
	s6 =	simm.s32 $_tile_overlayer_lowered  }
0x9b: {  	s22 =	simm.s32 $0x1BFF;
	s21 =	sshll.u32 s6, $0x1;
	s3 =	sadd.s32 s4, s19  }
0x9c: {  	s7 =	simm.s32 $0x0;
	s20 =	sshll.u32 s5, $0x1;
	s5 =	sadd.s32 s21, s3  }
0x9d: {  	[timem:s7], [sflag:s22] =	dma.local [hbm:s5], s20  }
0x9e: {  	_ =	swait.ge [sflag:s22], s20  }
0x9f: {  	s4 =	ssub.s32 $0x0, s20;
	[sflag:s22] =	ssyncset.done $0x0  }
0xa0: {  	[sflag:s22] =	ssyncadd.s32 s4;
	_ =	sdelay $0x1  }
0xa1: {  	s23 =	simm.s32 $0x1B8B  }
0xa2: {  	_ =	swait.ge [sflag:s23], $0x1  }
0xa3: {  	[sflag:s23] =	ssyncset.done $0x0  }
0xa4: {  	s25 =	simm.s32 $0x1B8E;
	s24 =	sld [smem:$0x3FFE];
	[sflag:s23] =	ssyncadd.s32 $0xFFFFFFFF  }
0xa5: {  	s26 =	simm.s32 $execute0_lowered;
	[smem:$0x3FD2] =	sst s25  }
0xa6: {  	s5 =	sshll.u32 s26, $0x1;
	_ =	strace $0x8000004C;
	[dreg:$0x1] =	wrdreg $0xFFFFFFFF  }
0xa7: {  	s28 =	simm.s32 $_size_execute0_lowered;
	s3 =	sadd.s32 s3, s5;
	[dreg:$0x0] =	wrdreg $0x0  }
0xa8: {  	s5 =	sshll.u32 s28, $0x1;
	[dreg:$0x2] =	wrdreg s3  }
0xa9: {  	[dreg:$0x3] =	wrdreg s5  }
0xaa: {  	[dreg:$0x4] =	wrdreg $0xC0  }
0xab: {  	_ =	task [dreg:s7], $0x5FFFF  }
0xac: {  	[dreg:$0x1] =	wrdreg $0xFFFFFFFF  }
0xad: {  	[dreg:$0x0] =	wrdreg $0x60  }
0xae: {  	[dreg:$0x2] =	wrdreg s2  }
0xaf: {  	[dreg:$0x3] =	wrdreg s24  }
0xb0: {  	[dreg:$0x4] =	wrdreg $0xE4800  }
0xb1: {  	[dreg:$0x5] =	wrdreg $0x9  }
0xb2: {  	_ =	task.clear_ibuf [dreg:s7], $0x6FFFF;
	_ =	strace $0x9000004C  }
0xb3: {  	s29 =	simm.s32 $0x9;
	_ =	strace $0x8000004E  }
0xb4: {  	_ =	swait.ge [sflag:s29], $0x1  }
0xb5: {  	[sflag:s29] =	ssyncadd.s32 $0xFFFFFFFF  }
0xb6: {  	_ =	strace $0x9000004E  }
0xb7: {  	_ =	sfence  }
0xb8: {  	s30 =	sld [smem:$0x0];
	_ =	sdelay $0x2  }
0xb9: {  	s31 =	sshll.u32 s1, $0xD;
	s1 =	sshrl.u32 s1, $0x2  }
0xba: {  	s3 =	sand.u32 $0x4000, s31;
	s1 =	sadd.s32 s1, s30  }
0xbb: {  	s0 =	sor.u32 s3, s0;
	s1 =	sshll.u32 s1, $0x11  }
0xbc: {  	s0 =	sor.u32 s1, s0  }
0xbd: {  	s0 =	sadd.s32 $0x8F2B, s0  }
0xbe: {  	[sflag:s0] =	ssyncadd.remote.s32 $0x1  }
0xbf: {  	_ =	sfence.sel $0xFFFF  }
0xc0: {  	[dreg:$0x0] =	wrdreg $0xFFFFFFFF;
	(pc) =	sbr.abs _section_cstart, $3  }
0xc1: {  	[dreg:$0x1] =	wrdreg $0xFFFFFFFF  }
0xc2: {  	_ =	task.clear_ibuf [dreg:s7], $0x2FFFF;
	_ =	strace $0x9FFFFFFF  }
0xc3: {  	(tm) =	ssettm $0x7FFFFFFF  }
tec
execute0_lowered:
.L_overlay_start_1:
0x0: {  	(tag) =	ssettag $0x1  }
0x1: {  	s1 =	rddreg [dreg:$0x0]  }
0x2: {  	s0 =	rddreg [dreg:$0x1]  }
0x3: {  	s3 =	rddreg [dreg:$0x2];
	s2 =	srdreg.scid  }
0x4: {  	s9 =	stileid.u32;
	s4 =	simm.s32 $0x0;
	s19 =	simm.s32 $0x5  }
0x5: {  	s21 =	simm.s32 $0xD000;
	s28 =	simm.s32 $0x100;
	s29 =	simm.s32 $0xB000  }
0x6: {  	s30 =	simm.s32 $0x1;
	s31 =	simm.s32 $0x2;
	s20 =	simm.s32 $0x4  }
0x7: {  	s16 =	simm.s32 $0x4F80;
	s2 =	sand.u32 $0x1, s2;
	s6 =	smul.u32 $0xA400, s9  }
0x8: {  	[smem:$0x7FF] =	sst s4;
	s5 =	sshll.u32 s2, $0x4;
	s7 =	smul.u32 $0xA4000, s2  }
0x9: {  	s2 =	ssub.s32 $0x2, s2;
	s5 =	sor.u32 s9, s5;
	s9 =	smul.u32 $0x29000, s9  }
0xa: {  	_ =	strace $0x8000004D;
	s22 =	sshrl.u32 s2, $0x1;
	s8 =	smul.u32 $0x500, s5  }
0xb: {  	s5 =	sadd.s32 $0x16400, s0;
	s7 =	sadd.s32 s6, s7;
	s2 =	ssub.s32 s2, s22  }
0xc: {  	s22 =	simm.s32 $0x80;
	s7 =	sshrl.u32 s7, $0x3;
	s9 =	sshrl.u32 s9, $0x2  }
0xd: {  	s26 =	smax.u32 s2, $0x1;
	s8 =	sadd.s32 s8, s0;
	s0 =	sadd.s32 s7, s0  }
0xe: {  	s24 =	sadd.s32 s9, s3;
	[dreg:$0x8] =	wrdreg s26;
	s26 =	simm.s32 $0x9000  }
0xf: {  	s7 =	simm.s32 $0x4F00;
	s23 =	sadd.s32 $0xC400, s8;
	s8 =	sadd.s32 $0x2400, s8  }
0x10: {  	s9 =	sadd.s32 $0x1480, s24;
	s10 =	sadd.s32 $0x2900, s24;
	s11 =	sadd.s32 $0x3D80, s24  }
0x11: {  	s12 =	sadd.s32 $0x5200, s24;
	s13 =	sadd.s32 $0x6680, s24;
	[dreg:$0x4] =	wrdreg s23  }
0x12: {  	s14 =	sadd.s32 $0x7B00, s24;
	s25 =	sadd.s32 $0x2AC00, s0;
	[dreg:$0x5] =	wrdreg s8  }
0x13: {  	s15 =	sadd.s32 $0x8F80, s24;
	s0 =	sadd.s32 $0x53C00, s0;
	[dreg:$0x6] =	wrdreg s25  }
0x14: {  	s24 =	simm.s32 $0x7000;
	s8 =	sadd.s32 s6, s3;
	[dreg:$0x7] =	wrdreg s0  }
0x15: {  	v0 =	vimm.f32 $0.0e+00;
	s23 =	simm.s32 $0x5000;
	s0 =	simm.s32 $0x3;
	s6 =	simm.s32 $0x4E80  }
.LBB2_1:
0x16: {  	s18 =	simm.s32 $0x100;
	s17 =	simm.s32 $0x0  }
.LBB2_2:
0x17: {  	p0 =	sne.s32 s18, $0x5100;
	[tilespmem:s17+$0xD030] =	vst v0;
	s25 =	smov.u32 s18;
	s18 =	sadd.s32 $0x100, s18  }
.Ltmp0:
0x18: {  	[tilespmem:s17+$0xD020] =	vst v0;
	(pc) =	sbr.rel @p0 .LBB2_2-.Ltmp0, $3  }
0x19: {  	[tilespmem:s17+$0xD000] =	vst v0  }
0x1a: {  	[tilespmem:s17+$0xD010] =	vst v0;
	_ =	sdelay $0x1  }
0x1b: {  	s17 =	sshra.s32 s25, $0x2  }
0x1c: {  	[tilespmem:s17+$0xD030] =	vst v0  }
0x1d: {  	[tilespmem:s17+$0xD020] =	vst v0  }
0x1e: {  	[tilespmem:s17+$0xD000] =	vst v0  }
0x1f: {  	[tilespmem:s17+$0xD010] =	vst v0;
	s17 =	simm.s32 $0x0;
	s2 =	rddreg [dreg:$0x4]  }
0x20: {  	[tilespmem:s17], [sflag:$0x5] =	stream.linear.gather [hbm4b:s2+s17], $0x2800, $0x38;
	[tilespmem:$0x18880] =	vst v63  }
0x21: {  	_ =	swait.ge [sflag:s19], $0x2800  }
0x22: {  	[sflag:s19] =	ssyncset.done $0x0  }
0x23: {  	s18 =	simm.s32 $0x2800;
	s25 =	rddreg [dreg:$0x5];
	[sflag:s19] =	ssyncadd.s32 $0xFFFFD800  }
0x24: {  	[tilespmem:s18], [sflag:$0x5] =	stream.linear.gather [hbm4b:s25+s17], $0x2800, $0x38;
	[tilespmem:$0x18880] =	vst v63  }
0x25: {  	_ =	swait.ge [sflag:s19], $0x2800  }
0x26: {  	[sflag:s19] =	ssyncset.done $0x0  }
0x27: {  	[sflag:s19] =	ssyncadd.s32 $0xFFFFD800  }
0x28: {  	[spmem:s8] =	stream.linear.scatter [tilespmem:s21], [sflag:$0x5], $0x1480, $0x38;
	[tilespmem:$0x18880] =	vst v63  }
0x29: {  	_ =	swait.ge [sflag:s19], $0x1480  }
0x2a: {  	[sflag:s19] =	ssyncset.done $0x0  }
0x2b: {  	[sflag:s19] =	ssyncadd.s32 $0xFFFFEB80  }
0x2c: {  	[spmem:s9] =	stream.linear.scatter [tilespmem:s21], [sflag:$0x5], $0x1480, $0x38;
	[tilespmem:$0x18880] =	vst v63  }
0x2d: {  	_ =	swait.ge [sflag:s19], $0x1480  }
0x2e: {  	[sflag:s19] =	ssyncset.done $0x0  }
0x2f: {  	[sflag:s19] =	ssyncadd.s32 $0xFFFFEB80  }
0x30: {  	[spmem:s10] =	stream.linear.scatter [tilespmem:s21], [sflag:$0x5], $0x1480, $0x38;
	[tilespmem:$0x18880] =	vst v63  }
0x31: {  	_ =	swait.ge [sflag:s19], $0x1480  }
0x32: {  	[sflag:s19] =	ssyncset.done $0x0  }
0x33: {  	[sflag:s19] =	ssyncadd.s32 $0xFFFFEB80  }
0x34: {  	[spmem:s11] =	stream.linear.scatter [tilespmem:s21], [sflag:$0x5], $0x1480, $0x38;
	[tilespmem:$0x18880] =	vst v63  }
0x35: {  	_ =	swait.ge [sflag:s19], $0x1480  }
0x36: {  	[sflag:s19] =	ssyncset.done $0x0  }
0x37: {  	[sflag:s19] =	ssyncadd.s32 $0xFFFFEB80  }
0x38: {  	[spmem:s12] =	stream.linear.scatter [tilespmem:s21], [sflag:$0x5], $0x1480, $0x38;
	[tilespmem:$0x18880] =	vst v63  }
0x39: {  	_ =	swait.ge [sflag:s19], $0x1480  }
0x3a: {  	[sflag:s19] =	ssyncset.done $0x0  }
0x3b: {  	[sflag:s19] =	ssyncadd.s32 $0xFFFFEB80  }
0x3c: {  	[spmem:s13] =	stream.linear.scatter [tilespmem:s21], [sflag:$0x5], $0x1480, $0x38;
	[tilespmem:$0x18880] =	vst v63  }
0x3d: {  	_ =	swait.ge [sflag:s19], $0x1480  }
0x3e: {  	[sflag:s19] =	ssyncset.done $0x0  }
0x3f: {  	[sflag:s19] =	ssyncadd.s32 $0xFFFFEB80  }
0x40: {  	[spmem:s14] =	stream.linear.scatter [tilespmem:s21], [sflag:$0x5], $0x1480, $0x38;
	[tilespmem:$0x18880] =	vst v63  }
0x41: {  	_ =	swait.ge [sflag:s19], $0x1480  }
0x42: {  	[sflag:s19] =	ssyncset.done $0x0  }
0x43: {  	[sflag:s19] =	ssyncadd.s32 $0xFFFFEB80  }
0x44: {  	[spmem:s15] =	stream.linear.scatter [tilespmem:s21], [sflag:$0x5], $0x1480, $0x38;
	[tilespmem:$0x18880] =	vst v63  }
0x45: {  	_ =	swait.ge [sflag:s19], $0x1480  }
0x46: {  	[sflag:s19] =	ssyncset.done $0x0  }
0x47: {  	[sflag:s19] =	ssyncadd.s32 $0xFFFFEB80  }
0x48: {  	[bflag:$0x0] =	sbarrier.arrive $0xFFFF  }
0x49: {  	[tilespmem:s23], [sflag:$0x1] =	stream.indirect.gather [hbm4b:s1+s22], $0x40, s17, s22, $0xb8;
	[tilespmem:$0x18880] =	vst v63  }
0x4a: {  	_ = 	snop  }
0x4b: {  	[tilespmem:s24], [sflag:$0x2] =	stream.indirect.gather [hbm4b:s1+s22], $0x40, s22, s22, $0xb8;
	[tilespmem:$0x18880] =	vst v63  }
0x4c: {  	_ = 	snop  }
0x4d: {  	[tilespmem:s26], [sflag:$0x3] =	stream.indirect.gather [hbm4b:s1+s22], $0x40, s28, s22, $0xb8;
	[tilespmem:$0x18880] =	vst v63  }
0x4e: {  	s18 =	simm.s32 $0x180  }
0x4f: {  	[tilespmem:s29], [sflag:$0x4] =	stream.indirect.gather [hbm4b:s1+s22], $0x40, s18, s22, $0xb8;
	[tilespmem:$0x18880] =	vst v63  }
0x50: {  	_ =	swait.ge [sflag:s30], $0x2000  }
0x51: {  	[sflag:s30] =	ssyncset.done $0x0  }
0x52: {  	s25 =	simm.s32 $0x2800;
	[sflag:s30] =	ssyncadd.s32 $0xFFFFE000  }
0x53: {  	[spmem:s3] =	stream.indirect.scatter.add.f32 [tilespmem:s23], [sflag:$0x5], $0x40, s25, s22, $0xb8;
	[tilespmem:$0x18880] =	vst v63  }
0x54: {  	_ =	swait.ge [sflag:s19], $0x2000  }
0x55: {  	[sflag:s19] =	ssyncset.done $0x0  }
0x56: {  	s2 =	simm.s32 $0x200;
	[sflag:s19] =	ssyncadd.s32 $0xFFFFE000  }
0x57: {  	[tilespmem:s23], [sflag:$0x1] =	stream.indirect.gather [hbm4b:s1+s22], $0x40, s2, s22, $0xb8;
	[tilespmem:$0x18880] =	vst v63  }
0x58: {  	_ =	swait.ge [sflag:s31], $0x2000  }
0x59: {  	[sflag:s31] =	ssyncset.done $0x0  }
0x5a: {  	s18 =	simm.s32 $0x2880;
	[sflag:s31] =	ssyncadd.s32 $0xFFFFE000  }
0x5b: {  	[spmem:s3] =	stream.indirect.scatter.add.f32 [tilespmem:s24], [sflag:$0x5], $0x40, s18, s22, $0xb8;
	[tilespmem:$0x18880] =	vst v63  }
0x5c: {  	_ =	swait.ge [sflag:s19], $0x2000  }
0x5d: {  	[sflag:s19] =	ssyncset.done $0x0  }
0x5e: {  	s25 =	simm.s32 $0x280;
	[sflag:s19] =	ssyncadd.s32 $0xFFFFE000  }
0x5f: {  	[tilespmem:s24], [sflag:$0x2] =	stream.indirect.gather [hbm4b:s1+s22], $0x40, s25, s22, $0xb8;
	[tilespmem:$0x18880] =	vst v63  }
0x60: {  	_ =	swait.ge [sflag:s0], $0x2000  }
0x61: {  	[sflag:s0] =	ssyncset.done $0x0  }
0x62: {  	s2 =	simm.s32 $0x2900;
	[sflag:s0] =	ssyncadd.s32 $0xFFFFE000  }
0x63: {  	[spmem:s3] =	stream.indirect.scatter.add.f32 [tilespmem:s26], [sflag:$0x5], $0x40, s2, s22, $0xb8;
	[tilespmem:$0x18880] =	vst v63  }
0x64: {  	_ =	swait.ge [sflag:s19], $0x2000  }
0x65: {  	[sflag:s19] =	ssyncset.done $0x0  }
0x66: {  	s18 =	simm.s32 $0x300;
	[sflag:s19] =	ssyncadd.s32 $0xFFFFE000  }
0x67: {  	[tilespmem:s26], [sflag:$0x3] =	stream.indirect.gather [hbm4b:s1+s22], $0x40, s18, s22, $0xb8;
	[tilespmem:$0x18880] =	vst v63  }
0x68: {  	_ =	swait.ge [sflag:s20], $0x2000  }
0x69: {  	[sflag:s20] =	ssyncset.done $0x0  }
0x6a: {  	s25 =	simm.s32 $0x2980;
	[sflag:s20] =	ssyncadd.s32 $0xFFFFE000  }
0x6b: {  	[spmem:s3] =	stream.indirect.scatter.add.f32 [tilespmem:s29], [sflag:$0x5], $0x40, s25, s22, $0xb8;
	[tilespmem:$0x18880] =	vst v63  }
0x6c: {  	_ =	swait.ge [sflag:s19], $0x2000  }
0x6d: {  	[sflag:s19] =	ssyncset.done $0x0  }
0x6e: {  	s17 =	simm.s32 $0x800;
	s18 =	simm.s32 $0x380;
	[sflag:s19] =	ssyncadd.s32 $0xFFFFE000  }
.LBB2_4:
0x6f: {  	[tilespmem:s29], [sflag:$0x4] =	stream.indirect.gather [hbm4b:s1+s22], $0x40, s18, s22, $0xb8;
	[tilespmem:$0x18880] =	vst v63  }
0x70: {  	s18 =	smov.u32 s17  }
0x71: {  	p0 =	sne.s32 s17, $0x9000;
	s17 =	sadd.s32 $0x800, s17;
	_ =	swait.ge [sflag:s30], $0x2000  }
0x72: {  	s18 =	sshra.s32 s18, $0x2;
	[sflag:s30] =	ssyncset.done $0x0  }
0x73: {  	s25 =	sadd.s32 $0x2800, s18;
	[sflag:s30] =	ssyncadd.s32 $0xFFFFE000  }
0x74: {  	[spmem:s3] =	stream.indirect.scatter.add.f32 [tilespmem:s23], [sflag:$0x5], $0x40, s25, s22, $0xb8;
	[tilespmem:$0x18880] =	vst v63  }
0x75: {  	_ =	swait.ge [sflag:s19], $0x2000  }
0x76: {  	[sflag:s19] =	ssyncset.done $0x0  }
0x77: {  	s25 =	sadd.s32 $0x200, s18;
	[sflag:s19] =	ssyncadd.s32 $0xFFFFE000  }
0x78: {  	[tilespmem:s23], [sflag:$0x1] =	stream.indirect.gather [hbm4b:s1+s22], $0x40, s25, s22, $0xb8;
	[tilespmem:$0x18880] =	vst v63  }
0x79: {  	_ =	swait.ge [sflag:s31], $0x2000  }
0x7a: {  	[sflag:s31] =	ssyncset.done $0x0  }
0x7b: {  	s25 =	sadd.s32 $0x2880, s18;
	[sflag:s31] =	ssyncadd.s32 $0xFFFFE000  }
0x7c: {  	[spmem:s3] =	stream.indirect.scatter.add.f32 [tilespmem:s24], [sflag:$0x5], $0x40, s25, s22, $0xb8;
	[tilespmem:$0x18880] =	vst v63  }
0x7d: {  	_ =	swait.ge [sflag:s19], $0x2000  }
0x7e: {  	[sflag:s19] =	ssyncset.done $0x0  }
0x7f: {  	s25 =	sadd.s32 $0x280, s18;
	[sflag:s19] =	ssyncadd.s32 $0xFFFFE000  }
0x80: {  	[tilespmem:s24], [sflag:$0x2] =	stream.indirect.gather [hbm4b:s1+s22], $0x40, s25, s22, $0xb8;
	[tilespmem:$0x18880] =	vst v63  }
0x81: {  	_ =	swait.ge [sflag:s0], $0x2000  }
0x82: {  	[sflag:s0] =	ssyncset.done $0x0  }
0x83: {  	s25 =	sadd.s32 $0x2900, s18;
	[sflag:s0] =	ssyncadd.s32 $0xFFFFE000  }
0x84: {  	[spmem:s3] =	stream.indirect.scatter.add.f32 [tilespmem:s26], [sflag:$0x5], $0x40, s25, s22, $0xb8;
	[tilespmem:$0x18880] =	vst v63  }
0x85: {  	_ =	swait.ge [sflag:s19], $0x2000  }
0x86: {  	[sflag:s19] =	ssyncset.done $0x0  }
0x87: {  	s25 =	sadd.s32 $0x300, s18;
	[sflag:s19] =	ssyncadd.s32 $0xFFFFE000  }
0x88: {  	[tilespmem:s26], [sflag:$0x3] =	stream.indirect.gather [hbm4b:s1+s22], $0x40, s25, s22, $0xb8;
	[tilespmem:$0x18880] =	vst v63  }
0x89: {  	_ =	swait.ge [sflag:s20], $0x2000  }
0x8a: {  	[sflag:s20] =	ssyncset.done $0x0  }
.Ltmp1:
0x8b: {  	s25 =	sadd.s32 $0x2980, s18;
	[sflag:s20] =	ssyncadd.s32 $0xFFFFE000;
	(pc) =	sbr.rel @p0 .LBB2_4-.Ltmp1, $4  }
0x8c: {  	[spmem:s3] =	stream.indirect.scatter.add.f32 [tilespmem:s29], [sflag:$0x5], $0x40, s25, s22, $0xb8;
	[tilespmem:$0x18880] =	vst v63  }
0x8d: {  	_ =	swait.ge [sflag:s19], $0x2000  }
0x8e: {  	[sflag:s19] =	ssyncset.done $0x0  }
0x8f: {  	s18 =	sadd.s32 $0x380, s18;
	[sflag:s19] =	ssyncadd.s32 $0xFFFFE000  }
0x90: {  	[tilespmem:s29], [sflag:$0x4] =	stream.indirect.gather [hbm4b:s1+s22], $0x40, s18, s22, $0xb8;
	[tilespmem:$0x18880] =	vst v63  }
0x91: {  	_ =	swait.ge [sflag:s30], $0x2000  }
0x92: {  	[sflag:s30] =	ssyncset.done $0x0  }
0x93: {  	s2 =	simm.s32 $0x4E00;
	[sflag:s30] =	ssyncadd.s32 $0xFFFFE000  }
0x94: {  	[spmem:s3] =	stream.indirect.scatter.add.f32 [tilespmem:s23], [sflag:$0x5], $0x40, s2, s22, $0xb8;
	[tilespmem:$0x18880] =	vst v63  }
0x95: {  	_ =	swait.ge [sflag:s19], $0x2000  }
0x96: {  	[sflag:s19] =	ssyncset.done $0x0  }
0x97: {  	[sflag:s19] =	ssyncadd.s32 $0xFFFFE000  }
0x98: {  	_ =	swait.ge [sflag:s31], $0x2000  }
0x99: {  	[sflag:s31] =	ssyncset.done $0x0  }
0x9a: {  	[sflag:s31] =	ssyncadd.s32 $0xFFFFE000  }
0x9b: {  	[spmem:s3] =	stream.indirect.scatter.add.f32 [tilespmem:s24], [sflag:$0x5], $0x40, s6, s22, $0xb8;
	[tilespmem:$0x18880] =	vst v63  }
0x9c: {  	_ =	swait.ge [sflag:s19], $0x2000  }
0x9d: {  	[sflag:s19] =	ssyncset.done $0x0  }
0x9e: {  	[sflag:s19] =	ssyncadd.s32 $0xFFFFE000  }
0x9f: {  	_ =	swait.ge [sflag:s0], $0x2000  }
0xa0: {  	[sflag:s0] =	ssyncset.done $0x0  }
0xa1: {  	[sflag:s0] =	ssyncadd.s32 $0xFFFFE000  }
0xa2: {  	[spmem:s3] =	stream.indirect.scatter.add.f32 [tilespmem:s26], [sflag:$0x5], $0x40, s7, s22, $0xb8;
	[tilespmem:$0x18880] =	vst v63  }
0xa3: {  	_ =	swait.ge [sflag:s19], $0x2000  }
0xa4: {  	[sflag:s19] =	ssyncset.done $0x0  }
0xa5: {  	[sflag:s19] =	ssyncadd.s32 $0xFFFFE000  }
0xa6: {  	_ =	swait.ge [sflag:s20], $0x2000  }
0xa7: {  	[sflag:s20] =	ssyncset.done $0x0  }
0xa8: {  	[sflag:s20] =	ssyncadd.s32 $0xFFFFE000  }
0xa9: {  	[spmem:s3] =	stream.indirect.scatter.add.f32 [tilespmem:s29], [sflag:$0x5], $0x40, s16, s22, $0xb8;
	[tilespmem:$0x18880] =	vst v63  }
0xaa: {  	_ =	swait.ge [sflag:s19], $0x2000  }
0xab: {  	[sflag:s19] =	ssyncset.done $0x0  }
0xac: {  	s17 =	stileid.u32;
	[sflag:s19] =	ssyncadd.s32 $0xFFFFE000  }
0xad: {  	s17 =	sshll.u32 s17, $0x6;
	[bflag:$0x0] =	sbarrier.arrive $0xFFFF  }
0xae: {  	s25 =	sshrl.u32 s8, $0x3;
	s17 =	sor.u32 $0x1C05, s17;
	s18 =	rddreg [dreg:$0x6]  }
0xaf: {  	[hbm:s18], [sflag:s17] =	dma.local [spmem:s25], $0x1480  }
0xb0: {  	_ =	swait.ge [sflag:s19], $0x1480  }
0xb1: {  	[sflag:s19] =	ssyncset.done $0x0  }
0xb2: {  	[sflag:s19] =	ssyncadd.s32 $0xFFFFEB80  }
0xb3: {  	[spmem:s8] =	stream.linear.scatter [tilespmem:s21], [sflag:$0x5], $0x1480, $0x38;
	[tilespmem:$0x18880] =	vst v63  }
0xb4: {  	_ =	swait.ge [sflag:s19], $0x1480  }
0xb5: {  	[sflag:s19] =	ssyncset.done $0x0  }
0xb6: {  	[sflag:s19] =	ssyncadd.s32 $0xFFFFEB80  }
0xb7: {  	[spmem:s9] =	stream.linear.scatter [tilespmem:s21], [sflag:$0x5], $0x1480, $0x38;
	[tilespmem:$0x18880] =	vst v63  }
0xb8: {  	_ =	swait.ge [sflag:s19], $0x1480  }
0xb9: {  	[sflag:s19] =	ssyncset.done $0x0  }
0xba: {  	[sflag:s19] =	ssyncadd.s32 $0xFFFFEB80  }
0xbb: {  	[spmem:s10] =	stream.linear.scatter [tilespmem:s21], [sflag:$0x5], $0x1480, $0x38;
	[tilespmem:$0x18880] =	vst v63  }
0xbc: {  	_ =	swait.ge [sflag:s19], $0x1480  }
0xbd: {  	[sflag:s19] =	ssyncset.done $0x0  }
0xbe: {  	[sflag:s19] =	ssyncadd.s32 $0xFFFFEB80  }
0xbf: {  	[spmem:s11] =	stream.linear.scatter [tilespmem:s21], [sflag:$0x5], $0x1480, $0x38;
	[tilespmem:$0x18880] =	vst v63  }
0xc0: {  	_ =	swait.ge [sflag:s19], $0x1480  }
0xc1: {  	[sflag:s19] =	ssyncset.done $0x0  }
0xc2: {  	[sflag:s19] =	ssyncadd.s32 $0xFFFFEB80  }
0xc3: {  	[spmem:s12] =	stream.linear.scatter [tilespmem:s21], [sflag:$0x5], $0x1480, $0x38;
	[tilespmem:$0x18880] =	vst v63  }
0xc4: {  	_ =	swait.ge [sflag:s19], $0x1480  }
0xc5: {  	[sflag:s19] =	ssyncset.done $0x0  }
0xc6: {  	[sflag:s19] =	ssyncadd.s32 $0xFFFFEB80  }
0xc7: {  	[spmem:s13] =	stream.linear.scatter [tilespmem:s21], [sflag:$0x5], $0x1480, $0x38;
	[tilespmem:$0x18880] =	vst v63  }
0xc8: {  	_ =	swait.ge [sflag:s19], $0x1480  }
0xc9: {  	[sflag:s19] =	ssyncset.done $0x0  }
0xca: {  	[sflag:s19] =	ssyncadd.s32 $0xFFFFEB80  }
0xcb: {  	[spmem:s14] =	stream.linear.scatter [tilespmem:s21], [sflag:$0x5], $0x1480, $0x38;
	[tilespmem:$0x18880] =	vst v63  }
0xcc: {  	_ =	swait.ge [sflag:s19], $0x1480  }
0xcd: {  	[sflag:s19] =	ssyncset.done $0x0  }
0xce: {  	[sflag:s19] =	ssyncadd.s32 $0xFFFFEB80  }
0xcf: {  	[spmem:s15] =	stream.linear.scatter [tilespmem:s21], [sflag:$0x5], $0x1480, $0x38;
	[tilespmem:$0x18880] =	vst v63  }
0xd0: {  	_ =	swait.ge [sflag:s19], $0x1480  }
0xd1: {  	[sflag:s19] =	ssyncset.done $0x0  }
0xd2: {  	[sflag:s19] =	ssyncadd.s32 $0xFFFFEB80  }
0xd3: {  	s2 =	simm.s32 $0x0;
	[bflag:$0x0] =	sbarrier.arrive $0xFFFF  }
0xd4: {  	[tilespmem:s23], [sflag:$0x1] =	stream.indirect.gather [hbm4b:s5+s22], $0x40, s2, s22, $0xb8;
	[tilespmem:$0x18880] =	vst v63  }
0xd5: {  	_ = 	snop  }
0xd6: {  	[tilespmem:s24], [sflag:$0x2] =	stream.indirect.gather [hbm4b:s5+s22], $0x40, s22, s22, $0xb8;
	[tilespmem:$0x18880] =	vst v63  }
0xd7: {  	_ = 	snop  }
0xd8: {  	[tilespmem:s26], [sflag:$0x3] =	stream.indirect.gather [hbm4b:s5+s22], $0x40, s28, s22, $0xb8;
	[tilespmem:$0x18880] =	vst v63  }
0xd9: {  	s18 =	simm.s32 $0x180  }
0xda: {  	[tilespmem:s29], [sflag:$0x4] =	stream.indirect.gather [hbm4b:s5+s22], $0x40, s18, s22, $0xb8;
	[tilespmem:$0x18880] =	vst v63  }
0xdb: {  	_ =	swait.ge [sflag:s30], $0x2000  }
0xdc: {  	[sflag:s30] =	ssyncset.done $0x0  }
0xdd: {  	s2 =	simm.s32 $0x2800;
	[sflag:s30] =	ssyncadd.s32 $0xFFFFE000  }
0xde: {  	[spmem:s3] =	stream.indirect.scatter.add.f32 [tilespmem:s23], [sflag:$0x5], $0x40, s2, s22, $0xb8;
	[tilespmem:$0x18880] =	vst v63  }
0xdf: {  	_ =	swait.ge [sflag:s19], $0x2000  }
0xe0: {  	[sflag:s19] =	ssyncset.done $0x0  }
0xe1: {  	s2 =	simm.s32 $0x200;
	[sflag:s19] =	ssyncadd.s32 $0xFFFFE000  }
0xe2: {  	[tilespmem:s23], [sflag:$0x1] =	stream.indirect.gather [hbm4b:s5+s22], $0x40, s2, s22, $0xb8;
	[tilespmem:$0x18880] =	vst v63  }
0xe3: {  	_ =	swait.ge [sflag:s31], $0x2000  }
0xe4: {  	[sflag:s31] =	ssyncset.done $0x0  }
0xe5: {  	s2 =	simm.s32 $0x2880;
	[sflag:s31] =	ssyncadd.s32 $0xFFFFE000  }
0xe6: {  	[spmem:s3] =	stream.indirect.scatter.add.f32 [tilespmem:s24], [sflag:$0x5], $0x40, s2, s22, $0xb8;
	[tilespmem:$0x18880] =	vst v63  }
0xe7: {  	_ =	swait.ge [sflag:s19], $0x2000  }
0xe8: {  	[sflag:s19] =	ssyncset.done $0x0  }
0xe9: {  	s2 =	simm.s32 $0x280;
	[sflag:s19] =	ssyncadd.s32 $0xFFFFE000  }
0xea: {  	[tilespmem:s24], [sflag:$0x2] =	stream.indirect.gather [hbm4b:s5+s22], $0x40, s2, s22, $0xb8;
	[tilespmem:$0x18880] =	vst v63  }
0xeb: {  	_ =	swait.ge [sflag:s0], $0x2000  }
0xec: {  	[sflag:s0] =	ssyncset.done $0x0  }
0xed: {  	s2 =	simm.s32 $0x2900;
	[sflag:s0] =	ssyncadd.s32 $0xFFFFE000  }
0xee: {  	[spmem:s3] =	stream.indirect.scatter.add.f32 [tilespmem:s26], [sflag:$0x5], $0x40, s2, s22, $0xb8;
	[tilespmem:$0x18880] =	vst v63  }
0xef: {  	_ =	swait.ge [sflag:s19], $0x2000  }
0xf0: {  	[sflag:s19] =	ssyncset.done $0x0  }
0xf1: {  	s2 =	simm.s32 $0x300;
	[sflag:s19] =	ssyncadd.s32 $0xFFFFE000  }
0xf2: {  	[tilespmem:s26], [sflag:$0x3] =	stream.indirect.gather [hbm4b:s5+s22], $0x40, s2, s22, $0xb8;
	[tilespmem:$0x18880] =	vst v63  }
0xf3: {  	_ =	swait.ge [sflag:s20], $0x2000  }
0xf4: {  	[sflag:s20] =	ssyncset.done $0x0  }
0xf5: {  	s2 =	simm.s32 $0x2980;
	[sflag:s20] =	ssyncadd.s32 $0xFFFFE000  }
0xf6: {  	[spmem:s3] =	stream.indirect.scatter.add.f32 [tilespmem:s29], [sflag:$0x5], $0x40, s2, s22, $0xb8;
	[tilespmem:$0x18880] =	vst v63  }
0xf7: {  	_ =	swait.ge [sflag:s19], $0x2000  }
0xf8: {  	[sflag:s19] =	ssyncset.done $0x0  }
0xf9: {  	s28 =	simm.s32 $0x380;
	s18 =	simm.s32 $0x800;
	[sflag:s19] =	ssyncadd.s32 $0xFFFFE000  }
.LBB2_6:
0xfa: {  	[tilespmem:s29], [sflag:$0x4] =	stream.indirect.gather [hbm4b:s5+s22], $0x40, s28, s22, $0xb8;
	[tilespmem:$0x18880] =	vst v63  }
0xfb: {  	s28 =	smov.u32 s18  }
0xfc: {  	p0 =	sne.s32 s18, $0x9000;
	s18 =	sadd.s32 $0x800, s18;
	_ =	swait.ge [sflag:s30], $0x2000  }
0xfd: {  	s28 =	sshra.s32 s28, $0x2;
	[sflag:s30] =	ssyncset.done $0x0  }
0xfe: {  	s2 =	sadd.s32 $0x2800, s28;
	[sflag:s30] =	ssyncadd.s32 $0xFFFFE000  }
0xff: {  	[spmem:s3] =	stream.indirect.scatter.add.f32 [tilespmem:s23], [sflag:$0x5], $0x40, s2, s22, $0xb8;
	[tilespmem:$0x18880] =	vst v63  }
0x100: {  	_ =	swait.ge [sflag:s19], $0x2000  }
0x101: {  	[sflag:s19] =	ssyncset.done $0x0  }
0x102: {  	s2 =	sadd.s32 $0x200, s28;
	[sflag:s19] =	ssyncadd.s32 $0xFFFFE000  }
0x103: {  	[tilespmem:s23], [sflag:$0x1] =	stream.indirect.gather [hbm4b:s5+s22], $0x40, s2, s22, $0xb8;
	[tilespmem:$0x18880] =	vst v63  }
0x104: {  	_ =	swait.ge [sflag:s31], $0x2000  }
0x105: {  	[sflag:s31] =	ssyncset.done $0x0  }
0x106: {  	s2 =	sadd.s32 $0x2880, s28;
	[sflag:s31] =	ssyncadd.s32 $0xFFFFE000  }
0x107: {  	[spmem:s3] =	stream.indirect.scatter.add.f32 [tilespmem:s24], [sflag:$0x5], $0x40, s2, s22, $0xb8;
	[tilespmem:$0x18880] =	vst v63  }
0x108: {  	_ =	swait.ge [sflag:s19], $0x2000  }
0x109: {  	[sflag:s19] =	ssyncset.done $0x0  }
0x10a: {  	s2 =	sadd.s32 $0x280, s28;
	[sflag:s19] =	ssyncadd.s32 $0xFFFFE000  }
0x10b: {  	[tilespmem:s24], [sflag:$0x2] =	stream.indirect.gather [hbm4b:s5+s22], $0x40, s2, s22, $0xb8;
	[tilespmem:$0x18880] =	vst v63  }
0x10c: {  	_ =	swait.ge [sflag:s0], $0x2000  }
0x10d: {  	[sflag:s0] =	ssyncset.done $0x0  }
0x10e: {  	s2 =	sadd.s32 $0x2900, s28;
	[sflag:s0] =	ssyncadd.s32 $0xFFFFE000  }
0x10f: {  	[spmem:s3] =	stream.indirect.scatter.add.f32 [tilespmem:s26], [sflag:$0x5], $0x40, s2, s22, $0xb8;
	[tilespmem:$0x18880] =	vst v63  }
0x110: {  	_ =	swait.ge [sflag:s19], $0x2000  }
0x111: {  	[sflag:s19] =	ssyncset.done $0x0  }
0x112: {  	s2 =	sadd.s32 $0x300, s28;
	[sflag:s19] =	ssyncadd.s32 $0xFFFFE000  }
0x113: {  	[tilespmem:s26], [sflag:$0x3] =	stream.indirect.gather [hbm4b:s5+s22], $0x40, s2, s22, $0xb8;
	[tilespmem:$0x18880] =	vst v63  }
0x114: {  	_ =	swait.ge [sflag:s20], $0x2000  }
0x115: {  	[sflag:s20] =	ssyncset.done $0x0  }
.Ltmp2:
0x116: {  	s2 =	sadd.s32 $0x2980, s28;
	[sflag:s20] =	ssyncadd.s32 $0xFFFFE000;
	(pc) =	sbr.rel @p0 .LBB2_6-.Ltmp2, $4  }
0x117: {  	[spmem:s3] =	stream.indirect.scatter.add.f32 [tilespmem:s29], [sflag:$0x5], $0x40, s2, s22, $0xb8;
	[tilespmem:$0x18880] =	vst v63  }
0x118: {  	_ =	swait.ge [sflag:s19], $0x2000  }
0x119: {  	[sflag:s19] =	ssyncset.done $0x0  }
0x11a: {  	s28 =	sadd.s32 $0x380, s28;
	[sflag:s19] =	ssyncadd.s32 $0xFFFFE000  }
0x11b: {  	[tilespmem:s29], [sflag:$0x4] =	stream.indirect.gather [hbm4b:s5+s22], $0x40, s28, s22, $0xb8;
	[tilespmem:$0x18880] =	vst v63  }
0x11c: {  	_ =	swait.ge [sflag:s30], $0x2000  }
0x11d: {  	[sflag:s30] =	ssyncset.done $0x0  }
0x11e: {  	s2 =	simm.s32 $0x4E00;
	[sflag:s30] =	ssyncadd.s32 $0xFFFFE000  }
0x11f: {  	[spmem:s3] =	stream.indirect.scatter.add.f32 [tilespmem:s23], [sflag:$0x5], $0x40, s2, s22, $0xb8;
	[tilespmem:$0x18880] =	vst v63  }
0x120: {  	_ =	swait.ge [sflag:s19], $0x2000  }
0x121: {  	[sflag:s19] =	ssyncset.done $0x0  }
0x122: {  	[sflag:s19] =	ssyncadd.s32 $0xFFFFE000  }
0x123: {  	_ =	swait.ge [sflag:s31], $0x2000  }
0x124: {  	[sflag:s31] =	ssyncset.done $0x0  }
0x125: {  	[sflag:s31] =	ssyncadd.s32 $0xFFFFE000  }
0x126: {  	[spmem:s3] =	stream.indirect.scatter.add.f32 [tilespmem:s24], [sflag:$0x5], $0x40, s6, s22, $0xb8;
	[tilespmem:$0x18880] =	vst v63  }
0x127: {  	_ =	swait.ge [sflag:s19], $0x2000  }
0x128: {  	[sflag:s19] =	ssyncset.done $0x0  }
0x129: {  	[sflag:s19] =	ssyncadd.s32 $0xFFFFE000  }
0x12a: {  	_ =	swait.ge [sflag:s0], $0x2000  }
0x12b: {  	[sflag:s0] =	ssyncset.done $0x0  }
0x12c: {  	[sflag:s0] =	ssyncadd.s32 $0xFFFFE000  }
0x12d: {  	[spmem:s3] =	stream.indirect.scatter.add.f32 [tilespmem:s26], [sflag:$0x5], $0x40, s7, s22, $0xb8;
	[tilespmem:$0x18880] =	vst v63  }
0x12e: {  	_ =	swait.ge [sflag:s19], $0x2000  }
0x12f: {  	[sflag:s19] =	ssyncset.done $0x0  }
0x130: {  	[sflag:s19] =	ssyncadd.s32 $0xFFFFE000  }
0x131: {  	_ =	swait.ge [sflag:s20], $0x2000  }
0x132: {  	[sflag:s20] =	ssyncset.done $0x0  }
0x133: {  	[sflag:s20] =	ssyncadd.s32 $0xFFFFE000  }
0x134: {  	[spmem:s3] =	stream.indirect.scatter.add.f32 [tilespmem:s29], [sflag:$0x5], $0x40, s16, s22, $0xb8;
	[tilespmem:$0x18880] =	vst v63  }
0x135: {  	_ =	swait.ge [sflag:s19], $0x2000  }
0x136: {  	[sflag:s19] =	ssyncset.done $0x0  }
0x137: {  	[sflag:s19] =	ssyncadd.s32 $0xFFFFE000  }
0x138: {  	[bflag:$0x0] =	sbarrier.arrive $0xFFFF  }
0x139: {  	s18 =	rddreg [dreg:$0x7]  }
0x13a: {  	[hbm:s18], [sflag:s17] =	dma.local [spmem:s25], $0x1480  }
0x13b: {  	_ =	swait.ge [sflag:s19], $0x1480  }
0x13c: {  	s4 =	sadd.s32 $0x1, s4;
	s25 =	rddreg [dreg:$0x8]  }
0x13d: {  	p0 =	sne.s32 s4, s25  }
.Ltmp3:
0x13e: {  	_ = 	snop;
	(pc) =	sbr.rel @p0 .LBB2_1-.Ltmp3, $3  }
0x13f: {  	_ =	sdelay $0x1  }
0x140: {  	[sflag:s19] =	ssyncset.done $0x0  }
0x141: {  	s28 =	simm.s32 $0x100;
	[sflag:s19] =	ssyncadd.s32 $0xFFFFEB80  }
0x142: {  	_ =	sfence.sel $0x180000  }
0x143: {  	[bflag:$0x0] =	sbarrier.arrive $0xFFFF  }
0x144: {  	_ =	strace $0x9000004D  }
0x145: {  	s0 =	stileid.u32;
	[bflag:$0x2] =	sbarrier.arrive $0xFFFF  }
0x146: {  	p0 =	sne.s32 s0, $0x0;
	s0 =	rddreg [dreg:$0x3]  }
0x147: {  	s0 =	sadd.s32 @!p0 $0x100000, s0  }
0x148: {  	[sflag:s0] =	ssyncadd.tile.s32 @!p0 $0x1;
	_ =	shalt  }
.Lfunc_end2:
_tile_overlayer_lowered:
.L_overlay_start_2:
0x149: {  	(tag) =	ssettag $0x2  }
0x14a: {  	s0 =	rddreg [dreg:$0x0];
	s2 =	stileid.u32  }
0x14b: {  	s1 =	rddreg [dreg:$0x1];
	p0 =	sne.s32 s2, $0x0  }
0x14c: {  	s3 =	rddreg [dreg:$0x2];
	[bflag:$0x3] =	sbarrier.arrive $0xFFFF;
	s2 =	simm.s32 @!p0 $0x1C05  }
0x14d: {  	[timem:s3], [sflag:s2] =	dma.local @!p0 [hbm:s0], s1  }
0x14e: {  	s0 =	simm.s32 @!p0 $0x5  }
0x14f: {  	_ =	swait.ge @!p0 [sflag:s0], s1  }
0x150: {  	s1 =	ssub.s32 @!p0 $0x0, s1;
	[sflag:s0] =	ssyncset.done @!p0 $0x0  }
0x151: {  	[sflag:s0] =	ssyncadd.s32 @!p0 s1  }
0x152: {  	[bflag:$0x3] =	sbarrier.arrive $0xFFFF  }
0x153: {  	_ =	shalt  }

// kernel: kernel.7.cloned.1.call-start
scs
__scs_entry_jumppad:
0x0: {  	(pc) =	sbr.rel $0x88, $3  }
0x1: {  	(tag) =	ssettag $0x0;
	lr =	simm.s32 $0x1  }
0x2: {  	[smem:$0x3F99] =	sst lr;
	_ =	strace $0xD0000000  }
0x3: {  	_ = 	snop  }
0x4: {  	_ = 	snop  }
0x5: {  	_ = 	snop  }
0x6: {  	_ = 	snop  }
0x7: {  	_ = 	snop  }
__scs_overlays_trampoline_lowered:
0x8: {  	[smem:$0x3FA8] =	sst s0  }
0x9: {  	[smem:$0x3FA9] =	sst s1  }
0xa: {  	[smem:$0x3FAA] =	sst s2  }
0xb: {  	[smem:$0x3FAB] =	sst s3  }
0xc: {  	[smem:$0x3FAC] =	sst s4  }
0xd: {  	[smem:$0x3FAD] =	sst s5  }
0xe: {  	[smem:$0x3FAE] =	sst s6  }
0xf: {  	[smem:$0x3FAF] =	sst s7  }
0x10: {  	[smem:$0x3FB0] =	sst s8  }
0x11: {  	[smem:$0x3FB1] =	sst s9;
	s0 =	simm.s32 @!p0 $0x0  }
0x12: {  	s1 =	sld [smem:$0x3F97];
	s0 =	simm.s32 @p0 $0x1  }
0x13: {  	[smem:$0x3FB2] =	sst s0;
	s0 =	simm.s32 @!p1 $0x0  }
0x14: {  	s2 =	sld [smem:$0x3F96];
	s0 =	simm.s32 @p1 $0x1  }
0x15: {  	[smem:$0x3FB3] =	sst s0;
	s0 =	simm.s32 @!p2 $0x0  }
0x16: {  	s3 =	sld [smem:$0x3FDB];
	s0 =	simm.s32 @p2 $0x1  }
0x17: {  	s4 =	simm.s32 $0x1BF5;
	[smem:$0x3FB5] =	sst s0  }
0x18: {  	s0 =	sld [smem:$0x3F98];
	_ =	swait.ge [sflag:s4], $0x0  }
0x19: {  	s7 =	sld [smem:$0x3F99]  }
0x1a: {  	s8 =	sadd.s32 $0xFFFFE003, lr  }
0x1b: {  	s9 =	sadd.s32 $0xFFFFFEF7, lr;
	s5 =	simm.s32 $0xFFFFFFFF;
	p2 =	slt.u32 s8, $0xFFFFF086  }
0x1c: {  	p1 =	slt.u32 s9, $0xF7A;
	s5 =	simm.s32 @!p2 $0x0  }
0x1d: {  	s5 =	simm.s32 @p1 $0x1;
	p0 =	seq.s32 s7, s2  }
0x1e: {  	s7 =	smul.u32 @!p0 $0xF7A, s2;
	p2 =	seq.s32 @!p0 s5, $0x0  }
0x1f: {  	s9 =	smul.u32 $0xF7A, s1;
	s8 =	simm.s32 @!p0 $0x1BF5;
	p2 =	por !p2, p0  }
0x20: {  	[sflag:s8] =	ssyncset.s32 @!p0 $0xFFFFF086;
	s6 =	sadd.s32 @!p0 s3, s7;
	s7 =	simm.s32 @!p0 $0x108  }
0x21: {  	s3 =	sadd.s32 s3, s9;
	s6 =	sadd.s32 @!p0 $0x88, s6;
	s7 =	simm.s32 @p2 $0x1082  }
0x22: {  	[simem:s7], [sflag:s8] =	dma.local @!p0 [hbm:s6], $0xF7A  }
0x23: {  	s9 =	sor.u32 $0xD0000000, s2;
	s6 =	simm.s32 $0x108;
	_ =	swait.ge @!p0 [sflag:s8], $0x0  }
0x24: {  	s3 =	sadd.s32 $0x88, s3;
	s6 =	simm.s32 @!p1 $0x1082;
	[sflag:s4] =	ssyncset.s32 $0xFFFFF086  }
0x25: {  	[simem:s6], [sflag:s4] =	dma.local [hbm:s3], $0xF7A  }
0x26: {  	[smem:$0x3F99] =	sst s1;
	(tag) =	ssettag s2;
	_ =	strace s9  }
0x27: {  	s1 =	sld [smem:$0x3FA9]  }
0x28: {  	s2 =	sld [smem:$0x3FAA]  }
0x29: {  	s4 =	sld [smem:$0x3FAC]  }
0x2a: {  	p0 =	seq.s32 s5, $0x0;
	s5 =	sld [smem:$0x3FAD]  }
0x2b: {  	s6 =	sld [smem:$0x3FAE]  }
0x2c: {  	s7 =	sld [smem:$0x3FAF]  }
0x2d: {  	s3 =	simm.s32 $0x108;
	s8 =	sld [smem:$0x3FB0]  }
0x2e: {  	s3 =	simm.s32 @!p0 $0x1082;
	s9 =	sld [smem:$0x3FB1]  }
0x2f: {  	lr =	sadd.s32 s0, s3;
	s0 =	sld [smem:$0x3FA8]  }
0x30: {  	s3 =	sld [smem:$0x3FAB]  }
0x31: {  	[smem:$0x3FB4] =	sst s10  }
0x32: {  	s10 =	sld [smem:$0x3FB2];
	_ =	sdelay $0x3  }
0x33: {  	p0 =	seq.s32 s10, $0x1;
	s10 =	sld [smem:$0x3FB4];
	_ =	sdelay $0x3  }
0x34: {  	[smem:$0x3FB4] =	sst s10  }
0x35: {  	s10 =	sld [smem:$0x3FB3];
	_ =	sdelay $0x3  }
0x36: {  	p1 =	seq.s32 s10, $0x1;
	s10 =	sld [smem:$0x3FB4];
	_ =	sdelay $0x3  }
0x37: {  	[smem:$0x3FB4] =	sst s10  }
0x38: {  	s10 =	sld [smem:$0x3FB5]  }
0x39: {  	_ = 	snop;
	(pc) =	sbr.ind lr, $3  }
0x3a: {  	_ = 	snop  }
0x3b: {  	_ = 	snop  }
0x3c: {  	p2 =	seq.s32 s10, $0x1;
	s10 =	sld [smem:$0x3FB4]  }
0x3d: {  	_ =	shalt  }
0x3e: {  	_ =	shalt  }
0x3f: {  	_ =	shalt  }
0x40: {  	_ =	shalt  }
0x41: {  	_ =	shalt  }
0x42: {  	_ =	shalt  }
0x43: {  	_ =	shalt  }
0x44: {  	_ =	shalt  }
0x45: {  	_ =	shalt  }
0x46: {  	_ =	shalt  }
0x47: {  	_ =	shalt  }
0x48: {  	_ =	shalt  }
0x49: {  	_ =	shalt  }
0x4a: {  	_ =	shalt  }
0x4b: {  	_ =	shalt  }
0x4c: {  	_ =	shalt  }
0x4d: {  	_ =	shalt  }
0x4e: {  	_ =	shalt  }
0x4f: {  	_ =	shalt  }
0x50: {  	_ =	shalt  }
0x51: {  	_ =	shalt  }
0x52: {  	_ =	shalt  }
0x53: {  	_ =	shalt  }
0x54: {  	_ =	shalt  }
0x55: {  	_ =	shalt  }
0x56: {  	_ =	shalt  }
0x57: {  	_ =	shalt  }
0x58: {  	_ =	shalt  }
0x59: {  	_ =	shalt  }
0x5a: {  	_ =	shalt  }
0x5b: {  	_ =	shalt  }
0x5c: {  	_ =	shalt  }
0x5d: {  	_ =	shalt  }
0x5e: {  	_ =	shalt  }
0x5f: {  	_ =	shalt  }
0x60: {  	_ =	shalt  }
0x61: {  	_ =	shalt  }
0x62: {  	_ =	shalt  }
0x63: {  	_ =	shalt  }
0x64: {  	_ =	shalt  }
0x65: {  	_ =	shalt  }
0x66: {  	_ =	shalt  }
0x67: {  	_ =	shalt  }
0x68: {  	_ =	shalt  }
0x69: {  	_ =	shalt  }
0x6a: {  	_ =	shalt  }
0x6b: {  	_ =	shalt  }
0x6c: {  	_ =	shalt  }
0x6d: {  	_ =	shalt  }
0x6e: {  	_ =	shalt  }
0x6f: {  	_ =	shalt  }
0x70: {  	_ =	shalt  }
0x71: {  	_ =	shalt  }
0x72: {  	_ =	shalt  }
0x73: {  	_ =	shalt  }
0x74: {  	_ =	shalt  }
0x75: {  	_ =	shalt  }
0x76: {  	_ =	shalt  }
0x77: {  	_ =	shalt  }
0x78: {  	_ =	shalt  }
0x79: {  	_ =	shalt  }
0x7a: {  	_ =	shalt  }
0x7b: {  	_ =	shalt  }
0x7c: {  	_ =	shalt  }
0x7d: {  	_ =	shalt  }
0x7e: {  	_ =	shalt  }
0x7f: {  	_ =	shalt  }
0x80: {  	_ =	shalt  }
0x81: {  	_ =	shalt  }
0x82: {  	_ =	shalt  }
0x83: {  	_ =	shalt  }
0x84: {  	_ =	shalt  }
0x85: {  	_ =	shalt  }
0x86: {  	_ =	shalt  }
0x87: {  	_ =	shalt  }
.Lfunc_end0:
.L_simem_size_0:
called_computation_lowered:
.L_overlay_start_0:
0x88: {  	s2 =	sld [smem:$0x3FD9]  }
0x89: {  	s3 =	sld [smem:$0x3FFE];
	_ =	sdelay $0x1  }
0x8a: {  	s1 =	srdreg.scid  }
0x8b: {  	s0 =	sand.u32 $0x1, s1  }
0x8c: {  	s17 =	sshll.u32 s0, $0xA;
	s2 =	sadd.s32 s3, s2  }
0x8d: {  	s2 =	sadd.s32 s2, s17  }
0x8e: {  	[smem:$0x3FC0] =	sst s2  }
0x8f: {  	_ = 	snop  }
0x90: {  	s2 =	sld [smem:$0x3FD0];
	(tm) =	ssettm $0x1  }
0x91: {  	s18 =	sld [smem:$0x3FFB];
	_ =	sdelay $0x3  }
0x92: {  	_ =	strace s18  }
0x93: {  	s3 =	sld [smem:$0x3FFC];
	_ =	sdelay $0x3  }
0x94: {  	_ =	strace s3  }
0x95: {  	s3 =	sld [smem:$0x3FFD];
	_ =	sdelay $0x3  }
0x96: {  	_ =	strace s3  }
0x97: {  	_ =	strace $0x8FFFFFFF  }
0x98: {  	s19 =	sld [smem:$0x3FDB];
	_ =	sdelay $0x1  }
0x99: {  	s4 =	simm.s32 $_scs_section_size  }
0x9a: {  	s5 =	simm.s32 $_size__tile_overlayer_lowered;
	s6 =	simm.s32 $_tile_overlayer_lowered  }
0x9b: {  	s22 =	simm.s32 $0x1BFF;
	s21 =	sshll.u32 s6, $0x1;
	s3 =	sadd.s32 s4, s19  }
0x9c: {  	s7 =	simm.s32 $0x0;
	s20 =	sshll.u32 s5, $0x1;
	s5 =	sadd.s32 s21, s3  }
0x9d: {  	[timem:s7], [sflag:s22] =	dma.local [hbm:s5], s20  }
0x9e: {  	_ =	swait.ge [sflag:s22], s20  }
0x9f: {  	s4 =	ssub.s32 $0x0, s20;
	[sflag:s22] =	ssyncset.done $0x0  }
0xa0: {  	[sflag:s22] =	ssyncadd.s32 s4;
	_ =	sdelay $0x1  }
0xa1: {  	s23 =	simm.s32 $0x1B8B  }
0xa2: {  	_ =	swait.ge [sflag:s23], $0x1  }
0xa3: {  	[sflag:s23] =	ssyncset.done $0x0  }
0xa4: {  	s25 =	simm.s32 $0x1B8E;
	s24 =	sld [smem:$0x3FFE];
	[sflag:s23] =	ssyncadd.s32 $0xFFFFFFFF  }
0xa5: {  	s26 =	simm.s32 $execute0_lowered;
	[smem:$0x3FD2] =	sst s25  }
0xa6: {  	s5 =	sshll.u32 s26, $0x1;
	_ =	strace $0x80000046;
	[dreg:$0x1] =	wrdreg $0xFFFFFFFF  }
0xa7: {  	s28 =	simm.s32 $_size_execute0_lowered;
	s3 =	sadd.s32 s3, s5;
	[dreg:$0x0] =	wrdreg $0x0  }
0xa8: {  	s5 =	sshll.u32 s28, $0x1;
	[dreg:$0x2] =	wrdreg s3  }
0xa9: {  	[dreg:$0x3] =	wrdreg s5  }
0xaa: {  	[dreg:$0x4] =	wrdreg $0xC0  }
0xab: {  	_ =	task [dreg:s7], $0x5FFFF  }
0xac: {  	[dreg:$0x1] =	wrdreg $0xFFFFFFFF  }
0xad: {  	[dreg:$0x0] =	wrdreg $0x60  }
0xae: {  	[dreg:$0x2] =	wrdreg s24  }
0xaf: {  	[dreg:$0x3] =	wrdreg s2  }
0xb0: {  	[dreg:$0x4] =	wrdreg $0x2B100  }
0xb1: {  	[dreg:$0x5] =	wrdreg $0x9  }
0xb2: {  	_ =	task.clear_ibuf [dreg:s7], $0x6FFFF;
	_ =	strace $0x90000046  }
0xb3: {  	s29 =	simm.s32 $0x9;
	_ =	strace $0x80000048  }
0xb4: {  	_ =	swait.ge [sflag:s29], $0x1  }
0xb5: {  	[sflag:s29] =	ssyncadd.s32 $0xFFFFFFFF  }
0xb6: {  	_ =	strace $0x90000048  }
0xb7: {  	_ =	sfence  }
0xb8: {  	s30 =	sld [smem:$0x0];
	_ =	sdelay $0x2  }
0xb9: {  	s31 =	sshll.u32 s1, $0xD;
	s1 =	sshrl.u32 s1, $0x2  }
0xba: {  	s3 =	sand.u32 $0x4000, s31;
	s1 =	sadd.s32 s1, s30  }
0xbb: {  	s0 =	sor.u32 s3, s0;
	s1 =	sshll.u32 s1, $0x11  }
0xbc: {  	s0 =	sor.u32 s1, s0  }
0xbd: {  	s0 =	sadd.s32 $0x8F2B, s0  }
0xbe: {  	[sflag:s0] =	ssyncadd.remote.s32 $0x1  }
0xbf: {  	_ =	sfence.sel $0xFFFF  }
0xc0: {  	[dreg:$0x0] =	wrdreg $0xFFFFFFFF;
	(pc) =	sbr.abs _section_cstart, $3  }
0xc1: {  	[dreg:$0x1] =	wrdreg $0xFFFFFFFF  }
0xc2: {  	_ =	task.clear_ibuf [dreg:s7], $0x2FFFF;
	_ =	strace $0x9FFFFFFF  }
0xc3: {  	(tm) =	ssettm $0x7FFFFFFF  }
tec
execute0_lowered:
.L_overlay_start_1:
0x0: {  	(tag) =	ssettag $0x1  }
0x1: {  	s4 =	rddreg [dreg:$0x0]  }
0x2: {  	s5 =	rddreg [dreg:$0x1]  }
0x3: {  	s1 =	rddreg [dreg:$0x2]  }
0x4: {  	s0 =	rddreg [dreg:$0x3];
	s2 =	simm.s32 $0x0  }
0x5: {  	s3 =	srdreg.scid;
	s13 =	simm.s32 $0x0;
	[smem:$0x7FF] =	sst s2  }
0x6: {  	s6 =	sand.u32 $0x1, s3;
	s3 =	stileid.u32;
	s8 =	sadd.s32 $0xC400, s4  }
0x7: {  	s11 =	sadd.s32 $0x2400, s4;
	s12 =	sadd.s32 $0x16400, s4;
	_ =	strace $0x80000047  }
0x8: {  	s7 =	ssub.s32 $0x2, s6;
	s10 =	smul.u32 $0x290, s3;
	p0 =	seq.s32 s6, $0x0  }
0x9: {  	s30 =	smul.u32 $0x500, s3;
	s9 =	sshrl.u32 s7, $0x1;
	s12 =	smov.u32 @p0 s5  }
0xa: {  	s11 =	smov.u32 @p0 s8;
	s7 =	ssub.s32 s7, s9;
	s4 =	sadd.s32 s10, s1  }
0xb: {  	s31 =	sshrl.u32 s10, $0x3;
	s9 =	simm.s32 $0x2880;
	s10 =	simm.s32 $0x1  }
0xc: {  	s5 =	smax.u32 s7, $0x1;
	s6 =	sadd.s32 s12, s31;
	s7 =	sadd.s32 s11, s30  }
0xd: {  	v0 =	vimm.f32 $1.000000000e+00;
	v1 =	vimm.f32 $0.0e+00;
	s11 =	simm.s32 $0x80;
	s12 =	simm.s32 $0x2800;
	s8 =	sadd.s32 $0x5000, s7  }
.LBB2_1:
0xe: {  	[tilespmem:$0x2800] =	vst v0  }
0xf: {  	[tilespmem:$0x2810] =	vst v0  }
0x10: {  	[tilespmem:$0x2820] =	vst v0  }
0x11: {  	[tilespmem:$0x2830] =	vst v0  }
0x12: {  	[tilespmem:$0x2840] =	vst v0  }
0x13: {  	[tilespmem:$0x2850] =	vst v0  }
0x14: {  	[tilespmem:$0x2860] =	vst v0  }
0x15: {  	[tilespmem:$0x2870] =	vst v0  }
0x16: {  	[tilespmem:$0x2880] =	vst v1  }
0x17: {  	[tilespmem:$0x2890] =	vst v1  }
0x18: {  	[tilespmem:$0x28A0] =	vst v1  }
0x19: {  	[tilespmem:$0x28B0] =	vst v1  }
0x1a: {  	[tilespmem:$0x28C0] =	vst v1  }
0x1b: {  	[tilespmem:$0x28D0] =	vst v1  }
0x1c: {  	[tilespmem:$0x28E0] =	vst v1  }
0x1d: {  	[tilespmem:$0x28F0] =	vst v1  }
0x1e: {  	[tilespmem:$0x2900] =	vst v1  }
0x1f: {  	[tilespmem:$0x2910] =	vst v1  }
0x20: {  	[tilespmem:$0x2920] =	vst v1  }
0x21: {  	[tilespmem:$0x2930] =	vst v1  }
0x22: {  	[tilespmem:$0x2940] =	vst v1  }
0x23: {  	[tilespmem:$0x2950] =	vst v1  }
0x24: {  	[tilespmem:$0x2960] =	vst v1  }
0x25: {  	[tilespmem:$0x2970] =	vst v1  }
0x26: {  	[tilespmem:$0x2980] =	vst v1  }
0x27: {  	[tilespmem:$0x2990] =	vst v1  }
0x28: {  	[tilespmem:$0x29A0] =	vst v1  }
0x29: {  	[tilespmem:$0x29B0] =	vst v1  }
0x2a: {  	[tilespmem:$0x29C0] =	vst v1  }
0x2b: {  	[tilespmem:$0x29D0] =	vst v1  }
0x2c: {  	[tilespmem:$0x29E0] =	vst v1  }
0x2d: {  	[tilespmem:$0x29F0] =	vst v1  }
0x2e: {  	[tilespmem:$0x2A00] =	vst v1  }
0x2f: {  	[tilespmem:$0x2A10] =	vst v1  }
0x30: {  	[tilespmem:$0x2A20] =	vst v1  }
0x31: {  	[tilespmem:$0x2A30] =	vst v1  }
0x32: {  	[tilespmem:$0x2A40] =	vst v1  }
0x33: {  	[tilespmem:$0x2A50] =	vst v1  }
0x34: {  	[tilespmem:$0x2A60] =	vst v1  }
0x35: {  	[tilespmem:$0x2A70] =	vst v1  }
0x36: {  	[tilespmem:$0x2A80] =	vst v1  }
0x37: {  	[tilespmem:$0x2A90] =	vst v1  }
0x38: {  	[tilespmem:$0x2AA0] =	vst v1  }
0x39: {  	[tilespmem:$0x2AB0] =	vst v1  }
0x3a: {  	[tilespmem:$0x2AC0] =	vst v1  }
0x3b: {  	[tilespmem:$0x2AD0] =	vst v1  }
0x3c: {  	[tilespmem:$0x2AE0] =	vst v1  }
0x3d: {  	[tilespmem:$0x2AF0] =	vst v1  }
0x3e: {  	[tilespmem:$0x2B00] =	vst v1  }
0x3f: {  	[spmem:s4] =	stream.linear.scatter [tilespmem:s9], [sflag:$0x1], $0x290, $0x38;
	[tilespmem:$0x2DA0] =	vst v63  }
0x40: {  	_ =	swait.ge [sflag:s10], $0x290  }
0x41: {  	[sflag:s10] =	ssyncset.done $0x0  }
0x42: {  	[sflag:s10] =	ssyncadd.s32 $0xFFFFFD70  }
0x43: {  	[bflag:$0x0] =	sbarrier.arrive $0xFFFF  }
0x44: {  	[tilespmem:s2], [sflag:$0x1] =	stream.linear.gather [hbm4b:s7+s2], $0x2800, $0x38;
	[tilespmem:$0x2DA0] =	vst v63  }
0x45: {  	_ =	swait.ge [sflag:s10], $0x2800  }
0x46: {  	[sflag:s10] =	ssyncset.done $0x0  }
0x47: {  	s14 =	simm.s32 $0x0;
	[sflag:s10] =	ssyncadd.s32 $0xFFFFD800  }
0x48: {  	[spmem:s1] =	stream.indirect.scatter.add.f32 [tilespmem:s12], [sflag:$0x1], $0x1, s14, s11, $0xb8;
	[tilespmem:$0x2DA0] =	vst v63  }
0x49: {  	_ =	swait.ge [sflag:s10], $0x80  }
0x4a: {  	s14 =	simm.s32 $0x200;
	[sflag:s10] =	ssyncset.done $0x0  }
.LBB2_2:
0x4b: {  	s15 =	sshra.s32 s14, $0x2;
	[sflag:s10] =	ssyncadd.s32 $0xFFFFFF80;
	p0 =	sne.s32 s14, $0x9E00  }
0x4c: {  	[spmem:s1] =	stream.indirect.scatter.add.f32 [tilespmem:s12], [sflag:$0x1], $0x1, s15, s11, $0xb8;
	[tilespmem:$0x2DA0] =	vst v63  }
.Ltmp0:
0x4d: {  	_ = 	snop;
	(pc) =	sbr.rel @p0 .LBB2_2-.Ltmp0, $4  }
0x4e: {  	_ = 	snop  }
0x4f: {  	s14 =	sadd.s32 $0x200, s14  }
0x50: {  	_ =	swait.ge [sflag:s10], $0x80  }
0x51: {  	[sflag:s10] =	ssyncset.done $0x0  }
0x52: {  	[sflag:s10] =	ssyncadd.s32 $0xFFFFFF80;
	s14 =	simm.s32 $0x0  }
0x53: {  	[tilespmem:s14], [sflag:$0x1] =	stream.linear.gather [hbm4b:s8+s14], $0x2800, $0x38;
	[tilespmem:$0x2DA0] =	vst v63  }
0x54: {  	_ =	swait.ge [sflag:s10], $0x2800  }
0x55: {  	[sflag:s10] =	ssyncset.done $0x0  }
0x56: {  	s31 =	simm.s32 $0x0;
	[sflag:s10] =	ssyncadd.s32 $0xFFFFD800  }
0x57: {  	[spmem:s1] =	stream.indirect.scatter.add.f32 [tilespmem:s12], [sflag:$0x1], $0x1, s31, s11, $0xb8;
	[tilespmem:$0x2DA0] =	vst v63  }
0x58: {  	_ =	swait.ge [sflag:s10], $0x80  }
0x59: {  	s14 =	simm.s32 $0x200;
	[sflag:s10] =	ssyncset.done $0x0  }
.LBB2_4:
0x5a: {  	s15 =	sshra.s32 s14, $0x2;
	[sflag:s10] =	ssyncadd.s32 $0xFFFFFF80;
	p0 =	sne.s32 s14, $0x9E00  }
0x5b: {  	[spmem:s1] =	stream.indirect.scatter.add.f32 [tilespmem:s12], [sflag:$0x1], $0x1, s15, s11, $0xb8;
	[tilespmem:$0x2DA0] =	vst v63  }
.Ltmp1:
0x5c: {  	_ = 	snop;
	(pc) =	sbr.rel @p0 .LBB2_4-.Ltmp1, $4  }
0x5d: {  	_ = 	snop  }
0x5e: {  	s14 =	sadd.s32 $0x200, s14  }
0x5f: {  	_ =	swait.ge [sflag:s10], $0x80  }
0x60: {  	[sflag:s10] =	ssyncset.done $0x0  }
0x61: {  	[sflag:s10] =	ssyncadd.s32 $0xFFFFFF80  }
0x62: {  	[bflag:$0x0] =	sbarrier.arrive $0xFFFF  }
0x63: {  	[tilespmem:s9], [sflag:$0x1] =	stream.linear.gather [spmem:s4], $0x290, $0x38;
	[tilespmem:$0x2DA0] =	vst v63  }
0x64: {  	_ =	swait.ge [sflag:s10], $0x290  }
0x65: {  	[sflag:s10] =	ssyncset.done $0x0  }
0x66: {  	s14 =	simm.s32 $0x0;
	s15 =	simm.s32 $0x40;
	[sflag:s10] =	ssyncadd.s32 $0xFFFFFD70  }
.LBB2_6:
0x67: {  	p0 =	sne.s32 s15, $0xA00;
	v2 =	vld [tilespmem:s14+$0x2880];
	_ =	sdelay $0x4  }
0x68: {  	v2 =	vmax.f32 v2, $1.000000000e+00  }
0x69: {  	v3 =	vshrl.u32 v2, $0x1;
	v2 =	vmul.f32 $5.000000000e-01, v2  }
0x6a: {  	v3 =	vsub.s32 $0x5F3759DF, v3  }
0x6b: {  	v4 =	vmul.f32 v3, v2;
	_ =	sdelay $0x1  }
0x6c: {  	v4 =	vmul.f32 v3, v4;
	_ =	sdelay $0x1  }
0x6d: {  	v4 =	vsub.f32 $1.500000000e+00, v4;
	_ =	sdelay $0x1  }
0x6e: {  	v3 =	vmul.f32 v3, v4;
	_ =	sdelay $0x1  }
0x6f: {  	v4 =	vmul.f32 v3, v2;
	_ =	sdelay $0x1  }
0x70: {  	v4 =	vmul.f32 v4, v3;
	_ =	sdelay $0x1  }
0x71: {  	v4 =	vsub.f32 $1.500000000e+00, v4;
	_ =	sdelay $0x1  }
0x72: {  	v3 =	vmul.f32 v4, v3;
	_ =	sdelay $0x1  }
0x73: {  	v2 =	vmul.f32 v3, v2;
	_ =	sdelay $0x1  }
0x74: {  	v2 =	vmul.f32 v2, v3;
	_ =	sdelay $0x1  }
.Ltmp2:
0x75: {  	v2 =	vsub.f32 $1.500000000e+00, v2;
	(pc) =	sbr.rel @p0 .LBB2_6-.Ltmp2, $3  }
0x76: {  	_ = 	snop  }
0x77: {  	v2 =	vmul.f32 v2, v3;
	_ =	sdelay $0x1  }
0x78: {  	[tilespmem:s14+$0x2880] =	vst v2;
	s14 =	sshra.s32 s15, $0x2;
	s15 =	sadd.s32 $0x40, s15  }
0x79: {  	v2 =	vld [tilespmem:s14+$0x2880];
	_ =	sdelay $0x4  }
0x7a: {  	v2 =	vmax.f32 v2, $1.000000000e+00  }
0x7b: {  	v3 =	vshrl.u32 v2, $0x1;
	v2 =	vmul.f32 $5.000000000e-01, v2  }
0x7c: {  	v3 =	vsub.s32 $0x5F3759DF, v3  }
0x7d: {  	v4 =	vmul.f32 v3, v2;
	_ =	sdelay $0x1  }
0x7e: {  	v4 =	vmul.f32 v3, v4;
	_ =	sdelay $0x1  }
0x7f: {  	v4 =	vsub.f32 $1.500000000e+00, v4;
	_ =	sdelay $0x1  }
0x80: {  	v3 =	vmul.f32 v3, v4;
	_ =	sdelay $0x1  }
0x81: {  	v4 =	vmul.f32 v3, v2;
	_ =	sdelay $0x1  }
0x82: {  	v4 =	vmul.f32 v4, v3;
	_ =	sdelay $0x1  }
0x83: {  	v4 =	vsub.f32 $1.500000000e+00, v4;
	_ =	sdelay $0x1  }
0x84: {  	v3 =	vmul.f32 v4, v3;
	_ =	sdelay $0x1  }
0x85: {  	v2 =	vmul.f32 v3, v2;
	_ =	sdelay $0x1  }
0x86: {  	v2 =	vmul.f32 v2, v3;
	_ =	sdelay $0x1  }
0x87: {  	v2 =	vsub.f32 $1.500000000e+00, v2;
	_ =	sdelay $0x1  }
0x88: {  	s13 =	sadd.s32 $0x1, s13;
	v2 =	vmul.f32 v2, v3  }
0x89: {  	p0 =	sne.s32 s13, s5  }
.Ltmp3:
0x8a: {  	[tilespmem:s14+$0x2880] =	vst v2;
	(pc) =	sbr.rel @p0 .LBB2_1-.Ltmp3, $4  }
0x8b: {  	[hbm4b:s6+s2] =	stream.linear.scatter [tilespmem:s9], [sflag:$0x1], $0x290, $0x38;
	[tilespmem:$0x2DA0] =	vst v63  }
0x8c: {  	_ =	swait.ge [sflag:s10], $0x290  }
0x8d: {  	[sflag:s10] =	ssyncset.done $0x0  }
0x8e: {  	[sflag:s10] =	ssyncadd.s32 $0xFFFFFD70  }
0x8f: {  	_ =	sfence.sel $0x180000  }
0x90: {  	[bflag:$0x0] =	sbarrier.arrive $0xFFFF  }
0x91: {  	p0 =	sne.s32 s3, $0x0;
	_ =	strace $0x90000047  }
0x92: {  	s0 =	sadd.s32 @!p0 $0x100000, s0;
	[bflag:$0x2] =	sbarrier.arrive $0xFFFF  }
0x93: {  	[sflag:s0] =	ssyncadd.tile.s32 @!p0 $0x1;
	_ =	shalt  }
.Lfunc_end2:
_tile_overlayer_lowered:
.L_overlay_start_2:
0x94: {  	(tag) =	ssettag $0x2  }
0x95: {  	s0 =	rddreg [dreg:$0x0];
	s2 =	stileid.u32  }
0x96: {  	s1 =	rddreg [dreg:$0x1];
	p0 =	sne.s32 s2, $0x0  }
0x97: {  	s3 =	rddreg [dreg:$0x2];
	[bflag:$0x3] =	sbarrier.arrive $0xFFFF;
	s2 =	simm.s32 @!p0 $0x1C01  }
0x98: {  	[timem:s3], [sflag:s2] =	dma.local @!p0 [hbm:s0], s1  }
0x99: {  	s0 =	simm.s32 @!p0 $0x1  }
0x9a: {  	_ =	swait.ge @!p0 [sflag:s0], s1  }
0x9b: {  	s1 =	ssub.s32 @!p0 $0x0, s1;
	[sflag:s0] =	ssyncset.done @!p0 $0x0  }
0x9c: {  	[sflag:s0] =	ssyncadd.s32 @!p0 s1  }
0x9d: {  	[bflag:$0x3] =	sbarrier.arrive $0xFFFF  }
0x9e: {  	_ =	shalt  }

</sc_bundles>
